<compile_context>
chip_gen: v7x
topology: tpu7x:2x2x1
jax: 0.10.2.dev20260603
libtpu: 0.0.44.dev20260713+nightly
codegen_flags: <defaults>
</compile_context>

<pallas_src>
import functools

import jax
import jax.numpy as jnp
from jax import lax
from jax.experimental import pallas as pl
from jax.experimental.pallas import tpu as pltpu
from jax.experimental.pallas import tpu_sc as plsc

B = 256
NMG = 40
NJMG = 20
D = 128
N_MG = B * NMG
N_JMG = B * NJMG
EMG = 163840
EJMG = 81920

NC = 2
NS = 16
DH = D // NC
CH = 128
KMG = EMG // (NS * CH)
KJ = EJMG // (NS * CH)
RMG = N_MG // NS
RJ = N_JMG // NS
ZR = 32

_leaky = lambda x: jnp.where(x > 0, x, 0.01 * x)

NBUF = 4



def _sc_mesh():
    return plsc.VectorSubcoreMesh(core_axis_name="c", subcore_axis_name="s")


def _ring_scatter(x_ref, idx_src, idx_dst, acc, rows, sems, K):
    for b in range(NBUF):
        pltpu.async_copy(x_ref.at[idx_src.at[b]], rows.at[b], sems.at[b])
    G = K // NBUF

    def grp(g, carry):
        for b in range(NBUF):
            j = g * NBUF + b
            pltpu.make_async_copy(x_ref.at[idx_src.at[j]], rows.at[b],
                                  sems.at[b]).wait()
            pltpu.sync_copy(rows.at[b], acc.at[idx_dst.at[j]], add=True)

            @pl.when(g < G - 1)
            def _():
                pltpu.async_copy(x_ref.at[idx_src.at[j + NBUF]], rows.at[b],
                                 sems.at[b])
        return carry

    lax.fori_loop(0, G, grp, 0)


def _zero_zbuf(zbuf):
    z16 = jnp.zeros((16,), jnp.float32)

    def zrow(i, carry):
        for kk in range(DH // 16):
            zbuf[i, pl.ds(kk * 16, 16)] = z16
        return carry

    lax.fori_loop(0, ZR, zrow, 0)


def _sc_scatter_xx(y_mg2, src_mg, dst_mg, y_j2, src_j, dst_j):

    @functools.partial(
        pl.kernel,
        out_type=(jax.ShapeDtypeStruct((NC, N_MG, DH), jnp.float32),
                  jax.ShapeDtypeStruct((NC, N_JMG, DH), jnp.float32)),
        mesh=_sc_mesh(),
        compiler_params=pltpu.CompilerParams(use_tc_tiling_on_sc=False, needs_layout_passes=False),
        scratch_types=(
            pltpu.VMEM((KMG, CH), jnp.int32),
            pltpu.VMEM((KMG, CH), jnp.int32),
            pltpu.VMEM((NBUF, CH, DH), jnp.float32),
            pltpu.VMEM((ZR, DH), jnp.float32),
            pltpu.VMEM_SHARED((N_MG, DH), jnp.float32),
            pltpu.VMEM_SHARED((N_JMG, DH), jnp.float32),
            pltpu.SemaphoreType.DMA((NBUF,)),
        ),
    )
    def k(ym_h, srcm_h, dstm_h, yj_h, srcj_h, dstj_h, outm_h, outj_h,
          srcv, dstv, rows, zbuf, accm, accj, sem):
        c = lax.axis_index("c")
        s = lax.axis_index("s")
        _zero_zbuf(zbuf)
        for t in range(RMG // ZR):
            pltpu.sync_copy(zbuf, accm.at[pl.ds(s * RMG + t * ZR, ZR)])
        for t in range(RJ // ZR):
            pltpu.sync_copy(zbuf, accj.at[pl.ds(s * RJ + t * ZR, ZR)])
        pltpu.sync_copy(srcm_h.at[s], srcv)
        pltpu.sync_copy(dstm_h.at[s], dstv)
        plsc.subcore_barrier()
        _ring_scatter(ym_h.at[c], srcv, dstv, accm, rows, sem, KMG)
        pltpu.sync_copy(srcj_h.at[s], srcv.at[pl.ds(0, KJ)])
        pltpu.sync_copy(dstj_h.at[s], dstv.at[pl.ds(0, KJ)])
        _ring_scatter(yj_h.at[c], srcv, dstv, accj, rows, sem, KJ)
        plsc.subcore_barrier()
        pltpu.sync_copy(accm.at[pl.ds(s * RMG, RMG)],
                        outm_h.at[c, pl.ds(s * RMG, RMG)])
        pltpu.sync_copy(accj.at[pl.ds(s * RJ, RJ)],
                        outj_h.at[c, pl.ds(s * RJ, RJ)])

    return k(y_mg2, src_mg, dst_mg, y_j2, src_j, dst_j)


def _sc_scatter_ha(ha2, src_mg, dst_mg, bl3):
    KH = KMG // NC

    @functools.partial(
        pl.kernel,
        out_type=(jax.ShapeDtypeStruct((NC, N_MG, DH), jnp.float32),
                  jax.ShapeDtypeStruct((NC, NS, N_MG), jnp.float32)),
        mesh=_sc_mesh(),
        compiler_params=pltpu.CompilerParams(use_tc_tiling_on_sc=False, needs_layout_passes=False),
        scratch_types=(
            pltpu.VMEM((KMG, CH), jnp.int32),
            pltpu.VMEM((KMG, CH), jnp.int32),
            pltpu.VMEM((KMG, CH), jnp.float32),
            pltpu.VMEM((NBUF, CH, DH), jnp.float32),
            pltpu.VMEM((ZR, DH), jnp.float32),
            pltpu.VMEM((N_MG,), jnp.float32),
            pltpu.VMEM_SHARED((N_MG, DH), jnp.float32),
            pltpu.SemaphoreType.DMA((NBUF,)),
        ),
    )
    def k(ha_h, src_h, dst_h, bl_h, out_h, out_bl,
          srcv, dstv, blv, rows, zbuf, blacc,
          acc_h, sem):
        c = lax.axis_index("c")
        s = lax.axis_index("s")
        _zero_zbuf(zbuf)
        for t in range(RMG // ZR):
            pltpu.sync_copy(zbuf, acc_h.at[pl.ds(s * RMG + t * ZR, ZR)])
        z16 = jnp.zeros((16,), jnp.float32)

        def zbl(i, carry):
            blacc[pl.ds(i * 16, 16)] = z16
            return carry

        lax.fori_loop(0, N_MG // 16, zbl, 0)
        pltpu.sync_copy(src_h.at[s], srcv)
        pltpu.sync_copy(dst_h.at[s], dstv)
        pltpu.sync_copy(bl_h.at[s], blv)
        plsc.subcore_barrier()
        _ring_scatter(ha_h.at[c], srcv, dstv, acc_h, rows, sem, KMG)

        def body_bl(j, carry):
            jj = c * KH + j
            for kk in range(CH // 16):
                idx16 = dstv[jj, pl.ds(kk * 16, 16)]
                v16 = blv[jj, pl.ds(kk * 16, 16)]
                plsc.addupdate_scatter(blacc, [idx16], v16)
            return carry

        lax.fori_loop(0, KH, body_bl, 0)
        pltpu.sync_copy(blacc, out_bl.at[c].at[s])
        plsc.subcore_barrier()
        pltpu.sync_copy(acc_h.at[pl.ds(s * RMG, RMG)],
                        out_h.at[c, pl.ds(s * RMG, RMG)])

    return k(ha2, src_mg, dst_mg, bl3)



def _tc_premul(x, w):
    TB = 320
    n = x.shape[0]

    def body(x_r, w0_r, w1_r, o_r):
        o_r[0, ...] = jnp.dot(x_r[...], w0_r[...],
                              preferred_element_type=jnp.float32)
        o_r[1, ...] = jnp.dot(x_r[...], w1_r[...],
                              preferred_element_type=jnp.float32)

    return pl.pallas_call(
        body,
        grid=(n // TB,),
        in_specs=[pl.BlockSpec((TB, D), lambda i: (i, 0)),
                  pl.BlockSpec((D, DH), lambda i: (0, 0)),
                  pl.BlockSpec((D, DH), lambda i: (0, 0))],
        out_specs=pl.BlockSpec((2, TB, DH), lambda i: (0, i, 0)),
        out_shape=jax.ShapeDtypeStruct((2, n, DH), jnp.float32),
    )(x, w[:, :DH], w[:, DH:])


def _tc_nodes(x, agg2, Wself, b2, wreg, breg, weng, beng, Wpm,
              n_nodes, per_graph, with_heads):
    TB = 320
    grid = (n_nodes // TB,)
    gpb = TB // per_graph

    def body(x_r, a_r, ws_r, b_r, wr_r, br_r, we_r, be_r, wpm0_r, wpm1_r,
             ha_r, pool_r, s_r, extra_r):
        agg = jnp.concatenate([a_r[0, ...], a_r[1, ...]], axis=1)
        ha = (jnp.dot(x_r[...], ws_r[...], preferred_element_type=jnp.float32)
              + agg + b_r[...])
        ha = _leaky(ha)
        ha_r[...] = ha
        gsel = lax.broadcasted_iota(jnp.int32, (gpb, TB), 0)
        rgrp = lax.broadcasted_iota(jnp.int32, (gpb, TB), 1) // per_graph
        msel = (gsel == rgrp).astype(jnp.float32)
        pool_r[...] = jnp.dot(msel, ha, preferred_element_type=jnp.float32,
                              precision=lax.Precision.HIGHEST)
        s_r[...] = (jnp.dot(ha, wr_r[...], preferred_element_type=jnp.float32)
                    + br_r[...])
        if with_heads:
            extra_r[...] = (
                jnp.dot(ha, we_r[...], preferred_element_type=jnp.float32)
                + be_r[...])
        else:
            extra_r[0, ...] = jnp.dot(ha, wpm0_r[...],
                                      preferred_element_type=jnp.float32)
            extra_r[1, ...] = jnp.dot(ha, wpm1_r[...],
                                      preferred_element_type=jnp.float32)

    out_shape = [jax.ShapeDtypeStruct((n_nodes, D), jnp.float32),
                 jax.ShapeDtypeStruct((B, D), jnp.float32),
                 jax.ShapeDtypeStruct((n_nodes, 1), jnp.float32)]
    out_specs = [pl.BlockSpec((TB, D), lambda i: (i, 0)),
                 pl.BlockSpec((gpb, D), lambda i: (i, 0)),
                 pl.BlockSpec((TB, 1), lambda i: (i, 0))]
    if with_heads:
        out_shape.append(jax.ShapeDtypeStruct((n_nodes, 1), jnp.float32))
        out_specs.append(pl.BlockSpec((TB, 1), lambda i: (i, 0)))
    else:
        out_shape.append(jax.ShapeDtypeStruct((2, n_nodes, DH), jnp.float32))
        out_specs.append(pl.BlockSpec((2, TB, DH), lambda i: (0, i, 0)))
    w_spec = pl.BlockSpec((D, D), lambda i: (0, 0))
    c1_spec = pl.BlockSpec((D, 1), lambda i: (0, 0))
    s1_spec = pl.BlockSpec((1, 1), lambda i: (0, 0))
    h_spec = pl.BlockSpec((D, DH), lambda i: (0, 0))
    return pl.pallas_call(
        body,
        grid=grid,
        in_specs=[pl.BlockSpec((TB, D), lambda i: (i, 0)),
                  pl.BlockSpec((2, TB, DH), lambda i: (0, i, 0)),
                  w_spec,
                  pl.BlockSpec((1, D), lambda i: (0, 0)),
                  c1_spec, s1_spec, c1_spec, s1_spec, h_spec, h_spec],
        out_specs=out_specs,
        out_shape=out_shape,
    )(x, agg2, Wself, b2, wreg, breg, weng, beng, Wpm[:, :DH], Wpm[:, DH:])


def _tc_heads(pool_mg, pool_jmg, Wmo, bmo, Wjo, bjo, Wf1m, Wf1j, bf1,
              Wf2, bf2):
    def body(pm_r, pj_r, wmo_r, bmo_r, wjo_r, bjo_r, w1m_r, w1j_r, b1_r,
             w2_r, b2_r, out_r, hm_r, hj_r):
        hm = jnp.dot(pm_r[...], wmo_r[...],
                     preferred_element_type=jnp.float32) + bmo_r[...]
        hj = jnp.dot(pj_r[...], wjo_r[...],
                     preferred_element_type=jnp.float32) + bjo_r[...]
        hm_r[...] = hm
        hj_r[...] = hj
        h = _leaky(jnp.dot(hm, w1m_r[...], preferred_element_type=jnp.float32)
                   + jnp.dot(hj, w1j_r[...], preferred_element_type=jnp.float32)
                   + b1_r[...])
        out_r[...] = (jnp.dot(h, w2_r[...], preferred_element_type=jnp.float32)
                      + b2_r[...])

    return pl.pallas_call(
        body,
        out_shape=[jax.ShapeDtypeStruct((B, 1), jnp.float32),
                   jax.ShapeDtypeStruct((B, D), jnp.float32),
                   jax.ShapeDtypeStruct((B, D), jnp.float32)],
    )(pool_mg, pool_jmg, Wmo, bmo, Wjo, bjo, Wf1m, Wf1j, bf1, Wf2, bf2)


def _tc_pe(ha, aggh2, blp, wpb, Wps, bpe, weng, beng):
    TB = 1024
    grid = (N_MG // TB,)
    NP = NC * NS

    def body(ha_r, a_r, bl_r, wpb_r, wps_r,
             bpe_r, we_r, be_r, eng_r):
        ones = jnp.ones((NP, 1), jnp.float32)
        bond = lax.dot_general(bl_r[...], ones, (((0,), (0,)), ((), ())),
                               preferred_element_type=jnp.float32)
        pe = (jnp.concatenate([a_r[0, ...], a_r[1, ...]], axis=1)
              + bond * wpb_r[...])
        ev = _leaky(jnp.dot(ha_r[...], wps_r[...],
                            preferred_element_type=jnp.float32) + pe + bpe_r[...])
        eng_r[...] = (jnp.dot(ev, we_r[...],
                              preferred_element_type=jnp.float32) + be_r[...])

    blk = pl.BlockSpec((TB, D), lambda i: (i, 0))
    col = pl.BlockSpec((TB, 1), lambda i: (i, 0))
    w_spec = pl.BlockSpec((D, D), lambda i: (0, 0))
    return pl.pallas_call(
        body,
        grid=grid,
        in_specs=[blk,
                  pl.BlockSpec((2, TB, DH), lambda i: (0, i, 0)),
                  pl.BlockSpec((NP, TB), lambda i: (0, i)),
                  pl.BlockSpec((1, D), lambda i: (0, 0)), w_spec,
                  pl.BlockSpec((1, D), lambda i: (0, 0)),
                  pl.BlockSpec((D, 1), lambda i: (0, 0)),
                  pl.BlockSpec((1, 1), lambda i: (0, 0))],
        out_specs=col,
        out_shape=jax.ShapeDtypeStruct((N_MG, 1), jnp.float32),
    )(ha, aggh2, blp, wpb, Wps, bpe, weng, beng)


def _tc_attn(smg2, sjmg2, p3, eng2):
    def body(sm_r, sj_r, p_r, e_r, ea_r):
        ss = sm_r[...].reshape(B, 1, NMG) + sj_r[...].reshape(B, NJMG, 1)
        ee = p_r[...] * jnp.exp(_leaky(ss))
        f = jnp.sum(ee, axis=1)
        sum_e = jnp.sum(f, axis=1, keepdims=True)
        ea_r[...] = jnp.sum(f * e_r[...], axis=1, keepdims=True) / sum_e

    return pl.pallas_call(
        body,
        out_shape=jax.ShapeDtypeStruct((B, 1), jnp.float32),
    )(smg2, sjmg2, p3, eng2)



def kernel(x_mg, edge_index_mg, bond_lengths, x_jmg, edge_index_jmg, pflag,
           batch_mg, batch_jmg,
           W_mg_self, W_mg_nbr, b_mg, W_mg_out, b_mg_out,
           W_jmg_self, W_jmg_nbr, b_jmg, W_jmg_out, b_jmg_out,
           W_fc1, b_fc1, W_fc2, b_fc2, W_reg, b_reg, W_eng, b_eng,
           W_pe_msg, W_pe_self, b_pe):
    src_mg = edge_index_mg[0].reshape(NS, KMG, CH)
    dst_mg = edge_index_mg[1].reshape(NS, KMG, CH)
    src_j = edge_index_jmg[0].reshape(NS, KJ, CH)
    dst_j = edge_index_jmg[1].reshape(NS, KJ, CH)
    bl3 = bond_lengths.reshape(NS, KMG, CH)

    y_mg2 = _tc_premul(x_mg, W_mg_nbr)
    y_jmg2 = _tc_premul(x_jmg, W_jmg_nbr)
    aggx_mg, aggx_j = _sc_scatter_xx(y_mg2, src_mg, dst_mg, y_jmg2,
                                     src_j, dst_j)

    breg2 = b_reg.reshape(1, 1)
    beng2 = b_eng.reshape(1, 1)
    zero1 = jnp.zeros((1, 1), jnp.float32)
    ha_mg, pool_mg, s_mg, hpe2 = _tc_nodes(
        x_mg, aggx_mg, W_mg_self,
        b_mg.reshape(1, D), W_reg[:D], zero1, W_eng, zero1, W_pe_msg[:D],
        N_MG, NMG, False)
    aggh, bl_part = _sc_scatter_ha(hpe2, src_mg, dst_mg, bl3)

    ha_jmg, pool_jmg, s_jmg, eng_substructs = _tc_nodes(
        x_jmg, aggx_j, W_jmg_self,
        b_jmg.reshape(1, D), W_reg[D:], breg2, W_eng, beng2, W_pe_msg[:D],
        N_JMG, NJMG, True)

    out, h_mg, h_jmg = _tc_heads(
        pool_mg, pool_jmg, W_mg_out, b_mg_out.reshape(1, D),
        W_jmg_out, b_jmg_out.reshape(1, D), W_fc1[:D], W_fc1[D:],
        b_fc1.reshape(1, 64), W_fc2, b_fc2.reshape(1, 1))

    eng = _tc_pe(ha_mg, aggh, bl_part.reshape(NC * NS, N_MG),
                 W_pe_msg[D:D + 1], W_pe_self,
                 b_pe.reshape(1, D), W_eng, beng2)

    eng_atoms = _tc_attn(s_mg.reshape(B, NMG), s_jmg.reshape(B, NJMG),
                         pflag.reshape(B, NJMG, NMG), eng.reshape(B, NMG))

    return (out, h_mg, h_jmg, eng_substructs, eng_atoms)

# --- scband reference (transcript-rebuilt; emitter-appended) ---
"""Pipeline reference for scband-ganeis-309237646135 (READ-ONLY COPY).

The authoritative reference and input builder live on the scoring server;
editing this copy changes nothing except your own understanding.
"""

import jax, jax.numpy as jnp
import numpy as np

B = 256; NMG = 40; NJMG = 20; D = 128
N_MG = B * NMG; N_JMG = B * NJMG
EMG = 163840; EJMG = 81920; PAIRS = B * NMG * NJMG


def leaky(x):
    return jax.nn.leaky_relu(x, negative_slope=0.01)


def setup_inputs(seed: int = 0):
    key = jax.random.key(seed)
    ks = jax.random.split(key, 32)
    s = 0.05
    inp = {}
    inp['x_mg'] = jax.random.normal(ks[0], (N_MG, D), jnp.float32)
    inp['edge_index_mg'] = jax.random.randint(ks[1], (2, EMG), 0, N_MG, dtype=jnp.int32)
    inp['bond_lengths'] = jax.random.uniform(ks[2], (EMG, 1), jnp.float32)
    inp['x_jmg'] = jax.random.normal(ks[3], (N_JMG, D), jnp.float32)
    inp['edge_index_jmg'] = jax.random.randint(ks[4], (2, EJMG), 0, N_JMG, dtype=jnp.int32)
    inp['pflag'] = jnp.ones((PAIRS, 1), jnp.float32)
    inp['batch_mg'] = jnp.repeat(jnp.arange(B, dtype=jnp.int32), NMG)
    inp['batch_jmg'] = jnp.repeat(jnp.arange(B, dtype=jnp.int32), NJMG)
    names = [('W_mg_self', (D, D)), ('W_mg_nbr', (D, D)), ('b_mg', (D,)), ('W_mg_out', (D, D)), ('b_mg_out', (D,)),
             ('W_jmg_self', (D, D)), ('W_jmg_nbr', (D, D)), ('b_jmg', (D,)), ('W_jmg_out', (D, D)), ('b_jmg_out', (D,)),
             ('W_fc1', (2 * D, 64)), ('b_fc1', (64,)), ('W_fc2', (64, 1)), ('b_fc2', (1,)),
             ('W_reg', (2 * D, 1)), ('b_reg', (1,)), ('W_eng', (D, 1)), ('b_eng', (1,)),
             ('W_pe_msg', (D + 1, D)), ('W_pe_self', (D, D)), ('b_pe', (D,))]
    for i, (n, sh) in enumerate(names):
        inp[n] = s * jax.random.normal(ks[5 + i], sh, jnp.float32)
    return inp


def _gnn(x, ei, batch, Wself, Wnbr, b, Wout, bout, n_nodes):
    # one message-passing layer: ha = node embeddings, h = pooled graph embeddings
    msgs = jnp.take(x, ei[0], axis=0) @ Wnbr
    agg = jax.ops.segment_sum(msgs, ei[1], num_segments=n_nodes)
    ha = leaky(x @ Wself + agg + b)
    h = jax.ops.segment_sum(ha, batch, num_segments=B) @ Wout + bout
    return h, ha


def _rep_ha_mg(v):
    # torch: vstack([v[batch==i].repeat(n_jmg[i],1)]) with uniform sizes -> block-tile
    d = v.shape[1]
    return jnp.broadcast_to(v.reshape(B, 1, NMG, d), (B, NJMG, NMG, d)).reshape(PAIRS, d)


def reference(x_mg, edge_index_mg, bond_lengths, x_jmg, edge_index_jmg, pflag, batch_mg, batch_jmg,
              W_mg_self, W_mg_nbr, b_mg, W_mg_out, b_mg_out,
              W_jmg_self, W_jmg_nbr, b_jmg, W_jmg_out, b_jmg_out,
              W_fc1, b_fc1, W_fc2, b_fc2, W_reg, b_reg, W_eng, b_eng,
              W_pe_msg, W_pe_self, b_pe):
    h_mg, ha_mg = _gnn(x_mg, edge_index_mg, batch_mg, W_mg_self, W_mg_nbr, b_mg, W_mg_out, b_mg_out, N_MG)
    h_jmg, ha_jmg = _gnn(x_jmg, edge_index_jmg, batch_jmg, W_jmg_self, W_jmg_nbr, b_jmg, W_jmg_out, b_jmg_out, N_JMG)
    h = leaky(jnp.concatenate([h_mg, h_jmg], axis=1) @ W_fc1 + b_fc1)
    out = h @ W_fc2 + b_fc2
    # repeat mg node embs per jmg substructure and vice versa
    ha_mg_r = _rep_ha_mg(ha_mg)
    ha_jmg_r = jnp.repeat(ha_jmg, NMG, axis=0)
    # __reg_attn_layer
    attns_reg = pflag * jnp.exp(leaky(jnp.concatenate([ha_mg_r, ha_jmg_r], axis=1) @ W_reg + b_reg))
    batch_ha = jnp.repeat(jnp.arange(B, dtype=jnp.int32), NMG * NJMG)
    sum_attns = jnp.repeat(jax.ops.segment_sum(attns_reg, batch_ha, num_segments=B), NMG * NJMG, axis=0)
    norm_attns = attns_reg / sum_attns
    # PotentialEnergyConv (edge-conditioned message passing with bond lengths)
    pe_msgs = jnp.concatenate([jnp.take(ha_mg, edge_index_mg[0], axis=0), bond_lengths], axis=1) @ W_pe_msg
    pe_agg = jax.ops.segment_sum(pe_msgs, edge_index_mg[1], num_segments=N_MG)
    eng = leaky(ha_mg @ W_pe_self + pe_agg + b_pe)
    eng = eng @ W_eng + b_eng
    eng_r = _rep_ha_mg(eng)
    eng_atoms = jax.ops.segment_sum(norm_attns * eng_r, batch_ha, num_segments=B)
    eng_substructs = ha_jmg @ W_eng + b_eng
    return (out, h_mg, h_jmg, eng_substructs, eng_atoms)

if __name__ == "__main__":
    import jax
    _d = setup_inputs()
    print(jax.jit(kernel)(*tuple(_d.values())))

</pallas_src>

<mosaic_0001>
#map = affine_map<(d0, d1) -> (0, 0, 0)>
module attributes {stable_mosaic.version = 14 : i64} {
  func.func @k(%arg0: i32, %arg1: i32, %arg2: memref<2x10240x64xf32, #tpu.memory_space<hbm>>, %arg3: memref<16x80x128xi32, #tpu.memory_space<hbm>>, %arg4: memref<16x80x128xi32, #tpu.memory_space<hbm>>, %arg5: memref<2x5120x64xf32, #tpu.memory_space<hbm>>, %arg6: memref<16x40x128xi32, #tpu.memory_space<hbm>>, %arg7: memref<16x40x128xi32, #tpu.memory_space<hbm>>, %arg8: memref<2x10240x64xf32, #tpu.memory_space<hbm>>, %arg9: memref<2x5120x64xf32, #tpu.memory_space<hbm>>, %arg10: memref<80x128xi32, #tpu.memory_space<vmem>>, %arg11: memref<80x128xi32, #tpu.memory_space<vmem>>, %arg12: memref<4x128x64xf32, #tpu.memory_space<vmem>>, %arg13: memref<32x64xf32, #tpu.memory_space<vmem>>, %arg14: memref<10240x64xf32, #tpu.memory_space<vmem_shared>>, %arg15: memref<5120x64xf32, #tpu.memory_space<vmem_shared>>, %arg16: memref<4x!tpu.dma_semaphore, #tpu.memory_space<semaphore_mem>>) attributes {dimension_semantics = [#tpu.dimension_semantics<core_parallel>, #tpu.dimension_semantics<subcore_parallel>], iteration_bounds = array<i64: 2, 16>, scalar_prefetch = 0 : i64, scratch_operands = 7 : i64, tpu.core_type = #tpu.core_type<sc_vector_subcore>, window_params = [{transform_indices = #map}, {transform_indices = #map}, {transform_indices = #map}, {transform_indices = #map}, {transform_indices = #map}, {transform_indices = #map}, {transform_indices = #map}, {transform_indices = #map}]} {
    %broadcast_in_dim3A = arith.constant 0.000000e+00 : f32
    %broadcast_in_dim3A_0 = vector.broadcast %broadcast_in_dim3A : f32 to vector<16xf32>
    %scan3A = arith.constant 0 : i32
    %scan3A_1 = arith.constant 0 : i32
    %scan3A_2 = arith.constant 32 : i32
    %scan3A_3 = arith.addi %scan3A_1, %scan3A_2 : i32
    %scan3A_4 = arith.constant 1 : i32
    scf.for %scan3A_296 = %scan3A_1 to %scan3A_3 step %scan3A_4  : i32 {
      %swap3A = arith.index_cast %scan3A_296 : i32 to index
      %swap3A_297 = arith.constant 0 : index
      %swap3A_298 = tpu.vector_load %arg13[%swap3A, %swap3A_297] {strides = array<i32>} : memref<32x64xf32, #tpu.memory_space<vmem>>, vector<16xf32>,
      tpu.vector_store %arg13[%swap3A, %swap3A_297], %broadcast_in_dim3A_0 {strides = array<i32>} : memref<32x64xf32, #tpu.memory_space<vmem>>, vector<16xf32>,
      %swap3A_299 = arith.index_cast %scan3A_296 : i32 to index
      %swap3A_300 = arith.constant 16 : index
      %swap3A_301 = tpu.vector_load %arg13[%swap3A_299, %swap3A_300] {strides = array<i32>} : memref<32x64xf32, #tpu.memory_space<vmem>>, vector<16xf32>,
      tpu.vector_store %arg13[%swap3A_299, %swap3A_300], %broadcast_in_dim3A_0 {strides = array<i32>} : memref<32x64xf32, #tpu.memory_space<vmem>>, vector<16xf32>,
      %swap3A_302 = arith.index_cast %scan3A_296 : i32 to index
      %swap3A_303 = arith.constant 32 : index
      %swap3A_304 = tpu.vector_load %arg13[%swap3A_302, %swap3A_303] {strides = array<i32>} : memref<32x64xf32, #tpu.memory_space<vmem>>, vector<16xf32>,
      tpu.vector_store %arg13[%swap3A_302, %swap3A_303], %broadcast_in_dim3A_0 {strides = array<i32>} : memref<32x64xf32, #tpu.memory_space<vmem>>, vector<16xf32>,
      %swap3A_305 = arith.index_cast %scan3A_296 : i32 to index
      %swap3A_306 = arith.constant 48 : index
      %swap3A_307 = tpu.vector_load %arg13[%swap3A_305, %swap3A_306] {strides = array<i32>} : memref<32x64xf32, #tpu.memory_space<vmem>>, vector<16xf32>,
      tpu.vector_store %arg13[%swap3A_305, %swap3A_306], %broadcast_in_dim3A_0 {strides = array<i32>} : memref<32x64xf32, #tpu.memory_space<vmem>>, vector<16xf32>,
    }
    %scan3A_5 = arith.constant 32 : i32
    %mul3A = arith.constant 640 : i32
    %mul3A_6 = arith.muli %arg1, %mul3A : i32
    %add3A = arith.constant 0 : i32
    %add3A_7 = arith.addi %mul3A_6, %add3A : i32
    "tpu.region"() ({
      %run_scoped3A = tpu.sem_alloc : memref<!tpu.dma_semaphore, #tpu.memory_space<semaphore_mem>>
      %dma_start3A_296 = arith.constant 0 : i32
      %dma_start3A_297 = tpu.memref_slice %arg14[%add3A_7, %dma_start3A_296] : memref<10240x64xf32, #tpu.memory_space<vmem_shared>> -> memref<32x64xf32, #tpu.memory_space<vmem_shared>>
      %dma_start3A_298 = arith.constant 0 : i32
      %dma_start3A_299 = tpu.memref_slice %arg14[%add3A_7, %dma_start3A_298] : memref<10240x64xf32, #tpu.memory_space<vmem_shared>> -> memref<32x64xf32, #tpu.memory_space<vmem_shared>>
      tpu.enqueue_dma source(%arg13 : memref<32x64xf32, #tpu.memory_space<vmem>>) target(%dma_start3A_299 : memref<32x64xf32, #tpu.memory_space<vmem_shared>>) target_semaphore(%run_scoped3A : memref<!tpu.dma_semaphore, #tpu.memory_space<semaphore_mem>>)
      %dma_wait3A = arith.constant 0 : i32
      %dma_wait3A_300 = tpu.memref_slice %arg14[%add3A_7, %dma_wait3A] : memref<10240x64xf32, #tpu.memory_space<vmem_shared>> -> memref<32x64xf32, #tpu.memory_space<vmem_shared>>
      %dma_wait3A_301 = arith.constant 0 : i32
      %dma_wait3A_302 = tpu.memref_slice %arg14[%add3A_7, %dma_wait3A_301] : memref<10240x64xf32, #tpu.memory_space<vmem_shared>> -> memref<32x64xf32, #tpu.memory_space<vmem_shared>>
      tpu.wait_dma2 semaphore(%run_scoped3A : memref<!tpu.dma_semaphore, #tpu.memory_space<semaphore_mem>>) src(%arg13 : memref<32x64xf32, #tpu.memory_space<vmem>>) dst(%dma_wait3A_302 : memref<32x64xf32, #tpu.memory_space<vmem_shared>>)
      tpu.yield
    }) : () -> ()
    %mul3A_8 = arith.constant 640 : i32
    %mul3A_9 = arith.muli %arg1, %mul3A_8 : i32
    %add3A_10 = arith.constant 32 : i32
    %add3A_11 = arith.addi %mul3A_9, %add3A_10 : i32
    "tpu.region"() ({
      %run_scoped3A = tpu.sem_alloc : memref<!tpu.dma_semaphore, #tpu.memory_space<semaphore_mem>>
      %dma_start3A_296 = arith.constant 0 : i32
      %dma_start3A_297 = tpu.memref_slice %arg14[%add3A_11, %dma_start3A_296] : memref<10240x64xf32, #tpu.memory_space<vmem_shared>> -> memref<32x64xf32, #tpu.memory_space<vmem_shared>>
      %dma_start3A_298 = arith.constant 0 : i32
      %dma_start3A_299 = tpu.memref_slice %arg14[%add3A_11, %dma_start3A_298] : memref<10240x64xf32, #tpu.memory_space<vmem_shared>> -> memref<32x64xf32, #tpu.memory_space<vmem_shared>>
      tpu.enqueue_dma source(%arg13 : memref<32x64xf32, #tpu.memory_space<vmem>>) target(%dma_start3A_299 : memref<32x64xf32, #tpu.memory_space<vmem_shared>>) target_semaphore(%run_scoped3A : memref<!tpu.dma_semaphore, #tpu.memory_space<semaphore_mem>>)
      %dma_wait3A = arith.constant 0 : i32
      %dma_wait3A_300 = tpu.memref_slice %arg14[%add3A_11, %dma_wait3A] : memref<10240x64xf32, #tpu.memory_space<vmem_shared>> -> memref<32x64xf32, #tpu.memory_space<vmem_shared>>
      %dma_wait3A_301 = arith.constant 0 : i32
      %dma_wait3A_302 = tpu.memref_slice %arg14[%add3A_11, %dma_wait3A_301] : memref<10240x64xf32, #tpu.memory_space<vmem_shared>> -> memref<32x64xf32, #tpu.memory_space<vmem_shared>>
      tpu.wait_dma2 semaphore(%run_scoped3A : memref<!tpu.dma_semaphore, #tpu.memory_space<semaphore_mem>>) src(%arg13 : memref<32x64xf32, #tpu.memory_space<vmem>>) dst(%dma_wait3A_302 : memref<32x64xf32, #tpu.memory_space<vmem_shared>>)
      tpu.yield
    }) : () -> ()
    %mul3A_12 = arith.constant 640 : i32
    %mul3A_13 = arith.muli %arg1, %mul3A_12 : i32
    %add3A_14 = arith.constant 64 : i32
    %add3A_15 = arith.addi %mul3A_13, %add3A_14 : i32
    "tpu.region"() ({
      %run_scoped3A = tpu.sem_alloc : memref<!tpu.dma_semaphore, #tpu.memory_space<semaphore_mem>>
      %dma_start3A_296 = arith.constant 0 : i32
      %dma_start3A_297 = tpu.memref_slice %arg14[%add3A_15, %dma_start3A_296] : memref<10240x64xf32, #tpu.memory_space<vmem_shared>> -> memref<32x64xf32, #tpu.memory_space<vmem_shared>>
      %dma_start3A_298 = arith.constant 0 : i32
      %dma_start3A_299 = tpu.memref_slice %arg14[%add3A_15, %dma_start3A_298] : memref<10240x64xf32, #tpu.memory_space<vmem_shared>> -> memref<32x64xf32, #tpu.memory_space<vmem_shared>>
      tpu.enqueue_dma source(%arg13 : memref<32x64xf32, #tpu.memory_space<vmem>>) target(%dma_start3A_299 : memref<32x64xf32, #tpu.memory_space<vmem_shared>>) target_semaphore(%run_scoped3A : memref<!tpu.dma_semaphore, #tpu.memory_space<semaphore_mem>>)
      %dma_wait3A = arith.constant 0 : i32
      %dma_wait3A_300 = tpu.memref_slice %arg14[%add3A_15, %dma_wait3A] : memref<10240x64xf32, #tpu.memory_space<vmem_shared>> -> memref<32x64xf32, #tpu.memory_space<vmem_shared>>
      %dma_wait3A_301 = arith.constant 0 : i32
      %dma_wait3A_302 = tpu.memref_slice %arg14[%add3A_15, %dma_wait3A_301] : memref<10240x64xf32, #tpu.memory_space<vmem_shared>> -> memref<32x64xf32, #tpu.memory_space<vmem_shared>>
      tpu.wait_dma2 semaphore(%run_scoped3A : memref<!tpu.dma_semaphore, #tpu.memory_space<semaphore_mem>>) src(%arg13 : memref<32x64xf32, #tpu.memory_space<vmem>>) dst(%dma_wait3A_302 : memref<32x64xf32, #tpu.memory_space<vmem_shared>>)
      tpu.yield
    }) : () -> ()
    %mul3A_16 = arith.constant 640 : i32
    %mul3A_17 = arith.muli %arg1, %mul3A_16 : i32
    %add3A_18 = arith.constant 96 : i32
    %add3A_19 = arith.addi %mul3A_17, %add3A_18 : i32
    "tpu.region"() ({
      %run_scoped3A = tpu.sem_alloc : memref<!tpu.dma_semaphore, #tpu.memory_space<semaphore_mem>>
      %dma_start3A_296 = arith.constant 0 : i32
      %dma_start3A_297 = tpu.memref_slice %arg14[%add3A_19, %dma_start3A_296] : memref<10240x64xf32, #tpu.memory_space<vmem_shared>> -> memref<32x64xf32, #tpu.memory_space<vmem_shared>>
      %dma_start3A_298 = arith.constant 0 : i32
      %dma_start3A_299 = tpu.memref_slice %arg14[%add3A_19, %dma_start3A_298] : memref<10240x64xf32, #tpu.memory_space<vmem_shared>> -> memref<32x64xf32, #tpu.memory_space<vmem_shared>>
      tpu.enqueue_dma source(%arg13 : memref<32x64xf32, #tpu.memory_space<vmem>>) target(%dma_start3A_299 : memref<32x64xf32, #tpu.memory_space<vmem_shared>>) target_semaphore(%run_scoped3A : memref<!tpu.dma_semaphore, #tpu.memory_space<semaphore_mem>>)
      %dma_wait3A = arith.constant 0 : i32
      %dma_wait3A_300 = tpu.memref_slice %arg14[%add3A_19, %dma_wait3A] : memref<10240x64xf32, #tpu.memory_space<vmem_shared>> -> memref<32x64xf32, #tpu.memory_space<vmem_shared>>
      %dma_wait3A_301 = arith.constant 0 : i32
      %dma_wait3A_302 = tpu.memref_slice %arg14[%add3A_19, %dma_wait3A_301] : memref<10240x64xf32, #tpu.memory_space<vmem_shared>> -> memref<32x64xf32, #tpu.memory_space<vmem_shared>>
      tpu.wait_dma2 semaphore(%run_scoped3A : memref<!tpu.dma_semaphore, #tpu.memory_space<semaphore_mem>>) src(%arg13 : memref<32x64xf32, #tpu.memory_space<vmem>>) dst(%dma_wait3A_302 : memref<32x64xf32, #tpu.memory_space<vmem_shared>>)
      tpu.yield
    }) : () -> ()
    %mul3A_20 = arith.constant 640 : i32
    %mul3A_21 = arith.muli %arg1, %mul3A_20 : i32
    %add3A_22 = arith.constant 128 : i32
    %add3A_23 = arith.addi %mul3A_21, %add3A_22 : i32
    "tpu.region"() ({
      %run_scoped3A = tpu.sem_alloc : memref<!tpu.dma_semaphore, #tpu.memory_space<semaphore_mem>>
      %dma_start3A_296 = arith.constant 0 : i32
      %dma_start3A_297 = tpu.memref_slice %arg14[%add3A_23, %dma_start3A_296] : memref<10240x64xf32, #tpu.memory_space<vmem_shared>> -> memref<32x64xf32, #tpu.memory_space<vmem_shared>>
      %dma_start3A_298 = arith.constant 0 : i32
      %dma_start3A_299 = tpu.memref_slice %arg14[%add3A_23, %dma_start3A_298] : memref<10240x64xf32, #tpu.memory_space<vmem_shared>> -> memref<32x64xf32, #tpu.memory_space<vmem_shared>>
      tpu.enqueue_dma source(%arg13 : memref<32x64xf32, #tpu.memory_space<vmem>>) target(%dma_start3A_299 : memref<32x64xf32, #tpu.memory_space<vmem_shared>>) target_semaphore(%run_scoped3A : memref<!tpu.dma_semaphore, #tpu.memory_space<semaphore_mem>>)
      %dma_wait3A = arith.constant 0 : i32
      %dma_wait3A_300 = tpu.memref_slice %arg14[%add3A_23, %dma_wait3A] : memref<10240x64xf32, #tpu.memory_space<vmem_shared>> -> memref<32x64xf32, #tpu.memory_space<vmem_shared>>
      %dma_wait3A_301 = arith.constant 0 : i32
      %dma_wait3A_302 = tpu.memref_slice %arg14[%add3A_23, %dma_wait3A_301] : memref<10240x64xf32, #tpu.memory_space<vmem_shared>> -> memref<32x64xf32, #tpu.memory_space<vmem_shared>>
      tpu.wait_dma2 semaphore(%run_scoped3A : memref<!tpu.dma_semaphore, #tpu.memory_space<semaphore_mem>>) src(%arg13 : memref<32x64xf32, #tpu.memory_space<vmem>>) dst(%dma_wait3A_302 : memref<32x64xf32, #tpu.memory_space<vmem_shared>>)
      tpu.yield
    }) : () -> ()
    %mul3A_24 = arith.constant 640 : i32
    %mul3A_25 = arith.muli %arg1, %mul3A_24 : i32
    %add3A_26 = arith.constant 160 : i32
    %add3A_27 = arith.addi %mul3A_25, %add3A_26 : i32
    "tpu.region"() ({
      %run_scoped3A = tpu.sem_alloc : memref<!tpu.dma_semaphore, #tpu.memory_space<semaphore_mem>>
      %dma_start3A_296 = arith.constant 0 : i32
      %dma_start3A_297 = tpu.memref_slice %arg14[%add3A_27, %dma_start3A_296] : memref<10240x64xf32, #tpu.memory_space<vmem_shared>> -> memref<32x64xf32, #tpu.memory_space<vmem_shared>>
      %dma_start3A_298 = arith.constant 0 : i32
      %dma_start3A_299 = tpu.memref_slice %arg14[%add3A_27, %dma_start3A_298] : memref<10240x64xf32, #tpu.memory_space<vmem_shared>> -> memref<32x64xf32, #tpu.memory_space<vmem_shared>>
      tpu.enqueue_dma source(%arg13 : memref<32x64xf32, #tpu.memory_space<vmem>>) target(%dma_start3A_299 : memref<32x64xf32, #tpu.memory_space<vmem_shared>>) target_semaphore(%run_scoped3A : memref<!tpu.dma_semaphore, #tpu.memory_space<semaphore_mem>>)
      %dma_wait3A = arith.constant 0 : i32
      %dma_wait3A_300 = tpu.memref_slice %arg14[%add3A_27, %dma_wait3A] : memref<10240x64xf32, #tpu.memory_space<vmem_shared>> -> memref<32x64xf32, #tpu.memory_space<vmem_shared>>
      %dma_wait3A_301 = arith.constant 0 : i32
      %dma_wait3A_302 = tpu.memref_slice %arg14[%add3A_27, %dma_wait3A_301] : memref<10240x64xf32, #tpu.memory_space<vmem_shared>> -> memref<32x64xf32, #tpu.memory_space<vmem_shared>>
      tpu.wait_dma2 semaphore(%run_scoped3A : memref<!tpu.dma_semaphore, #tpu.memory_space<semaphore_mem>>) src(%arg13 : memref<32x64xf32, #tpu.memory_space<vmem>>) dst(%dma_wait3A_302 : memref<32x64xf32, #tpu.memory_space<vmem_shared>>)
      tpu.yield
    }) : () -> ()
    %mul3A_28 = arith.constant 640 : i32
    %mul3A_29 = arith.muli %arg1, %mul3A_28 : i32
    %add3A_30 = arith.constant 192 : i32
    %add3A_31 = arith.addi %mul3A_29, %add3A_30 : i32
    "tpu.region"() ({
      %run_scoped3A = tpu.sem_alloc : memref<!tpu.dma_semaphore, #tpu.memory_space<semaphore_mem>>
      %dma_start3A_296 = arith.constant 0 : i32
      %dma_start3A_297 = tpu.memref_slice %arg14[%add3A_31, %dma_start3A_296] : memref<10240x64xf32, #tpu.memory_space<vmem_shared>> -> memref<32x64xf32, #tpu.memory_space<vmem_shared>>
      %dma_start3A_298 = arith.constant 0 : i32
      %dma_start3A_299 = tpu.memref_slice %arg14[%add3A_31, %dma_start3A_298] : memref<10240x64xf32, #tpu.memory_space<vmem_shared>> -> memref<32x64xf32, #tpu.memory_space<vmem_shared>>
      tpu.enqueue_dma source(%arg13 : memref<32x64xf32, #tpu.memory_space<vmem>>) target(%dma_start3A_299 : memref<32x64xf32, #tpu.memory_space<vmem_shared>>) target_semaphore(%run_scoped3A : memref<!tpu.dma_semaphore, #tpu.memory_space<semaphore_mem>>)
      %dma_wait3A = arith.constant 0 : i32
      %dma_wait3A_300 = tpu.memref_slice %arg14[%add3A_31, %dma_wait3A] : memref<10240x64xf32, #tpu.memory_space<vmem_shared>> -> memref<32x64xf32, #tpu.memory_space<vmem_shared>>
      %dma_wait3A_301 = arith.constant 0 : i32
      %dma_wait3A_302 = tpu.memref_slice %arg14[%add3A_31, %dma_wait3A_301] : memref<10240x64xf32, #tpu.memory_space<vmem_shared>> -> memref<32x64xf32, #tpu.memory_space<vmem_shared>>
      tpu.wait_dma2 semaphore(%run_scoped3A : memref<!tpu.dma_semaphore, #tpu.memory_space<semaphore_mem>>) src(%arg13 : memref<32x64xf32, #tpu.memory_space<vmem>>) dst(%dma_wait3A_302 : memref<32x64xf32, #tpu.memory_space<vmem_shared>>)
      tpu.yield
    }) : () -> ()
    %mul3A_32 = arith.constant 640 : i32
    %mul3A_33 = arith.muli %arg1, %mul3A_32 : i32
    %add3A_34 = arith.constant 224 : i32
    %add3A_35 = arith.addi %mul3A_33, %add3A_34 : i32
    "tpu.region"() ({
      %run_scoped3A = tpu.sem_alloc : memref<!tpu.dma_semaphore, #tpu.memory_space<semaphore_mem>>
      %dma_start3A_296 = arith.constant 0 : i32
      %dma_start3A_297 = tpu.memref_slice %arg14[%add3A_35, %dma_start3A_296] : memref<10240x64xf32, #tpu.memory_space<vmem_shared>> -> memref<32x64xf32, #tpu.memory_space<vmem_shared>>
      %dma_start3A_298 = arith.constant 0 : i32
      %dma_start3A_299 = tpu.memref_slice %arg14[%add3A_35, %dma_start3A_298] : memref<10240x64xf32, #tpu.memory_space<vmem_shared>> -> memref<32x64xf32, #tpu.memory_space<vmem_shared>>
      tpu.enqueue_dma source(%arg13 : memref<32x64xf32, #tpu.memory_space<vmem>>) target(%dma_start3A_299 : memref<32x64xf32, #tpu.memory_space<vmem_shared>>) target_semaphore(%run_scoped3A : memref<!tpu.dma_semaphore, #tpu.memory_space<semaphore_mem>>)
      %dma_wait3A = arith.constant 0 : i32
      %dma_wait3A_300 = tpu.memref_slice %arg14[%add3A_35, %dma_wait3A] : memref<10240x64xf32, #tpu.memory_space<vmem_shared>> -> memref<32x64xf32, #tpu.memory_space<vmem_shared>>
      %dma_wait3A_301 = arith.constant 0 : i32
      %dma_wait3A_302 = tpu.memref_slice %arg14[%add3A_35, %dma_wait3A_301] : memref<10240x64xf32, #tpu.memory_space<vmem_shared>> -> memref<32x64xf32, #tpu.memory_space<vmem_shared>>
      tpu.wait_dma2 semaphore(%run_scoped3A : memref<!tpu.dma_semaphore, #tpu.memory_space<semaphore_mem>>) src(%arg13 : memref<32x64xf32, #tpu.memory_space<vmem>>) dst(%dma_wait3A_302 : memref<32x64xf32, #tpu.memory_space<vmem_shared>>)
      tpu.yield
    }) : () -> ()
    %mul3A_36 = arith.constant 640 : i32
    %mul3A_37 = arith.muli %arg1, %mul3A_36 : i32
    %add3A_38 = arith.constant 256 : i32
    %add3A_39 = arith.addi %mul3A_37, %add3A_38 : i32
    "tpu.region"() ({
      %run_scoped3A = tpu.sem_alloc : memref<!tpu.dma_semaphore, #tpu.memory_space<semaphore_mem>>
      %dma_start3A_296 = arith.constant 0 : i32
      %dma_start3A_297 = tpu.memref_slice %arg14[%add3A_39, %dma_start3A_296] : memref<10240x64xf32, #tpu.memory_space<vmem_shared>> -> memref<32x64xf32, #tpu.memory_space<vmem_shared>>
      %dma_start3A_298 = arith.constant 0 : i32
      %dma_start3A_299 = tpu.memref_slice %arg14[%add3A_39, %dma_start3A_298] : memref<10240x64xf32, #tpu.memory_space<vmem_shared>> -> memref<32x64xf32, #tpu.memory_space<vmem_shared>>
      tpu.enqueue_dma source(%arg13 : memref<32x64xf32, #tpu.memory_space<vmem>>) target(%dma_start3A_299 : memref<32x64xf32, #tpu.memory_space<vmem_shared>>) target_semaphore(%run_scoped3A : memref<!tpu.dma_semaphore, #tpu.memory_space<semaphore_mem>>)
      %dma_wait3A = arith.constant 0 : i32
      %dma_wait3A_300 = tpu.memref_slice %arg14[%add3A_39, %dma_wait3A] : memref<10240x64xf32, #tpu.memory_space<vmem_shared>> -> memref<32x64xf32, #tpu.memory_space<vmem_shared>>
      %dma_wait3A_301 = arith.constant 0 : i32
      %dma_wait3A_302 = tpu.memref_slice %arg14[%add3A_39, %dma_wait3A_301] : memref<10240x64xf32, #tpu.memory_space<vmem_shared>> -> memref<32x64xf32, #tpu.memory_space<vmem_shared>>
      tpu.wait_dma2 semaphore(%run_scoped3A : memref<!tpu.dma_semaphore, #tpu.memory_space<semaphore_mem>>) src(%arg13 : memref<32x64xf32, #tpu.memory_space<vmem>>) dst(%dma_wait3A_302 : memref<32x64xf32, #tpu.memory_space<vmem_shared>>)
      tpu.yield
    }) : () -> ()
    %mul3A_40 = arith.constant 640 : i32
    %mul3A_41 = arith.muli %arg1, %mul3A_40 : i32
    %add3A_42 = arith.constant 288 : i32
    %add3A_43 = arith.addi %mul3A_41, %add3A_42 : i32
    "tpu.region"() ({
      %run_scoped3A = tpu.sem_alloc : memref<!tpu.dma_semaphore, #tpu.memory_space<semaphore_mem>>
      %dma_start3A_296 = arith.constant 0 : i32
      %dma_start3A_297 = tpu.memref_slice %arg14[%add3A_43, %dma_start3A_296] : memref<10240x64xf32, #tpu.memory_space<vmem_shared>> -> memref<32x64xf32, #tpu.memory_space<vmem_shared>>
      %dma_start3A_298 = arith.constant 0 : i32
      %dma_start3A_299 = tpu.memref_slice %arg14[%add3A_43, %dma_start3A_298] : memref<10240x64xf32, #tpu.memory_space<vmem_shared>> -> memref<32x64xf32, #tpu.memory_space<vmem_shared>>
      tpu.enqueue_dma source(%arg13 : memref<32x64xf32, #tpu.memory_space<vmem>>) target(%dma_start3A_299 : memref<32x64xf32, #tpu.memory_space<vmem_shared>>) target_semaphore(%run_scoped3A : memref<!tpu.dma_semaphore, #tpu.memory_space<semaphore_mem>>)
      %dma_wait3A = arith.constant 0 : i32
      %dma_wait3A_300 = tpu.memref_slice %arg14[%add3A_43, %dma_wait3A] : memref<10240x64xf32, #tpu.memory_space<vmem_shared>> -> memref<32x64xf32, #tpu.memory_space<vmem_shared>>
      %dma_wait3A_301 = arith.constant 0 : i32
      %dma_wait3A_302 = tpu.memref_slice %arg14[%add3A_43, %dma_wait3A_301] : memref<10240x64xf32, #tpu.memory_space<vmem_shared>> -> memref<32x64xf32, #tpu.memory_space<vmem_shared>>
      tpu.wait_dma2 semaphore(%run_scoped3A : memref<!tpu.dma_semaphore, #tpu.memory_space<semaphore_mem>>) src(%arg13 : memref<32x64xf32, #tpu.memory_space<vmem>>) dst(%dma_wait3A_302 : memref<32x64xf32, #tpu.memory_space<vmem_shared>>)
      tpu.yield
    }) : () -> ()
    %mul3A_44 = arith.constant 640 : i32
    %mul3A_45 = arith.muli %arg1, %mul3A_44 : i32
    %add3A_46 = arith.constant 320 : i32
    %add3A_47 = arith.addi %mul3A_45, %add3A_46 : i32
    "tpu.region"() ({
      %run_scoped3A = tpu.sem_alloc : memref<!tpu.dma_semaphore, #tpu.memory_space<semaphore_mem>>
      %dma_start3A_296 = arith.constant 0 : i32
      %dma_start3A_297 = tpu.memref_slice %arg14[%add3A_47, %dma_start3A_296] : memref<10240x64xf32, #tpu.memory_space<vmem_shared>> -> memref<32x64xf32, #tpu.memory_space<vmem_shared>>
      %dma_start3A_298 = arith.constant 0 : i32
      %dma_start3A_299 = tpu.memref_slice %arg14[%add3A_47, %dma_start3A_298] : memref<10240x64xf32, #tpu.memory_space<vmem_shared>> -> memref<32x64xf32, #tpu.memory_space<vmem_shared>>
      tpu.enqueue_dma source(%arg13 : memref<32x64xf32, #tpu.memory_space<vmem>>) target(%dma_start3A_299 : memref<32x64xf32, #tpu.memory_space<vmem_shared>>) target_semaphore(%run_scoped3A : memref<!tpu.dma_semaphore, #tpu.memory_space<semaphore_mem>>)
      %dma_wait3A = arith.constant 0 : i32
      %dma_wait3A_300 = tpu.memref_slice %arg14[%add3A_47, %dma_wait3A] : memref<10240x64xf32, #tpu.memory_space<vmem_shared>> -> memref<32x64xf32, #tpu.memory_space<vmem_shared>>
      %dma_wait3A_301 = arith.constant 0 : i32
      %dma_wait3A_302 = tpu.memref_slice %arg14[%add3A_47, %dma_wait3A_301] : memref<10240x64xf32, #tpu.memory_space<vmem_shared>> -> memref<32x64xf32, #tpu.memory_space<vmem_shared>>
      tpu.wait_dma2 semaphore(%run_scoped3A : memref<!tpu.dma_semaphore, #tpu.memory_space<semaphore_mem>>) src(%arg13 : memref<32x64xf32, #tpu.memory_space<vmem>>) dst(%dma_wait3A_302 : memref<32x64xf32, #tpu.memory_space<vmem_shared>>)
      tpu.yield
    }) : () -> ()
    %mul3A_48 = arith.constant 640 : i32
    %mul3A_49 = arith.muli %arg1, %mul3A_48 : i32
    %add3A_50 = arith.constant 352 : i32
    %add3A_51 = arith.addi %mul3A_49, %add3A_50 : i32
    "tpu.region"() ({
      %run_scoped3A = tpu.sem_alloc : memref<!tpu.dma_semaphore, #tpu.memory_space<semaphore_mem>>
      %dma_start3A_296 = arith.constant 0 : i32
      %dma_start3A_297 = tpu.memref_slice %arg14[%add3A_51, %dma_start3A_296] : memref<10240x64xf32, #tpu.memory_space<vmem_shared>> -> memref<32x64xf32, #tpu.memory_space<vmem_shared>>
      %dma_start3A_298 = arith.constant 0 : i32
      %dma_start3A_299 = tpu.memref_slice %arg14[%add3A_51, %dma_start3A_298] : memref<10240x64xf32, #tpu.memory_space<vmem_shared>> -> memref<32x64xf32, #tpu.memory_space<vmem_shared>>
      tpu.enqueue_dma source(%arg13 : memref<32x64xf32, #tpu.memory_space<vmem>>) target(%dma_start3A_299 : memref<32x64xf32, #tpu.memory_space<vmem_shared>>) target_semaphore(%run_scoped3A : memref<!tpu.dma_semaphore, #tpu.memory_space<semaphore_mem>>)
      %dma_wait3A = arith.constant 0 : i32
      %dma_wait3A_300 = tpu.memref_slice %arg14[%add3A_51, %dma_wait3A] : memref<10240x64xf32, #tpu.memory_space<vmem_shared>> -> memref<32x64xf32, #tpu.memory_space<vmem_shared>>
      %dma_wait3A_301 = arith.constant 0 : i32
      %dma_wait3A_302 = tpu.memref_slice %arg14[%add3A_51, %dma_wait3A_301] : memref<10240x64xf32, #tpu.memory_space<vmem_shared>> -> memref<32x64xf32, #tpu.memory_space<vmem_shared>>
      tpu.wait_dma2 semaphore(%run_scoped3A : memref<!tpu.dma_semaphore, #tpu.memory_space<semaphore_mem>>) src(%arg13 : memref<32x64xf32, #tpu.memory_space<vmem>>) dst(%dma_wait3A_302 : memref<32x64xf32, #tpu.memory_space<vmem_shared>>)
      tpu.yield
    }) : () -> ()
    %mul3A_52 = arith.constant 640 : i32
    %mul3A_53 = arith.muli %arg1, %mul3A_52 : i32
    %add3A_54 = arith.constant 384 : i32
    %add3A_55 = arith.addi %mul3A_53, %add3A_54 : i32
    "tpu.region"() ({
      %run_scoped3A = tpu.sem_alloc : memref<!tpu.dma_semaphore, #tpu.memory_space<semaphore_mem>>
      %dma_start3A_296 = arith.constant 0 : i32
      %dma_start3A_297 = tpu.memref_slice %arg14[%add3A_55, %dma_start3A_296] : memref<10240x64xf32, #tpu.memory_space<vmem_shared>> -> memref<32x64xf32, #tpu.memory_space<vmem_shared>>
      %dma_start3A_298 = arith.constant 0 : i32
      %dma_start3A_299 = tpu.memref_slice %arg14[%add3A_55, %dma_start3A_298] : memref<10240x64xf32, #tpu.memory_space<vmem_shared>> -> memref<32x64xf32, #tpu.memory_space<vmem_shared>>
      tpu.enqueue_dma source(%arg13 : memref<32x64xf32, #tpu.memory_space<vmem>>) target(%dma_start3A_299 : memref<32x64xf32, #tpu.memory_space<vmem_shared>>) target_semaphore(%run_scoped3A : memref<!tpu.dma_semaphore, #tpu.memory_space<semaphore_mem>>)
      %dma_wait3A = arith.constant 0 : i32
      %dma_wait3A_300 = tpu.memref_slice %arg14[%add3A_55, %dma_wait3A] : memref<10240x64xf32, #tpu.memory_space<vmem_shared>> -> memref<32x64xf32, #tpu.memory_space<vmem_shared>>
      %dma_wait3A_301 = arith.constant 0 : i32
      %dma_wait3A_302 = tpu.memref_slice %arg14[%add3A_55, %dma_wait3A_301] : memref<10240x64xf32, #tpu.memory_space<vmem_shared>> -> memref<32x64xf32, #tpu.memory_space<vmem_shared>>
      tpu.wait_dma2 semaphore(%run_scoped3A : memref<!tpu.dma_semaphore, #tpu.memory_space<semaphore_mem>>) src(%arg13 : memref<32x64xf32, #tpu.memory_space<vmem>>) dst(%dma_wait3A_302 : memref<32x64xf32, #tpu.memory_space<vmem_shared>>)
      tpu.yield
    }) : () -> ()
    %mul3A_56 = arith.constant 640 : i32
    %mul3A_57 = arith.muli %arg1, %mul3A_56 : i32
    %add3A_58 = arith.constant 416 : i32
    %add3A_59 = arith.addi %mul3A_57, %add3A_58 : i32
    "tpu.region"() ({
      %run_scoped3A = tpu.sem_alloc : memref<!tpu.dma_semaphore, #tpu.memory_space<semaphore_mem>>
      %dma_start3A_296 = arith.constant 0 : i32
      %dma_start3A_297 = tpu.memref_slice %arg14[%add3A_59, %dma_start3A_296] : memref<10240x64xf32, #tpu.memory_space<vmem_shared>> -> memref<32x64xf32, #tpu.memory_space<vmem_shared>>
      %dma_start3A_298 = arith.constant 0 : i32
      %dma_start3A_299 = tpu.memref_slice %arg14[%add3A_59, %dma_start3A_298] : memref<10240x64xf32, #tpu.memory_space<vmem_shared>> -> memref<32x64xf32, #tpu.memory_space<vmem_shared>>
      tpu.enqueue_dma source(%arg13 : memref<32x64xf32, #tpu.memory_space<vmem>>) target(%dma_start3A_299 : memref<32x64xf32, #tpu.memory_space<vmem_shared>>) target_semaphore(%run_scoped3A : memref<!tpu.dma_semaphore, #tpu.memory_space<semaphore_mem>>)
      %dma_wait3A = arith.constant 0 : i32
      %dma_wait3A_300 = tpu.memref_slice %arg14[%add3A_59, %dma_wait3A] : memref<10240x64xf32, #tpu.memory_space<vmem_shared>> -> memref<32x64xf32, #tpu.memory_space<vmem_shared>>
      %dma_wait3A_301 = arith.constant 0 : i32
      %dma_wait3A_302 = tpu.memref_slice %arg14[%add3A_59, %dma_wait3A_301] : memref<10240x64xf32, #tpu.memory_space<vmem_shared>> -> memref<32x64xf32, #tpu.memory_space<vmem_shared>>
      tpu.wait_dma2 semaphore(%run_scoped3A : memref<!tpu.dma_semaphore, #tpu.memory_space<semaphore_mem>>) src(%arg13 : memref<32x64xf32, #tpu.memory_space<vmem>>) dst(%dma_wait3A_302 : memref<32x64xf32, #tpu.memory_space<vmem_shared>>)
      tpu.yield
    }) : () -> ()
    %mul3A_60 = arith.constant 640 : i32
    %mul3A_61 = arith.muli %arg1, %mul3A_60 : i32
    %add3A_62 = arith.constant 448 : i32
    %add3A_63 = arith.addi %mul3A_61, %add3A_62 : i32
    "tpu.region"() ({
      %run_scoped3A = tpu.sem_alloc : memref<!tpu.dma_semaphore, #tpu.memory_space<semaphore_mem>>
      %dma_start3A_296 = arith.constant 0 : i32
      %dma_start3A_297 = tpu.memref_slice %arg14[%add3A_63, %dma_start3A_296] : memref<10240x64xf32, #tpu.memory_space<vmem_shared>> -> memref<32x64xf32, #tpu.memory_space<vmem_shared>>
      %dma_start3A_298 = arith.constant 0 : i32
      %dma_start3A_299 = tpu.memref_slice %arg14[%add3A_63, %dma_start3A_298] : memref<10240x64xf32, #tpu.memory_space<vmem_shared>> -> memref<32x64xf32, #tpu.memory_space<vmem_shared>>
      tpu.enqueue_dma source(%arg13 : memref<32x64xf32, #tpu.memory_space<vmem>>) target(%dma_start3A_299 : memref<32x64xf32, #tpu.memory_space<vmem_shared>>) target_semaphore(%run_scoped3A : memref<!tpu.dma_semaphore, #tpu.memory_space<semaphore_mem>>)
      %dma_wait3A = arith.constant 0 : i32
      %dma_wait3A_300 = tpu.memref_slice %arg14[%add3A_63, %dma_wait3A] : memref<10240x64xf32, #tpu.memory_space<vmem_shared>> -> memref<32x64xf32, #tpu.memory_space<vmem_shared>>
      %dma_wait3A_301 = arith.constant 0 : i32
      %dma_wait3A_302 = tpu.memref_slice %arg14[%add3A_63, %dma_wait3A_301] : memref<10240x64xf32, #tpu.memory_space<vmem_shared>> -> memref<32x64xf32, #tpu.memory_space<vmem_shared>>
      tpu.wait_dma2 semaphore(%run_scoped3A : memref<!tpu.dma_semaphore, #tpu.memory_space<semaphore_mem>>) src(%arg13 : memref<32x64xf32, #tpu.memory_space<vmem>>) dst(%dma_wait3A_302 : memref<32x64xf32, #tpu.memory_space<vmem_shared>>)
      tpu.yield
    }) : () -> ()
    %mul3A_64 = arith.constant 640 : i32
    %mul3A_65 = arith.muli %arg1, %mul3A_64 : i32
    %add3A_66 = arith.constant 480 : i32
    %add3A_67 = arith.addi %mul3A_65, %add3A_66 : i32
    "tpu.region"() ({
      %run_scoped3A = tpu.sem_alloc : memref<!tpu.dma_semaphore, #tpu.memory_space<semaphore_mem>>
      %dma_start3A_296 = arith.constant 0 : i32
      %dma_start3A_297 = tpu.memref_slice %arg14[%add3A_67, %dma_start3A_296] : memref<10240x64xf32, #tpu.memory_space<vmem_shared>> -> memref<32x64xf32, #tpu.memory_space<vmem_shared>>
      %dma_start3A_298 = arith.constant 0 : i32
      %dma_start3A_299 = tpu.memref_slice %arg14[%add3A_67, %dma_start3A_298] : memref<10240x64xf32, #tpu.memory_space<vmem_shared>> -> memref<32x64xf32, #tpu.memory_space<vmem_shared>>
      tpu.enqueue_dma source(%arg13 : memref<32x64xf32, #tpu.memory_space<vmem>>) target(%dma_start3A_299 : memref<32x64xf32, #tpu.memory_space<vmem_shared>>) target_semaphore(%run_scoped3A : memref<!tpu.dma_semaphore, #tpu.memory_space<semaphore_mem>>)
      %dma_wait3A = arith.constant 0 : i32
      %dma_wait3A_300 = tpu.memref_slice %arg14[%add3A_67, %dma_wait3A] : memref<10240x64xf32, #tpu.memory_space<vmem_shared>> -> memref<32x64xf32, #tpu.memory_space<vmem_shared>>
      %dma_wait3A_301 = arith.constant 0 : i32
      %dma_wait3A_302 = tpu.memref_slice %arg14[%add3A_67, %dma_wait3A_301] : memref<10240x64xf32, #tpu.memory_space<vmem_shared>> -> memref<32x64xf32, #tpu.memory_space<vmem_shared>>
      tpu.wait_dma2 semaphore(%run_scoped3A : memref<!tpu.dma_semaphore, #tpu.memory_space<semaphore_mem>>) src(%arg13 : memref<32x64xf32, #tpu.memory_space<vmem>>) dst(%dma_wait3A_302 : memref<32x64xf32, #tpu.memory_space<vmem_shared>>)
      tpu.yield
    }) : () -> ()
    %mul3A_68 = arith.constant 640 : i32
    %mul3A_69 = arith.muli %arg1, %mul3A_68 : i32
    %add3A_70 = arith.constant 512 : i32
    %add3A_71 = arith.addi %mul3A_69, %add3A_70 : i32
    "tpu.region"() ({
      %run_scoped3A = tpu.sem_alloc : memref<!tpu.dma_semaphore, #tpu.memory_space<semaphore_mem>>
      %dma_start3A_296 = arith.constant 0 : i32
      %dma_start3A_297 = tpu.memref_slice %arg14[%add3A_71, %dma_start3A_296] : memref<10240x64xf32, #tpu.memory_space<vmem_shared>> -> memref<32x64xf32, #tpu.memory_space<vmem_shared>>
      %dma_start3A_298 = arith.constant 0 : i32
      %dma_start3A_299 = tpu.memref_slice %arg14[%add3A_71, %dma_start3A_298] : memref<10240x64xf32, #tpu.memory_space<vmem_shared>> -> memref<32x64xf32, #tpu.memory_space<vmem_shared>>
      tpu.enqueue_dma source(%arg13 : memref<32x64xf32, #tpu.memory_space<vmem>>) target(%dma_start3A_299 : memref<32x64xf32, #tpu.memory_space<vmem_shared>>) target_semaphore(%run_scoped3A : memref<!tpu.dma_semaphore, #tpu.memory_space<semaphore_mem>>)
      %dma_wait3A = arith.constant 0 : i32
      %dma_wait3A_300 = tpu.memref_slice %arg14[%add3A_71, %dma_wait3A] : memref<10240x64xf32, #tpu.memory_space<vmem_shared>> -> memref<32x64xf32, #tpu.memory_space<vmem_shared>>
      %dma_wait3A_301 = arith.constant 0 : i32
      %dma_wait3A_302 = tpu.memref_slice %arg14[%add3A_71, %dma_wait3A_301] : memref<10240x64xf32, #tpu.memory_space<vmem_shared>> -> memref<32x64xf32, #tpu.memory_space<vmem_shared>>
      tpu.wait_dma2 semaphore(%run_scoped3A : memref<!tpu.dma_semaphore, #tpu.memory_space<semaphore_mem>>) src(%arg13 : memref<32x64xf32, #tpu.memory_space<vmem>>) dst(%dma_wait3A_302 : memref<32x64xf32, #tpu.memory_space<vmem_shared>>)
      tpu.yield
    }) : () -> ()
    %mul3A_72 = arith.constant 640 : i32
    %mul3A_73 = arith.muli %arg1, %mul3A_72 : i32
    %add3A_74 = arith.constant 544 : i32
    %add3A_75 = arith.addi %mul3A_73, %add3A_74 : i32
    "tpu.region"() ({
      %run_scoped3A = tpu.sem_alloc : memref<!tpu.dma_semaphore, #tpu.memory_space<semaphore_mem>>
      %dma_start3A_296 = arith.constant 0 : i32
      %dma_start3A_297 = tpu.memref_slice %arg14[%add3A_75, %dma_start3A_296] : memref<10240x64xf32, #tpu.memory_space<vmem_shared>> -> memref<32x64xf32, #tpu.memory_space<vmem_shared>>
      %dma_start3A_298 = arith.constant 0 : i32
      %dma_start3A_299 = tpu.memref_slice %arg14[%add3A_75, %dma_start3A_298] : memref<10240x64xf32, #tpu.memory_space<vmem_shared>> -> memref<32x64xf32, #tpu.memory_space<vmem_shared>>
      tpu.enqueue_dma source(%arg13 : memref<32x64xf32, #tpu.memory_space<vmem>>) target(%dma_start3A_299 : memref<32x64xf32, #tpu.memory_space<vmem_shared>>) target_semaphore(%run_scoped3A : memref<!tpu.dma_semaphore, #tpu.memory_space<semaphore_mem>>)
      %dma_wait3A = arith.constant 0 : i32
      %dma_wait3A_300 = tpu.memref_slice %arg14[%add3A_75, %dma_wait3A] : memref<10240x64xf32, #tpu.memory_space<vmem_shared>> -> memref<32x64xf32, #tpu.memory_space<vmem_shared>>
      %dma_wait3A_301 = arith.constant 0 : i32
      %dma_wait3A_302 = tpu.memref_slice %arg14[%add3A_75, %dma_wait3A_301] : memref<10240x64xf32, #tpu.memory_space<vmem_shared>> -> memref<32x64xf32, #tpu.memory_space<vmem_shared>>
      tpu.wait_dma2 semaphore(%run_scoped3A : memref<!tpu.dma_semaphore, #tpu.memory_space<semaphore_mem>>) src(%arg13 : memref<32x64xf32, #tpu.memory_space<vmem>>) dst(%dma_wait3A_302 : memref<32x64xf32, #tpu.memory_space<vmem_shared>>)
      tpu.yield
    }) : () -> ()
    %mul3A_76 = arith.constant 640 : i32
    %mul3A_77 = arith.muli %arg1, %mul3A_76 : i32
    %add3A_78 = arith.constant 576 : i32
    %add3A_79 = arith.addi %mul3A_77, %add3A_78 : i32
    "tpu.region"() ({
      %run_scoped3A = tpu.sem_alloc : memref<!tpu.dma_semaphore, #tpu.memory_space<semaphore_mem>>
      %dma_start3A_296 = arith.constant 0 : i32
      %dma_start3A_297 = tpu.memref_slice %arg14[%add3A_79, %dma_start3A_296] : memref<10240x64xf32, #tpu.memory_space<vmem_shared>> -> memref<32x64xf32, #tpu.memory_space<vmem_shared>>
      %dma_start3A_298 = arith.constant 0 : i32
      %dma_start3A_299 = tpu.memref_slice %arg14[%add3A_79, %dma_start3A_298] : memref<10240x64xf32, #tpu.memory_space<vmem_shared>> -> memref<32x64xf32, #tpu.memory_space<vmem_shared>>
      tpu.enqueue_dma source(%arg13 : memref<32x64xf32, #tpu.memory_space<vmem>>) target(%dma_start3A_299 : memref<32x64xf32, #tpu.memory_space<vmem_shared>>) target_semaphore(%run_scoped3A : memref<!tpu.dma_semaphore, #tpu.memory_space<semaphore_mem>>)
      %dma_wait3A = arith.constant 0 : i32
      %dma_wait3A_300 = tpu.memref_slice %arg14[%add3A_79, %dma_wait3A] : memref<10240x64xf32, #tpu.memory_space<vmem_shared>> -> memref<32x64xf32, #tpu.memory_space<vmem_shared>>
      %dma_wait3A_301 = arith.constant 0 : i32
      %dma_wait3A_302 = tpu.memref_slice %arg14[%add3A_79, %dma_wait3A_301] : memref<10240x64xf32, #tpu.memory_space<vmem_shared>> -> memref<32x64xf32, #tpu.memory_space<vmem_shared>>
      tpu.wait_dma2 semaphore(%run_scoped3A : memref<!tpu.dma_semaphore, #tpu.memory_space<semaphore_mem>>) src(%arg13 : memref<32x64xf32, #tpu.memory_space<vmem>>) dst(%dma_wait3A_302 : memref<32x64xf32, #tpu.memory_space<vmem_shared>>)
      tpu.yield
    }) : () -> ()
    %mul3A_80 = arith.constant 640 : i32
    %mul3A_81 = arith.muli %arg1, %mul3A_80 : i32
    %add3A_82 = arith.constant 608 : i32
    %add3A_83 = arith.addi %mul3A_81, %add3A_82 : i32
    "tpu.region"() ({
      %run_scoped3A = tpu.sem_alloc : memref<!tpu.dma_semaphore, #tpu.memory_space<semaphore_mem>>
      %dma_start3A_296 = arith.constant 0 : i32
      %dma_start3A_297 = tpu.memref_slice %arg14[%add3A_83, %dma_start3A_296] : memref<10240x64xf32, #tpu.memory_space<vmem_shared>> -> memref<32x64xf32, #tpu.memory_space<vmem_shared>>
      %dma_start3A_298 = arith.constant 0 : i32
      %dma_start3A_299 = tpu.memref_slice %arg14[%add3A_83, %dma_start3A_298] : memref<10240x64xf32, #tpu.memory_space<vmem_shared>> -> memref<32x64xf32, #tpu.memory_space<vmem_shared>>
      tpu.enqueue_dma source(%arg13 : memref<32x64xf32, #tpu.memory_space<vmem>>) target(%dma_start3A_299 : memref<32x64xf32, #tpu.memory_space<vmem_shared>>) target_semaphore(%run_scoped3A : memref<!tpu.dma_semaphore, #tpu.memory_space<semaphore_mem>>)
      %dma_wait3A = arith.constant 0 : i32
      %dma_wait3A_300 = tpu.memref_slice %arg14[%add3A_83, %dma_wait3A] : memref<10240x64xf32, #tpu.memory_space<vmem_shared>> -> memref<32x64xf32, #tpu.memory_space<vmem_shared>>
      %dma_wait3A_301 = arith.constant 0 : i32
      %dma_wait3A_302 = tpu.memref_slice %arg14[%add3A_83, %dma_wait3A_301] : memref<10240x64xf32, #tpu.memory_space<vmem_shared>> -> memref<32x64xf32, #tpu.memory_space<vmem_shared>>
      tpu.wait_dma2 semaphore(%run_scoped3A : memref<!tpu.dma_semaphore, #tpu.memory_space<semaphore_mem>>) src(%arg13 : memref<32x64xf32, #tpu.memory_space<vmem>>) dst(%dma_wait3A_302 : memref<32x64xf32, #tpu.memory_space<vmem_shared>>)
      tpu.yield
    }) : () -> ()
    %mul3A_84 = arith.constant 320 : i32
    %mul3A_85 = arith.muli %arg1, %mul3A_84 : i32
    %add3A_86 = arith.constant 0 : i32
    %add3A_87 = arith.addi %mul3A_85, %add3A_86 : i32
    "tpu.region"() ({
      %run_scoped3A = tpu.sem_alloc : memref<!tpu.dma_semaphore, #tpu.memory_space<semaphore_mem>>
      %dma_start3A_296 = arith.constant 0 : i32
      %dma_start3A_297 = tpu.memref_slice %arg15[%add3A_87, %dma_start3A_296] : memref<5120x64xf32, #tpu.memory_space<vmem_shared>> -> memref<32x64xf32, #tpu.memory_space<vmem_shared>>
      %dma_start3A_298 = arith.constant 0 : i32
      %dma_start3A_299 = tpu.memref_slice %arg15[%add3A_87, %dma_start3A_298] : memref<5120x64xf32, #tpu.memory_space<vmem_shared>> -> memref<32x64xf32, #tpu.memory_space<vmem_shared>>
      tpu.enqueue_dma source(%arg13 : memref<32x64xf32, #tpu.memory_space<vmem>>) target(%dma_start3A_299 : memref<32x64xf32, #tpu.memory_space<vmem_shared>>) target_semaphore(%run_scoped3A : memref<!tpu.dma_semaphore, #tpu.memory_space<semaphore_mem>>)
      %dma_wait3A = arith.constant 0 : i32
      %dma_wait3A_300 = tpu.memref_slice %arg15[%add3A_87, %dma_wait3A] : memref<5120x64xf32, #tpu.memory_space<vmem_shared>> -> memref<32x64xf32, #tpu.memory_space<vmem_shared>>
      %dma_wait3A_301 = arith.constant 0 : i32
      %dma_wait3A_302 = tpu.memref_slice %arg15[%add3A_87, %dma_wait3A_301] : memref<5120x64xf32, #tpu.memory_space<vmem_shared>> -> memref<32x64xf32, #tpu.memory_space<vmem_shared>>
      tpu.wait_dma2 semaphore(%run_scoped3A : memref<!tpu.dma_semaphore, #tpu.memory_space<semaphore_mem>>) src(%arg13 : memref<32x64xf32, #tpu.memory_space<vmem>>) dst(%dma_wait3A_302 : memref<32x64xf32, #tpu.memory_space<vmem_shared>>)
      tpu.yield
    }) : () -> ()
    %mul3A_88 = arith.constant 320 : i32
    %mul3A_89 = arith.muli %arg1, %mul3A_88 : i32
    %add3A_90 = arith.constant 32 : i32
    %add3A_91 = arith.addi %mul3A_89, %add3A_90 : i32
    "tpu.region"() ({
      %run_scoped3A = tpu.sem_alloc : memref<!tpu.dma_semaphore, #tpu.memory_space<semaphore_mem>>
      %dma_start3A_296 = arith.constant 0 : i32
      %dma_start3A_297 = tpu.memref_slice %arg15[%add3A_91, %dma_start3A_296] : memref<5120x64xf32, #tpu.memory_space<vmem_shared>> -> memref<32x64xf32, #tpu.memory_space<vmem_shared>>
      %dma_start3A_298 = arith.constant 0 : i32
      %dma_start3A_299 = tpu.memref_slice %arg15[%add3A_91, %dma_start3A_298] : memref<5120x64xf32, #tpu.memory_space<vmem_shared>> -> memref<32x64xf32, #tpu.memory_space<vmem_shared>>
      tpu.enqueue_dma source(%arg13 : memref<32x64xf32, #tpu.memory_space<vmem>>) target(%dma_start3A_299 : memref<32x64xf32, #tpu.memory_space<vmem_shared>>) target_semaphore(%run_scoped3A : memref<!tpu.dma_semaphore, #tpu.memory_space<semaphore_mem>>)
      %dma_wait3A = arith.constant 0 : i32
      %dma_wait3A_300 = tpu.memref_slice %arg15[%add3A_91, %dma_wait3A] : memref<5120x64xf32, #tpu.memory_space<vmem_shared>> -> memref<32x64xf32, #tpu.memory_space<vmem_shared>>
      %dma_wait3A_301 = arith.constant 0 : i32
      %dma_wait3A_302 = tpu.memref_slice %arg15[%add3A_91, %dma_wait3A_301] : memref<5120x64xf32, #tpu.memory_space<vmem_shared>> -> memref<32x64xf32, #tpu.memory_space<vmem_shared>>
      tpu.wait_dma2 semaphore(%run_scoped3A : memref<!tpu.dma_semaphore, #tpu.memory_space<semaphore_mem>>) src(%arg13 : memref<32x64xf32, #tpu.memory_space<vmem>>) dst(%dma_wait3A_302 : memref<32x64xf32, #tpu.memory_space<vmem_shared>>)
      tpu.yield
    }) : () -> ()
    %mul3A_92 = arith.constant 320 : i32
    %mul3A_93 = arith.muli %arg1, %mul3A_92 : i32
    %add3A_94 = arith.constant 64 : i32
    %add3A_95 = arith.addi %mul3A_93, %add3A_94 : i32
    "tpu.region"() ({
      %run_scoped3A = tpu.sem_alloc : memref<!tpu.dma_semaphore, #tpu.memory_space<semaphore_mem>>
      %dma_start3A_296 = arith.constant 0 : i32
      %dma_start3A_297 = tpu.memref_slice %arg15[%add3A_95, %dma_start3A_296] : memref<5120x64xf32, #tpu.memory_space<vmem_shared>> -> memref<32x64xf32, #tpu.memory_space<vmem_shared>>
      %dma_start3A_298 = arith.constant 0 : i32
      %dma_start3A_299 = tpu.memref_slice %arg15[%add3A_95, %dma_start3A_298] : memref<5120x64xf32, #tpu.memory_space<vmem_shared>> -> memref<32x64xf32, #tpu.memory_space<vmem_shared>>
      tpu.enqueue_dma source(%arg13 : memref<32x64xf32, #tpu.memory_space<vmem>>) target(%dma_start3A_299 : memref<32x64xf32, #tpu.memory_space<vmem_shared>>) target_semaphore(%run_scoped3A : memref<!tpu.dma_semaphore, #tpu.memory_space<semaphore_mem>>)
      %dma_wait3A = arith.constant 0 : i32
      %dma_wait3A_300 = tpu.memref_slice %arg15[%add3A_95, %dma_wait3A] : memref<5120x64xf32, #tpu.memory_space<vmem_shared>> -> memref<32x64xf32, #tpu.memory_space<vmem_shared>>
      %dma_wait3A_301 = arith.constant 0 : i32
      %dma_wait3A_302 = tpu.memref_slice %arg15[%add3A_95, %dma_wait3A_301] : memref<5120x64xf32, #tpu.memory_space<vmem_shared>> -> memref<32x64xf32, #tpu.memory_space<vmem_shared>>
      tpu.wait_dma2 semaphore(%run_scoped3A : memref<!tpu.dma_semaphore, #tpu.memory_space<semaphore_mem>>) src(%arg13 : memref<32x64xf32, #tpu.memory_space<vmem>>) dst(%dma_wait3A_302 : memref<32x64xf32, #tpu.memory_space<vmem_shared>>)
      tpu.yield
    }) : () -> ()
    %mul3A_96 = arith.constant 320 : i32
    %mul3A_97 = arith.muli %arg1, %mul3A_96 : i32
    %add3A_98 = arith.constant 96 : i32
    %add3A_99 = arith.addi %mul3A_97, %add3A_98 : i32
    "tpu.region"() ({
      %run_scoped3A = tpu.sem_alloc : memref<!tpu.dma_semaphore, #tpu.memory_space<semaphore_mem>>
      %dma_start3A_296 = arith.constant 0 : i32
      %dma_start3A_297 = tpu.memref_slice %arg15[%add3A_99, %dma_start3A_296] : memref<5120x64xf32, #tpu.memory_space<vmem_shared>> -> memref<32x64xf32, #tpu.memory_space<vmem_shared>>
      %dma_start3A_298 = arith.constant 0 : i32
      %dma_start3A_299 = tpu.memref_slice %arg15[%add3A_99, %dma_start3A_298] : memref<5120x64xf32, #tpu.memory_space<vmem_shared>> -> memref<32x64xf32, #tpu.memory_space<vmem_shared>>
      tpu.enqueue_dma source(%arg13 : memref<32x64xf32, #tpu.memory_space<vmem>>) target(%dma_start3A_299 : memref<32x64xf32, #tpu.memory_space<vmem_shared>>) target_semaphore(%run_scoped3A : memref<!tpu.dma_semaphore, #tpu.memory_space<semaphore_mem>>)
      %dma_wait3A = arith.constant 0 : i32
      %dma_wait3A_300 = tpu.memref_slice %arg15[%add3A_99, %dma_wait3A] : memref<5120x64xf32, #tpu.memory_space<vmem_shared>> -> memref<32x64xf32, #tpu.memory_space<vmem_shared>>
      %dma_wait3A_301 = arith.constant 0 : i32
      %dma_wait3A_302 = tpu.memref_slice %arg15[%add3A_99, %dma_wait3A_301] : memref<5120x64xf32, #tpu.memory_space<vmem_shared>> -> memref<32x64xf32, #tpu.memory_space<vmem_shared>>
      tpu.wait_dma2 semaphore(%run_scoped3A : memref<!tpu.dma_semaphore, #tpu.memory_space<semaphore_mem>>) src(%arg13 : memref<32x64xf32, #tpu.memory_space<vmem>>) dst(%dma_wait3A_302 : memref<32x64xf32, #tpu.memory_space<vmem_shared>>)
      tpu.yield
    }) : () -> ()
    %mul3A_100 = arith.constant 320 : i32
    %mul3A_101 = arith.muli %arg1, %mul3A_100 : i32
    %add3A_102 = arith.constant 128 : i32
    %add3A_103 = arith.addi %mul3A_101, %add3A_102 : i32
    "tpu.region"() ({
      %run_scoped3A = tpu.sem_alloc : memref<!tpu.dma_semaphore, #tpu.memory_space<semaphore_mem>>
      %dma_start3A_296 = arith.constant 0 : i32
      %dma_start3A_297 = tpu.memref_slice %arg15[%add3A_103, %dma_start3A_296] : memref<5120x64xf32, #tpu.memory_space<vmem_shared>> -> memref<32x64xf32, #tpu.memory_space<vmem_shared>>
      %dma_start3A_298 = arith.constant 0 : i32
      %dma_start3A_299 = tpu.memref_slice %arg15[%add3A_103, %dma_start3A_298] : memref<5120x64xf32, #tpu.memory_space<vmem_shared>> -> memref<32x64xf32, #tpu.memory_space<vmem_shared>>
      tpu.enqueue_dma source(%arg13 : memref<32x64xf32, #tpu.memory_space<vmem>>) target(%dma_start3A_299 : memref<32x64xf32, #tpu.memory_space<vmem_shared>>) target_semaphore(%run_scoped3A : memref<!tpu.dma_semaphore, #tpu.memory_space<semaphore_mem>>)
      %dma_wait3A = arith.constant 0 : i32
      %dma_wait3A_300 = tpu.memref_slice %arg15[%add3A_103, %dma_wait3A] : memref<5120x64xf32, #tpu.memory_space<vmem_shared>> -> memref<32x64xf32, #tpu.memory_space<vmem_shared>>
      %dma_wait3A_301 = arith.constant 0 : i32
      %dma_wait3A_302 = tpu.memref_slice %arg15[%add3A_103, %dma_wait3A_301] : memref<5120x64xf32, #tpu.memory_space<vmem_shared>> -> memref<32x64xf32, #tpu.memory_space<vmem_shared>>
      tpu.wait_dma2 semaphore(%run_scoped3A : memref<!tpu.dma_semaphore, #tpu.memory_space<semaphore_mem>>) src(%arg13 : memref<32x64xf32, #tpu.memory_space<vmem>>) dst(%dma_wait3A_302 : memref<32x64xf32, #tpu.memory_space<vmem_shared>>)
      tpu.yield
    }) : () -> ()
    %mul3A_104 = arith.constant 320 : i32
    %mul3A_105 = arith.muli %arg1, %mul3A_104 : i32
    %add3A_106 = arith.constant 160 : i32
    %add3A_107 = arith.addi %mul3A_105, %add3A_106 : i32
    "tpu.region"() ({
      %run_scoped3A = tpu.sem_alloc : memref<!tpu.dma_semaphore, #tpu.memory_space<semaphore_mem>>
      %dma_start3A_296 = arith.constant 0 : i32
      %dma_start3A_297 = tpu.memref_slice %arg15[%add3A_107, %dma_start3A_296] : memref<5120x64xf32, #tpu.memory_space<vmem_shared>> -> memref<32x64xf32, #tpu.memory_space<vmem_shared>>
      %dma_start3A_298 = arith.constant 0 : i32
      %dma_start3A_299 = tpu.memref_slice %arg15[%add3A_107, %dma_start3A_298] : memref<5120x64xf32, #tpu.memory_space<vmem_shared>> -> memref<32x64xf32, #tpu.memory_space<vmem_shared>>
      tpu.enqueue_dma source(%arg13 : memref<32x64xf32, #tpu.memory_space<vmem>>) target(%dma_start3A_299 : memref<32x64xf32, #tpu.memory_space<vmem_shared>>) target_semaphore(%run_scoped3A : memref<!tpu.dma_semaphore, #tpu.memory_space<semaphore_mem>>)
      %dma_wait3A = arith.constant 0 : i32
      %dma_wait3A_300 = tpu.memref_slice %arg15[%add3A_107, %dma_wait3A] : memref<5120x64xf32, #tpu.memory_space<vmem_shared>> -> memref<32x64xf32, #tpu.memory_space<vmem_shared>>
      %dma_wait3A_301 = arith.constant 0 : i32
      %dma_wait3A_302 = tpu.memref_slice %arg15[%add3A_107, %dma_wait3A_301] : memref<5120x64xf32, #tpu.memory_space<vmem_shared>> -> memref<32x64xf32, #tpu.memory_space<vmem_shared>>
      tpu.wait_dma2 semaphore(%run_scoped3A : memref<!tpu.dma_semaphore, #tpu.memory_space<semaphore_mem>>) src(%arg13 : memref<32x64xf32, #tpu.memory_space<vmem>>) dst(%dma_wait3A_302 : memref<32x64xf32, #tpu.memory_space<vmem_shared>>)
      tpu.yield
    }) : () -> ()
    %mul3A_108 = arith.constant 320 : i32
    %mul3A_109 = arith.muli %arg1, %mul3A_108 : i32
    %add3A_110 = arith.constant 192 : i32
    %add3A_111 = arith.addi %mul3A_109, %add3A_110 : i32
    "tpu.region"() ({
      %run_scoped3A = tpu.sem_alloc : memref<!tpu.dma_semaphore, #tpu.memory_space<semaphore_mem>>
      %dma_start3A_296 = arith.constant 0 : i32
      %dma_start3A_297 = tpu.memref_slice %arg15[%add3A_111, %dma_start3A_296] : memref<5120x64xf32, #tpu.memory_space<vmem_shared>> -> memref<32x64xf32, #tpu.memory_space<vmem_shared>>
      %dma_start3A_298 = arith.constant 0 : i32
      %dma_start3A_299 = tpu.memref_slice %arg15[%add3A_111, %dma_start3A_298] : memref<5120x64xf32, #tpu.memory_space<vmem_shared>> -> memref<32x64xf32, #tpu.memory_space<vmem_shared>>
      tpu.enqueue_dma source(%arg13 : memref<32x64xf32, #tpu.memory_space<vmem>>) target(%dma_start3A_299 : memref<32x64xf32, #tpu.memory_space<vmem_shared>>) target_semaphore(%run_scoped3A : memref<!tpu.dma_semaphore, #tpu.memory_space<semaphore_mem>>)
      %dma_wait3A = arith.constant 0 : i32
      %dma_wait3A_300 = tpu.memref_slice %arg15[%add3A_111, %dma_wait3A] : memref<5120x64xf32, #tpu.memory_space<vmem_shared>> -> memref<32x64xf32, #tpu.memory_space<vmem_shared>>
      %dma_wait3A_301 = arith.constant 0 : i32
      %dma_wait3A_302 = tpu.memref_slice %arg15[%add3A_111, %dma_wait3A_301] : memref<5120x64xf32, #tpu.memory_space<vmem_shared>> -> memref<32x64xf32, #tpu.memory_space<vmem_shared>>
      tpu.wait_dma2 semaphore(%run_scoped3A : memref<!tpu.dma_semaphore, #tpu.memory_space<semaphore_mem>>) src(%arg13 : memref<32x64xf32, #tpu.memory_space<vmem>>) dst(%dma_wait3A_302 : memref<32x64xf32, #tpu.memory_space<vmem_shared>>)
      tpu.yield
    }) : () -> ()
    %mul3A_112 = arith.constant 320 : i32
    %mul3A_113 = arith.muli %arg1, %mul3A_112 : i32
    %add3A_114 = arith.constant 224 : i32
    %add3A_115 = arith.addi %mul3A_113, %add3A_114 : i32
    "tpu.region"() ({
      %run_scoped3A = tpu.sem_alloc : memref<!tpu.dma_semaphore, #tpu.memory_space<semaphore_mem>>
      %dma_start3A_296 = arith.constant 0 : i32
      %dma_start3A_297 = tpu.memref_slice %arg15[%add3A_115, %dma_start3A_296] : memref<5120x64xf32, #tpu.memory_space<vmem_shared>> -> memref<32x64xf32, #tpu.memory_space<vmem_shared>>
      %dma_start3A_298 = arith.constant 0 : i32
      %dma_start3A_299 = tpu.memref_slice %arg15[%add3A_115, %dma_start3A_298] : memref<5120x64xf32, #tpu.memory_space<vmem_shared>> -> memref<32x64xf32, #tpu.memory_space<vmem_shared>>
      tpu.enqueue_dma source(%arg13 : memref<32x64xf32, #tpu.memory_space<vmem>>) target(%dma_start3A_299 : memref<32x64xf32, #tpu.memory_space<vmem_shared>>) target_semaphore(%run_scoped3A : memref<!tpu.dma_semaphore, #tpu.memory_space<semaphore_mem>>)
      %dma_wait3A = arith.constant 0 : i32
      %dma_wait3A_300 = tpu.memref_slice %arg15[%add3A_115, %dma_wait3A] : memref<5120x64xf32, #tpu.memory_space<vmem_shared>> -> memref<32x64xf32, #tpu.memory_space<vmem_shared>>
      %dma_wait3A_301 = arith.constant 0 : i32
      %dma_wait3A_302 = tpu.memref_slice %arg15[%add3A_115, %dma_wait3A_301] : memref<5120x64xf32, #tpu.memory_space<vmem_shared>> -> memref<32x64xf32, #tpu.memory_space<vmem_shared>>
      tpu.wait_dma2 semaphore(%run_scoped3A : memref<!tpu.dma_semaphore, #tpu.memory_space<semaphore_mem>>) src(%arg13 : memref<32x64xf32, #tpu.memory_space<vmem>>) dst(%dma_wait3A_302 : memref<32x64xf32, #tpu.memory_space<vmem_shared>>)
      tpu.yield
    }) : () -> ()
    %mul3A_116 = arith.constant 320 : i32
    %mul3A_117 = arith.muli %arg1, %mul3A_116 : i32
    %add3A_118 = arith.constant 256 : i32
    %add3A_119 = arith.addi %mul3A_117, %add3A_118 : i32
    "tpu.region"() ({
      %run_scoped3A = tpu.sem_alloc : memref<!tpu.dma_semaphore, #tpu.memory_space<semaphore_mem>>
      %dma_start3A_296 = arith.constant 0 : i32
      %dma_start3A_297 = tpu.memref_slice %arg15[%add3A_119, %dma_start3A_296] : memref<5120x64xf32, #tpu.memory_space<vmem_shared>> -> memref<32x64xf32, #tpu.memory_space<vmem_shared>>
      %dma_start3A_298 = arith.constant 0 : i32
      %dma_start3A_299 = tpu.memref_slice %arg15[%add3A_119, %dma_start3A_298] : memref<5120x64xf32, #tpu.memory_space<vmem_shared>> -> memref<32x64xf32, #tpu.memory_space<vmem_shared>>
      tpu.enqueue_dma source(%arg13 : memref<32x64xf32, #tpu.memory_space<vmem>>) target(%dma_start3A_299 : memref<32x64xf32, #tpu.memory_space<vmem_shared>>) target_semaphore(%run_scoped3A : memref<!tpu.dma_semaphore, #tpu.memory_space<semaphore_mem>>)
      %dma_wait3A = arith.constant 0 : i32
      %dma_wait3A_300 = tpu.memref_slice %arg15[%add3A_119, %dma_wait3A] : memref<5120x64xf32, #tpu.memory_space<vmem_shared>> -> memref<32x64xf32, #tpu.memory_space<vmem_shared>>
      %dma_wait3A_301 = arith.constant 0 : i32
      %dma_wait3A_302 = tpu.memref_slice %arg15[%add3A_119, %dma_wait3A_301] : memref<5120x64xf32, #tpu.memory_space<vmem_shared>> -> memref<32x64xf32, #tpu.memory_space<vmem_shared>>
      tpu.wait_dma2 semaphore(%run_scoped3A : memref<!tpu.dma_semaphore, #tpu.memory_space<semaphore_mem>>) src(%arg13 : memref<32x64xf32, #tpu.memory_space<vmem>>) dst(%dma_wait3A_302 : memref<32x64xf32, #tpu.memory_space<vmem_shared>>)
      tpu.yield
    }) : () -> ()
    %mul3A_120 = arith.constant 320 : i32
    %mul3A_121 = arith.muli %arg1, %mul3A_120 : i32
    %add3A_122 = arith.constant 288 : i32
    %add3A_123 = arith.addi %mul3A_121, %add3A_122 : i32
    "tpu.region"() ({
      %run_scoped3A = tpu.sem_alloc : memref<!tpu.dma_semaphore, #tpu.memory_space<semaphore_mem>>
      %dma_start3A_296 = arith.constant 0 : i32
      %dma_start3A_297 = tpu.memref_slice %arg15[%add3A_123, %dma_start3A_296] : memref<5120x64xf32, #tpu.memory_space<vmem_shared>> -> memref<32x64xf32, #tpu.memory_space<vmem_shared>>
      %dma_start3A_298 = arith.constant 0 : i32
      %dma_start3A_299 = tpu.memref_slice %arg15[%add3A_123, %dma_start3A_298] : memref<5120x64xf32, #tpu.memory_space<vmem_shared>> -> memref<32x64xf32, #tpu.memory_space<vmem_shared>>
      tpu.enqueue_dma source(%arg13 : memref<32x64xf32, #tpu.memory_space<vmem>>) target(%dma_start3A_299 : memref<32x64xf32, #tpu.memory_space<vmem_shared>>) target_semaphore(%run_scoped3A : memref<!tpu.dma_semaphore, #tpu.memory_space<semaphore_mem>>)
      %dma_wait3A = arith.constant 0 : i32
      %dma_wait3A_300 = tpu.memref_slice %arg15[%add3A_123, %dma_wait3A] : memref<5120x64xf32, #tpu.memory_space<vmem_shared>> -> memref<32x64xf32, #tpu.memory_space<vmem_shared>>
      %dma_wait3A_301 = arith.constant 0 : i32
      %dma_wait3A_302 = tpu.memref_slice %arg15[%add3A_123, %dma_wait3A_301] : memref<5120x64xf32, #tpu.memory_space<vmem_shared>> -> memref<32x64xf32, #tpu.memory_space<vmem_shared>>
      tpu.wait_dma2 semaphore(%run_scoped3A : memref<!tpu.dma_semaphore, #tpu.memory_space<semaphore_mem>>) src(%arg13 : memref<32x64xf32, #tpu.memory_space<vmem>>) dst(%dma_wait3A_302 : memref<32x64xf32, #tpu.memory_space<vmem_shared>>)
      tpu.yield
    }) : () -> ()
    "tpu.region"() ({
      %run_scoped3A = tpu.sem_alloc : memref<!tpu.dma_semaphore, #tpu.memory_space<semaphore_mem>>
      %dma_start3A_296 = arith.constant 0 : i32
      %dma_start3A_297 = arith.constant 0 : i32
      %dma_start3A_298 = tpu.memref_slice %arg3[%arg1, %dma_start3A_296, %dma_start3A_297] : memref<16x80x128xi32, #tpu.memory_space<hbm>> -> memref<1x80x128xi32, #tpu.memory_space<hbm>>
      %dma_start3A_299 = tpu.memref_squeeze %dma_start3A_298 : memref<1x80x128xi32, #tpu.memory_space<hbm>> -> memref<80x128xi32, #tpu.memory_space<hbm>>
      %dma_start3A_300 = arith.constant 0 : i32
      %dma_start3A_301 = arith.constant 0 : i32
      %dma_start3A_302 = tpu.memref_slice %arg3[%arg1, %dma_start3A_300, %dma_start3A_301] : memref<16x80x128xi32, #tpu.memory_space<hbm>> -> memref<1x80x128xi32, #tpu.memory_space<hbm>>
      %dma_start3A_303 = tpu.memref_squeeze %dma_start3A_302 : memref<1x80x128xi32, #tpu.memory_space<hbm>> -> memref<80x128xi32, #tpu.memory_space<hbm>>
      tpu.enqueue_dma source(%dma_start3A_303 : memref<80x128xi32, #tpu.memory_space<hbm>>) target(%arg10 : memref<80x128xi32, #tpu.memory_space<vmem>>) target_semaphore(%run_scoped3A : memref<!tpu.dma_semaphore, #tpu.memory_space<semaphore_mem>>)
      %dma_wait3A = arith.constant 0 : i32
      %dma_wait3A_304 = arith.constant 0 : i32
      %dma_wait3A_305 = tpu.memref_slice %arg3[%arg1, %dma_wait3A, %dma_wait3A_304] : memref<16x80x128xi32, #tpu.memory_space<hbm>> -> memref<1x80x128xi32, #tpu.memory_space<hbm>>
      %dma_wait3A_306 = tpu.memref_squeeze %dma_wait3A_305 : memref<1x80x128xi32, #tpu.memory_space<hbm>> -> memref<80x128xi32, #tpu.memory_space<hbm>>
      %dma_wait3A_307 = arith.constant 0 : i32
      %dma_wait3A_308 = arith.constant 0 : i32
      %dma_wait3A_309 = tpu.memref_slice %arg3[%arg1, %dma_wait3A_307, %dma_wait3A_308] : memref<16x80x128xi32, #tpu.memory_space<hbm>> -> memref<1x80x128xi32, #tpu.memory_space<hbm>>
      %dma_wait3A_310 = tpu.memref_squeeze %dma_wait3A_309 : memref<1x80x128xi32, #tpu.memory_space<hbm>> -> memref<80x128xi32, #tpu.memory_space<hbm>>
      tpu.wait_dma2 semaphore(%run_scoped3A : memref<!tpu.dma_semaphore, #tpu.memory_space<semaphore_mem>>) src(%dma_wait3A_310 : memref<80x128xi32, #tpu.memory_space<hbm>>) dst(%arg10 : memref<80x128xi32, #tpu.memory_space<vmem>>)
      tpu.yield
    }) : () -> ()
    "tpu.region"() ({
      %run_scoped3A = tpu.sem_alloc : memref<!tpu.dma_semaphore, #tpu.memory_space<semaphore_mem>>
      %dma_start3A_296 = arith.constant 0 : i32
      %dma_start3A_297 = arith.constant 0 : i32
      %dma_start3A_298 = tpu.memref_slice %arg4[%arg1, %dma_start3A_296, %dma_start3A_297] : memref<16x80x128xi32, #tpu.memory_space<hbm>> -> memref<1x80x128xi32, #tpu.memory_space<hbm>>
      %dma_start3A_299 = tpu.memref_squeeze %dma_start3A_298 : memref<1x80x128xi32, #tpu.memory_space<hbm>> -> memref<80x128xi32, #tpu.memory_space<hbm>>
      %dma_start3A_300 = arith.constant 0 : i32
      %dma_start3A_301 = arith.constant 0 : i32
      %dma_start3A_302 = tpu.memref_slice %arg4[%arg1, %dma_start3A_300, %dma_start3A_301] : memref<16x80x128xi32, #tpu.memory_space<hbm>> -> memref<1x80x128xi32, #tpu.memory_space<hbm>>
      %dma_start3A_303 = tpu.memref_squeeze %dma_start3A_302 : memref<1x80x128xi32, #tpu.memory_space<hbm>> -> memref<80x128xi32, #tpu.memory_space<hbm>>
      tpu.enqueue_dma source(%dma_start3A_303 : memref<80x128xi32, #tpu.memory_space<hbm>>) target(%arg11 : memref<80x128xi32, #tpu.memory_space<vmem>>) target_semaphore(%run_scoped3A : memref<!tpu.dma_semaphore, #tpu.memory_space<semaphore_mem>>)
      %dma_wait3A = arith.constant 0 : i32
      %dma_wait3A_304 = arith.constant 0 : i32
      %dma_wait3A_305 = tpu.memref_slice %arg4[%arg1, %dma_wait3A, %dma_wait3A_304] : memref<16x80x128xi32, #tpu.memory_space<hbm>> -> memref<1x80x128xi32, #tpu.memory_space<hbm>>
      %dma_wait3A_306 = tpu.memref_squeeze %dma_wait3A_305 : memref<1x80x128xi32, #tpu.memory_space<hbm>> -> memref<80x128xi32, #tpu.memory_space<hbm>>
      %dma_wait3A_307 = arith.constant 0 : i32
      %dma_wait3A_308 = arith.constant 0 : i32
      %dma_wait3A_309 = tpu.memref_slice %arg4[%arg1, %dma_wait3A_307, %dma_wait3A_308] : memref<16x80x128xi32, #tpu.memory_space<hbm>> -> memref<1x80x128xi32, #tpu.memory_space<hbm>>
      %dma_wait3A_310 = tpu.memref_squeeze %dma_wait3A_309 : memref<1x80x128xi32, #tpu.memory_space<hbm>> -> memref<80x128xi32, #tpu.memory_space<hbm>>
      tpu.wait_dma2 semaphore(%run_scoped3A : memref<!tpu.dma_semaphore, #tpu.memory_space<semaphore_mem>>) src(%dma_wait3A_310 : memref<80x128xi32, #tpu.memory_space<hbm>>) dst(%arg11 : memref<80x128xi32, #tpu.memory_space<vmem>>)
      tpu.yield
    }) : () -> ()
    %barrier3A = arith.constant 0 : index
    tpu.barrier barrier_id(%barrier3A)
    %dma_start3A = arith.constant 0 : i32
    %dma_start3A_124 = arith.constant 0 : i32
    %dma_start3A_125 = arith.constant 0 : i32
    %dma_start3A_126 = arith.constant 0 : i32
    %dma_start3A_127 = arith.constant 0 : i32
    %dma_start3A_128 = tpu.memref_slice %arg12[%dma_start3A_124, %dma_start3A_126, %dma_start3A_127] : memref<4x128x64xf32, #tpu.memory_space<vmem>> -> memref<1x128x64xf32, #tpu.memory_space<vmem>>
    %dma_start3A_129 = tpu.memref_squeeze %dma_start3A_128 : memref<1x128x64xf32, #tpu.memory_space<vmem>> -> memref<128x64xf32, #tpu.memory_space<vmem>>
    %dma_start3A_130 = arith.constant 0 : i32
    %dma_start3A_131 = tpu.memref_slice %arg10[%dma_start3A, %dma_start3A_130] : memref<80x128xi32, #tpu.memory_space<vmem>> -> memref<1x128xi32, #tpu.memory_space<vmem>>
    %dma_start3A_132 = tpu.memref_squeeze %dma_start3A_131 : memref<1x128xi32, #tpu.memory_space<vmem>> -> memref<128xi32, #tpu.memory_space<vmem>>
    %dma_start3A_133 = arith.constant 0 : i32
    %dma_start3A_134 = arith.constant 0 : i32
    %dma_start3A_135 = tpu.memref_slice %arg2[%arg0, %dma_start3A_133, %dma_start3A_134] : memref<2x10240x64xf32, #tpu.memory_space<hbm>> -> memref<1x10240x64xf32, #tpu.memory_space<hbm>>
    %dma_start3A_136 = tpu.memref_squeeze %dma_start3A_135 : memref<1x10240x64xf32, #tpu.memory_space<hbm>> -> memref<10240x64xf32, #tpu.memory_space<hbm>>
    %dma_start3A_137 = arith.constant 0 : i32
    %dma_start3A_138 = arith.constant 0 : i32
    %dma_start3A_139 = tpu.memref_slice %dma_start3A_136[%dma_start3A_137, %dma_start3A_138] : memref<10240x64xf32, #tpu.memory_space<hbm>> -> memref<10240x64xf32, #tpu.memory_space<hbm>>
    %dma_start3A_140 = tpu.memref_slice %arg16[%dma_start3A_125] : memref<4x!tpu.dma_semaphore, #tpu.memory_space<semaphore_mem>> -> memref<1x!tpu.dma_semaphore, #tpu.memory_space<semaphore_mem>>
    %dma_start3A_141 = tpu.memref_squeeze %dma_start3A_140 : memref<1x!tpu.dma_semaphore, #tpu.memory_space<semaphore_mem>> -> memref<!tpu.dma_semaphore, #tpu.memory_space<semaphore_mem>>
    tpu.enqueue_indirect_dma source(%dma_start3A_139 : memref<10240x64xf32, #tpu.memory_space<hbm>>) target(%dma_start3A_129 : memref<128x64xf32, #tpu.memory_space<vmem>>) offsets(%dma_start3A_132 : memref<128xi32, #tpu.memory_space<vmem>>) semaphore(%dma_start3A_141 : memref<!tpu.dma_semaphore, #tpu.memory_space<semaphore_mem>>)
    %dma_start3A_142 = arith.constant 1 : i32
    %dma_start3A_143 = arith.constant 1 : i32
    %dma_start3A_144 = arith.constant 1 : i32
    %dma_start3A_145 = arith.constant 0 : i32
    %dma_start3A_146 = arith.constant 0 : i32
    %dma_start3A_147 = tpu.memref_slice %arg12[%dma_start3A_143, %dma_start3A_145, %dma_start3A_146] : memref<4x128x64xf32, #tpu.memory_space<vmem>> -> memref<1x128x64xf32, #tpu.memory_space<vmem>>
    %dma_start3A_148 = tpu.memref_squeeze %dma_start3A_147 : memref<1x128x64xf32, #tpu.memory_space<vmem>> -> memref<128x64xf32, #tpu.memory_space<vmem>>
    %dma_start3A_149 = arith.constant 0 : i32
    %dma_start3A_150 = tpu.memref_slice %arg10[%dma_start3A_142, %dma_start3A_149] : memref<80x128xi32, #tpu.memory_space<vmem>> -> memref<1x128xi32, #tpu.memory_space<vmem>>
    %dma_start3A_151 = tpu.memref_squeeze %dma_start3A_150 : memref<1x128xi32, #tpu.memory_space<vmem>> -> memref<128xi32, #tpu.memory_space<vmem>>
    %dma_start3A_152 = arith.constant 0 : i32
    %dma_start3A_153 = arith.constant 0 : i32
    %dma_start3A_154 = tpu.memref_slice %arg2[%arg0, %dma_start3A_152, %dma_start3A_153] : memref<2x10240x64xf32, #tpu.memory_space<hbm>> -> memref<1x10240x64xf32, #tpu.memory_space<hbm>>
    %dma_start3A_155 = tpu.memref_squeeze %dma_start3A_154 : memref<1x10240x64xf32, #tpu.memory_space<hbm>> -> memref<10240x64xf32, #tpu.memory_space<hbm>>
    %dma_start3A_156 = arith.constant 0 : i32
    %dma_start3A_157 = arith.constant 0 : i32
    %dma_start3A_158 = tpu.memref_slice %dma_start3A_155[%dma_start3A_156, %dma_start3A_157] : memref<10240x64xf32, #tpu.memory_space<hbm>> -> memref<10240x64xf32, #tpu.memory_space<hbm>>
    %dma_start3A_159 = tpu.memref_slice %arg16[%dma_start3A_144] : memref<4x!tpu.dma_semaphore, #tpu.memory_space<semaphore_mem>> -> memref<1x!tpu.dma_semaphore, #tpu.memory_space<semaphore_mem>>
    %dma_start3A_160 = tpu.memref_squeeze %dma_start3A_159 : memref<1x!tpu.dma_semaphore, #tpu.memory_space<semaphore_mem>> -> memref<!tpu.dma_semaphore, #tpu.memory_space<semaphore_mem>>
    tpu.enqueue_indirect_dma source(%dma_start3A_158 : memref<10240x64xf32, #tpu.memory_space<hbm>>) target(%dma_start3A_148 : memref<128x64xf32, #tpu.memory_space<vmem>>) offsets(%dma_start3A_151 : memref<128xi32, #tpu.memory_space<vmem>>) semaphore(%dma_start3A_160 : memref<!tpu.dma_semaphore, #tpu.memory_space<semaphore_mem>>)
    %dma_start3A_161 = arith.constant 2 : i32
    %dma_start3A_162 = arith.constant 2 : i32
    %dma_start3A_163 = arith.constant 2 : i32
    %dma_start3A_164 = arith.constant 0 : i32
    %dma_start3A_165 = arith.constant 0 : i32
    %dma_start3A_166 = tpu.memref_slice %arg12[%dma_start3A_162, %dma_start3A_164, %dma_start3A_165] : memref<4x128x64xf32, #tpu.memory_space<vmem>> -> memref<1x128x64xf32, #tpu.memory_space<vmem>>
    %dma_start3A_167 = tpu.memref_squeeze %dma_start3A_166 : memref<1x128x64xf32, #tpu.memory_space<vmem>> -> memref<128x64xf32, #tpu.memory_space<vmem>>
    %dma_start3A_168 = arith.constant 0 : i32
    %dma_start3A_169 = tpu.memref_slice %arg10[%dma_start3A_161, %dma_start3A_168] : memref<80x128xi32, #tpu.memory_space<vmem>> -> memref<1x128xi32, #tpu.memory_space<vmem>>
    %dma_start3A_170 = tpu.memref_squeeze %dma_start3A_169 : memref<1x128xi32, #tpu.memory_space<vmem>> -> memref<128xi32, #tpu.memory_space<vmem>>
    %dma_start3A_171 = arith.constant 0 : i32
    %dma_start3A_172 = arith.constant 0 : i32
    %dma_start3A_173 = tpu.memref_slice %arg2[%arg0, %dma_start3A_171, %dma_start3A_172] : memref<2x10240x64xf32, #tpu.memory_space<hbm>> -> memref<1x10240x64xf32, #tpu.memory_space<hbm>>
    %dma_start3A_174 = tpu.memref_squeeze %dma_start3A_173 : memref<1x10240x64xf32, #tpu.memory_space<hbm>> -> memref<10240x64xf32, #tpu.memory_space<hbm>>
    %dma_start3A_175 = arith.constant 0 : i32
    %dma_start3A_176 = arith.constant 0 : i32
    %dma_start3A_177 = tpu.memref_slice %dma_start3A_174[%dma_start3A_175, %dma_start3A_176] : memref<10240x64xf32, #tpu.memory_space<hbm>> -> memref<10240x64xf32, #tpu.memory_space<hbm>>
    %dma_start3A_178 = tpu.memref_slice %arg16[%dma_start3A_163] : memref<4x!tpu.dma_semaphore, #tpu.memory_space<semaphore_mem>> -> memref<1x!tpu.dma_semaphore, #tpu.memory_space<semaphore_mem>>
    %dma_start3A_179 = tpu.memref_squeeze %dma_start3A_178 : memref<1x!tpu.dma_semaphore, #tpu.memory_space<semaphore_mem>> -> memref<!tpu.dma_semaphore, #tpu.memory_space<semaphore_mem>>
    tpu.enqueue_indirect_dma source(%dma_start3A_177 : memref<10240x64xf32, #tpu.memory_space<hbm>>) target(%dma_start3A_167 : memref<128x64xf32, #tpu.memory_space<vmem>>) offsets(%dma_start3A_170 : memref<128xi32, #tpu.memory_space<vmem>>) semaphore(%dma_start3A_179 : memref<!tpu.dma_semaphore, #tpu.memory_space<semaphore_mem>>)
    %dma_start3A_180 = arith.constant 3 : i32
    %dma_start3A_181 = arith.constant 3 : i32
    %dma_start3A_182 = arith.constant 3 : i32
    %dma_start3A_183 = arith.constant 0 : i32
    %dma_start3A_184 = arith.constant 0 : i32
    %dma_start3A_185 = tpu.memref_slice %arg12[%dma_start3A_181, %dma_start3A_183, %dma_start3A_184] : memref<4x128x64xf32, #tpu.memory_space<vmem>> -> memref<1x128x64xf32, #tpu.memory_space<vmem>>
    %dma_start3A_186 = tpu.memref_squeeze %dma_start3A_185 : memref<1x128x64xf32, #tpu.memory_space<vmem>> -> memref<128x64xf32, #tpu.memory_space<vmem>>
    %dma_start3A_187 = arith.constant 0 : i32
    %dma_start3A_188 = tpu.memref_slice %arg10[%dma_start3A_180, %dma_start3A_187] : memref<80x128xi32, #tpu.memory_space<vmem>> -> memref<1x128xi32, #tpu.memory_space<vmem>>
    %dma_start3A_189 = tpu.memref_squeeze %dma_start3A_188 : memref<1x128xi32, #tpu.memory_space<vmem>> -> memref<128xi32, #tpu.memory_space<vmem>>
    %dma_start3A_190 = arith.constant 0 : i32
    %dma_start3A_191 = arith.constant 0 : i32
    %dma_start3A_192 = tpu.memref_slice %arg2[%arg0, %dma_start3A_190, %dma_start3A_191] : memref<2x10240x64xf32, #tpu.memory_space<hbm>> -> memref<1x10240x64xf32, #tpu.memory_space<hbm>>
    %dma_start3A_193 = tpu.memref_squeeze %dma_start3A_192 : memref<1x10240x64xf32, #tpu.memory_space<hbm>> -> memref<10240x64xf32, #tpu.memory_space<hbm>>
    %dma_start3A_194 = arith.constant 0 : i32
    %dma_start3A_195 = arith.constant 0 : i32
    %dma_start3A_196 = tpu.memref_slice %dma_start3A_193[%dma_start3A_194, %dma_start3A_195] : memref<10240x64xf32, #tpu.memory_space<hbm>> -> memref<10240x64xf32, #tpu.memory_space<hbm>>
    %dma_start3A_197 = tpu.memref_slice %arg16[%dma_start3A_182] : memref<4x!tpu.dma_semaphore, #tpu.memory_space<semaphore_mem>> -> memref<1x!tpu.dma_semaphore, #tpu.memory_space<semaphore_mem>>
    %dma_start3A_198 = tpu.memref_squeeze %dma_start3A_197 : memref<1x!tpu.dma_semaphore, #tpu.memory_space<semaphore_mem>> -> memref<!tpu.dma_semaphore, #tpu.memory_space<semaphore_mem>>
    tpu.enqueue_indirect_dma source(%dma_start3A_196 : memref<10240x64xf32, #tpu.memory_space<hbm>>) target(%dma_start3A_186 : memref<128x64xf32, #tpu.memory_space<vmem>>) offsets(%dma_start3A_189 : memref<128xi32, #tpu.memory_space<vmem>>) semaphore(%dma_start3A_198 : memref<!tpu.dma_semaphore, #tpu.memory_space<semaphore_mem>>)
    %scan3A_199 = arith.constant 0 : i32
    %scan3A_200 = arith.constant 0 : i32
    %scan3A_201 = arith.constant 20 : i32
    %scan3A_202 = arith.addi %scan3A_200, %scan3A_201 : i32
    %scan3A_203 = arith.constant 1 : i32
    scf.for %scan3A_296 = %scan3A_200 to %scan3A_202 step %scan3A_203  : i32 {
      %mul3A_297 = arith.constant 4 : i32
      %mul3A_298 = arith.muli %scan3A_296, %mul3A_297 : i32
      %add3A_299 = arith.constant 0 : i32
      %add3A_300 = arith.addi %mul3A_298, %add3A_299 : i32
      %dma_wait3A = arith.constant 0 : i32
      %dma_wait3A_301 = arith.constant 0 : i32
      %dma_wait3A_302 = arith.constant 0 : i32
      %dma_wait3A_303 = arith.constant 0 : i32
      %dma_wait3A_304 = tpu.memref_slice %arg12[%dma_wait3A, %dma_wait3A_302, %dma_wait3A_303] : memref<4x128x64xf32, #tpu.memory_space<vmem>> -> memref<1x128x64xf32, #tpu.memory_space<vmem>>
      %dma_wait3A_305 = tpu.memref_squeeze %dma_wait3A_304 : memref<1x128x64xf32, #tpu.memory_space<vmem>> -> memref<128x64xf32, #tpu.memory_space<vmem>>
      %dma_wait3A_306 = arith.constant 0 : i32
      %dma_wait3A_307 = tpu.memref_slice %arg10[%add3A_300, %dma_wait3A_306] : memref<80x128xi32, #tpu.memory_space<vmem>> -> memref<1x128xi32, #tpu.memory_space<vmem>>
      %dma_wait3A_308 = tpu.memref_squeeze %dma_wait3A_307 : memref<1x128xi32, #tpu.memory_space<vmem>> -> memref<128xi32, #tpu.memory_space<vmem>>
      %dma_wait3A_309 = arith.constant 0 : i32
      %dma_wait3A_310 = arith.constant 0 : i32
      %dma_wait3A_311 = tpu.memref_slice %arg2[%arg0, %dma_wait3A_309, %dma_wait3A_310] : memref<2x10240x64xf32, #tpu.memory_space<hbm>> -> memref<1x10240x64xf32, #tpu.memory_space<hbm>>
      %dma_wait3A_312 = tpu.memref_squeeze %dma_wait3A_311 : memref<1x10240x64xf32, #tpu.memory_space<hbm>> -> memref<10240x64xf32, #tpu.memory_space<hbm>>
      %dma_wait3A_313 = arith.constant 0 : i32
      %dma_wait3A_314 = arith.constant 0 : i32
      %dma_wait3A_315 = tpu.memref_slice %dma_wait3A_312[%dma_wait3A_313, %dma_wait3A_314] : memref<10240x64xf32, #tpu.memory_space<hbm>> -> memref<10240x64xf32, #tpu.memory_space<hbm>>
      %dma_wait3A_316 = tpu.memref_slice %arg16[%dma_wait3A_301] : memref<4x!tpu.dma_semaphore, #tpu.memory_space<semaphore_mem>> -> memref<1x!tpu.dma_semaphore, #tpu.memory_space<semaphore_mem>>
      %dma_wait3A_317 = tpu.memref_squeeze %dma_wait3A_316 : memref<1x!tpu.dma_semaphore, #tpu.memory_space<semaphore_mem>> -> memref<!tpu.dma_semaphore, #tpu.memory_space<semaphore_mem>>
      tpu.wait_indirect_dma semaphore(%dma_wait3A_317 : memref<!tpu.dma_semaphore, #tpu.memory_space<semaphore_mem>>) src(%dma_wait3A_315 : memref<10240x64xf32, #tpu.memory_space<hbm>>) dst(%dma_wait3A_305 : memref<128x64xf32, #tpu.memory_space<vmem>>)
      %run_scoped3A = arith.constant 0 : i32
      "tpu.region"() ({
        %run_scoped3A_404 = tpu.sem_alloc : memref<!tpu.dma_semaphore, #tpu.memory_space<semaphore_mem>>
        %dma_start3A_405 = arith.constant 0 : i32
        %dma_start3A_406 = arith.constant 0 : i32
        %dma_start3A_407 = tpu.memref_slice %arg12[%run_scoped3A, %dma_start3A_405, %dma_start3A_406] : memref<4x128x64xf32, #tpu.memory_space<vmem>> -> memref<1x128x64xf32, #tpu.memory_space<vmem>>
        %dma_start3A_408 = tpu.memref_squeeze %dma_start3A_407 : memref<1x128x64xf32, #tpu.memory_space<vmem>> -> memref<128x64xf32, #tpu.memory_space<vmem>>
        %dma_start3A_409 = arith.constant 0 : i32
        %dma_start3A_410 = tpu.memref_slice %arg11[%add3A_300, %dma_start3A_409] : memref<80x128xi32, #tpu.memory_space<vmem>> -> memref<1x128xi32, #tpu.memory_space<vmem>>
        %dma_start3A_411 = tpu.memref_squeeze %dma_start3A_410 : memref<1x128xi32, #tpu.memory_space<vmem>> -> memref<128xi32, #tpu.memory_space<vmem>>
        %dma_start3A_412 = arith.constant 0 : i32
        %dma_start3A_413 = arith.constant 0 : i32
        %dma_start3A_414 = tpu.memref_slice %arg14[%dma_start3A_412, %dma_start3A_413] : memref<10240x64xf32, #tpu.memory_space<vmem_shared>> -> memref<10240x64xf32, #tpu.memory_space<vmem_shared>>
        tpu.enqueue_indirect_dma source(%dma_start3A_408 : memref<128x64xf32, #tpu.memory_space<vmem>>) target(%dma_start3A_414 : memref<10240x64xf32, #tpu.memory_space<vmem_shared>>) offsets(%dma_start3A_411 : memref<128xi32, #tpu.memory_space<vmem>>) semaphore(%run_scoped3A_404 : memref<!tpu.dma_semaphore, #tpu.memory_space<semaphore_mem>>) {add = true}
        %dma_wait3A_415 = arith.constant 0 : i32
        %dma_wait3A_416 = arith.constant 0 : i32
        %dma_wait3A_417 = tpu.memref_slice %arg12[%run_scoped3A, %dma_wait3A_415, %dma_wait3A_416] : memref<4x128x64xf32, #tpu.memory_space<vmem>> -> memref<1x128x64xf32, #tpu.memory_space<vmem>>
        %dma_wait3A_418 = tpu.memref_squeeze %dma_wait3A_417 : memref<1x128x64xf32, #tpu.memory_space<vmem>> -> memref<128x64xf32, #tpu.memory_space<vmem>>
        %dma_wait3A_419 = arith.constant 0 : i32
        %dma_wait3A_420 = tpu.memref_slice %arg11[%add3A_300, %dma_wait3A_419] : memref<80x128xi32, #tpu.memory_space<vmem>> -> memref<1x128xi32, #tpu.memory_space<vmem>>
        %dma_wait3A_421 = tpu.memref_squeeze %dma_wait3A_420 : memref<1x128xi32, #tpu.memory_space<vmem>> -> memref<128xi32, #tpu.memory_space<vmem>>
        %dma_wait3A_422 = arith.constant 0 : i32
        %dma_wait3A_423 = arith.constant 0 : i32
        %dma_wait3A_424 = tpu.memref_slice %arg14[%dma_wait3A_422, %dma_wait3A_423] : memref<10240x64xf32, #tpu.memory_space<vmem_shared>> -> memref<10240x64xf32, #tpu.memory_space<vmem_shared>>
        tpu.wait_indirect_dma semaphore(%run_scoped3A_404 : memref<!tpu.dma_semaphore, #tpu.memory_space<semaphore_mem>>) src(%dma_wait3A_418 : memref<128x64xf32, #tpu.memory_space<vmem>>) dst(%dma_wait3A_424 : memref<10240x64xf32, #tpu.memory_space<vmem_shared>>)
        tpu.yield
      }) : () -> ()
      %lt3A = arith.constant 19 : i32
      %lt3A_318 = arith.cmpi slt, %scan3A_296, %lt3A : i32
      %convert_element_type3A = arith.extui %lt3A_318 : i1 to i32
      %cond3A = arith.constant 0 : i32
      %cond3A_319 = arith.cmpi ne, %convert_element_type3A, %cond3A : i32
      scf.if %cond3A_319 {
        %add3A_404 = arith.constant 4 : i32
        %add3A_405 = arith.addi %add3A_300, %add3A_404 : i32
        %dma_start3A_406 = arith.constant 0 : i32
        %dma_start3A_407 = arith.constant 0 : i32
        %dma_start3A_408 = arith.constant 0 : i32
        %dma_start3A_409 = arith.constant 0 : i32
        %dma_start3A_410 = tpu.memref_slice %arg12[%dma_start3A_406, %dma_start3A_408, %dma_start3A_409] : memref<4x128x64xf32, #tpu.memory_space<vmem>> -> memref<1x128x64xf32, #tpu.memory_space<vmem>>
        %dma_start3A_411 = tpu.memref_squeeze %dma_start3A_410 : memref<1x128x64xf32, #tpu.memory_space<vmem>> -> memref<128x64xf32, #tpu.memory_space<vmem>>
        %dma_start3A_412 = arith.constant 0 : i32
        %dma_start3A_413 = tpu.memref_slice %arg10[%add3A_405, %dma_start3A_412] : memref<80x128xi32, #tpu.memory_space<vmem>> -> memref<1x128xi32, #tpu.memory_space<vmem>>
        %dma_start3A_414 = tpu.memref_squeeze %dma_start3A_413 : memref<1x128xi32, #tpu.memory_space<vmem>> -> memref<128xi32, #tpu.memory_space<vmem>>
        %dma_start3A_415 = arith.constant 0 : i32
        %dma_start3A_416 = arith.constant 0 : i32
        %dma_start3A_417 = tpu.memref_slice %arg2[%arg0, %dma_start3A_415, %dma_start3A_416] : memref<2x10240x64xf32, #tpu.memory_space<hbm>> -> memref<1x10240x64xf32, #tpu.memory_space<hbm>>
        %dma_start3A_418 = tpu.memref_squeeze %dma_start3A_417 : memref<1x10240x64xf32, #tpu.memory_space<hbm>> -> memref<10240x64xf32, #tpu.memory_space<hbm>>
        %dma_start3A_419 = arith.constant 0 : i32
        %dma_start3A_420 = arith.constant 0 : i32
        %dma_start3A_421 = tpu.memref_slice %dma_start3A_418[%dma_start3A_419, %dma_start3A_420] : memref<10240x64xf32, #tpu.memory_space<hbm>> -> memref<10240x64xf32, #tpu.memory_space<hbm>>
        %dma_start3A_422 = tpu.memref_slice %arg16[%dma_start3A_407] : memref<4x!tpu.dma_semaphore, #tpu.memory_space<semaphore_mem>> -> memref<1x!tpu.dma_semaphore, #tpu.memory_space<semaphore_mem>>
        %dma_start3A_423 = tpu.memref_squeeze %dma_start3A_422 : memref<1x!tpu.dma_semaphore, #tpu.memory_space<semaphore_mem>> -> memref<!tpu.dma_semaphore, #tpu.memory_space<semaphore_mem>>
        tpu.enqueue_indirect_dma source(%dma_start3A_421 : memref<10240x64xf32, #tpu.memory_space<hbm>>) target(%dma_start3A_411 : memref<128x64xf32, #tpu.memory_space<vmem>>) offsets(%dma_start3A_414 : memref<128xi32, #tpu.memory_space<vmem>>) semaphore(%dma_start3A_423 : memref<!tpu.dma_semaphore, #tpu.memory_space<semaphore_mem>>)
      } else {
      }
      %mul3A_320 = arith.constant 4 : i32
      %mul3A_321 = arith.muli %scan3A_296, %mul3A_320 : i32
      %add3A_322 = arith.constant 1 : i32
      %add3A_323 = arith.addi %mul3A_321, %add3A_322 : i32
      %dma_wait3A_324 = arith.constant 1 : i32
      %dma_wait3A_325 = arith.constant 1 : i32
      %dma_wait3A_326 = arith.constant 0 : i32
      %dma_wait3A_327 = arith.constant 0 : i32
      %dma_wait3A_328 = tpu.memref_slice %arg12[%dma_wait3A_324, %dma_wait3A_326, %dma_wait3A_327] : memref<4x128x64xf32, #tpu.memory_space<vmem>> -> memref<1x128x64xf32, #tpu.memory_space<vmem>>
      %dma_wait3A_329 = tpu.memref_squeeze %dma_wait3A_328 : memref<1x128x64xf32, #tpu.memory_space<vmem>> -> memref<128x64xf32, #tpu.memory_space<vmem>>
      %dma_wait3A_330 = arith.constant 0 : i32
      %dma_wait3A_331 = tpu.memref_slice %arg10[%add3A_323, %dma_wait3A_330] : memref<80x128xi32, #tpu.memory_space<vmem>> -> memref<1x128xi32, #tpu.memory_space<vmem>>
      %dma_wait3A_332 = tpu.memref_squeeze %dma_wait3A_331 : memref<1x128xi32, #tpu.memory_space<vmem>> -> memref<128xi32, #tpu.memory_space<vmem>>
      %dma_wait3A_333 = arith.constant 0 : i32
      %dma_wait3A_334 = arith.constant 0 : i32
      %dma_wait3A_335 = tpu.memref_slice %arg2[%arg0, %dma_wait3A_333, %dma_wait3A_334] : memref<2x10240x64xf32, #tpu.memory_space<hbm>> -> memref<1x10240x64xf32, #tpu.memory_space<hbm>>
      %dma_wait3A_336 = tpu.memref_squeeze %dma_wait3A_335 : memref<1x10240x64xf32, #tpu.memory_space<hbm>> -> memref<10240x64xf32, #tpu.memory_space<hbm>>
      %dma_wait3A_337 = arith.constant 0 : i32
      %dma_wait3A_338 = arith.constant 0 : i32
      %dma_wait3A_339 = tpu.memref_slice %dma_wait3A_336[%dma_wait3A_337, %dma_wait3A_338] : memref<10240x64xf32, #tpu.memory_space<hbm>> -> memref<10240x64xf32, #tpu.memory_space<hbm>>
      %dma_wait3A_340 = tpu.memref_slice %arg16[%dma_wait3A_325] : memref<4x!tpu.dma_semaphore, #tpu.memory_space<semaphore_mem>> -> memref<1x!tpu.dma_semaphore, #tpu.memory_space<semaphore_mem>>
      %dma_wait3A_341 = tpu.memref_squeeze %dma_wait3A_340 : memref<1x!tpu.dma_semaphore, #tpu.memory_space<semaphore_mem>> -> memref<!tpu.dma_semaphore, #tpu.memory_space<semaphore_mem>>
      tpu.wait_indirect_dma semaphore(%dma_wait3A_341 : memref<!tpu.dma_semaphore, #tpu.memory_space<semaphore_mem>>) src(%dma_wait3A_339 : memref<10240x64xf32, #tpu.memory_space<hbm>>) dst(%dma_wait3A_329 : memref<128x64xf32, #tpu.memory_space<vmem>>)
      %run_scoped3A_342 = arith.constant 1 : i32
      "tpu.region"() ({
        %run_scoped3A_404 = tpu.sem_alloc : memref<!tpu.dma_semaphore, #tpu.memory_space<semaphore_mem>>
        %dma_start3A_405 = arith.constant 0 : i32
        %dma_start3A_406 = arith.constant 0 : i32
        %dma_start3A_407 = tpu.memref_slice %arg12[%run_scoped3A_342, %dma_start3A_405, %dma_start3A_406] : memref<4x128x64xf32, #tpu.memory_space<vmem>> -> memref<1x128x64xf32, #tpu.memory_space<vmem>>
        %dma_start3A_408 = tpu.memref_squeeze %dma_start3A_407 : memref<1x128x64xf32, #tpu.memory_space<vmem>> -> memref<128x64xf32, #tpu.memory_space<vmem>>
        %dma_start3A_409 = arith.constant 0 : i32
        %dma_start3A_410 = tpu.memref_slice %arg11[%add3A_323, %dma_start3A_409] : memref<80x128xi32, #tpu.memory_space<vmem>> -> memref<1x128xi32, #tpu.memory_space<vmem>>
        %dma_start3A_411 = tpu.memref_squeeze %dma_start3A_410 : memref<1x128xi32, #tpu.memory_space<vmem>> -> memref<128xi32, #tpu.memory_space<vmem>>
        %dma_start3A_412 = arith.constant 0 : i32
        %dma_start3A_413 = arith.constant 0 : i32
        %dma_start3A_414 = tpu.memref_slice %arg14[%dma_start3A_412, %dma_start3A_413] : memref<10240x64xf32, #tpu.memory_space<vmem_shared>> -> memref<10240x64xf32, #tpu.memory_space<vmem_shared>>
        tpu.enqueue_indirect_dma source(%dma_start3A_408 : memref<128x64xf32, #tpu.memory_space<vmem>>) target(%dma_start3A_414 : memref<10240x64xf32, #tpu.memory_space<vmem_shared>>) offsets(%dma_start3A_411 : memref<128xi32, #tpu.memory_space<vmem>>) semaphore(%run_scoped3A_404 : memref<!tpu.dma_semaphore, #tpu.memory_space<semaphore_mem>>) {add = true}
        %dma_wait3A_415 = arith.constant 0 : i32
        %dma_wait3A_416 = arith.constant 0 : i32
        %dma_wait3A_417 = tpu.memref_slice %arg12[%run_scoped3A_342, %dma_wait3A_415, %dma_wait3A_416] : memref<4x128x64xf32, #tpu.memory_space<vmem>> -> memref<1x128x64xf32, #tpu.memory_space<vmem>>
        %dma_wait3A_418 = tpu.memref_squeeze %dma_wait3A_417 : memref<1x128x64xf32, #tpu.memory_space<vmem>> -> memref<128x64xf32, #tpu.memory_space<vmem>>
        %dma_wait3A_419 = arith.constant 0 : i32
        %dma_wait3A_420 = tpu.memref_slice %arg11[%add3A_323, %dma_wait3A_419] : memref<80x128xi32, #tpu.memory_space<vmem>> -> memref<1x128xi32, #tpu.memory_space<vmem>>
        %dma_wait3A_421 = tpu.memref_squeeze %dma_wait3A_420 : memref<1x128xi32, #tpu.memory_space<vmem>> -> memref<128xi32, #tpu.memory_space<vmem>>
        %dma_wait3A_422 = arith.constant 0 : i32
        %dma_wait3A_423 = arith.constant 0 : i32
        %dma_wait3A_424 = tpu.memref_slice %arg14[%dma_wait3A_422, %dma_wait3A_423] : memref<10240x64xf32, #tpu.memory_space<vmem_shared>> -> memref<10240x64xf32, #tpu.memory_space<vmem_shared>>
        tpu.wait_indirect_dma semaphore(%run_scoped3A_404 : memref<!tpu.dma_semaphore, #tpu.memory_space<semaphore_mem>>) src(%dma_wait3A_418 : memref<128x64xf32, #tpu.memory_space<vmem>>) dst(%dma_wait3A_424 : memref<10240x64xf32, #tpu.memory_space<vmem_shared>>)
        tpu.yield
      }) : () -> ()
      %lt3A_343 = arith.constant 19 : i32
      %lt3A_344 = arith.cmpi slt, %scan3A_296, %lt3A_343 : i32
      %convert_element_type3A_345 = arith.extui %lt3A_344 : i1 to i32
      %cond3A_346 = arith.constant 0 : i32
      %cond3A_347 = arith.cmpi ne, %convert_element_type3A_345, %cond3A_346 : i32
      scf.if %cond3A_347 {
        %add3A_404 = arith.constant 4 : i32
        %add3A_405 = arith.addi %add3A_323, %add3A_404 : i32
        %dma_start3A_406 = arith.constant 1 : i32
        %dma_start3A_407 = arith.constant 1 : i32
        %dma_start3A_408 = arith.constant 0 : i32
        %dma_start3A_409 = arith.constant 0 : i32
        %dma_start3A_410 = tpu.memref_slice %arg12[%dma_start3A_406, %dma_start3A_408, %dma_start3A_409] : memref<4x128x64xf32, #tpu.memory_space<vmem>> -> memref<1x128x64xf32, #tpu.memory_space<vmem>>
        %dma_start3A_411 = tpu.memref_squeeze %dma_start3A_410 : memref<1x128x64xf32, #tpu.memory_space<vmem>> -> memref<128x64xf32, #tpu.memory_space<vmem>>
        %dma_start3A_412 = arith.constant 0 : i32
        %dma_start3A_413 = tpu.memref_slice %arg10[%add3A_405, %dma_start3A_412] : memref<80x128xi32, #tpu.memory_space<vmem>> -> memref<1x128xi32, #tpu.memory_space<vmem>>
        %dma_start3A_414 = tpu.memref_squeeze %dma_start3A_413 : memref<1x128xi32, #tpu.memory_space<vmem>> -> memref<128xi32, #tpu.memory_space<vmem>>
        %dma_start3A_415 = arith.constant 0 : i32
        %dma_start3A_416 = arith.constant 0 : i32
        %dma_start3A_417 = tpu.memref_slice %arg2[%arg0, %dma_start3A_415, %dma_start3A_416] : memref<2x10240x64xf32, #tpu.memory_space<hbm>> -> memref<1x10240x64xf32, #tpu.memory_space<hbm>>
        %dma_start3A_418 = tpu.memref_squeeze %dma_start3A_417 : memref<1x10240x64xf32, #tpu.memory_space<hbm>> -> memref<10240x64xf32, #tpu.memory_space<hbm>>
        %dma_start3A_419 = arith.constant 0 : i32
        %dma_start3A_420 = arith.constant 0 : i32
        %dma_start3A_421 = tpu.memref_slice %dma_start3A_418[%dma_start3A_419, %dma_start3A_420] : memref<10240x64xf32, #tpu.memory_space<hbm>> -> memref<10240x64xf32, #tpu.memory_space<hbm>>
        %dma_start3A_422 = tpu.memref_slice %arg16[%dma_start3A_407] : memref<4x!tpu.dma_semaphore, #tpu.memory_space<semaphore_mem>> -> memref<1x!tpu.dma_semaphore, #tpu.memory_space<semaphore_mem>>
        %dma_start3A_423 = tpu.memref_squeeze %dma_start3A_422 : memref<1x!tpu.dma_semaphore, #tpu.memory_space<semaphore_mem>> -> memref<!tpu.dma_semaphore, #tpu.memory_space<semaphore_mem>>
        tpu.enqueue_indirect_dma source(%dma_start3A_421 : memref<10240x64xf32, #tpu.memory_space<hbm>>) target(%dma_start3A_411 : memref<128x64xf32, #tpu.memory_space<vmem>>) offsets(%dma_start3A_414 : memref<128xi32, #tpu.memory_space<vmem>>) semaphore(%dma_start3A_423 : memref<!tpu.dma_semaphore, #tpu.memory_space<semaphore_mem>>)
      } else {
      }
      %mul3A_348 = arith.constant 4 : i32
      %mul3A_349 = arith.muli %scan3A_296, %mul3A_348 : i32
      %add3A_350 = arith.constant 2 : i32
      %add3A_351 = arith.addi %mul3A_349, %add3A_350 : i32
      %dma_wait3A_352 = arith.constant 2 : i32
      %dma_wait3A_353 = arith.constant 2 : i32
      %dma_wait3A_354 = arith.constant 0 : i32
      %dma_wait3A_355 = arith.constant 0 : i32
      %dma_wait3A_356 = tpu.memref_slice %arg12[%dma_wait3A_352, %dma_wait3A_354, %dma_wait3A_355] : memref<4x128x64xf32, #tpu.memory_space<vmem>> -> memref<1x128x64xf32, #tpu.memory_space<vmem>>
      %dma_wait3A_357 = tpu.memref_squeeze %dma_wait3A_356 : memref<1x128x64xf32, #tpu.memory_space<vmem>> -> memref<128x64xf32, #tpu.memory_space<vmem>>
      %dma_wait3A_358 = arith.constant 0 : i32
      %dma_wait3A_359 = tpu.memref_slice %arg10[%add3A_351, %dma_wait3A_358] : memref<80x128xi32, #tpu.memory_space<vmem>> -> memref<1x128xi32, #tpu.memory_space<vmem>>
      %dma_wait3A_360 = tpu.memref_squeeze %dma_wait3A_359 : memref<1x128xi32, #tpu.memory_space<vmem>> -> memref<128xi32, #tpu.memory_space<vmem>>
      %dma_wait3A_361 = arith.constant 0 : i32
      %dma_wait3A_362 = arith.constant 0 : i32
      %dma_wait3A_363 = tpu.memref_slice %arg2[%arg0, %dma_wait3A_361, %dma_wait3A_362] : memref<2x10240x64xf32, #tpu.memory_space<hbm>> -> memref<1x10240x64xf32, #tpu.memory_space<hbm>>
      %dma_wait3A_364 = tpu.memref_squeeze %dma_wait3A_363 : memref<1x10240x64xf32, #tpu.memory_space<hbm>> -> memref<10240x64xf32, #tpu.memory_space<hbm>>
      %dma_wait3A_365 = arith.constant 0 : i32
      %dma_wait3A_366 = arith.constant 0 : i32
      %dma_wait3A_367 = tpu.memref_slice %dma_wait3A_364[%dma_wait3A_365, %dma_wait3A_366] : memref<10240x64xf32, #tpu.memory_space<hbm>> -> memref<10240x64xf32, #tpu.memory_space<hbm>>
      %dma_wait3A_368 = tpu.memref_slice %arg16[%dma_wait3A_353] : memref<4x!tpu.dma_semaphore, #tpu.memory_space<semaphore_mem>> -> memref<1x!tpu.dma_semaphore, #tpu.memory_space<semaphore_mem>>
      %dma_wait3A_369 = tpu.memref_squeeze %dma_wait3A_368 : memref<1x!tpu.dma_semaphore, #tpu.memory_space<semaphore_mem>> -> memref<!tpu.dma_semaphore, #tpu.memory_space<semaphore_mem>>
      tpu.wait_indirect_dma semaphore(%dma_wait3A_369 : memref<!tpu.dma_semaphore, #tpu.memory_space<semaphore_mem>>) src(%dma_wait3A_367 : memref<10240x64xf32, #tpu.memory_space<hbm>>) dst(%dma_wait3A_357 : memref<128x64xf32, #tpu.memory_space<vmem>>)
      %run_scoped3A_370 = arith.constant 2 : i32
      "tpu.region"() ({
        %run_scoped3A_404 = tpu.sem_alloc : memref<!tpu.dma_semaphore, #tpu.memory_space<semaphore_mem>>
        %dma_start3A_405 = arith.constant 0 : i32
        %dma_start3A_406 = arith.constant 0 : i32
        %dma_start3A_407 = tpu.memref_slice %arg12[%run_scoped3A_370, %dma_start3A_405, %dma_start3A_406] : memref<4x128x64xf32, #tpu.memory_space<vmem>> -> memref<1x128x64xf32, #tpu.memory_space<vmem>>
        %dma_start3A_408 = tpu.memref_squeeze %dma_start3A_407 : memref<1x128x64xf32, #tpu.memory_space<vmem>> -> memref<128x64xf32, #tpu.memory_space<vmem>>
        %dma_start3A_409 = arith.constant 0 : i32
        %dma_start3A_410 = tpu.memref_slice %arg11[%add3A_351, %dma_start3A_409] : memref<80x128xi32, #tpu.memory_space<vmem>> -> memref<1x128xi32, #tpu.memory_space<vmem>>
        %dma_start3A_411 = tpu.memref_squeeze %dma_start3A_410 : memref<1x128xi32, #tpu.memory_space<vmem>> -> memref<128xi32, #tpu.memory_space<vmem>>
        %dma_start3A_412 = arith.constant 0 : i32
        %dma_start3A_413 = arith.constant 0 : i32
        %dma_start3A_414 = tpu.memref_slice %arg14[%dma_start3A_412, %dma_start3A_413] : memref<10240x64xf32, #tpu.memory_space<vmem_shared>> -> memref<10240x64xf32, #tpu.memory_space<vmem_shared>>
        tpu.enqueue_indirect_dma source(%dma_start3A_408 : memref<128x64xf32, #tpu.memory_space<vmem>>) target(%dma_start3A_414 : memref<10240x64xf32, #tpu.memory_space<vmem_shared>>) offsets(%dma_start3A_411 : memref<128xi32, #tpu.memory_space<vmem>>) semaphore(%run_scoped3A_404 : memref<!tpu.dma_semaphore, #tpu.memory_space<semaphore_mem>>) {add = true}
        %dma_wait3A_415 = arith.constant 0 : i32
        %dma_wait3A_416 = arith.constant 0 : i32
        %dma_wait3A_417 = tpu.memref_slice %arg12[%run_scoped3A_370, %dma_wait3A_415, %dma_wait3A_416] : memref<4x128x64xf32, #tpu.memory_space<vmem>> -> memref<1x128x64xf32, #tpu.memory_space<vmem>>
        %dma_wait3A_418 = tpu.memref_squeeze %dma_wait3A_417 : memref<1x128x64xf32, #tpu.memory_space<vmem>> -> memref<128x64xf32, #tpu.memory_space<vmem>>
        %dma_wait3A_419 = arith.constant 0 : i32
        %dma_wait3A_420 = tpu.memref_slice %arg11[%add3A_351, %dma_wait3A_419] : memref<80x128xi32, #tpu.memory_space<vmem>> -> memref<1x128xi32, #tpu.memory_space<vmem>>
        %dma_wait3A_421 = tpu.memref_squeeze %dma_wait3A_420 : memref<1x128xi32, #tpu.memory_space<vmem>> -> memref<128xi32, #tpu.memory_space<vmem>>
        %dma_wait3A_422 = arith.constant 0 : i32
        %dma_wait3A_423 = arith.constant 0 : i32
        %dma_wait3A_424 = tpu.memref_slice %arg14[%dma_wait3A_422, %dma_wait3A_423] : memref<10240x64xf32, #tpu.memory_space<vmem_shared>> -> memref<10240x64xf32, #tpu.memory_space<vmem_shared>>
        tpu.wait_indirect_dma semaphore(%run_scoped3A_404 : memref<!tpu.dma_semaphore, #tpu.memory_space<semaphore_mem>>) src(%dma_wait3A_418 : memref<128x64xf32, #tpu.memory_space<vmem>>) dst(%dma_wait3A_424 : memref<10240x64xf32, #tpu.memory_space<vmem_shared>>)
        tpu.yield
      }) : () -> ()
      %lt3A_371 = arith.constant 19 : i32
      %lt3A_372 = arith.cmpi slt, %scan3A_296, %lt3A_371 : i32
      %convert_element_type3A_373 = arith.extui %lt3A_372 : i1 to i32
      %cond3A_374 = arith.constant 0 : i32
      %cond3A_375 = arith.cmpi ne, %convert_element_type3A_373, %cond3A_374 : i32
      scf.if %cond3A_375 {
        %add3A_404 = arith.constant 4 : i32
        %add3A_405 = arith.addi %add3A_351, %add3A_404 : i32
        %dma_start3A_406 = arith.constant 2 : i32
        %dma_start3A_407 = arith.constant 2 : i32
        %dma_start3A_408 = arith.constant 0 : i32
        %dma_start3A_409 = arith.constant 0 : i32
        %dma_start3A_410 = tpu.memref_slice %arg12[%dma_start3A_406, %dma_start3A_408, %dma_start3A_409] : memref<4x128x64xf32, #tpu.memory_space<vmem>> -> memref<1x128x64xf32, #tpu.memory_space<vmem>>
        %dma_start3A_411 = tpu.memref_squeeze %dma_start3A_410 : memref<1x128x64xf32, #tpu.memory_space<vmem>> -> memref<128x64xf32, #tpu.memory_space<vmem>>
        %dma_start3A_412 = arith.constant 0 : i32
        %dma_start3A_413 = tpu.memref_slice %arg10[%add3A_405, %dma_start3A_412] : memref<80x128xi32, #tpu.memory_space<vmem>> -> memref<1x128xi32, #tpu.memory_space<vmem>>
        %dma_start3A_414 = tpu.memref_squeeze %dma_start3A_413 : memref<1x128xi32, #tpu.memory_space<vmem>> -> memref<128xi32, #tpu.memory_space<vmem>>
        %dma_start3A_415 = arith.constant 0 : i32
        %dma_start3A_416 = arith.constant 0 : i32
        %dma_start3A_417 = tpu.memref_slice %arg2[%arg0, %dma_start3A_415, %dma_start3A_416] : memref<2x10240x64xf32, #tpu.memory_space<hbm>> -> memref<1x10240x64xf32, #tpu.memory_space<hbm>>
        %dma_start3A_418 = tpu.memref_squeeze %dma_start3A_417 : memref<1x10240x64xf32, #tpu.memory_space<hbm>> -> memref<10240x64xf32, #tpu.memory_space<hbm>>
        %dma_start3A_419 = arith.constant 0 : i32
        %dma_start3A_420 = arith.constant 0 : i32
        %dma_start3A_421 = tpu.memref_slice %dma_start3A_418[%dma_start3A_419, %dma_start3A_420] : memref<10240x64xf32, #tpu.memory_space<hbm>> -> memref<10240x64xf32, #tpu.memory_space<hbm>>
        %dma_start3A_422 = tpu.memref_slice %arg16[%dma_start3A_407] : memref<4x!tpu.dma_semaphore, #tpu.memory_space<semaphore_mem>> -> memref<1x!tpu.dma_semaphore, #tpu.memory_space<semaphore_mem>>
        %dma_start3A_423 = tpu.memref_squeeze %dma_start3A_422 : memref<1x!tpu.dma_semaphore, #tpu.memory_space<semaphore_mem>> -> memref<!tpu.dma_semaphore, #tpu.memory_space<semaphore_mem>>
        tpu.enqueue_indirect_dma source(%dma_start3A_421 : memref<10240x64xf32, #tpu.memory_space<hbm>>) target(%dma_start3A_411 : memref<128x64xf32, #tpu.memory_space<vmem>>) offsets(%dma_start3A_414 : memref<128xi32, #tpu.memory_space<vmem>>) semaphore(%dma_start3A_423 : memref<!tpu.dma_semaphore, #tpu.memory_space<semaphore_mem>>)
      } else {
      }
      %mul3A_376 = arith.constant 4 : i32
      %mul3A_377 = arith.muli %scan3A_296, %mul3A_376 : i32
      %add3A_378 = arith.constant 3 : i32
      %add3A_379 = arith.addi %mul3A_377, %add3A_378 : i32
      %dma_wait3A_380 = arith.constant 3 : i32
      %dma_wait3A_381 = arith.constant 3 : i32
      %dma_wait3A_382 = arith.constant 0 : i32
      %dma_wait3A_383 = arith.constant 0 : i32
      %dma_wait3A_384 = tpu.memref_slice %arg12[%dma_wait3A_380, %dma_wait3A_382, %dma_wait3A_383] : memref<4x128x64xf32, #tpu.memory_space<vmem>> -> memref<1x128x64xf32, #tpu.memory_space<vmem>>
      %dma_wait3A_385 = tpu.memref_squeeze %dma_wait3A_384 : memref<1x128x64xf32, #tpu.memory_space<vmem>> -> memref<128x64xf32, #tpu.memory_space<vmem>>
      %dma_wait3A_386 = arith.constant 0 : i32
      %dma_wait3A_387 = tpu.memref_slice %arg10[%add3A_379, %dma_wait3A_386] : memref<80x128xi32, #tpu.memory_space<vmem>> -> memref<1x128xi32, #tpu.memory_space<vmem>>
      %dma_wait3A_388 = tpu.memref_squeeze %dma_wait3A_387 : memref<1x128xi32, #tpu.memory_space<vmem>> -> memref<128xi32, #tpu.memory_space<vmem>>
      %dma_wait3A_389 = arith.constant 0 : i32
      %dma_wait3A_390 = arith.constant 0 : i32
      %dma_wait3A_391 = tpu.memref_slice %arg2[%arg0, %dma_wait3A_389, %dma_wait3A_390] : memref<2x10240x64xf32, #tpu.memory_space<hbm>> -> memref<1x10240x64xf32, #tpu.memory_space<hbm>>
      %dma_wait3A_392 = tpu.memref_squeeze %dma_wait3A_391 : memref<1x10240x64xf32, #tpu.memory_space<hbm>> -> memref<10240x64xf32, #tpu.memory_space<hbm>>
      %dma_wait3A_393 = arith.constant 0 : i32
      %dma_wait3A_394 = arith.constant 0 : i32
      %dma_wait3A_395 = tpu.memref_slice %dma_wait3A_392[%dma_wait3A_393, %dma_wait3A_394] : memref<10240x64xf32, #tpu.memory_space<hbm>> -> memref<10240x64xf32, #tpu.memory_space<hbm>>
      %dma_wait3A_396 = tpu.memref_slice %arg16[%dma_wait3A_381] : memref<4x!tpu.dma_semaphore, #tpu.memory_space<semaphore_mem>> -> memref<1x!tpu.dma_semaphore, #tpu.memory_space<semaphore_mem>>
      %dma_wait3A_397 = tpu.memref_squeeze %dma_wait3A_396 : memref<1x!tpu.dma_semaphore, #tpu.memory_space<semaphore_mem>> -> memref<!tpu.dma_semaphore, #tpu.memory_space<semaphore_mem>>
      tpu.wait_indirect_dma semaphore(%dma_wait3A_397 : memref<!tpu.dma_semaphore, #tpu.memory_space<semaphore_mem>>) src(%dma_wait3A_395 : memref<10240x64xf32, #tpu.memory_space<hbm>>) dst(%dma_wait3A_385 : memref<128x64xf32, #tpu.memory_space<vmem>>)
      %run_scoped3A_398 = arith.constant 3 : i32
      "tpu.region"() ({
        %run_scoped3A_404 = tpu.sem_alloc : memref<!tpu.dma_semaphore, #tpu.memory_space<semaphore_mem>>
        %dma_start3A_405 = arith.constant 0 : i32
        %dma_start3A_406 = arith.constant 0 : i32
        %dma_start3A_407 = tpu.memref_slice %arg12[%run_scoped3A_398, %dma_start3A_405, %dma_start3A_406] : memref<4x128x64xf32, #tpu.memory_space<vmem>> -> memref<1x128x64xf32, #tpu.memory_space<vmem>>
        %dma_start3A_408 = tpu.memref_squeeze %dma_start3A_407 : memref<1x128x64xf32, #tpu.memory_space<vmem>> -> memref<128x64xf32, #tpu.memory_space<vmem>>
        %dma_start3A_409 = arith.constant 0 : i32
        %dma_start3A_410 = tpu.memref_slice %arg11[%add3A_379, %dma_start3A_409] : memref<80x128xi32, #tpu.memory_space<vmem>> -> memref<1x128xi32, #tpu.memory_space<vmem>>
        %dma_start3A_411 = tpu.memref_squeeze %dma_start3A_410 : memref<1x128xi32, #tpu.memory_space<vmem>> -> memref<128xi32, #tpu.memory_space<vmem>>
        %dma_start3A_412 = arith.constant 0 : i32
        %dma_start3A_413 = arith.constant 0 : i32
        %dma_start3A_414 = tpu.memref_slice %arg14[%dma_start3A_412, %dma_start3A_413] : memref<10240x64xf32, #tpu.memory_space<vmem_shared>> -> memref<10240x64xf32, #tpu.memory_space<vmem_shared>>
        tpu.enqueue_indirect_dma source(%dma_start3A_408 : memref<128x64xf32, #tpu.memory_space<vmem>>) target(%dma_start3A_414 : memref<10240x64xf32, #tpu.memory_space<vmem_shared>>) offsets(%dma_start3A_411 : memref<128xi32, #tpu.memory_space<vmem>>) semaphore(%run_scoped3A_404 : memref<!tpu.dma_semaphore, #tpu.memory_space<semaphore_mem>>) {add = true}
        %dma_wait3A_415 = arith.constant 0 : i32
        %dma_wait3A_416 = arith.constant 0 : i32
        %dma_wait3A_417 = tpu.memref_slice %arg12[%run_scoped3A_398, %dma_wait3A_415, %dma_wait3A_416] : memref<4x128x64xf32, #tpu.memory_space<vmem>> -> memref<1x128x64xf32, #tpu.memory_space<vmem>>
        %dma_wait3A_418 = tpu.memref_squeeze %dma_wait3A_417 : memref<1x128x64xf32, #tpu.memory_space<vmem>> -> memref<128x64xf32, #tpu.memory_space<vmem>>
        %dma_wait3A_419 = arith.constant 0 : i32
        %dma_wait3A_420 = tpu.memref_slice %arg11[%add3A_379, %dma_wait3A_419] : memref<80x128xi32, #tpu.memory_space<vmem>> -> memref<1x128xi32, #tpu.memory_space<vmem>>
        %dma_wait3A_421 = tpu.memref_squeeze %dma_wait3A_420 : memref<1x128xi32, #tpu.memory_space<vmem>> -> memref<128xi32, #tpu.memory_space<vmem>>
        %dma_wait3A_422 = arith.constant 0 : i32
        %dma_wait3A_423 = arith.constant 0 : i32
        %dma_wait3A_424 = tpu.memref_slice %arg14[%dma_wait3A_422, %dma_wait3A_423] : memref<10240x64xf32, #tpu.memory_space<vmem_shared>> -> memref<10240x64xf32, #tpu.memory_space<vmem_shared>>
        tpu.wait_indirect_dma semaphore(%run_scoped3A_404 : memref<!tpu.dma_semaphore, #tpu.memory_space<semaphore_mem>>) src(%dma_wait3A_418 : memref<128x64xf32, #tpu.memory_space<vmem>>) dst(%dma_wait3A_424 : memref<10240x64xf32, #tpu.memory_space<vmem_shared>>)
        tpu.yield
      }) : () -> ()
      %lt3A_399 = arith.constant 19 : i32
      %lt3A_400 = arith.cmpi slt, %scan3A_296, %lt3A_399 : i32
      %convert_element_type3A_401 = arith.extui %lt3A_400 : i1 to i32
      %cond3A_402 = arith.constant 0 : i32
      %cond3A_403 = arith.cmpi ne, %convert_element_type3A_401, %cond3A_402 : i32
      scf.if %cond3A_403 {
        %add3A_404 = arith.constant 4 : i32
        %add3A_405 = arith.addi %add3A_379, %add3A_404 : i32
        %dma_start3A_406 = arith.constant 3 : i32
        %dma_start3A_407 = arith.constant 3 : i32
        %dma_start3A_408 = arith.constant 0 : i32
        %dma_start3A_409 = arith.constant 0 : i32
        %dma_start3A_410 = tpu.memref_slice %arg12[%dma_start3A_406, %dma_start3A_408, %dma_start3A_409] : memref<4x128x64xf32, #tpu.memory_space<vmem>> -> memref<1x128x64xf32, #tpu.memory_space<vmem>>
        %dma_start3A_411 = tpu.memref_squeeze %dma_start3A_410 : memref<1x128x64xf32, #tpu.memory_space<vmem>> -> memref<128x64xf32, #tpu.memory_space<vmem>>
        %dma_start3A_412 = arith.constant 0 : i32
        %dma_start3A_413 = tpu.memref_slice %arg10[%add3A_405, %dma_start3A_412] : memref<80x128xi32, #tpu.memory_space<vmem>> -> memref<1x128xi32, #tpu.memory_space<vmem>>
        %dma_start3A_414 = tpu.memref_squeeze %dma_start3A_413 : memref<1x128xi32, #tpu.memory_space<vmem>> -> memref<128xi32, #tpu.memory_space<vmem>>
        %dma_start3A_415 = arith.constant 0 : i32
        %dma_start3A_416 = arith.constant 0 : i32
        %dma_start3A_417 = tpu.memref_slice %arg2[%arg0, %dma_start3A_415, %dma_start3A_416] : memref<2x10240x64xf32, #tpu.memory_space<hbm>> -> memref<1x10240x64xf32, #tpu.memory_space<hbm>>
        %dma_start3A_418 = tpu.memref_squeeze %dma_start3A_417 : memref<1x10240x64xf32, #tpu.memory_space<hbm>> -> memref<10240x64xf32, #tpu.memory_space<hbm>>
        %dma_start3A_419 = arith.constant 0 : i32
        %dma_start3A_420 = arith.constant 0 : i32
        %dma_start3A_421 = tpu.memref_slice %dma_start3A_418[%dma_start3A_419, %dma_start3A_420] : memref<10240x64xf32, #tpu.memory_space<hbm>> -> memref<10240x64xf32, #tpu.memory_space<hbm>>
        %dma_start3A_422 = tpu.memref_slice %arg16[%dma_start3A_407] : memref<4x!tpu.dma_semaphore, #tpu.memory_space<semaphore_mem>> -> memref<1x!tpu.dma_semaphore, #tpu.memory_space<semaphore_mem>>
        %dma_start3A_423 = tpu.memref_squeeze %dma_start3A_422 : memref<1x!tpu.dma_semaphore, #tpu.memory_space<semaphore_mem>> -> memref<!tpu.dma_semaphore, #tpu.memory_space<semaphore_mem>>
        tpu.enqueue_indirect_dma source(%dma_start3A_421 : memref<10240x64xf32, #tpu.memory_space<hbm>>) target(%dma_start3A_411 : memref<128x64xf32, #tpu.memory_space<vmem>>) offsets(%dma_start3A_414 : memref<128xi32, #tpu.memory_space<vmem>>) semaphore(%dma_start3A_423 : memref<!tpu.dma_semaphore, #tpu.memory_space<semaphore_mem>>)
      } else {
      }
    }
    %scan3A_204 = arith.constant 20 : i32
    "tpu.region"() ({
      %run_scoped3A = tpu.sem_alloc : memref<!tpu.dma_semaphore, #tpu.memory_space<semaphore_mem>>
      %dma_start3A_296 = arith.constant 0 : i32
      %dma_start3A_297 = arith.constant 0 : i32
      %dma_start3A_298 = tpu.memref_slice %arg10[%dma_start3A_296, %dma_start3A_297] : memref<80x128xi32, #tpu.memory_space<vmem>> -> memref<40x128xi32, #tpu.memory_space<vmem>>
      %dma_start3A_299 = arith.constant 0 : i32
      %dma_start3A_300 = arith.constant 0 : i32
      %dma_start3A_301 = tpu.memref_slice %arg6[%arg1, %dma_start3A_299, %dma_start3A_300] : memref<16x40x128xi32, #tpu.memory_space<hbm>> -> memref<1x40x128xi32, #tpu.memory_space<hbm>>
      %dma_start3A_302 = tpu.memref_squeeze %dma_start3A_301 : memref<1x40x128xi32, #tpu.memory_space<hbm>> -> memref<40x128xi32, #tpu.memory_space<hbm>>
      %dma_start3A_303 = arith.constant 0 : i32
      %dma_start3A_304 = arith.constant 0 : i32
      %dma_start3A_305 = tpu.memref_slice %arg10[%dma_start3A_303, %dma_start3A_304] : memref<80x128xi32, #tpu.memory_space<vmem>> -> memref<40x128xi32, #tpu.memory_space<vmem>>
      %dma_start3A_306 = arith.constant 0 : i32
      %dma_start3A_307 = arith.constant 0 : i32
      %dma_start3A_308 = tpu.memref_slice %arg6[%arg1, %dma_start3A_306, %dma_start3A_307] : memref<16x40x128xi32, #tpu.memory_space<hbm>> -> memref<1x40x128xi32, #tpu.memory_space<hbm>>
      %dma_start3A_309 = tpu.memref_squeeze %dma_start3A_308 : memref<1x40x128xi32, #tpu.memory_space<hbm>> -> memref<40x128xi32, #tpu.memory_space<hbm>>
      tpu.enqueue_dma source(%dma_start3A_309 : memref<40x128xi32, #tpu.memory_space<hbm>>) target(%dma_start3A_305 : memref<40x128xi32, #tpu.memory_space<vmem>>) target_semaphore(%run_scoped3A : memref<!tpu.dma_semaphore, #tpu.memory_space<semaphore_mem>>)
      %dma_wait3A = arith.constant 0 : i32
      %dma_wait3A_310 = arith.constant 0 : i32
      %dma_wait3A_311 = tpu.memref_slice %arg10[%dma_wait3A, %dma_wait3A_310] : memref<80x128xi32, #tpu.memory_space<vmem>> -> memref<40x128xi32, #tpu.memory_space<vmem>>
      %dma_wait3A_312 = arith.constant 0 : i32
      %dma_wait3A_313 = arith.constant 0 : i32
      %dma_wait3A_314 = tpu.memref_slice %arg6[%arg1, %dma_wait3A_312, %dma_wait3A_313] : memref<16x40x128xi32, #tpu.memory_space<hbm>> -> memref<1x40x128xi32, #tpu.memory_space<hbm>>
      %dma_wait3A_315 = tpu.memref_squeeze %dma_wait3A_314 : memref<1x40x128xi32, #tpu.memory_space<hbm>> -> memref<40x128xi32, #tpu.memory_space<hbm>>
      %dma_wait3A_316 = arith.constant 0 : i32
      %dma_wait3A_317 = arith.constant 0 : i32
      %dma_wait3A_318 = tpu.memref_slice %arg10[%dma_wait3A_316, %dma_wait3A_317] : memref<80x128xi32, #tpu.memory_space<vmem>> -> memref<40x128xi32, #tpu.memory_space<vmem>>
      %dma_wait3A_319 = arith.constant 0 : i32
      %dma_wait3A_320 = arith.constant 0 : i32
      %dma_wait3A_321 = tpu.memref_slice %arg6[%arg1, %dma_wait3A_319, %dma_wait3A_320] : memref<16x40x128xi32, #tpu.memory_space<hbm>> -> memref<1x40x128xi32, #tpu.memory_space<hbm>>
      %dma_wait3A_322 = tpu.memref_squeeze %dma_wait3A_321 : memref<1x40x128xi32, #tpu.memory_space<hbm>> -> memref<40x128xi32, #tpu.memory_space<hbm>>
      tpu.wait_dma2 semaphore(%run_scoped3A : memref<!tpu.dma_semaphore, #tpu.memory_space<semaphore_mem>>) src(%dma_wait3A_322 : memref<40x128xi32, #tpu.memory_space<hbm>>) dst(%dma_wait3A_318 : memref<40x128xi32, #tpu.memory_space<vmem>>)
      tpu.yield
    }) : () -> ()
    "tpu.region"() ({
      %run_scoped3A = tpu.sem_alloc : memref<!tpu.dma_semaphore, #tpu.memory_space<semaphore_mem>>
      %dma_start3A_296 = arith.constant 0 : i32
      %dma_start3A_297 = arith.constant 0 : i32
      %dma_start3A_298 = tpu.memref_slice %arg11[%dma_start3A_296, %dma_start3A_297] : memref<80x128xi32, #tpu.memory_space<vmem>> -> memref<40x128xi32, #tpu.memory_space<vmem>>
      %dma_start3A_299 = arith.constant 0 : i32
      %dma_start3A_300 = arith.constant 0 : i32
      %dma_start3A_301 = tpu.memref_slice %arg7[%arg1, %dma_start3A_299, %dma_start3A_300] : memref<16x40x128xi32, #tpu.memory_space<hbm>> -> memref<1x40x128xi32, #tpu.memory_space<hbm>>
      %dma_start3A_302 = tpu.memref_squeeze %dma_start3A_301 : memref<1x40x128xi32, #tpu.memory_space<hbm>> -> memref<40x128xi32, #tpu.memory_space<hbm>>
      %dma_start3A_303 = arith.constant 0 : i32
      %dma_start3A_304 = arith.constant 0 : i32
      %dma_start3A_305 = tpu.memref_slice %arg11[%dma_start3A_303, %dma_start3A_304] : memref<80x128xi32, #tpu.memory_space<vmem>> -> memref<40x128xi32, #tpu.memory_space<vmem>>
      %dma_start3A_306 = arith.constant 0 : i32
      %dma_start3A_307 = arith.constant 0 : i32
      %dma_start3A_308 = tpu.memref_slice %arg7[%arg1, %dma_start3A_306, %dma_start3A_307] : memref<16x40x128xi32, #tpu.memory_space<hbm>> -> memref<1x40x128xi32, #tpu.memory_space<hbm>>
      %dma_start3A_309 = tpu.memref_squeeze %dma_start3A_308 : memref<1x40x128xi32, #tpu.memory_space<hbm>> -> memref<40x128xi32, #tpu.memory_space<hbm>>
      tpu.enqueue_dma source(%dma_start3A_309 : memref<40x128xi32, #tpu.memory_space<hbm>>) target(%dma_start3A_305 : memref<40x128xi32, #tpu.memory_space<vmem>>) target_semaphore(%run_scoped3A : memref<!tpu.dma_semaphore, #tpu.memory_space<semaphore_mem>>)
      %dma_wait3A = arith.constant 0 : i32
      %dma_wait3A_310 = arith.constant 0 : i32
      %dma_wait3A_311 = tpu.memref_slice %arg11[%dma_wait3A, %dma_wait3A_310] : memref<80x128xi32, #tpu.memory_space<vmem>> -> memref<40x128xi32, #tpu.memory_space<vmem>>
      %dma_wait3A_312 = arith.constant 0 : i32
      %dma_wait3A_313 = arith.constant 0 : i32
      %dma_wait3A_314 = tpu.memref_slice %arg7[%arg1, %dma_wait3A_312, %dma_wait3A_313] : memref<16x40x128xi32, #tpu.memory_space<hbm>> -> memref<1x40x128xi32, #tpu.memory_space<hbm>>
      %dma_wait3A_315 = tpu.memref_squeeze %dma_wait3A_314 : memref<1x40x128xi32, #tpu.memory_space<hbm>> -> memref<40x128xi32, #tpu.memory_space<hbm>>
      %dma_wait3A_316 = arith.constant 0 : i32
      %dma_wait3A_317 = arith.constant 0 : i32
      %dma_wait3A_318 = tpu.memref_slice %arg11[%dma_wait3A_316, %dma_wait3A_317] : memref<80x128xi32, #tpu.memory_space<vmem>> -> memref<40x128xi32, #tpu.memory_space<vmem>>
      %dma_wait3A_319 = arith.constant 0 : i32
      %dma_wait3A_320 = arith.constant 0 : i32
      %dma_wait3A_321 = tpu.memref_slice %arg7[%arg1, %dma_wait3A_319, %dma_wait3A_320] : memref<16x40x128xi32, #tpu.memory_space<hbm>> -> memref<1x40x128xi32, #tpu.memory_space<hbm>>
      %dma_wait3A_322 = tpu.memref_squeeze %dma_wait3A_321 : memref<1x40x128xi32, #tpu.memory_space<hbm>> -> memref<40x128xi32, #tpu.memory_space<hbm>>
      tpu.wait_dma2 semaphore(%run_scoped3A : memref<!tpu.dma_semaphore, #tpu.memory_space<semaphore_mem>>) src(%dma_wait3A_322 : memref<40x128xi32, #tpu.memory_space<hbm>>) dst(%dma_wait3A_318 : memref<40x128xi32, #tpu.memory_space<vmem>>)
      tpu.yield
    }) : () -> ()
    %dma_start3A_205 = arith.constant 0 : i32
    %dma_start3A_206 = arith.constant 0 : i32
    %dma_start3A_207 = arith.constant 0 : i32
    %dma_start3A_208 = arith.constant 0 : i32
    %dma_start3A_209 = arith.constant 0 : i32
    %dma_start3A_210 = tpu.memref_slice %arg12[%dma_start3A_206, %dma_start3A_208, %dma_start3A_209] : memref<4x128x64xf32, #tpu.memory_space<vmem>> -> memref<1x128x64xf32, #tpu.memory_space<vmem>>
    %dma_start3A_211 = tpu.memref_squeeze %dma_start3A_210 : memref<1x128x64xf32, #tpu.memory_space<vmem>> -> memref<128x64xf32, #tpu.memory_space<vmem>>
    %dma_start3A_212 = arith.constant 0 : i32
    %dma_start3A_213 = tpu.memref_slice %arg10[%dma_start3A_205, %dma_start3A_212] : memref<80x128xi32, #tpu.memory_space<vmem>> -> memref<1x128xi32, #tpu.memory_space<vmem>>
    %dma_start3A_214 = tpu.memref_squeeze %dma_start3A_213 : memref<1x128xi32, #tpu.memory_space<vmem>> -> memref<128xi32, #tpu.memory_space<vmem>>
    %dma_start3A_215 = arith.constant 0 : i32
    %dma_start3A_216 = arith.constant 0 : i32
    %dma_start3A_217 = tpu.memref_slice %arg5[%arg0, %dma_start3A_215, %dma_start3A_216] : memref<2x5120x64xf32, #tpu.memory_space<hbm>> -> memref<1x5120x64xf32, #tpu.memory_space<hbm>>
    %dma_start3A_218 = tpu.memref_squeeze %dma_start3A_217 : memref<1x5120x64xf32, #tpu.memory_space<hbm>> -> memref<5120x64xf32, #tpu.memory_space<hbm>>
    %dma_start3A_219 = arith.constant 0 : i32
    %dma_start3A_220 = arith.constant 0 : i32
    %dma_start3A_221 = tpu.memref_slice %dma_start3A_218[%dma_start3A_219, %dma_start3A_220] : memref<5120x64xf32, #tpu.memory_space<hbm>> -> memref<5120x64xf32, #tpu.memory_space<hbm>>
    %dma_start3A_222 = tpu.memref_slice %arg16[%dma_start3A_207] : memref<4x!tpu.dma_semaphore, #tpu.memory_space<semaphore_mem>> -> memref<1x!tpu.dma_semaphore, #tpu.memory_space<semaphore_mem>>
    %dma_start3A_223 = tpu.memref_squeeze %dma_start3A_222 : memref<1x!tpu.dma_semaphore, #tpu.memory_space<semaphore_mem>> -> memref<!tpu.dma_semaphore, #tpu.memory_space<semaphore_mem>>
    tpu.enqueue_indirect_dma source(%dma_start3A_221 : memref<5120x64xf32, #tpu.memory_space<hbm>>) target(%dma_start3A_211 : memref<128x64xf32, #tpu.memory_space<vmem>>) offsets(%dma_start3A_214 : memref<128xi32, #tpu.memory_space<vmem>>) semaphore(%dma_start3A_223 : memref<!tpu.dma_semaphore, #tpu.memory_space<semaphore_mem>>)
    %dma_start3A_224 = arith.constant 1 : i32
    %dma_start3A_225 = arith.constant 1 : i32
    %dma_start3A_226 = arith.constant 1 : i32
    %dma_start3A_227 = arith.constant 0 : i32
    %dma_start3A_228 = arith.constant 0 : i32
    %dma_start3A_229 = tpu.memref_slice %arg12[%dma_start3A_225, %dma_start3A_227, %dma_start3A_228] : memref<4x128x64xf32, #tpu.memory_space<vmem>> -> memref<1x128x64xf32, #tpu.memory_space<vmem>>
    %dma_start3A_230 = tpu.memref_squeeze %dma_start3A_229 : memref<1x128x64xf32, #tpu.memory_space<vmem>> -> memref<128x64xf32, #tpu.memory_space<vmem>>
    %dma_start3A_231 = arith.constant 0 : i32
    %dma_start3A_232 = tpu.memref_slice %arg10[%dma_start3A_224, %dma_start3A_231] : memref<80x128xi32, #tpu.memory_space<vmem>> -> memref<1x128xi32, #tpu.memory_space<vmem>>
    %dma_start3A_233 = tpu.memref_squeeze %dma_start3A_232 : memref<1x128xi32, #tpu.memory_space<vmem>> -> memref<128xi32, #tpu.memory_space<vmem>>
    %dma_start3A_234 = arith.constant 0 : i32
    %dma_start3A_235 = arith.constant 0 : i32
    %dma_start3A_236 = tpu.memref_slice %arg5[%arg0, %dma_start3A_234, %dma_start3A_235] : memref<2x5120x64xf32, #tpu.memory_space<hbm>> -> memref<1x5120x64xf32, #tpu.memory_space<hbm>>
    %dma_start3A_237 = tpu.memref_squeeze %dma_start3A_236 : memref<1x5120x64xf32, #tpu.memory_space<hbm>> -> memref<5120x64xf32, #tpu.memory_space<hbm>>
    %dma_start3A_238 = arith.constant 0 : i32
    %dma_start3A_239 = arith.constant 0 : i32
    %dma_start3A_240 = tpu.memref_slice %dma_start3A_237[%dma_start3A_238, %dma_start3A_239] : memref<5120x64xf32, #tpu.memory_space<hbm>> -> memref<5120x64xf32, #tpu.memory_space<hbm>>
    %dma_start3A_241 = tpu.memref_slice %arg16[%dma_start3A_226] : memref<4x!tpu.dma_semaphore, #tpu.memory_space<semaphore_mem>> -> memref<1x!tpu.dma_semaphore, #tpu.memory_space<semaphore_mem>>
    %dma_start3A_242 = tpu.memref_squeeze %dma_start3A_241 : memref<1x!tpu.dma_semaphore, #tpu.memory_space<semaphore_mem>> -> memref<!tpu.dma_semaphore, #tpu.memory_space<semaphore_mem>>
    tpu.enqueue_indirect_dma source(%dma_start3A_240 : memref<5120x64xf32, #tpu.memory_space<hbm>>) target(%dma_start3A_230 : memref<128x64xf32, #tpu.memory_space<vmem>>) offsets(%dma_start3A_233 : memref<128xi32, #tpu.memory_space<vmem>>) semaphore(%dma_start3A_242 : memref<!tpu.dma_semaphore, #tpu.memory_space<semaphore_mem>>)
    %dma_start3A_243 = arith.constant 2 : i32
    %dma_start3A_244 = arith.constant 2 : i32
    %dma_start3A_245 = arith.constant 2 : i32
    %dma_start3A_246 = arith.constant 0 : i32
    %dma_start3A_247 = arith.constant 0 : i32
    %dma_start3A_248 = tpu.memref_slice %arg12[%dma_start3A_244, %dma_start3A_246, %dma_start3A_247] : memref<4x128x64xf32, #tpu.memory_space<vmem>> -> memref<1x128x64xf32, #tpu.memory_space<vmem>>
    %dma_start3A_249 = tpu.memref_squeeze %dma_start3A_248 : memref<1x128x64xf32, #tpu.memory_space<vmem>> -> memref<128x64xf32, #tpu.memory_space<vmem>>
    %dma_start3A_250 = arith.constant 0 : i32
    %dma_start3A_251 = tpu.memref_slice %arg10[%dma_start3A_243, %dma_start3A_250] : memref<80x128xi32, #tpu.memory_space<vmem>> -> memref<1x128xi32, #tpu.memory_space<vmem>>
    %dma_start3A_252 = tpu.memref_squeeze %dma_start3A_251 : memref<1x128xi32, #tpu.memory_space<vmem>> -> memref<128xi32, #tpu.memory_space<vmem>>
    %dma_start3A_253 = arith.constant 0 : i32
    %dma_start3A_254 = arith.constant 0 : i32
    %dma_start3A_255 = tpu.memref_slice %arg5[%arg0, %dma_start3A_253, %dma_start3A_254] : memref<2x5120x64xf32, #tpu.memory_space<hbm>> -> memref<1x5120x64xf32, #tpu.memory_space<hbm>>
    %dma_start3A_256 = tpu.memref_squeeze %dma_start3A_255 : memref<1x5120x64xf32, #tpu.memory_space<hbm>> -> memref<5120x64xf32, #tpu.memory_space<hbm>>
    %dma_start3A_257 = arith.constant 0 : i32
    %dma_start3A_258 = arith.constant 0 : i32
    %dma_start3A_259 = tpu.memref_slice %dma_start3A_256[%dma_start3A_257, %dma_start3A_258] : memref<5120x64xf32, #tpu.memory_space<hbm>> -> memref<5120x64xf32, #tpu.memory_space<hbm>>
    %dma_start3A_260 = tpu.memref_slice %arg16[%dma_start3A_245] : memref<4x!tpu.dma_semaphore, #tpu.memory_space<semaphore_mem>> -> memref<1x!tpu.dma_semaphore, #tpu.memory_space<semaphore_mem>>
    %dma_start3A_261 = tpu.memref_squeeze %dma_start3A_260 : memref<1x!tpu.dma_semaphore, #tpu.memory_space<semaphore_mem>> -> memref<!tpu.dma_semaphore, #tpu.memory_space<semaphore_mem>>
    tpu.enqueue_indirect_dma source(%dma_start3A_259 : memref<5120x64xf32, #tpu.memory_space<hbm>>) target(%dma_start3A_249 : memref<128x64xf32, #tpu.memory_space<vmem>>) offsets(%dma_start3A_252 : memref<128xi32, #tpu.memory_space<vmem>>) semaphore(%dma_start3A_261 : memref<!tpu.dma_semaphore, #tpu.memory_space<semaphore_mem>>)
    %dma_start3A_262 = arith.constant 3 : i32
    %dma_start3A_263 = arith.constant 3 : i32
    %dma_start3A_264 = arith.constant 3 : i32
    %dma_start3A_265 = arith.constant 0 : i32
    %dma_start3A_266 = arith.constant 0 : i32
    %dma_start3A_267 = tpu.memref_slice %arg12[%dma_start3A_263, %dma_start3A_265, %dma_start3A_266] : memref<4x128x64xf32, #tpu.memory_space<vmem>> -> memref<1x128x64xf32, #tpu.memory_space<vmem>>
    %dma_start3A_268 = tpu.memref_squeeze %dma_start3A_267 : memref<1x128x64xf32, #tpu.memory_space<vmem>> -> memref<128x64xf32, #tpu.memory_space<vmem>>
    %dma_start3A_269 = arith.constant 0 : i32
    %dma_start3A_270 = tpu.memref_slice %arg10[%dma_start3A_262, %dma_start3A_269] : memref<80x128xi32, #tpu.memory_space<vmem>> -> memref<1x128xi32, #tpu.memory_space<vmem>>
    %dma_start3A_271 = tpu.memref_squeeze %dma_start3A_270 : memref<1x128xi32, #tpu.memory_space<vmem>> -> memref<128xi32, #tpu.memory_space<vmem>>
    %dma_start3A_272 = arith.constant 0 : i32
    %dma_start3A_273 = arith.constant 0 : i32
    %dma_start3A_274 = tpu.memref_slice %arg5[%arg0, %dma_start3A_272, %dma_start3A_273] : memref<2x5120x64xf32, #tpu.memory_space<hbm>> -> memref<1x5120x64xf32, #tpu.memory_space<hbm>>
    %dma_start3A_275 = tpu.memref_squeeze %dma_start3A_274 : memref<1x5120x64xf32, #tpu.memory_space<hbm>> -> memref<5120x64xf32, #tpu.memory_space<hbm>>
    %dma_start3A_276 = arith.constant 0 : i32
    %dma_start3A_277 = arith.constant 0 : i32
    %dma_start3A_278 = tpu.memref_slice %dma_start3A_275[%dma_start3A_276, %dma_start3A_277] : memref<5120x64xf32, #tpu.memory_space<hbm>> -> memref<5120x64xf32, #tpu.memory_space<hbm>>
    %dma_start3A_279 = tpu.memref_slice %arg16[%dma_start3A_264] : memref<4x!tpu.dma_semaphore, #tpu.memory_space<semaphore_mem>> -> memref<1x!tpu.dma_semaphore, #tpu.memory_space<semaphore_mem>>
    %dma_start3A_280 = tpu.memref_squeeze %dma_start3A_279 : memref<1x!tpu.dma_semaphore, #tpu.memory_space<semaphore_mem>> -> memref<!tpu.dma_semaphore, #tpu.memory_space<semaphore_mem>>
    tpu.enqueue_indirect_dma source(%dma_start3A_278 : memref<5120x64xf32, #tpu.memory_space<hbm>>) target(%dma_start3A_268 : memref<128x64xf32, #tpu.memory_space<vmem>>) offsets(%dma_start3A_271 : memref<128xi32, #tpu.memory_space<vmem>>) semaphore(%dma_start3A_280 : memref<!tpu.dma_semaphore, #tpu.memory_space<semaphore_mem>>)
    %scan3A_281 = arith.constant 0 : i32
    %scan3A_282 = arith.constant 0 : i32
    %scan3A_283 = arith.constant 10 : i32
    %scan3A_284 = arith.addi %scan3A_282, %scan3A_283 : i32
    %scan3A_285 = arith.constant 1 : i32
    scf.for %scan3A_296 = %scan3A_282 to %scan3A_284 step %scan3A_285  : i32 {
      %mul3A_297 = arith.constant 4 : i32
      %mul3A_298 = arith.muli %scan3A_296, %mul3A_297 : i32
      %add3A_299 = arith.constant 0 : i32
      %add3A_300 = arith.addi %mul3A_298, %add3A_299 : i32
      %dma_wait3A = arith.constant 0 : i32
      %dma_wait3A_301 = arith.constant 0 : i32
      %dma_wait3A_302 = arith.constant 0 : i32
      %dma_wait3A_303 = arith.constant 0 : i32
      %dma_wait3A_304 = tpu.memref_slice %arg12[%dma_wait3A, %dma_wait3A_302, %dma_wait3A_303] : memref<4x128x64xf32, #tpu.memory_space<vmem>> -> memref<1x128x64xf32, #tpu.memory_space<vmem>>
      %dma_wait3A_305 = tpu.memref_squeeze %dma_wait3A_304 : memref<1x128x64xf32, #tpu.memory_space<vmem>> -> memref<128x64xf32, #tpu.memory_space<vmem>>
      %dma_wait3A_306 = arith.constant 0 : i32
      %dma_wait3A_307 = tpu.memref_slice %arg10[%add3A_300, %dma_wait3A_306] : memref<80x128xi32, #tpu.memory_space<vmem>> -> memref<1x128xi32, #tpu.memory_space<vmem>>
      %dma_wait3A_308 = tpu.memref_squeeze %dma_wait3A_307 : memref<1x128xi32, #tpu.memory_space<vmem>> -> memref<128xi32, #tpu.memory_space<vmem>>
      %dma_wait3A_309 = arith.constant 0 : i32
      %dma_wait3A_310 = arith.constant 0 : i32
      %dma_wait3A_311 = tpu.memref_slice %arg5[%arg0, %dma_wait3A_309, %dma_wait3A_310] : memref<2x5120x64xf32, #tpu.memory_space<hbm>> -> memref<1x5120x64xf32, #tpu.memory_space<hbm>>
      %dma_wait3A_312 = tpu.memref_squeeze %dma_wait3A_311 : memref<1x5120x64xf32, #tpu.memory_space<hbm>> -> memref<5120x64xf32, #tpu.memory_space<hbm>>
      %dma_wait3A_313 = arith.constant 0 : i32
      %dma_wait3A_314 = arith.constant 0 : i32
      %dma_wait3A_315 = tpu.memref_slice %dma_wait3A_312[%dma_wait3A_313, %dma_wait3A_314] : memref<5120x64xf32, #tpu.memory_space<hbm>> -> memref<5120x64xf32, #tpu.memory_space<hbm>>
      %dma_wait3A_316 = tpu.memref_slice %arg16[%dma_wait3A_301] : memref<4x!tpu.dma_semaphore, #tpu.memory_space<semaphore_mem>> -> memref<1x!tpu.dma_semaphore, #tpu.memory_space<semaphore_mem>>
      %dma_wait3A_317 = tpu.memref_squeeze %dma_wait3A_316 : memref<1x!tpu.dma_semaphore, #tpu.memory_space<semaphore_mem>> -> memref<!tpu.dma_semaphore, #tpu.memory_space<semaphore_mem>>
      tpu.wait_indirect_dma semaphore(%dma_wait3A_317 : memref<!tpu.dma_semaphore, #tpu.memory_space<semaphore_mem>>) src(%dma_wait3A_315 : memref<5120x64xf32, #tpu.memory_space<hbm>>) dst(%dma_wait3A_305 : memref<128x64xf32, #tpu.memory_space<vmem>>)
      %run_scoped3A = arith.constant 0 : i32
      "tpu.region"() ({
        %run_scoped3A_404 = tpu.sem_alloc : memref<!tpu.dma_semaphore, #tpu.memory_space<semaphore_mem>>
        %dma_start3A_405 = arith.constant 0 : i32
        %dma_start3A_406 = arith.constant 0 : i32
        %dma_start3A_407 = tpu.memref_slice %arg12[%run_scoped3A, %dma_start3A_405, %dma_start3A_406] : memref<4x128x64xf32, #tpu.memory_space<vmem>> -> memref<1x128x64xf32, #tpu.memory_space<vmem>>
        %dma_start3A_408 = tpu.memref_squeeze %dma_start3A_407 : memref<1x128x64xf32, #tpu.memory_space<vmem>> -> memref<128x64xf32, #tpu.memory_space<vmem>>
        %dma_start3A_409 = arith.constant 0 : i32
        %dma_start3A_410 = tpu.memref_slice %arg11[%add3A_300, %dma_start3A_409] : memref<80x128xi32, #tpu.memory_space<vmem>> -> memref<1x128xi32, #tpu.memory_space<vmem>>
        %dma_start3A_411 = tpu.memref_squeeze %dma_start3A_410 : memref<1x128xi32, #tpu.memory_space<vmem>> -> memref<128xi32, #tpu.memory_space<vmem>>
        %dma_start3A_412 = arith.constant 0 : i32
        %dma_start3A_413 = arith.constant 0 : i32
        %dma_start3A_414 = tpu.memref_slice %arg15[%dma_start3A_412, %dma_start3A_413] : memref<5120x64xf32, #tpu.memory_space<vmem_shared>> -> memref<5120x64xf32, #tpu.memory_space<vmem_shared>>
        tpu.enqueue_indirect_dma source(%dma_start3A_408 : memref<128x64xf32, #tpu.memory_space<vmem>>) target(%dma_start3A_414 : memref<5120x64xf32, #tpu.memory_space<vmem_shared>>) offsets(%dma_start3A_411 : memref<128xi32, #tpu.memory_space<vmem>>) semaphore(%run_scoped3A_404 : memref<!tpu.dma_semaphore, #tpu.memory_space<semaphore_mem>>) {add = true}
        %dma_wait3A_415 = arith.constant 0 : i32
        %dma_wait3A_416 = arith.constant 0 : i32
        %dma_wait3A_417 = tpu.memref_slice %arg12[%run_scoped3A, %dma_wait3A_415, %dma_wait3A_416] : memref<4x128x64xf32, #tpu.memory_space<vmem>> -> memref<1x128x64xf32, #tpu.memory_space<vmem>>
        %dma_wait3A_418 = tpu.memref_squeeze %dma_wait3A_417 : memref<1x128x64xf32, #tpu.memory_space<vmem>> -> memref<128x64xf32, #tpu.memory_space<vmem>>
        %dma_wait3A_419 = arith.constant 0 : i32
        %dma_wait3A_420 = tpu.memref_slice %arg11[%add3A_300, %dma_wait3A_419] : memref<80x128xi32, #tpu.memory_space<vmem>> -> memref<1x128xi32, #tpu.memory_space<vmem>>
        %dma_wait3A_421 = tpu.memref_squeeze %dma_wait3A_420 : memref<1x128xi32, #tpu.memory_space<vmem>> -> memref<128xi32, #tpu.memory_space<vmem>>
        %dma_wait3A_422 = arith.constant 0 : i32
        %dma_wait3A_423 = arith.constant 0 : i32
        %dma_wait3A_424 = tpu.memref_slice %arg15[%dma_wait3A_422, %dma_wait3A_423] : memref<5120x64xf32, #tpu.memory_space<vmem_shared>> -> memref<5120x64xf32, #tpu.memory_space<vmem_shared>>
        tpu.wait_indirect_dma semaphore(%run_scoped3A_404 : memref<!tpu.dma_semaphore, #tpu.memory_space<semaphore_mem>>) src(%dma_wait3A_418 : memref<128x64xf32, #tpu.memory_space<vmem>>) dst(%dma_wait3A_424 : memref<5120x64xf32, #tpu.memory_space<vmem_shared>>)
        tpu.yield
      }) : () -> ()
      %lt3A = arith.constant 9 : i32
      %lt3A_318 = arith.cmpi slt, %scan3A_296, %lt3A : i32
      %convert_element_type3A = arith.extui %lt3A_318 : i1 to i32
      %cond3A = arith.constant 0 : i32
      %cond3A_319 = arith.cmpi ne, %convert_element_type3A, %cond3A : i32
      scf.if %cond3A_319 {
        %add3A_404 = arith.constant 4 : i32
        %add3A_405 = arith.addi %add3A_300, %add3A_404 : i32
        %dma_start3A_406 = arith.constant 0 : i32
        %dma_start3A_407 = arith.constant 0 : i32
        %dma_start3A_408 = arith.constant 0 : i32
        %dma_start3A_409 = arith.constant 0 : i32
        %dma_start3A_410 = tpu.memref_slice %arg12[%dma_start3A_406, %dma_start3A_408, %dma_start3A_409] : memref<4x128x64xf32, #tpu.memory_space<vmem>> -> memref<1x128x64xf32, #tpu.memory_space<vmem>>
        %dma_start3A_411 = tpu.memref_squeeze %dma_start3A_410 : memref<1x128x64xf32, #tpu.memory_space<vmem>> -> memref<128x64xf32, #tpu.memory_space<vmem>>
        %dma_start3A_412 = arith.constant 0 : i32
        %dma_start3A_413 = tpu.memref_slice %arg10[%add3A_405, %dma_start3A_412] : memref<80x128xi32, #tpu.memory_space<vmem>> -> memref<1x128xi32, #tpu.memory_space<vmem>>
        %dma_start3A_414 = tpu.memref_squeeze %dma_start3A_413 : memref<1x128xi32, #tpu.memory_space<vmem>> -> memref<128xi32, #tpu.memory_space<vmem>>
        %dma_start3A_415 = arith.constant 0 : i32
        %dma_start3A_416 = arith.constant 0 : i32
        %dma_start3A_417 = tpu.memref_slice %arg5[%arg0, %dma_start3A_415, %dma_start3A_416] : memref<2x5120x64xf32, #tpu.memory_space<hbm>> -> memref<1x5120x64xf32, #tpu.memory_space<hbm>>
        %dma_start3A_418 = tpu.memref_squeeze %dma_start3A_417 : memref<1x5120x64xf32, #tpu.memory_space<hbm>> -> memref<5120x64xf32, #tpu.memory_space<hbm>>
        %dma_start3A_419 = arith.constant 0 : i32
        %dma_start3A_420 = arith.constant 0 : i32
        %dma_start3A_421 = tpu.memref_slice %dma_start3A_418[%dma_start3A_419, %dma_start3A_420] : memref<5120x64xf32, #tpu.memory_space<hbm>> -> memref<5120x64xf32, #tpu.memory_space<hbm>>
        %dma_start3A_422 = tpu.memref_slice %arg16[%dma_start3A_407] : memref<4x!tpu.dma_semaphore, #tpu.memory_space<semaphore_mem>> -> memref<1x!tpu.dma_semaphore, #tpu.memory_space<semaphore_mem>>
        %dma_start3A_423 = tpu.memref_squeeze %dma_start3A_422 : memref<1x!tpu.dma_semaphore, #tpu.memory_space<semaphore_mem>> -> memref<!tpu.dma_semaphore, #tpu.memory_space<semaphore_mem>>
        tpu.enqueue_indirect_dma source(%dma_start3A_421 : memref<5120x64xf32, #tpu.memory_space<hbm>>) target(%dma_start3A_411 : memref<128x64xf32, #tpu.memory_space<vmem>>) offsets(%dma_start3A_414 : memref<128xi32, #tpu.memory_space<vmem>>) semaphore(%dma_start3A_423 : memref<!tpu.dma_semaphore, #tpu.memory_space<semaphore_mem>>)
      } else {
      }
      %mul3A_320 = arith.constant 4 : i32
      %mul3A_321 = arith.muli %scan3A_296, %mul3A_320 : i32
      %add3A_322 = arith.constant 1 : i32
      %add3A_323 = arith.addi %mul3A_321, %add3A_322 : i32
      %dma_wait3A_324 = arith.constant 1 : i32
      %dma_wait3A_325 = arith.constant 1 : i32
      %dma_wait3A_326 = arith.constant 0 : i32
      %dma_wait3A_327 = arith.constant 0 : i32
      %dma_wait3A_328 = tpu.memref_slice %arg12[%dma_wait3A_324, %dma_wait3A_326, %dma_wait3A_327] : memref<4x128x64xf32, #tpu.memory_space<vmem>> -> memref<1x128x64xf32, #tpu.memory_space<vmem>>
      %dma_wait3A_329 = tpu.memref_squeeze %dma_wait3A_328 : memref<1x128x64xf32, #tpu.memory_space<vmem>> -> memref<128x64xf32, #tpu.memory_space<vmem>>
      %dma_wait3A_330 = arith.constant 0 : i32
      %dma_wait3A_331 = tpu.memref_slice %arg10[%add3A_323, %dma_wait3A_330] : memref<80x128xi32, #tpu.memory_space<vmem>> -> memref<1x128xi32, #tpu.memory_space<vmem>>
      %dma_wait3A_332 = tpu.memref_squeeze %dma_wait3A_331 : memref<1x128xi32, #tpu.memory_space<vmem>> -> memref<128xi32, #tpu.memory_space<vmem>>
      %dma_wait3A_333 = arith.constant 0 : i32
      %dma_wait3A_334 = arith.constant 0 : i32
      %dma_wait3A_335 = tpu.memref_slice %arg5[%arg0, %dma_wait3A_333, %dma_wait3A_334] : memref<2x5120x64xf32, #tpu.memory_space<hbm>> -> memref<1x5120x64xf32, #tpu.memory_space<hbm>>
      %dma_wait3A_336 = tpu.memref_squeeze %dma_wait3A_335 : memref<1x5120x64xf32, #tpu.memory_space<hbm>> -> memref<5120x64xf32, #tpu.memory_space<hbm>>
      %dma_wait3A_337 = arith.constant 0 : i32
      %dma_wait3A_338 = arith.constant 0 : i32
      %dma_wait3A_339 = tpu.memref_slice %dma_wait3A_336[%dma_wait3A_337, %dma_wait3A_338] : memref<5120x64xf32, #tpu.memory_space<hbm>> -> memref<5120x64xf32, #tpu.memory_space<hbm>>
      %dma_wait3A_340 = tpu.memref_slice %arg16[%dma_wait3A_325] : memref<4x!tpu.dma_semaphore, #tpu.memory_space<semaphore_mem>> -> memref<1x!tpu.dma_semaphore, #tpu.memory_space<semaphore_mem>>
      %dma_wait3A_341 = tpu.memref_squeeze %dma_wait3A_340 : memref<1x!tpu.dma_semaphore, #tpu.memory_space<semaphore_mem>> -> memref<!tpu.dma_semaphore, #tpu.memory_space<semaphore_mem>>
      tpu.wait_indirect_dma semaphore(%dma_wait3A_341 : memref<!tpu.dma_semaphore, #tpu.memory_space<semaphore_mem>>) src(%dma_wait3A_339 : memref<5120x64xf32, #tpu.memory_space<hbm>>) dst(%dma_wait3A_329 : memref<128x64xf32, #tpu.memory_space<vmem>>)
      %run_scoped3A_342 = arith.constant 1 : i32
      "tpu.region"() ({
        %run_scoped3A_404 = tpu.sem_alloc : memref<!tpu.dma_semaphore, #tpu.memory_space<semaphore_mem>>
        %dma_start3A_405 = arith.constant 0 : i32
        %dma_start3A_406 = arith.constant 0 : i32
        %dma_start3A_407 = tpu.memref_slice %arg12[%run_scoped3A_342, %dma_start3A_405, %dma_start3A_406] : memref<4x128x64xf32, #tpu.memory_space<vmem>> -> memref<1x128x64xf32, #tpu.memory_space<vmem>>
        %dma_start3A_408 = tpu.memref_squeeze %dma_start3A_407 : memref<1x128x64xf32, #tpu.memory_space<vmem>> -> memref<128x64xf32, #tpu.memory_space<vmem>>
        %dma_start3A_409 = arith.constant 0 : i32
        %dma_start3A_410 = tpu.memref_slice %arg11[%add3A_323, %dma_start3A_409] : memref<80x128xi32, #tpu.memory_space<vmem>> -> memref<1x128xi32, #tpu.memory_space<vmem>>
        %dma_start3A_411 = tpu.memref_squeeze %dma_start3A_410 : memref<1x128xi32, #tpu.memory_space<vmem>> -> memref<128xi32, #tpu.memory_space<vmem>>
        %dma_start3A_412 = arith.constant 0 : i32
        %dma_start3A_413 = arith.constant 0 : i32
        %dma_start3A_414 = tpu.memref_slice %arg15[%dma_start3A_412, %dma_start3A_413] : memref<5120x64xf32, #tpu.memory_space<vmem_shared>> -> memref<5120x64xf32, #tpu.memory_space<vmem_shared>>
        tpu.enqueue_indirect_dma source(%dma_start3A_408 : memref<128x64xf32, #tpu.memory_space<vmem>>) target(%dma_start3A_414 : memref<5120x64xf32, #tpu.memory_space<vmem_shared>>) offsets(%dma_start3A_411 : memref<128xi32, #tpu.memory_space<vmem>>) semaphore(%run_scoped3A_404 : memref<!tpu.dma_semaphore, #tpu.memory_space<semaphore_mem>>) {add = true}
        %dma_wait3A_415 = arith.constant 0 : i32
        %dma_wait3A_416 = arith.constant 0 : i32
        %dma_wait3A_417 = tpu.memref_slice %arg12[%run_scoped3A_342, %dma_wait3A_415, %dma_wait3A_416] : memref<4x128x64xf32, #tpu.memory_space<vmem>> -> memref<1x128x64xf32, #tpu.memory_space<vmem>>
        %dma_wait3A_418 = tpu.memref_squeeze %dma_wait3A_417 : memref<1x128x64xf32, #tpu.memory_space<vmem>> -> memref<128x64xf32, #tpu.memory_space<vmem>>
        %dma_wait3A_419 = arith.constant 0 : i32
        %dma_wait3A_420 = tpu.memref_slice %arg11[%add3A_323, %dma_wait3A_419] : memref<80x128xi32, #tpu.memory_space<vmem>> -> memref<1x128xi32, #tpu.memory_space<vmem>>
        %dma_wait3A_421 = tpu.memref_squeeze %dma_wait3A_420 : memref<1x128xi32, #tpu.memory_space<vmem>> -> memref<128xi32, #tpu.memory_space<vmem>>
        %dma_wait3A_422 = arith.constant 0 : i32
        %dma_wait3A_423 = arith.constant 0 : i32
        %dma_wait3A_424 = tpu.memref_slice %arg15[%dma_wait3A_422, %dma_wait3A_423] : memref<5120x64xf32, #tpu.memory_space<vmem_shared>> -> memref<5120x64xf32, #tpu.memory_space<vmem_shared>>
        tpu.wait_indirect_dma semaphore(%run_scoped3A_404 : memref<!tpu.dma_semaphore, #tpu.memory_space<semaphore_mem>>) src(%dma_wait3A_418 : memref<128x64xf32, #tpu.memory_space<vmem>>) dst(%dma_wait3A_424 : memref<5120x64xf32, #tpu.memory_space<vmem_shared>>)
        tpu.yield
      }) : () -> ()
      %lt3A_343 = arith.constant 9 : i32
      %lt3A_344 = arith.cmpi slt, %scan3A_296, %lt3A_343 : i32
      %convert_element_type3A_345 = arith.extui %lt3A_344 : i1 to i32
      %cond3A_346 = arith.constant 0 : i32
      %cond3A_347 = arith.cmpi ne, %convert_element_type3A_345, %cond3A_346 : i32
      scf.if %cond3A_347 {
        %add3A_404 = arith.constant 4 : i32
        %add3A_405 = arith.addi %add3A_323, %add3A_404 : i32
        %dma_start3A_406 = arith.constant 1 : i32
        %dma_start3A_407 = arith.constant 1 : i32
        %dma_start3A_408 = arith.constant 0 : i32
        %dma_start3A_409 = arith.constant 0 : i32
        %dma_start3A_410 = tpu.memref_slice %arg12[%dma_start3A_406, %dma_start3A_408, %dma_start3A_409] : memref<4x128x64xf32, #tpu.memory_space<vmem>> -> memref<1x128x64xf32, #tpu.memory_space<vmem>>
        %dma_start3A_411 = tpu.memref_squeeze %dma_start3A_410 : memref<1x128x64xf32, #tpu.memory_space<vmem>> -> memref<128x64xf32, #tpu.memory_space<vmem>>
        %dma_start3A_412 = arith.constant 0 : i32
        %dma_start3A_413 = tpu.memref_slice %arg10[%add3A_405, %dma_start3A_412] : memref<80x128xi32, #tpu.memory_space<vmem>> -> memref<1x128xi32, #tpu.memory_space<vmem>>
        %dma_start3A_414 = tpu.memref_squeeze %dma_start3A_413 : memref<1x128xi32, #tpu.memory_space<vmem>> -> memref<128xi32, #tpu.memory_space<vmem>>
        %dma_start3A_415 = arith.constant 0 : i32
        %dma_start3A_416 = arith.constant 0 : i32
        %dma_start3A_417 = tpu.memref_slice %arg5[%arg0, %dma_start3A_415, %dma_start3A_416] : memref<2x5120x64xf32, #tpu.memory_space<hbm>> -> memref<1x5120x64xf32, #tpu.memory_space<hbm>>
        %dma_start3A_418 = tpu.memref_squeeze %dma_start3A_417 : memref<1x5120x64xf32, #tpu.memory_space<hbm>> -> memref<5120x64xf32, #tpu.memory_space<hbm>>
        %dma_start3A_419 = arith.constant 0 : i32
        %dma_start3A_420 = arith.constant 0 : i32
        %dma_start3A_421 = tpu.memref_slice %dma_start3A_418[%dma_start3A_419, %dma_start3A_420] : memref<5120x64xf32, #tpu.memory_space<hbm>> -> memref<5120x64xf32, #tpu.memory_space<hbm>>
        %dma_start3A_422 = tpu.memref_slice %arg16[%dma_start3A_407] : memref<4x!tpu.dma_semaphore, #tpu.memory_space<semaphore_mem>> -> memref<1x!tpu.dma_semaphore, #tpu.memory_space<semaphore_mem>>
        %dma_start3A_423 = tpu.memref_squeeze %dma_start3A_422 : memref<1x!tpu.dma_semaphore, #tpu.memory_space<semaphore_mem>> -> memref<!tpu.dma_semaphore, #tpu.memory_space<semaphore_mem>>
        tpu.enqueue_indirect_dma source(%dma_start3A_421 : memref<5120x64xf32, #tpu.memory_space<hbm>>) target(%dma_start3A_411 : memref<128x64xf32, #tpu.memory_space<vmem>>) offsets(%dma_start3A_414 : memref<128xi32, #tpu.memory_space<vmem>>) semaphore(%dma_start3A_423 : memref<!tpu.dma_semaphore, #tpu.memory_space<semaphore_mem>>)
      } else {
      }
      %mul3A_348 = arith.constant 4 : i32
      %mul3A_349 = arith.muli %scan3A_296, %mul3A_348 : i32
      %add3A_350 = arith.constant 2 : i32
      %add3A_351 = arith.addi %mul3A_349, %add3A_350 : i32
      %dma_wait3A_352 = arith.constant 2 : i32
      %dma_wait3A_353 = arith.constant 2 : i32
      %dma_wait3A_354 = arith.constant 0 : i32
      %dma_wait3A_355 = arith.constant 0 : i32
      %dma_wait3A_356 = tpu.memref_slice %arg12[%dma_wait3A_352, %dma_wait3A_354, %dma_wait3A_355] : memref<4x128x64xf32, #tpu.memory_space<vmem>> -> memref<1x128x64xf32, #tpu.memory_space<vmem>>
      %dma_wait3A_357 = tpu.memref_squeeze %dma_wait3A_356 : memref<1x128x64xf32, #tpu.memory_space<vmem>> -> memref<128x64xf32, #tpu.memory_space<vmem>>
      %dma_wait3A_358 = arith.constant 0 : i32
      %dma_wait3A_359 = tpu.memref_slice %arg10[%add3A_351, %dma_wait3A_358] : memref<80x128xi32, #tpu.memory_space<vmem>> -> memref<1x128xi32, #tpu.memory_space<vmem>>
      %dma_wait3A_360 = tpu.memref_squeeze %dma_wait3A_359 : memref<1x128xi32, #tpu.memory_space<vmem>> -> memref<128xi32, #tpu.memory_space<vmem>>
      %dma_wait3A_361 = arith.constant 0 : i32
      %dma_wait3A_362 = arith.constant 0 : i32
      %dma_wait3A_363 = tpu.memref_slice %arg5[%arg0, %dma_wait3A_361, %dma_wait3A_362] : memref<2x5120x64xf32, #tpu.memory_space<hbm>> -> memref<1x5120x64xf32, #tpu.memory_space<hbm>>
      %dma_wait3A_364 = tpu.memref_squeeze %dma_wait3A_363 : memref<1x5120x64xf32, #tpu.memory_space<hbm>> -> memref<5120x64xf32, #tpu.memory_space<hbm>>
      %dma_wait3A_365 = arith.constant 0 : i32
      %dma_wait3A_366 = arith.constant 0 : i32
      %dma_wait3A_367 = tpu.memref_slice %dma_wait3A_364[%dma_wait3A_365, %dma_wait3A_366] : memref<5120x64xf32, #tpu.memory_space<hbm>> -> memref<5120x64xf32, #tpu.memory_space<hbm>>
      %dma_wait3A_368 = tpu.memref_slice %arg16[%dma_wait3A_353] : memref<4x!tpu.dma_semaphore, #tpu.memory_space<semaphore_mem>> -> memref<1x!tpu.dma_semaphore, #tpu.memory_space<semaphore_mem>>
      %dma_wait3A_369 = tpu.memref_squeeze %dma_wait3A_368 : memref<1x!tpu.dma_semaphore, #tpu.memory_space<semaphore_mem>> -> memref<!tpu.dma_semaphore, #tpu.memory_space<semaphore_mem>>
      tpu.wait_indirect_dma semaphore(%dma_wait3A_369 : memref<!tpu.dma_semaphore, #tpu.memory_space<semaphore_mem>>) src(%dma_wait3A_367 : memref<5120x64xf32, #tpu.memory_space<hbm>>) dst(%dma_wait3A_357 : memref<128x64xf32, #tpu.memory_space<vmem>>)
      %run_scoped3A_370 = arith.constant 2 : i32
      "tpu.region"() ({
        %run_scoped3A_404 = tpu.sem_alloc : memref<!tpu.dma_semaphore, #tpu.memory_space<semaphore_mem>>
        %dma_start3A_405 = arith.constant 0 : i32
        %dma_start3A_406 = arith.constant 0 : i32
        %dma_start3A_407 = tpu.memref_slice %arg12[%run_scoped3A_370, %dma_start3A_405, %dma_start3A_406] : memref<4x128x64xf32, #tpu.memory_space<vmem>> -> memref<1x128x64xf32, #tpu.memory_space<vmem>>
        %dma_start3A_408 = tpu.memref_squeeze %dma_start3A_407 : memref<1x128x64xf32, #tpu.memory_space<vmem>> -> memref<128x64xf32, #tpu.memory_space<vmem>>
        %dma_start3A_409 = arith.constant 0 : i32
        %dma_start3A_410 = tpu.memref_slice %arg11[%add3A_351, %dma_start3A_409] : memref<80x128xi32, #tpu.memory_space<vmem>> -> memref<1x128xi32, #tpu.memory_space<vmem>>
        %dma_start3A_411 = tpu.memref_squeeze %dma_start3A_410 : memref<1x128xi32, #tpu.memory_space<vmem>> -> memref<128xi32, #tpu.memory_space<vmem>>
        %dma_start3A_412 = arith.constant 0 : i32
        %dma_start3A_413 = arith.constant 0 : i32
        %dma_start3A_414 = tpu.memref_slice %arg15[%dma_start3A_412, %dma_start3A_413] : memref<5120x64xf32, #tpu.memory_space<vmem_shared>> -> memref<5120x64xf32, #tpu.memory_space<vmem_shared>>
        tpu.enqueue_indirect_dma source(%dma_start3A_408 : memref<128x64xf32, #tpu.memory_space<vmem>>) target(%dma_start3A_414 : memref<5120x64xf32, #tpu.memory_space<vmem_shared>>) offsets(%dma_start3A_411 : memref<128xi32, #tpu.memory_space<vmem>>) semaphore(%run_scoped3A_404 : memref<!tpu.dma_semaphore, #tpu.memory_space<semaphore_mem>>) {add = true}
        %dma_wait3A_415 = arith.constant 0 : i32
        %dma_wait3A_416 = arith.constant 0 : i32
        %dma_wait3A_417 = tpu.memref_slice %arg12[%run_scoped3A_370, %dma_wait3A_415, %dma_wait3A_416] : memref<4x128x64xf32, #tpu.memory_space<vmem>> -> memref<1x128x64xf32, #tpu.memory_space<vmem>>
        %dma_wait3A_418 = tpu.memref_squeeze %dma_wait3A_417 : memref<1x128x64xf32, #tpu.memory_space<vmem>> -> memref<128x64xf32, #tpu.memory_space<vmem>>
        %dma_wait3A_419 = arith.constant 0 : i32
        %dma_wait3A_420 = tpu.memref_slice %arg11[%add3A_351, %dma_wait3A_419] : memref<80x128xi32, #tpu.memory_space<vmem>> -> memref<1x128xi32, #tpu.memory_space<vmem>>
        %dma_wait3A_421 = tpu.memref_squeeze %dma_wait3A_420 : memref<1x128xi32, #tpu.memory_space<vmem>> -> memref<128xi32, #tpu.memory_space<vmem>>
        %dma_wait3A_422 = arith.constant 0 : i32
        %dma_wait3A_423 = arith.constant 0 : i32
        %dma_wait3A_424 = tpu.memref_slice %arg15[%dma_wait3A_422, %dma_wait3A_423] : memref<5120x64xf32, #tpu.memory_space<vmem_shared>> -> memref<5120x64xf32, #tpu.memory_space<vmem_shared>>
        tpu.wait_indirect_dma semaphore(%run_scoped3A_404 : memref<!tpu.dma_semaphore, #tpu.memory_space<semaphore_mem>>) src(%dma_wait3A_418 : memref<128x64xf32, #tpu.memory_space<vmem>>) dst(%dma_wait3A_424 : memref<5120x64xf32, #tpu.memory_space<vmem_shared>>)
        tpu.yield
      }) : () -> ()
      %lt3A_371 = arith.constant 9 : i32
      %lt3A_372 = arith.cmpi slt, %scan3A_296, %lt3A_371 : i32
      %convert_element_type3A_373 = arith.extui %lt3A_372 : i1 to i32
      %cond3A_374 = arith.constant 0 : i32
      %cond3A_375 = arith.cmpi ne, %convert_element_type3A_373, %cond3A_374 : i32
      scf.if %cond3A_375 {
        %add3A_404 = arith.constant 4 : i32
        %add3A_405 = arith.addi %add3A_351, %add3A_404 : i32
        %dma_start3A_406 = arith.constant 2 : i32
        %dma_start3A_407 = arith.constant 2 : i32
        %dma_start3A_408 = arith.constant 0 : i32
        %dma_start3A_409 = arith.constant 0 : i32
        %dma_start3A_410 = tpu.memref_slice %arg12[%dma_start3A_406, %dma_start3A_408, %dma_start3A_409] : memref<4x128x64xf32, #tpu.memory_space<vmem>> -> memref<1x128x64xf32, #tpu.memory_space<vmem>>
        %dma_start3A_411 = tpu.memref_squeeze %dma_start3A_410 : memref<1x128x64xf32, #tpu.memory_space<vmem>> -> memref<128x64xf32, #tpu.memory_space<vmem>>
        %dma_start3A_412 = arith.constant 0 : i32
        %dma_start3A_413 = tpu.memref_slice %arg10[%add3A_405, %dma_start3A_412] : memref<80x128xi32, #tpu.memory_space<vmem>> -> memref<1x128xi32, #tpu.memory_space<vmem>>
        %dma_start3A_414 = tpu.memref_squeeze %dma_start3A_413 : memref<1x128xi32, #tpu.memory_space<vmem>> -> memref<128xi32, #tpu.memory_space<vmem>>
        %dma_start3A_415 = arith.constant 0 : i32
        %dma_start3A_416 = arith.constant 0 : i32
        %dma_start3A_417 = tpu.memref_slice %arg5[%arg0, %dma_start3A_415, %dma_start3A_416] : memref<2x5120x64xf32, #tpu.memory_space<hbm>> -> memref<1x5120x64xf32, #tpu.memory_space<hbm>>
        %dma_start3A_418 = tpu.memref_squeeze %dma_start3A_417 : memref<1x5120x64xf32, #tpu.memory_space<hbm>> -> memref<5120x64xf32, #tpu.memory_space<hbm>>
        %dma_start3A_419 = arith.constant 0 : i32
        %dma_start3A_420 = arith.constant 0 : i32
        %dma_start3A_421 = tpu.memref_slice %dma_start3A_418[%dma_start3A_419, %dma_start3A_420] : memref<5120x64xf32, #tpu.memory_space<hbm>> -> memref<5120x64xf32, #tpu.memory_space<hbm>>
        %dma_start3A_422 = tpu.memref_slice %arg16[%dma_start3A_407] : memref<4x!tpu.dma_semaphore, #tpu.memory_space<semaphore_mem>> -> memref<1x!tpu.dma_semaphore, #tpu.memory_space<semaphore_mem>>
        %dma_start3A_423 = tpu.memref_squeeze %dma_start3A_422 : memref<1x!tpu.dma_semaphore, #tpu.memory_space<semaphore_mem>> -> memref<!tpu.dma_semaphore, #tpu.memory_space<semaphore_mem>>
        tpu.enqueue_indirect_dma source(%dma_start3A_421 : memref<5120x64xf32, #tpu.memory_space<hbm>>) target(%dma_start3A_411 : memref<128x64xf32, #tpu.memory_space<vmem>>) offsets(%dma_start3A_414 : memref<128xi32, #tpu.memory_space<vmem>>) semaphore(%dma_start3A_423 : memref<!tpu.dma_semaphore, #tpu.memory_space<semaphore_mem>>)
      } else {
      }
      %mul3A_376 = arith.constant 4 : i32
      %mul3A_377 = arith.muli %scan3A_296, %mul3A_376 : i32
      %add3A_378 = arith.constant 3 : i32
      %add3A_379 = arith.addi %mul3A_377, %add3A_378 : i32
      %dma_wait3A_380 = arith.constant 3 : i32
      %dma_wait3A_381 = arith.constant 3 : i32
      %dma_wait3A_382 = arith.constant 0 : i32
      %dma_wait3A_383 = arith.constant 0 : i32
      %dma_wait3A_384 = tpu.memref_slice %arg12[%dma_wait3A_380, %dma_wait3A_382, %dma_wait3A_383] : memref<4x128x64xf32, #tpu.memory_space<vmem>> -> memref<1x128x64xf32, #tpu.memory_space<vmem>>
      %dma_wait3A_385 = tpu.memref_squeeze %dma_wait3A_384 : memref<1x128x64xf32, #tpu.memory_space<vmem>> -> memref<128x64xf32, #tpu.memory_space<vmem>>
      %dma_wait3A_386 = arith.constant 0 : i32
      %dma_wait3A_387 = tpu.memref_slice %arg10[%add3A_379, %dma_wait3A_386] : memref<80x128xi32, #tpu.memory_space<vmem>> -> memref<1x128xi32, #tpu.memory_space<vmem>>
      %dma_wait3A_388 = tpu.memref_squeeze %dma_wait3A_387 : memref<1x128xi32, #tpu.memory_space<vmem>> -> memref<128xi32, #tpu.memory_space<vmem>>
      %dma_wait3A_389 = arith.constant 0 : i32
      %dma_wait3A_390 = arith.constant 0 : i32
      %dma_wait3A_391 = tpu.memref_slice %arg5[%arg0, %dma_wait3A_389, %dma_wait3A_390] : memref<2x5120x64xf32, #tpu.memory_space<hbm>> -> memref<1x5120x64xf32, #tpu.memory_space<hbm>>
      %dma_wait3A_392 = tpu.memref_squeeze %dma_wait3A_391 : memref<1x5120x64xf32, #tpu.memory_space<hbm>> -> memref<5120x64xf32, #tpu.memory_space<hbm>>
      %dma_wait3A_393 = arith.constant 0 : i32
      %dma_wait3A_394 = arith.constant 0 : i32
      %dma_wait3A_395 = tpu.memref_slice %dma_wait3A_392[%dma_wait3A_393, %dma_wait3A_394] : memref<5120x64xf32, #tpu.memory_space<hbm>> -> memref<5120x64xf32, #tpu.memory_space<hbm>>
      %dma_wait3A_396 = tpu.memref_slice %arg16[%dma_wait3A_381] : memref<4x!tpu.dma_semaphore, #tpu.memory_space<semaphore_mem>> -> memref<1x!tpu.dma_semaphore, #tpu.memory_space<semaphore_mem>>
      %dma_wait3A_397 = tpu.memref_squeeze %dma_wait3A_396 : memref<1x!tpu.dma_semaphore, #tpu.memory_space<semaphore_mem>> -> memref<!tpu.dma_semaphore, #tpu.memory_space<semaphore_mem>>
      tpu.wait_indirect_dma semaphore(%dma_wait3A_397 : memref<!tpu.dma_semaphore, #tpu.memory_space<semaphore_mem>>) src(%dma_wait3A_395 : memref<5120x64xf32, #tpu.memory_space<hbm>>) dst(%dma_wait3A_385 : memref<128x64xf32, #tpu.memory_space<vmem>>)
      %run_scoped3A_398 = arith.constant 3 : i32
      "tpu.region"() ({
        %run_scoped3A_404 = tpu.sem_alloc : memref<!tpu.dma_semaphore, #tpu.memory_space<semaphore_mem>>
        %dma_start3A_405 = arith.constant 0 : i32
        %dma_start3A_406 = arith.constant 0 : i32
        %dma_start3A_407 = tpu.memref_slice %arg12[%run_scoped3A_398, %dma_start3A_405, %dma_start3A_406] : memref<4x128x64xf32, #tpu.memory_space<vmem>> -> memref<1x128x64xf32, #tpu.memory_space<vmem>>
        %dma_start3A_408 = tpu.memref_squeeze %dma_start3A_407 : memref<1x128x64xf32, #tpu.memory_space<vmem>> -> memref<128x64xf32, #tpu.memory_space<vmem>>
        %dma_start3A_409 = arith.constant 0 : i32
        %dma_start3A_410 = tpu.memref_slice %arg11[%add3A_379, %dma_start3A_409] : memref<80x128xi32, #tpu.memory_space<vmem>> -> memref<1x128xi32, #tpu.memory_space<vmem>>
        %dma_start3A_411 = tpu.memref_squeeze %dma_start3A_410 : memref<1x128xi32, #tpu.memory_space<vmem>> -> memref<128xi32, #tpu.memory_space<vmem>>
        %dma_start3A_412 = arith.constant 0 : i32
        %dma_start3A_413 = arith.constant 0 : i32
        %dma_start3A_414 = tpu.memref_slice %arg15[%dma_start3A_412, %dma_start3A_413] : memref<5120x64xf32, #tpu.memory_space<vmem_shared>> -> memref<5120x64xf32, #tpu.memory_space<vmem_shared>>
        tpu.enqueue_indirect_dma source(%dma_start3A_408 : memref<128x64xf32, #tpu.memory_space<vmem>>) target(%dma_start3A_414 : memref<5120x64xf32, #tpu.memory_space<vmem_shared>>) offsets(%dma_start3A_411 : memref<128xi32, #tpu.memory_space<vmem>>) semaphore(%run_scoped3A_404 : memref<!tpu.dma_semaphore, #tpu.memory_space<semaphore_mem>>) {add = true}
        %dma_wait3A_415 = arith.constant 0 : i32
        %dma_wait3A_416 = arith.constant 0 : i32
        %dma_wait3A_417 = tpu.memref_slice %arg12[%run_scoped3A_398, %dma_wait3A_415, %dma_wait3A_416] : memref<4x128x64xf32, #tpu.memory_space<vmem>> -> memref<1x128x64xf32, #tpu.memory_space<vmem>>
        %dma_wait3A_418 = tpu.memref_squeeze %dma_wait3A_417 : memref<1x128x64xf32, #tpu.memory_space<vmem>> -> memref<128x64xf32, #tpu.memory_space<vmem>>
        %dma_wait3A_419 = arith.constant 0 : i32
        %dma_wait3A_420 = tpu.memref_slice %arg11[%add3A_379, %dma_wait3A_419] : memref<80x128xi32, #tpu.memory_space<vmem>> -> memref<1x128xi32, #tpu.memory_space<vmem>>
        %dma_wait3A_421 = tpu.memref_squeeze %dma_wait3A_420 : memref<1x128xi32, #tpu.memory_space<vmem>> -> memref<128xi32, #tpu.memory_space<vmem>>
        %dma_wait3A_422 = arith.constant 0 : i32
        %dma_wait3A_423 = arith.constant 0 : i32
        %dma_wait3A_424 = tpu.memref_slice %arg15[%dma_wait3A_422, %dma_wait3A_423] : memref<5120x64xf32, #tpu.memory_space<vmem_shared>> -> memref<5120x64xf32, #tpu.memory_space<vmem_shared>>
        tpu.wait_indirect_dma semaphore(%run_scoped3A_404 : memref<!tpu.dma_semaphore, #tpu.memory_space<semaphore_mem>>) src(%dma_wait3A_418 : memref<128x64xf32, #tpu.memory_space<vmem>>) dst(%dma_wait3A_424 : memref<5120x64xf32, #tpu.memory_space<vmem_shared>>)
        tpu.yield
      }) : () -> ()
      %lt3A_399 = arith.constant 9 : i32
      %lt3A_400 = arith.cmpi slt, %scan3A_296, %lt3A_399 : i32
      %convert_element_type3A_401 = arith.extui %lt3A_400 : i1 to i32
      %cond3A_402 = arith.constant 0 : i32
      %cond3A_403 = arith.cmpi ne, %convert_element_type3A_401, %cond3A_402 : i32
      scf.if %cond3A_403 {
        %add3A_404 = arith.constant 4 : i32
        %add3A_405 = arith.addi %add3A_379, %add3A_404 : i32
        %dma_start3A_406 = arith.constant 3 : i32
        %dma_start3A_407 = arith.constant 3 : i32
        %dma_start3A_408 = arith.constant 0 : i32
        %dma_start3A_409 = arith.constant 0 : i32
        %dma_start3A_410 = tpu.memref_slice %arg12[%dma_start3A_406, %dma_start3A_408, %dma_start3A_409] : memref<4x128x64xf32, #tpu.memory_space<vmem>> -> memref<1x128x64xf32, #tpu.memory_space<vmem>>
        %dma_start3A_411 = tpu.memref_squeeze %dma_start3A_410 : memref<1x128x64xf32, #tpu.memory_space<vmem>> -> memref<128x64xf32, #tpu.memory_space<vmem>>
        %dma_start3A_412 = arith.constant 0 : i32
        %dma_start3A_413 = tpu.memref_slice %arg10[%add3A_405, %dma_start3A_412] : memref<80x128xi32, #tpu.memory_space<vmem>> -> memref<1x128xi32, #tpu.memory_space<vmem>>
        %dma_start3A_414 = tpu.memref_squeeze %dma_start3A_413 : memref<1x128xi32, #tpu.memory_space<vmem>> -> memref<128xi32, #tpu.memory_space<vmem>>
        %dma_start3A_415 = arith.constant 0 : i32
        %dma_start3A_416 = arith.constant 0 : i32
        %dma_start3A_417 = tpu.memref_slice %arg5[%arg0, %dma_start3A_415, %dma_start3A_416] : memref<2x5120x64xf32, #tpu.memory_space<hbm>> -> memref<1x5120x64xf32, #tpu.memory_space<hbm>>
        %dma_start3A_418 = tpu.memref_squeeze %dma_start3A_417 : memref<1x5120x64xf32, #tpu.memory_space<hbm>> -> memref<5120x64xf32, #tpu.memory_space<hbm>>
        %dma_start3A_419 = arith.constant 0 : i32
        %dma_start3A_420 = arith.constant 0 : i32
        %dma_start3A_421 = tpu.memref_slice %dma_start3A_418[%dma_start3A_419, %dma_start3A_420] : memref<5120x64xf32, #tpu.memory_space<hbm>> -> memref<5120x64xf32, #tpu.memory_space<hbm>>
        %dma_start3A_422 = tpu.memref_slice %arg16[%dma_start3A_407] : memref<4x!tpu.dma_semaphore, #tpu.memory_space<semaphore_mem>> -> memref<1x!tpu.dma_semaphore, #tpu.memory_space<semaphore_mem>>
        %dma_start3A_423 = tpu.memref_squeeze %dma_start3A_422 : memref<1x!tpu.dma_semaphore, #tpu.memory_space<semaphore_mem>> -> memref<!tpu.dma_semaphore, #tpu.memory_space<semaphore_mem>>
        tpu.enqueue_indirect_dma source(%dma_start3A_421 : memref<5120x64xf32, #tpu.memory_space<hbm>>) target(%dma_start3A_411 : memref<128x64xf32, #tpu.memory_space<vmem>>) offsets(%dma_start3A_414 : memref<128xi32, #tpu.memory_space<vmem>>) semaphore(%dma_start3A_423 : memref<!tpu.dma_semaphore, #tpu.memory_space<semaphore_mem>>)
      } else {
      }
    }
    %scan3A_286 = arith.constant 10 : i32
    %barrier3A_287 = arith.constant 0 : index
    tpu.barrier barrier_id(%barrier3A_287)
    %mul3A_288 = arith.constant 640 : i32
    %mul3A_289 = arith.muli %arg1, %mul3A_288 : i32
    %mul3A_290 = arith.constant 640 : i32
    %mul3A_291 = arith.muli %arg1, %mul3A_290 : i32
    "tpu.region"() ({
      %run_scoped3A = tpu.sem_alloc : memref<!tpu.dma_semaphore, #tpu.memory_space<semaphore_mem>>
      %dma_start3A_296 = arith.constant 0 : i32
      %dma_start3A_297 = tpu.memref_slice %arg8[%arg0, %mul3A_291, %dma_start3A_296] : memref<2x10240x64xf32, #tpu.memory_space<hbm>> -> memref<1x640x64xf32, #tpu.memory_space<hbm>>
      %dma_start3A_298 = tpu.memref_squeeze %dma_start3A_297 : memref<1x640x64xf32, #tpu.memory_space<hbm>> -> memref<640x64xf32, #tpu.memory_space<hbm>>
      %dma_start3A_299 = arith.constant 0 : i32
      %dma_start3A_300 = tpu.memref_slice %arg14[%mul3A_289, %dma_start3A_299] : memref<10240x64xf32, #tpu.memory_space<vmem_shared>> -> memref<640x64xf32, #tpu.memory_space<vmem_shared>>
      tpu.enqueue_dma source(%dma_start3A_300 : memref<640x64xf32, #tpu.memory_space<vmem_shared>>) target(%dma_start3A_298 : memref<640x64xf32, #tpu.memory_space<hbm>>) target_semaphore(%run_scoped3A : memref<!tpu.dma_semaphore, #tpu.memory_space<semaphore_mem>>)
      %dma_wait3A = arith.constant 0 : i32
      %dma_wait3A_301 = tpu.memref_slice %arg8[%arg0, %mul3A_291, %dma_wait3A] : memref<2x10240x64xf32, #tpu.memory_space<hbm>> -> memref<1x640x64xf32, #tpu.memory_space<hbm>>
      %dma_wait3A_302 = tpu.memref_squeeze %dma_wait3A_301 : memref<1x640x64xf32, #tpu.memory_space<hbm>> -> memref<640x64xf32, #tpu.memory_space<hbm>>
      %dma_wait3A_303 = arith.constant 0 : i32
      %dma_wait3A_304 = tpu.memref_slice %arg14[%mul3A_289, %dma_wait3A_303] : memref<10240x64xf32, #tpu.memory_space<vmem_shared>> -> memref<640x64xf32, #tpu.memory_space<vmem_shared>>
      tpu.wait_dma2 semaphore(%run_scoped3A : memref<!tpu.dma_semaphore, #tpu.memory_space<semaphore_mem>>) src(%dma_wait3A_304 : memref<640x64xf32, #tpu.memory_space<vmem_shared>>) dst(%dma_wait3A_302 : memref<640x64xf32, #tpu.memory_space<hbm>>)
      tpu.yield
    }) : () -> ()
    %mul3A_292 = arith.constant 320 : i32
    %mul3A_293 = arith.muli %arg1, %mul3A_292 : i32
    %mul3A_294 = arith.constant 320 : i32
    %mul3A_295 = arith.muli %arg1, %mul3A_294 : i32
    "tpu.region"() ({
      %run_scoped3A = tpu.sem_alloc : memref<!tpu.dma_semaphore, #tpu.memory_space<semaphore_mem>>
      %dma_start3A_296 = arith.constant 0 : i32
      %dma_start3A_297 = tpu.memref_slice %arg9[%arg0, %mul3A_295, %dma_start3A_296] : memref<2x5120x64xf32, #tpu.memory_space<hbm>> -> memref<1x320x64xf32, #tpu.memory_space<hbm>>
      %dma_start3A_298 = tpu.memref_squeeze %dma_start3A_297 : memref<1x320x64xf32, #tpu.memory_space<hbm>> -> memref<320x64xf32, #tpu.memory_space<hbm>>
      %dma_start3A_299 = arith.constant 0 : i32
      %dma_start3A_300 = tpu.memref_slice %arg15[%mul3A_293, %dma_start3A_299] : memref<5120x64xf32, #tpu.memory_space<vmem_shared>> -> memref<320x64xf32, #tpu.memory_space<vmem_shared>>
      tpu.enqueue_dma source(%dma_start3A_300 : memref<320x64xf32, #tpu.memory_space<vmem_shared>>) target(%dma_start3A_298 : memref<320x64xf32, #tpu.memory_space<hbm>>) target_semaphore(%run_scoped3A : memref<!tpu.dma_semaphore, #tpu.memory_space<semaphore_mem>>)
      %dma_wait3A = arith.constant 0 : i32
      %dma_wait3A_301 = tpu.memref_slice %arg9[%arg0, %mul3A_295, %dma_wait3A] : memref<2x5120x64xf32, #tpu.memory_space<hbm>> -> memref<1x320x64xf32, #tpu.memory_space<hbm>>
      %dma_wait3A_302 = tpu.memref_squeeze %dma_wait3A_301 : memref<1x320x64xf32, #tpu.memory_space<hbm>> -> memref<320x64xf32, #tpu.memory_space<hbm>>
      %dma_wait3A_303 = arith.constant 0 : i32
      %dma_wait3A_304 = tpu.memref_slice %arg15[%mul3A_293, %dma_wait3A_303] : memref<5120x64xf32, #tpu.memory_space<vmem_shared>> -> memref<320x64xf32, #tpu.memory_space<vmem_shared>>
      tpu.wait_dma2 semaphore(%run_scoped3A : memref<!tpu.dma_semaphore, #tpu.memory_space<semaphore_mem>>) src(%dma_wait3A_304 : memref<320x64xf32, #tpu.memory_space<vmem_shared>>) dst(%dma_wait3A_302 : memref<320x64xf32, #tpu.memory_space<hbm>>)
      tpu.yield
    }) : () -> ()
    return
  }
}

#map = affine_map<(d0, d1) -> (0, 0, 0)>
module attributes {stable_mosaic.version = 14 : i64} {
  func.func @k(%arg0: i32, %arg1: i32, %arg2: memref<2x10240x64xf32, #tpu.memory_space<hbm>>, %arg3: memref<16x80x128xi32, #tpu.memory_space<hbm>>, %arg4: memref<16x80x128xi32, #tpu.memory_space<hbm>>, %arg5: memref<16x80x128xf32, #tpu.memory_space<hbm>>, %arg6: memref<2x10240x64xf32, #tpu.memory_space<hbm>>, %arg7: memref<2x16x10240xf32, #tpu.memory_space<hbm>>, %arg8: memref<80x128xi32, #tpu.memory_space<vmem>>, %arg9: memref<80x128xi32, #tpu.memory_space<vmem>>, %arg10: memref<80x128xf32, #tpu.memory_space<vmem>>, %arg11: memref<4x128x64xf32, #tpu.memory_space<vmem>>, %arg12: memref<32x64xf32, #tpu.memory_space<vmem>>, %arg13: memref<10240xf32, #tpu.memory_space<vmem>>, %arg14: memref<10240x64xf32, #tpu.memory_space<vmem_shared>>, %arg15: memref<4x!tpu.dma_semaphore, #tpu.memory_space<semaphore_mem>>) attributes {dimension_semantics = [#tpu.dimension_semantics<core_parallel>, #tpu.dimension_semantics<subcore_parallel>], iteration_bounds = array<i64: 2, 16>, scalar_prefetch = 0 : i64, scratch_operands = 8 : i64, tpu.core_type = #tpu.core_type<sc_vector_subcore>, window_params = [{transform_indices = #map}, {transform_indices = #map}, {transform_indices = #map}, {transform_indices = #map}, {transform_indices = #map}, {transform_indices = #map}]} {
    %broadcast_in_dim3A = arith.constant 0.000000e+00 : f32
    %broadcast_in_dim3A_0 = vector.broadcast %broadcast_in_dim3A : f32 to vector<16xf32>
    %scan3A = arith.constant 0 : i32
    %scan3A_1 = arith.constant 0 : i32
    %scan3A_2 = arith.constant 32 : i32
    %scan3A_3 = arith.addi %scan3A_1, %scan3A_2 : i32
    %scan3A_4 = arith.constant 1 : i32
    scf.for %scan3A_184 = %scan3A_1 to %scan3A_3 step %scan3A_4  : i32 {
      %swap3A = arith.index_cast %scan3A_184 : i32 to index
      %swap3A_185 = arith.constant 0 : index
      %swap3A_186 = tpu.vector_load %arg12[%swap3A, %swap3A_185] {strides = array<i32>} : memref<32x64xf32, #tpu.memory_space<vmem>>, vector<16xf32>,
      tpu.vector_store %arg12[%swap3A, %swap3A_185], %broadcast_in_dim3A_0 {strides = array<i32>} : memref<32x64xf32, #tpu.memory_space<vmem>>, vector<16xf32>,
      %swap3A_187 = arith.index_cast %scan3A_184 : i32 to index
      %swap3A_188 = arith.constant 16 : index
      %swap3A_189 = tpu.vector_load %arg12[%swap3A_187, %swap3A_188] {strides = array<i32>} : memref<32x64xf32, #tpu.memory_space<vmem>>, vector<16xf32>,
      tpu.vector_store %arg12[%swap3A_187, %swap3A_188], %broadcast_in_dim3A_0 {strides = array<i32>} : memref<32x64xf32, #tpu.memory_space<vmem>>, vector<16xf32>,
      %swap3A_190 = arith.index_cast %scan3A_184 : i32 to index
      %swap3A_191 = arith.constant 32 : index
      %swap3A_192 = tpu.vector_load %arg12[%swap3A_190, %swap3A_191] {strides = array<i32>} : memref<32x64xf32, #tpu.memory_space<vmem>>, vector<16xf32>,
      tpu.vector_store %arg12[%swap3A_190, %swap3A_191], %broadcast_in_dim3A_0 {strides = array<i32>} : memref<32x64xf32, #tpu.memory_space<vmem>>, vector<16xf32>,
      %swap3A_193 = arith.index_cast %scan3A_184 : i32 to index
      %swap3A_194 = arith.constant 48 : index
      %swap3A_195 = tpu.vector_load %arg12[%swap3A_193, %swap3A_194] {strides = array<i32>} : memref<32x64xf32, #tpu.memory_space<vmem>>, vector<16xf32>,
      tpu.vector_store %arg12[%swap3A_193, %swap3A_194], %broadcast_in_dim3A_0 {strides = array<i32>} : memref<32x64xf32, #tpu.memory_space<vmem>>, vector<16xf32>,
    }
    %scan3A_5 = arith.constant 32 : i32
    %mul3A = arith.constant 640 : i32
    %mul3A_6 = arith.muli %arg1, %mul3A : i32
    %add3A = arith.constant 0 : i32
    %add3A_7 = arith.addi %mul3A_6, %add3A : i32
    "tpu.region"() ({
      %run_scoped3A = tpu.sem_alloc : memref<!tpu.dma_semaphore, #tpu.memory_space<semaphore_mem>>
      %dma_start3A_184 = arith.constant 0 : i32
      %dma_start3A_185 = tpu.memref_slice %arg14[%add3A_7, %dma_start3A_184] : memref<10240x64xf32, #tpu.memory_space<vmem_shared>> -> memref<32x64xf32, #tpu.memory_space<vmem_shared>>
      %dma_start3A_186 = arith.constant 0 : i32
      %dma_start3A_187 = tpu.memref_slice %arg14[%add3A_7, %dma_start3A_186] : memref<10240x64xf32, #tpu.memory_space<vmem_shared>> -> memref<32x64xf32, #tpu.memory_space<vmem_shared>>
      tpu.enqueue_dma source(%arg12 : memref<32x64xf32, #tpu.memory_space<vmem>>) target(%dma_start3A_187 : memref<32x64xf32, #tpu.memory_space<vmem_shared>>) target_semaphore(%run_scoped3A : memref<!tpu.dma_semaphore, #tpu.memory_space<semaphore_mem>>)
      %dma_wait3A = arith.constant 0 : i32
      %dma_wait3A_188 = tpu.memref_slice %arg14[%add3A_7, %dma_wait3A] : memref<10240x64xf32, #tpu.memory_space<vmem_shared>> -> memref<32x64xf32, #tpu.memory_space<vmem_shared>>
      %dma_wait3A_189 = arith.constant 0 : i32
      %dma_wait3A_190 = tpu.memref_slice %arg14[%add3A_7, %dma_wait3A_189] : memref<10240x64xf32, #tpu.memory_space<vmem_shared>> -> memref<32x64xf32, #tpu.memory_space<vmem_shared>>
      tpu.wait_dma2 semaphore(%run_scoped3A : memref<!tpu.dma_semaphore, #tpu.memory_space<semaphore_mem>>) src(%arg12 : memref<32x64xf32, #tpu.memory_space<vmem>>) dst(%dma_wait3A_190 : memref<32x64xf32, #tpu.memory_space<vmem_shared>>)
      tpu.yield
    }) : () -> ()
    %mul3A_8 = arith.constant 640 : i32
    %mul3A_9 = arith.muli %arg1, %mul3A_8 : i32
    %add3A_10 = arith.constant 32 : i32
    %add3A_11 = arith.addi %mul3A_9, %add3A_10 : i32
    "tpu.region"() ({
      %run_scoped3A = tpu.sem_alloc : memref<!tpu.dma_semaphore, #tpu.memory_space<semaphore_mem>>
      %dma_start3A_184 = arith.constant 0 : i32
      %dma_start3A_185 = tpu.memref_slice %arg14[%add3A_11, %dma_start3A_184] : memref<10240x64xf32, #tpu.memory_space<vmem_shared>> -> memref<32x64xf32, #tpu.memory_space<vmem_shared>>
      %dma_start3A_186 = arith.constant 0 : i32
      %dma_start3A_187 = tpu.memref_slice %arg14[%add3A_11, %dma_start3A_186] : memref<10240x64xf32, #tpu.memory_space<vmem_shared>> -> memref<32x64xf32, #tpu.memory_space<vmem_shared>>
      tpu.enqueue_dma source(%arg12 : memref<32x64xf32, #tpu.memory_space<vmem>>) target(%dma_start3A_187 : memref<32x64xf32, #tpu.memory_space<vmem_shared>>) target_semaphore(%run_scoped3A : memref<!tpu.dma_semaphore, #tpu.memory_space<semaphore_mem>>)
      %dma_wait3A = arith.constant 0 : i32
      %dma_wait3A_188 = tpu.memref_slice %arg14[%add3A_11, %dma_wait3A] : memref<10240x64xf32, #tpu.memory_space<vmem_shared>> -> memref<32x64xf32, #tpu.memory_space<vmem_shared>>
      %dma_wait3A_189 = arith.constant 0 : i32
      %dma_wait3A_190 = tpu.memref_slice %arg14[%add3A_11, %dma_wait3A_189] : memref<10240x64xf32, #tpu.memory_space<vmem_shared>> -> memref<32x64xf32, #tpu.memory_space<vmem_shared>>
      tpu.wait_dma2 semaphore(%run_scoped3A : memref<!tpu.dma_semaphore, #tpu.memory_space<semaphore_mem>>) src(%arg12 : memref<32x64xf32, #tpu.memory_space<vmem>>) dst(%dma_wait3A_190 : memref<32x64xf32, #tpu.memory_space<vmem_shared>>)
      tpu.yield
    }) : () -> ()
    %mul3A_12 = arith.constant 640 : i32
    %mul3A_13 = arith.muli %arg1, %mul3A_12 : i32
    %add3A_14 = arith.constant 64 : i32
    %add3A_15 = arith.addi %mul3A_13, %add3A_14 : i32
    "tpu.region"() ({
      %run_scoped3A = tpu.sem_alloc : memref<!tpu.dma_semaphore, #tpu.memory_space<semaphore_mem>>
      %dma_start3A_184 = arith.constant 0 : i32
      %dma_start3A_185 = tpu.memref_slice %arg14[%add3A_15, %dma_start3A_184] : memref<10240x64xf32, #tpu.memory_space<vmem_shared>> -> memref<32x64xf32, #tpu.memory_space<vmem_shared>>
      %dma_start3A_186 = arith.constant 0 : i32
      %dma_start3A_187 = tpu.memref_slice %arg14[%add3A_15, %dma_start3A_186] : memref<10240x64xf32, #tpu.memory_space<vmem_shared>> -> memref<32x64xf32, #tpu.memory_space<vmem_shared>>
      tpu.enqueue_dma source(%arg12 : memref<32x64xf32, #tpu.memory_space<vmem>>) target(%dma_start3A_187 : memref<32x64xf32, #tpu.memory_space<vmem_shared>>) target_semaphore(%run_scoped3A : memref<!tpu.dma_semaphore, #tpu.memory_space<semaphore_mem>>)
      %dma_wait3A = arith.constant 0 : i32
      %dma_wait3A_188 = tpu.memref_slice %arg14[%add3A_15, %dma_wait3A] : memref<10240x64xf32, #tpu.memory_space<vmem_shared>> -> memref<32x64xf32, #tpu.memory_space<vmem_shared>>
      %dma_wait3A_189 = arith.constant 0 : i32
      %dma_wait3A_190 = tpu.memref_slice %arg14[%add3A_15, %dma_wait3A_189] : memref<10240x64xf32, #tpu.memory_space<vmem_shared>> -> memref<32x64xf32, #tpu.memory_space<vmem_shared>>
      tpu.wait_dma2 semaphore(%run_scoped3A : memref<!tpu.dma_semaphore, #tpu.memory_space<semaphore_mem>>) src(%arg12 : memref<32x64xf32, #tpu.memory_space<vmem>>) dst(%dma_wait3A_190 : memref<32x64xf32, #tpu.memory_space<vmem_shared>>)
      tpu.yield
    }) : () -> ()
    %mul3A_16 = arith.constant 640 : i32
    %mul3A_17 = arith.muli %arg1, %mul3A_16 : i32
    %add3A_18 = arith.constant 96 : i32
    %add3A_19 = arith.addi %mul3A_17, %add3A_18 : i32
    "tpu.region"() ({
      %run_scoped3A = tpu.sem_alloc : memref<!tpu.dma_semaphore, #tpu.memory_space<semaphore_mem>>
      %dma_start3A_184 = arith.constant 0 : i32
      %dma_start3A_185 = tpu.memref_slice %arg14[%add3A_19, %dma_start3A_184] : memref<10240x64xf32, #tpu.memory_space<vmem_shared>> -> memref<32x64xf32, #tpu.memory_space<vmem_shared>>
      %dma_start3A_186 = arith.constant 0 : i32
      %dma_start3A_187 = tpu.memref_slice %arg14[%add3A_19, %dma_start3A_186] : memref<10240x64xf32, #tpu.memory_space<vmem_shared>> -> memref<32x64xf32, #tpu.memory_space<vmem_shared>>
      tpu.enqueue_dma source(%arg12 : memref<32x64xf32, #tpu.memory_space<vmem>>) target(%dma_start3A_187 : memref<32x64xf32, #tpu.memory_space<vmem_shared>>) target_semaphore(%run_scoped3A : memref<!tpu.dma_semaphore, #tpu.memory_space<semaphore_mem>>)
      %dma_wait3A = arith.constant 0 : i32
      %dma_wait3A_188 = tpu.memref_slice %arg14[%add3A_19, %dma_wait3A] : memref<10240x64xf32, #tpu.memory_space<vmem_shared>> -> memref<32x64xf32, #tpu.memory_space<vmem_shared>>
      %dma_wait3A_189 = arith.constant 0 : i32
      %dma_wait3A_190 = tpu.memref_slice %arg14[%add3A_19, %dma_wait3A_189] : memref<10240x64xf32, #tpu.memory_space<vmem_shared>> -> memref<32x64xf32, #tpu.memory_space<vmem_shared>>
      tpu.wait_dma2 semaphore(%run_scoped3A : memref<!tpu.dma_semaphore, #tpu.memory_space<semaphore_mem>>) src(%arg12 : memref<32x64xf32, #tpu.memory_space<vmem>>) dst(%dma_wait3A_190 : memref<32x64xf32, #tpu.memory_space<vmem_shared>>)
      tpu.yield
    }) : () -> ()
    %mul3A_20 = arith.constant 640 : i32
    %mul3A_21 = arith.muli %arg1, %mul3A_20 : i32
    %add3A_22 = arith.constant 128 : i32
    %add3A_23 = arith.addi %mul3A_21, %add3A_22 : i32
    "tpu.region"() ({
      %run_scoped3A = tpu.sem_alloc : memref<!tpu.dma_semaphore, #tpu.memory_space<semaphore_mem>>
      %dma_start3A_184 = arith.constant 0 : i32
      %dma_start3A_185 = tpu.memref_slice %arg14[%add3A_23, %dma_start3A_184] : memref<10240x64xf32, #tpu.memory_space<vmem_shared>> -> memref<32x64xf32, #tpu.memory_space<vmem_shared>>
      %dma_start3A_186 = arith.constant 0 : i32
      %dma_start3A_187 = tpu.memref_slice %arg14[%add3A_23, %dma_start3A_186] : memref<10240x64xf32, #tpu.memory_space<vmem_shared>> -> memref<32x64xf32, #tpu.memory_space<vmem_shared>>
      tpu.enqueue_dma source(%arg12 : memref<32x64xf32, #tpu.memory_space<vmem>>) target(%dma_start3A_187 : memref<32x64xf32, #tpu.memory_space<vmem_shared>>) target_semaphore(%run_scoped3A : memref<!tpu.dma_semaphore, #tpu.memory_space<semaphore_mem>>)
      %dma_wait3A = arith.constant 0 : i32
      %dma_wait3A_188 = tpu.memref_slice %arg14[%add3A_23, %dma_wait3A] : memref<10240x64xf32, #tpu.memory_space<vmem_shared>> -> memref<32x64xf32, #tpu.memory_space<vmem_shared>>
      %dma_wait3A_189 = arith.constant 0 : i32
      %dma_wait3A_190 = tpu.memref_slice %arg14[%add3A_23, %dma_wait3A_189] : memref<10240x64xf32, #tpu.memory_space<vmem_shared>> -> memref<32x64xf32, #tpu.memory_space<vmem_shared>>
      tpu.wait_dma2 semaphore(%run_scoped3A : memref<!tpu.dma_semaphore, #tpu.memory_space<semaphore_mem>>) src(%arg12 : memref<32x64xf32, #tpu.memory_space<vmem>>) dst(%dma_wait3A_190 : memref<32x64xf32, #tpu.memory_space<vmem_shared>>)
      tpu.yield
    }) : () -> ()
    %mul3A_24 = arith.constant 640 : i32
    %mul3A_25 = arith.muli %arg1, %mul3A_24 : i32
    %add3A_26 = arith.constant 160 : i32
    %add3A_27 = arith.addi %mul3A_25, %add3A_26 : i32
    "tpu.region"() ({
      %run_scoped3A = tpu.sem_alloc : memref<!tpu.dma_semaphore, #tpu.memory_space<semaphore_mem>>
      %dma_start3A_184 = arith.constant 0 : i32
      %dma_start3A_185 = tpu.memref_slice %arg14[%add3A_27, %dma_start3A_184] : memref<10240x64xf32, #tpu.memory_space<vmem_shared>> -> memref<32x64xf32, #tpu.memory_space<vmem_shared>>
      %dma_start3A_186 = arith.constant 0 : i32
      %dma_start3A_187 = tpu.memref_slice %arg14[%add3A_27, %dma_start3A_186] : memref<10240x64xf32, #tpu.memory_space<vmem_shared>> -> memref<32x64xf32, #tpu.memory_space<vmem_shared>>
      tpu.enqueue_dma source(%arg12 : memref<32x64xf32, #tpu.memory_space<vmem>>) target(%dma_start3A_187 : memref<32x64xf32, #tpu.memory_space<vmem_shared>>) target_semaphore(%run_scoped3A : memref<!tpu.dma_semaphore, #tpu.memory_space<semaphore_mem>>)
      %dma_wait3A = arith.constant 0 : i32
      %dma_wait3A_188 = tpu.memref_slice %arg14[%add3A_27, %dma_wait3A] : memref<10240x64xf32, #tpu.memory_space<vmem_shared>> -> memref<32x64xf32, #tpu.memory_space<vmem_shared>>
      %dma_wait3A_189 = arith.constant 0 : i32
      %dma_wait3A_190 = tpu.memref_slice %arg14[%add3A_27, %dma_wait3A_189] : memref<10240x64xf32, #tpu.memory_space<vmem_shared>> -> memref<32x64xf32, #tpu.memory_space<vmem_shared>>
      tpu.wait_dma2 semaphore(%run_scoped3A : memref<!tpu.dma_semaphore, #tpu.memory_space<semaphore_mem>>) src(%arg12 : memref<32x64xf32, #tpu.memory_space<vmem>>) dst(%dma_wait3A_190 : memref<32x64xf32, #tpu.memory_space<vmem_shared>>)
      tpu.yield
    }) : () -> ()
    %mul3A_28 = arith.constant 640 : i32
    %mul3A_29 = arith.muli %arg1, %mul3A_28 : i32
    %add3A_30 = arith.constant 192 : i32
    %add3A_31 = arith.addi %mul3A_29, %add3A_30 : i32
    "tpu.region"() ({
      %run_scoped3A = tpu.sem_alloc : memref<!tpu.dma_semaphore, #tpu.memory_space<semaphore_mem>>
      %dma_start3A_184 = arith.constant 0 : i32
      %dma_start3A_185 = tpu.memref_slice %arg14[%add3A_31, %dma_start3A_184] : memref<10240x64xf32, #tpu.memory_space<vmem_shared>> -> memref<32x64xf32, #tpu.memory_space<vmem_shared>>
      %dma_start3A_186 = arith.constant 0 : i32
      %dma_start3A_187 = tpu.memref_slice %arg14[%add3A_31, %dma_start3A_186] : memref<10240x64xf32, #tpu.memory_space<vmem_shared>> -> memref<32x64xf32, #tpu.memory_space<vmem_shared>>
      tpu.enqueue_dma source(%arg12 : memref<32x64xf32, #tpu.memory_space<vmem>>) target(%dma_start3A_187 : memref<32x64xf32, #tpu.memory_space<vmem_shared>>) target_semaphore(%run_scoped3A : memref<!tpu.dma_semaphore, #tpu.memory_space<semaphore_mem>>)
      %dma_wait3A = arith.constant 0 : i32
      %dma_wait3A_188 = tpu.memref_slice %arg14[%add3A_31, %dma_wait3A] : memref<10240x64xf32, #tpu.memory_space<vmem_shared>> -> memref<32x64xf32, #tpu.memory_space<vmem_shared>>
      %dma_wait3A_189 = arith.constant 0 : i32
      %dma_wait3A_190 = tpu.memref_slice %arg14[%add3A_31, %dma_wait3A_189] : memref<10240x64xf32, #tpu.memory_space<vmem_shared>> -> memref<32x64xf32, #tpu.memory_space<vmem_shared>>
      tpu.wait_dma2 semaphore(%run_scoped3A : memref<!tpu.dma_semaphore, #tpu.memory_space<semaphore_mem>>) src(%arg12 : memref<32x64xf32, #tpu.memory_space<vmem>>) dst(%dma_wait3A_190 : memref<32x64xf32, #tpu.memory_space<vmem_shared>>)
      tpu.yield
    }) : () -> ()
    %mul3A_32 = arith.constant 640 : i32
    %mul3A_33 = arith.muli %arg1, %mul3A_32 : i32
    %add3A_34 = arith.constant 224 : i32
    %add3A_35 = arith.addi %mul3A_33, %add3A_34 : i32
    "tpu.region"() ({
      %run_scoped3A = tpu.sem_alloc : memref<!tpu.dma_semaphore, #tpu.memory_space<semaphore_mem>>
      %dma_start3A_184 = arith.constant 0 : i32
      %dma_start3A_185 = tpu.memref_slice %arg14[%add3A_35, %dma_start3A_184] : memref<10240x64xf32, #tpu.memory_space<vmem_shared>> -> memref<32x64xf32, #tpu.memory_space<vmem_shared>>
      %dma_start3A_186 = arith.constant 0 : i32
      %dma_start3A_187 = tpu.memref_slice %arg14[%add3A_35, %dma_start3A_186] : memref<10240x64xf32, #tpu.memory_space<vmem_shared>> -> memref<32x64xf32, #tpu.memory_space<vmem_shared>>
      tpu.enqueue_dma source(%arg12 : memref<32x64xf32, #tpu.memory_space<vmem>>) target(%dma_start3A_187 : memref<32x64xf32, #tpu.memory_space<vmem_shared>>) target_semaphore(%run_scoped3A : memref<!tpu.dma_semaphore, #tpu.memory_space<semaphore_mem>>)
      %dma_wait3A = arith.constant 0 : i32
      %dma_wait3A_188 = tpu.memref_slice %arg14[%add3A_35, %dma_wait3A] : memref<10240x64xf32, #tpu.memory_space<vmem_shared>> -> memref<32x64xf32, #tpu.memory_space<vmem_shared>>
      %dma_wait3A_189 = arith.constant 0 : i32
      %dma_wait3A_190 = tpu.memref_slice %arg14[%add3A_35, %dma_wait3A_189] : memref<10240x64xf32, #tpu.memory_space<vmem_shared>> -> memref<32x64xf32, #tpu.memory_space<vmem_shared>>
      tpu.wait_dma2 semaphore(%run_scoped3A : memref<!tpu.dma_semaphore, #tpu.memory_space<semaphore_mem>>) src(%arg12 : memref<32x64xf32, #tpu.memory_space<vmem>>) dst(%dma_wait3A_190 : memref<32x64xf32, #tpu.memory_space<vmem_shared>>)
      tpu.yield
    }) : () -> ()
    %mul3A_36 = arith.constant 640 : i32
    %mul3A_37 = arith.muli %arg1, %mul3A_36 : i32
    %add3A_38 = arith.constant 256 : i32
    %add3A_39 = arith.addi %mul3A_37, %add3A_38 : i32
    "tpu.region"() ({
      %run_scoped3A = tpu.sem_alloc : memref<!tpu.dma_semaphore, #tpu.memory_space<semaphore_mem>>
      %dma_start3A_184 = arith.constant 0 : i32
      %dma_start3A_185 = tpu.memref_slice %arg14[%add3A_39, %dma_start3A_184] : memref<10240x64xf32, #tpu.memory_space<vmem_shared>> -> memref<32x64xf32, #tpu.memory_space<vmem_shared>>
      %dma_start3A_186 = arith.constant 0 : i32
      %dma_start3A_187 = tpu.memref_slice %arg14[%add3A_39, %dma_start3A_186] : memref<10240x64xf32, #tpu.memory_space<vmem_shared>> -> memref<32x64xf32, #tpu.memory_space<vmem_shared>>
      tpu.enqueue_dma source(%arg12 : memref<32x64xf32, #tpu.memory_space<vmem>>) target(%dma_start3A_187 : memref<32x64xf32, #tpu.memory_space<vmem_shared>>) target_semaphore(%run_scoped3A : memref<!tpu.dma_semaphore, #tpu.memory_space<semaphore_mem>>)
      %dma_wait3A = arith.constant 0 : i32
      %dma_wait3A_188 = tpu.memref_slice %arg14[%add3A_39, %dma_wait3A] : memref<10240x64xf32, #tpu.memory_space<vmem_shared>> -> memref<32x64xf32, #tpu.memory_space<vmem_shared>>
      %dma_wait3A_189 = arith.constant 0 : i32
      %dma_wait3A_190 = tpu.memref_slice %arg14[%add3A_39, %dma_wait3A_189] : memref<10240x64xf32, #tpu.memory_space<vmem_shared>> -> memref<32x64xf32, #tpu.memory_space<vmem_shared>>
      tpu.wait_dma2 semaphore(%run_scoped3A : memref<!tpu.dma_semaphore, #tpu.memory_space<semaphore_mem>>) src(%arg12 : memref<32x64xf32, #tpu.memory_space<vmem>>) dst(%dma_wait3A_190 : memref<32x64xf32, #tpu.memory_space<vmem_shared>>)
      tpu.yield
    }) : () -> ()
    %mul3A_40 = arith.constant 640 : i32
    %mul3A_41 = arith.muli %arg1, %mul3A_40 : i32
    %add3A_42 = arith.constant 288 : i32
    %add3A_43 = arith.addi %mul3A_41, %add3A_42 : i32
    "tpu.region"() ({
      %run_scoped3A = tpu.sem_alloc : memref<!tpu.dma_semaphore, #tpu.memory_space<semaphore_mem>>
      %dma_start3A_184 = arith.constant 0 : i32
      %dma_start3A_185 = tpu.memref_slice %arg14[%add3A_43, %dma_start3A_184] : memref<10240x64xf32, #tpu.memory_space<vmem_shared>> -> memref<32x64xf32, #tpu.memory_space<vmem_shared>>
      %dma_start3A_186 = arith.constant 0 : i32
      %dma_start3A_187 = tpu.memref_slice %arg14[%add3A_43, %dma_start3A_186] : memref<10240x64xf32, #tpu.memory_space<vmem_shared>> -> memref<32x64xf32, #tpu.memory_space<vmem_shared>>
      tpu.enqueue_dma source(%arg12 : memref<32x64xf32, #tpu.memory_space<vmem>>) target(%dma_start3A_187 : memref<32x64xf32, #tpu.memory_space<vmem_shared>>) target_semaphore(%run_scoped3A : memref<!tpu.dma_semaphore, #tpu.memory_space<semaphore_mem>>)
      %dma_wait3A = arith.constant 0 : i32
      %dma_wait3A_188 = tpu.memref_slice %arg14[%add3A_43, %dma_wait3A] : memref<10240x64xf32, #tpu.memory_space<vmem_shared>> -> memref<32x64xf32, #tpu.memory_space<vmem_shared>>
      %dma_wait3A_189 = arith.constant 0 : i32
      %dma_wait3A_190 = tpu.memref_slice %arg14[%add3A_43, %dma_wait3A_189] : memref<10240x64xf32, #tpu.memory_space<vmem_shared>> -> memref<32x64xf32, #tpu.memory_space<vmem_shared>>
      tpu.wait_dma2 semaphore(%run_scoped3A : memref<!tpu.dma_semaphore, #tpu.memory_space<semaphore_mem>>) src(%arg12 : memref<32x64xf32, #tpu.memory_space<vmem>>) dst(%dma_wait3A_190 : memref<32x64xf32, #tpu.memory_space<vmem_shared>>)
      tpu.yield
    }) : () -> ()
    %mul3A_44 = arith.constant 640 : i32
    %mul3A_45 = arith.muli %arg1, %mul3A_44 : i32
    %add3A_46 = arith.constant 320 : i32
    %add3A_47 = arith.addi %mul3A_45, %add3A_46 : i32
    "tpu.region"() ({
      %run_scoped3A = tpu.sem_alloc : memref<!tpu.dma_semaphore, #tpu.memory_space<semaphore_mem>>
      %dma_start3A_184 = arith.constant 0 : i32
      %dma_start3A_185 = tpu.memref_slice %arg14[%add3A_47, %dma_start3A_184] : memref<10240x64xf32, #tpu.memory_space<vmem_shared>> -> memref<32x64xf32, #tpu.memory_space<vmem_shared>>
      %dma_start3A_186 = arith.constant 0 : i32
      %dma_start3A_187 = tpu.memref_slice %arg14[%add3A_47, %dma_start3A_186] : memref<10240x64xf32, #tpu.memory_space<vmem_shared>> -> memref<32x64xf32, #tpu.memory_space<vmem_shared>>
      tpu.enqueue_dma source(%arg12 : memref<32x64xf32, #tpu.memory_space<vmem>>) target(%dma_start3A_187 : memref<32x64xf32, #tpu.memory_space<vmem_shared>>) target_semaphore(%run_scoped3A : memref<!tpu.dma_semaphore, #tpu.memory_space<semaphore_mem>>)
      %dma_wait3A = arith.constant 0 : i32
      %dma_wait3A_188 = tpu.memref_slice %arg14[%add3A_47, %dma_wait3A] : memref<10240x64xf32, #tpu.memory_space<vmem_shared>> -> memref<32x64xf32, #tpu.memory_space<vmem_shared>>
      %dma_wait3A_189 = arith.constant 0 : i32
      %dma_wait3A_190 = tpu.memref_slice %arg14[%add3A_47, %dma_wait3A_189] : memref<10240x64xf32, #tpu.memory_space<vmem_shared>> -> memref<32x64xf32, #tpu.memory_space<vmem_shared>>
      tpu.wait_dma2 semaphore(%run_scoped3A : memref<!tpu.dma_semaphore, #tpu.memory_space<semaphore_mem>>) src(%arg12 : memref<32x64xf32, #tpu.memory_space<vmem>>) dst(%dma_wait3A_190 : memref<32x64xf32, #tpu.memory_space<vmem_shared>>)
      tpu.yield
    }) : () -> ()
    %mul3A_48 = arith.constant 640 : i32
    %mul3A_49 = arith.muli %arg1, %mul3A_48 : i32
    %add3A_50 = arith.constant 352 : i32
    %add3A_51 = arith.addi %mul3A_49, %add3A_50 : i32
    "tpu.region"() ({
      %run_scoped3A = tpu.sem_alloc : memref<!tpu.dma_semaphore, #tpu.memory_space<semaphore_mem>>
      %dma_start3A_184 = arith.constant 0 : i32
      %dma_start3A_185 = tpu.memref_slice %arg14[%add3A_51, %dma_start3A_184] : memref<10240x64xf32, #tpu.memory_space<vmem_shared>> -> memref<32x64xf32, #tpu.memory_space<vmem_shared>>
      %dma_start3A_186 = arith.constant 0 : i32
      %dma_start3A_187 = tpu.memref_slice %arg14[%add3A_51, %dma_start3A_186] : memref<10240x64xf32, #tpu.memory_space<vmem_shared>> -> memref<32x64xf32, #tpu.memory_space<vmem_shared>>
      tpu.enqueue_dma source(%arg12 : memref<32x64xf32, #tpu.memory_space<vmem>>) target(%dma_start3A_187 : memref<32x64xf32, #tpu.memory_space<vmem_shared>>) target_semaphore(%run_scoped3A : memref<!tpu.dma_semaphore, #tpu.memory_space<semaphore_mem>>)
      %dma_wait3A = arith.constant 0 : i32
      %dma_wait3A_188 = tpu.memref_slice %arg14[%add3A_51, %dma_wait3A] : memref<10240x64xf32, #tpu.memory_space<vmem_shared>> -> memref<32x64xf32, #tpu.memory_space<vmem_shared>>
      %dma_wait3A_189 = arith.constant 0 : i32
      %dma_wait3A_190 = tpu.memref_slice %arg14[%add3A_51, %dma_wait3A_189] : memref<10240x64xf32, #tpu.memory_space<vmem_shared>> -> memref<32x64xf32, #tpu.memory_space<vmem_shared>>
      tpu.wait_dma2 semaphore(%run_scoped3A : memref<!tpu.dma_semaphore, #tpu.memory_space<semaphore_mem>>) src(%arg12 : memref<32x64xf32, #tpu.memory_space<vmem>>) dst(%dma_wait3A_190 : memref<32x64xf32, #tpu.memory_space<vmem_shared>>)
      tpu.yield
    }) : () -> ()
    %mul3A_52 = arith.constant 640 : i32
    %mul3A_53 = arith.muli %arg1, %mul3A_52 : i32
    %add3A_54 = arith.constant 384 : i32
    %add3A_55 = arith.addi %mul3A_53, %add3A_54 : i32
    "tpu.region"() ({
      %run_scoped3A = tpu.sem_alloc : memref<!tpu.dma_semaphore, #tpu.memory_space<semaphore_mem>>
      %dma_start3A_184 = arith.constant 0 : i32
      %dma_start3A_185 = tpu.memref_slice %arg14[%add3A_55, %dma_start3A_184] : memref<10240x64xf32, #tpu.memory_space<vmem_shared>> -> memref<32x64xf32, #tpu.memory_space<vmem_shared>>
      %dma_start3A_186 = arith.constant 0 : i32
      %dma_start3A_187 = tpu.memref_slice %arg14[%add3A_55, %dma_start3A_186] : memref<10240x64xf32, #tpu.memory_space<vmem_shared>> -> memref<32x64xf32, #tpu.memory_space<vmem_shared>>
      tpu.enqueue_dma source(%arg12 : memref<32x64xf32, #tpu.memory_space<vmem>>) target(%dma_start3A_187 : memref<32x64xf32, #tpu.memory_space<vmem_shared>>) target_semaphore(%run_scoped3A : memref<!tpu.dma_semaphore, #tpu.memory_space<semaphore_mem>>)
      %dma_wait3A = arith.constant 0 : i32
      %dma_wait3A_188 = tpu.memref_slice %arg14[%add3A_55, %dma_wait3A] : memref<10240x64xf32, #tpu.memory_space<vmem_shared>> -> memref<32x64xf32, #tpu.memory_space<vmem_shared>>
      %dma_wait3A_189 = arith.constant 0 : i32
      %dma_wait3A_190 = tpu.memref_slice %arg14[%add3A_55, %dma_wait3A_189] : memref<10240x64xf32, #tpu.memory_space<vmem_shared>> -> memref<32x64xf32, #tpu.memory_space<vmem_shared>>
      tpu.wait_dma2 semaphore(%run_scoped3A : memref<!tpu.dma_semaphore, #tpu.memory_space<semaphore_mem>>) src(%arg12 : memref<32x64xf32, #tpu.memory_space<vmem>>) dst(%dma_wait3A_190 : memref<32x64xf32, #tpu.memory_space<vmem_shared>>)
      tpu.yield
    }) : () -> ()
    %mul3A_56 = arith.constant 640 : i32
    %mul3A_57 = arith.muli %arg1, %mul3A_56 : i32
    %add3A_58 = arith.constant 416 : i32
    %add3A_59 = arith.addi %mul3A_57, %add3A_58 : i32
    "tpu.region"() ({
      %run_scoped3A = tpu.sem_alloc : memref<!tpu.dma_semaphore, #tpu.memory_space<semaphore_mem>>
      %dma_start3A_184 = arith.constant 0 : i32
      %dma_start3A_185 = tpu.memref_slice %arg14[%add3A_59, %dma_start3A_184] : memref<10240x64xf32, #tpu.memory_space<vmem_shared>> -> memref<32x64xf32, #tpu.memory_space<vmem_shared>>
      %dma_start3A_186 = arith.constant 0 : i32
      %dma_start3A_187 = tpu.memref_slice %arg14[%add3A_59, %dma_start3A_186] : memref<10240x64xf32, #tpu.memory_space<vmem_shared>> -> memref<32x64xf32, #tpu.memory_space<vmem_shared>>
      tpu.enqueue_dma source(%arg12 : memref<32x64xf32, #tpu.memory_space<vmem>>) target(%dma_start3A_187 : memref<32x64xf32, #tpu.memory_space<vmem_shared>>) target_semaphore(%run_scoped3A : memref<!tpu.dma_semaphore, #tpu.memory_space<semaphore_mem>>)
      %dma_wait3A = arith.constant 0 : i32
      %dma_wait3A_188 = tpu.memref_slice %arg14[%add3A_59, %dma_wait3A] : memref<10240x64xf32, #tpu.memory_space<vmem_shared>> -> memref<32x64xf32, #tpu.memory_space<vmem_shared>>
      %dma_wait3A_189 = arith.constant 0 : i32
      %dma_wait3A_190 = tpu.memref_slice %arg14[%add3A_59, %dma_wait3A_189] : memref<10240x64xf32, #tpu.memory_space<vmem_shared>> -> memref<32x64xf32, #tpu.memory_space<vmem_shared>>
      tpu.wait_dma2 semaphore(%run_scoped3A : memref<!tpu.dma_semaphore, #tpu.memory_space<semaphore_mem>>) src(%arg12 : memref<32x64xf32, #tpu.memory_space<vmem>>) dst(%dma_wait3A_190 : memref<32x64xf32, #tpu.memory_space<vmem_shared>>)
      tpu.yield
    }) : () -> ()
    %mul3A_60 = arith.constant 640 : i32
    %mul3A_61 = arith.muli %arg1, %mul3A_60 : i32
    %add3A_62 = arith.constant 448 : i32
    %add3A_63 = arith.addi %mul3A_61, %add3A_62 : i32
    "tpu.region"() ({
      %run_scoped3A = tpu.sem_alloc : memref<!tpu.dma_semaphore, #tpu.memory_space<semaphore_mem>>
      %dma_start3A_184 = arith.constant 0 : i32
      %dma_start3A_185 = tpu.memref_slice %arg14[%add3A_63, %dma_start3A_184] : memref<10240x64xf32, #tpu.memory_space<vmem_shared>> -> memref<32x64xf32, #tpu.memory_space<vmem_shared>>
      %dma_start3A_186 = arith.constant 0 : i32
      %dma_start3A_187 = tpu.memref_slice %arg14[%add3A_63, %dma_start3A_186] : memref<10240x64xf32, #tpu.memory_space<vmem_shared>> -> memref<32x64xf32, #tpu.memory_space<vmem_shared>>
      tpu.enqueue_dma source(%arg12 : memref<32x64xf32, #tpu.memory_space<vmem>>) target(%dma_start3A_187 : memref<32x64xf32, #tpu.memory_space<vmem_shared>>) target_semaphore(%run_scoped3A : memref<!tpu.dma_semaphore, #tpu.memory_space<semaphore_mem>>)
      %dma_wait3A = arith.constant 0 : i32
      %dma_wait3A_188 = tpu.memref_slice %arg14[%add3A_63, %dma_wait3A] : memref<10240x64xf32, #tpu.memory_space<vmem_shared>> -> memref<32x64xf32, #tpu.memory_space<vmem_shared>>
      %dma_wait3A_189 = arith.constant 0 : i32
      %dma_wait3A_190 = tpu.memref_slice %arg14[%add3A_63, %dma_wait3A_189] : memref<10240x64xf32, #tpu.memory_space<vmem_shared>> -> memref<32x64xf32, #tpu.memory_space<vmem_shared>>
      tpu.wait_dma2 semaphore(%run_scoped3A : memref<!tpu.dma_semaphore, #tpu.memory_space<semaphore_mem>>) src(%arg12 : memref<32x64xf32, #tpu.memory_space<vmem>>) dst(%dma_wait3A_190 : memref<32x64xf32, #tpu.memory_space<vmem_shared>>)
      tpu.yield
    }) : () -> ()
    %mul3A_64 = arith.constant 640 : i32
    %mul3A_65 = arith.muli %arg1, %mul3A_64 : i32
    %add3A_66 = arith.constant 480 : i32
    %add3A_67 = arith.addi %mul3A_65, %add3A_66 : i32
    "tpu.region"() ({
      %run_scoped3A = tpu.sem_alloc : memref<!tpu.dma_semaphore, #tpu.memory_space<semaphore_mem>>
      %dma_start3A_184 = arith.constant 0 : i32
      %dma_start3A_185 = tpu.memref_slice %arg14[%add3A_67, %dma_start3A_184] : memref<10240x64xf32, #tpu.memory_space<vmem_shared>> -> memref<32x64xf32, #tpu.memory_space<vmem_shared>>
      %dma_start3A_186 = arith.constant 0 : i32
      %dma_start3A_187 = tpu.memref_slice %arg14[%add3A_67, %dma_start3A_186] : memref<10240x64xf32, #tpu.memory_space<vmem_shared>> -> memref<32x64xf32, #tpu.memory_space<vmem_shared>>
      tpu.enqueue_dma source(%arg12 : memref<32x64xf32, #tpu.memory_space<vmem>>) target(%dma_start3A_187 : memref<32x64xf32, #tpu.memory_space<vmem_shared>>) target_semaphore(%run_scoped3A : memref<!tpu.dma_semaphore, #tpu.memory_space<semaphore_mem>>)
      %dma_wait3A = arith.constant 0 : i32
      %dma_wait3A_188 = tpu.memref_slice %arg14[%add3A_67, %dma_wait3A] : memref<10240x64xf32, #tpu.memory_space<vmem_shared>> -> memref<32x64xf32, #tpu.memory_space<vmem_shared>>
      %dma_wait3A_189 = arith.constant 0 : i32
      %dma_wait3A_190 = tpu.memref_slice %arg14[%add3A_67, %dma_wait3A_189] : memref<10240x64xf32, #tpu.memory_space<vmem_shared>> -> memref<32x64xf32, #tpu.memory_space<vmem_shared>>
      tpu.wait_dma2 semaphore(%run_scoped3A : memref<!tpu.dma_semaphore, #tpu.memory_space<semaphore_mem>>) src(%arg12 : memref<32x64xf32, #tpu.memory_space<vmem>>) dst(%dma_wait3A_190 : memref<32x64xf32, #tpu.memory_space<vmem_shared>>)
      tpu.yield
    }) : () -> ()
    %mul3A_68 = arith.constant 640 : i32
    %mul3A_69 = arith.muli %arg1, %mul3A_68 : i32
    %add3A_70 = arith.constant 512 : i32
    %add3A_71 = arith.addi %mul3A_69, %add3A_70 : i32
    "tpu.region"() ({
      %run_scoped3A = tpu.sem_alloc : memref<!tpu.dma_semaphore, #tpu.memory_space<semaphore_mem>>
      %dma_start3A_184 = arith.constant 0 : i32
      %dma_start3A_185 = tpu.memref_slice %arg14[%add3A_71, %dma_start3A_184] : memref<10240x64xf32, #tpu.memory_space<vmem_shared>> -> memref<32x64xf32, #tpu.memory_space<vmem_shared>>
      %dma_start3A_186 = arith.constant 0 : i32
      %dma_start3A_187 = tpu.memref_slice %arg14[%add3A_71, %dma_start3A_186] : memref<10240x64xf32, #tpu.memory_space<vmem_shared>> -> memref<32x64xf32, #tpu.memory_space<vmem_shared>>
      tpu.enqueue_dma source(%arg12 : memref<32x64xf32, #tpu.memory_space<vmem>>) target(%dma_start3A_187 : memref<32x64xf32, #tpu.memory_space<vmem_shared>>) target_semaphore(%run_scoped3A : memref<!tpu.dma_semaphore, #tpu.memory_space<semaphore_mem>>)
      %dma_wait3A = arith.constant 0 : i32
      %dma_wait3A_188 = tpu.memref_slice %arg14[%add3A_71, %dma_wait3A] : memref<10240x64xf32, #tpu.memory_space<vmem_shared>> -> memref<32x64xf32, #tpu.memory_space<vmem_shared>>
      %dma_wait3A_189 = arith.constant 0 : i32
      %dma_wait3A_190 = tpu.memref_slice %arg14[%add3A_71, %dma_wait3A_189] : memref<10240x64xf32, #tpu.memory_space<vmem_shared>> -> memref<32x64xf32, #tpu.memory_space<vmem_shared>>
      tpu.wait_dma2 semaphore(%run_scoped3A : memref<!tpu.dma_semaphore, #tpu.memory_space<semaphore_mem>>) src(%arg12 : memref<32x64xf32, #tpu.memory_space<vmem>>) dst(%dma_wait3A_190 : memref<32x64xf32, #tpu.memory_space<vmem_shared>>)
      tpu.yield
    }) : () -> ()
    %mul3A_72 = arith.constant 640 : i32
    %mul3A_73 = arith.muli %arg1, %mul3A_72 : i32
    %add3A_74 = arith.constant 544 : i32
    %add3A_75 = arith.addi %mul3A_73, %add3A_74 : i32
    "tpu.region"() ({
      %run_scoped3A = tpu.sem_alloc : memref<!tpu.dma_semaphore, #tpu.memory_space<semaphore_mem>>
      %dma_start3A_184 = arith.constant 0 : i32
      %dma_start3A_185 = tpu.memref_slice %arg14[%add3A_75, %dma_start3A_184] : memref<10240x64xf32, #tpu.memory_space<vmem_shared>> -> memref<32x64xf32, #tpu.memory_space<vmem_shared>>
      %dma_start3A_186 = arith.constant 0 : i32
      %dma_start3A_187 = tpu.memref_slice %arg14[%add3A_75, %dma_start3A_186] : memref<10240x64xf32, #tpu.memory_space<vmem_shared>> -> memref<32x64xf32, #tpu.memory_space<vmem_shared>>
      tpu.enqueue_dma source(%arg12 : memref<32x64xf32, #tpu.memory_space<vmem>>) target(%dma_start3A_187 : memref<32x64xf32, #tpu.memory_space<vmem_shared>>) target_semaphore(%run_scoped3A : memref<!tpu.dma_semaphore, #tpu.memory_space<semaphore_mem>>)
      %dma_wait3A = arith.constant 0 : i32
      %dma_wait3A_188 = tpu.memref_slice %arg14[%add3A_75, %dma_wait3A] : memref<10240x64xf32, #tpu.memory_space<vmem_shared>> -> memref<32x64xf32, #tpu.memory_space<vmem_shared>>
      %dma_wait3A_189 = arith.constant 0 : i32
      %dma_wait3A_190 = tpu.memref_slice %arg14[%add3A_75, %dma_wait3A_189] : memref<10240x64xf32, #tpu.memory_space<vmem_shared>> -> memref<32x64xf32, #tpu.memory_space<vmem_shared>>
      tpu.wait_dma2 semaphore(%run_scoped3A : memref<!tpu.dma_semaphore, #tpu.memory_space<semaphore_mem>>) src(%arg12 : memref<32x64xf32, #tpu.memory_space<vmem>>) dst(%dma_wait3A_190 : memref<32x64xf32, #tpu.memory_space<vmem_shared>>)
      tpu.yield
    }) : () -> ()
    %mul3A_76 = arith.constant 640 : i32
    %mul3A_77 = arith.muli %arg1, %mul3A_76 : i32
    %add3A_78 = arith.constant 576 : i32
    %add3A_79 = arith.addi %mul3A_77, %add3A_78 : i32
    "tpu.region"() ({
      %run_scoped3A = tpu.sem_alloc : memref<!tpu.dma_semaphore, #tpu.memory_space<semaphore_mem>>
      %dma_start3A_184 = arith.constant 0 : i32
      %dma_start3A_185 = tpu.memref_slice %arg14[%add3A_79, %dma_start3A_184] : memref<10240x64xf32, #tpu.memory_space<vmem_shared>> -> memref<32x64xf32, #tpu.memory_space<vmem_shared>>
      %dma_start3A_186 = arith.constant 0 : i32
      %dma_start3A_187 = tpu.memref_slice %arg14[%add3A_79, %dma_start3A_186] : memref<10240x64xf32, #tpu.memory_space<vmem_shared>> -> memref<32x64xf32, #tpu.memory_space<vmem_shared>>
      tpu.enqueue_dma source(%arg12 : memref<32x64xf32, #tpu.memory_space<vmem>>) target(%dma_start3A_187 : memref<32x64xf32, #tpu.memory_space<vmem_shared>>) target_semaphore(%run_scoped3A : memref<!tpu.dma_semaphore, #tpu.memory_space<semaphore_mem>>)
      %dma_wait3A = arith.constant 0 : i32
      %dma_wait3A_188 = tpu.memref_slice %arg14[%add3A_79, %dma_wait3A] : memref<10240x64xf32, #tpu.memory_space<vmem_shared>> -> memref<32x64xf32, #tpu.memory_space<vmem_shared>>
      %dma_wait3A_189 = arith.constant 0 : i32
      %dma_wait3A_190 = tpu.memref_slice %arg14[%add3A_79, %dma_wait3A_189] : memref<10240x64xf32, #tpu.memory_space<vmem_shared>> -> memref<32x64xf32, #tpu.memory_space<vmem_shared>>
      tpu.wait_dma2 semaphore(%run_scoped3A : memref<!tpu.dma_semaphore, #tpu.memory_space<semaphore_mem>>) src(%arg12 : memref<32x64xf32, #tpu.memory_space<vmem>>) dst(%dma_wait3A_190 : memref<32x64xf32, #tpu.memory_space<vmem_shared>>)
      tpu.yield
    }) : () -> ()
    %mul3A_80 = arith.constant 640 : i32
    %mul3A_81 = arith.muli %arg1, %mul3A_80 : i32
    %add3A_82 = arith.constant 608 : i32
    %add3A_83 = arith.addi %mul3A_81, %add3A_82 : i32
    "tpu.region"() ({
      %run_scoped3A = tpu.sem_alloc : memref<!tpu.dma_semaphore, #tpu.memory_space<semaphore_mem>>
      %dma_start3A_184 = arith.constant 0 : i32
      %dma_start3A_185 = tpu.memref_slice %arg14[%add3A_83, %dma_start3A_184] : memref<10240x64xf32, #tpu.memory_space<vmem_shared>> -> memref<32x64xf32, #tpu.memory_space<vmem_shared>>
      %dma_start3A_186 = arith.constant 0 : i32
      %dma_start3A_187 = tpu.memref_slice %arg14[%add3A_83, %dma_start3A_186] : memref<10240x64xf32, #tpu.memory_space<vmem_shared>> -> memref<32x64xf32, #tpu.memory_space<vmem_shared>>
      tpu.enqueue_dma source(%arg12 : memref<32x64xf32, #tpu.memory_space<vmem>>) target(%dma_start3A_187 : memref<32x64xf32, #tpu.memory_space<vmem_shared>>) target_semaphore(%run_scoped3A : memref<!tpu.dma_semaphore, #tpu.memory_space<semaphore_mem>>)
      %dma_wait3A = arith.constant 0 : i32
      %dma_wait3A_188 = tpu.memref_slice %arg14[%add3A_83, %dma_wait3A] : memref<10240x64xf32, #tpu.memory_space<vmem_shared>> -> memref<32x64xf32, #tpu.memory_space<vmem_shared>>
      %dma_wait3A_189 = arith.constant 0 : i32
      %dma_wait3A_190 = tpu.memref_slice %arg14[%add3A_83, %dma_wait3A_189] : memref<10240x64xf32, #tpu.memory_space<vmem_shared>> -> memref<32x64xf32, #tpu.memory_space<vmem_shared>>
      tpu.wait_dma2 semaphore(%run_scoped3A : memref<!tpu.dma_semaphore, #tpu.memory_space<semaphore_mem>>) src(%arg12 : memref<32x64xf32, #tpu.memory_space<vmem>>) dst(%dma_wait3A_190 : memref<32x64xf32, #tpu.memory_space<vmem_shared>>)
      tpu.yield
    }) : () -> ()
    %broadcast_in_dim3A_84 = arith.constant 0.000000e+00 : f32
    %broadcast_in_dim3A_85 = vector.broadcast %broadcast_in_dim3A_84 : f32 to vector<16xf32>
    %scan3A_86 = arith.constant 0 : i32
    %scan3A_87 = arith.constant 0 : i32
    %scan3A_88 = arith.constant 640 : i32
    %scan3A_89 = arith.addi %scan3A_87, %scan3A_88 : i32
    %scan3A_90 = arith.constant 1 : i32
    scf.for %scan3A_184 = %scan3A_87 to %scan3A_89 step %scan3A_90  : i32 {
      %mul3A_185 = arith.constant 16 : i32
      %mul3A_186 = arith.muli %scan3A_184, %mul3A_185 : i32
      %swap3A = arith.index_cast %mul3A_186 : i32 to index
      %swap3A_187 = tpu.vector_load %arg13[%swap3A] {strides = array<i32>} : memref<10240xf32, #tpu.memory_space<vmem>>, vector<16xf32>,
      tpu.vector_store %arg13[%swap3A], %broadcast_in_dim3A_85 {strides = array<i32>} : memref<10240xf32, #tpu.memory_space<vmem>>, vector<16xf32>,
    }
    %scan3A_91 = arith.constant 640 : i32
    "tpu.region"() ({
      %run_scoped3A = tpu.sem_alloc : memref<!tpu.dma_semaphore, #tpu.memory_space<semaphore_mem>>
      %dma_start3A_184 = arith.constant 0 : i32
      %dma_start3A_185 = arith.constant 0 : i32
      %dma_start3A_186 = tpu.memref_slice %arg3[%arg1, %dma_start3A_184, %dma_start3A_185] : memref<16x80x128xi32, #tpu.memory_space<hbm>> -> memref<1x80x128xi32, #tpu.memory_space<hbm>>
      %dma_start3A_187 = tpu.memref_squeeze %dma_start3A_186 : memref<1x80x128xi32, #tpu.memory_space<hbm>> -> memref<80x128xi32, #tpu.memory_space<hbm>>
      %dma_start3A_188 = arith.constant 0 : i32
      %dma_start3A_189 = arith.constant 0 : i32
      %dma_start3A_190 = tpu.memref_slice %arg3[%arg1, %dma_start3A_188, %dma_start3A_189] : memref<16x80x128xi32, #tpu.memory_space<hbm>> -> memref<1x80x128xi32, #tpu.memory_space<hbm>>
      %dma_start3A_191 = tpu.memref_squeeze %dma_start3A_190 : memref<1x80x128xi32, #tpu.memory_space<hbm>> -> memref<80x128xi32, #tpu.memory_space<hbm>>
      tpu.enqueue_dma source(%dma_start3A_191 : memref<80x128xi32, #tpu.memory_space<hbm>>) target(%arg8 : memref<80x128xi32, #tpu.memory_space<vmem>>) target_semaphore(%run_scoped3A : memref<!tpu.dma_semaphore, #tpu.memory_space<semaphore_mem>>)
      %dma_wait3A = arith.constant 0 : i32
      %dma_wait3A_192 = arith.constant 0 : i32
      %dma_wait3A_193 = tpu.memref_slice %arg3[%arg1, %dma_wait3A, %dma_wait3A_192] : memref<16x80x128xi32, #tpu.memory_space<hbm>> -> memref<1x80x128xi32, #tpu.memory_space<hbm>>
      %dma_wait3A_194 = tpu.memref_squeeze %dma_wait3A_193 : memref<1x80x128xi32, #tpu.memory_space<hbm>> -> memref<80x128xi32, #tpu.memory_space<hbm>>
      %dma_wait3A_195 = arith.constant 0 : i32
      %dma_wait3A_196 = arith.constant 0 : i32
      %dma_wait3A_197 = tpu.memref_slice %arg3[%arg1, %dma_wait3A_195, %dma_wait3A_196] : memref<16x80x128xi32, #tpu.memory_space<hbm>> -> memref<1x80x128xi32, #tpu.memory_space<hbm>>
      %dma_wait3A_198 = tpu.memref_squeeze %dma_wait3A_197 : memref<1x80x128xi32, #tpu.memory_space<hbm>> -> memref<80x128xi32, #tpu.memory_space<hbm>>
      tpu.wait_dma2 semaphore(%run_scoped3A : memref<!tpu.dma_semaphore, #tpu.memory_space<semaphore_mem>>) src(%dma_wait3A_198 : memref<80x128xi32, #tpu.memory_space<hbm>>) dst(%arg8 : memref<80x128xi32, #tpu.memory_space<vmem>>)
      tpu.yield
    }) : () -> ()
    "tpu.region"() ({
      %run_scoped3A = tpu.sem_alloc : memref<!tpu.dma_semaphore, #tpu.memory_space<semaphore_mem>>
      %dma_start3A_184 = arith.constant 0 : i32
      %dma_start3A_185 = arith.constant 0 : i32
      %dma_start3A_186 = tpu.memref_slice %arg4[%arg1, %dma_start3A_184, %dma_start3A_185] : memref<16x80x128xi32, #tpu.memory_space<hbm>> -> memref<1x80x128xi32, #tpu.memory_space<hbm>>
      %dma_start3A_187 = tpu.memref_squeeze %dma_start3A_186 : memref<1x80x128xi32, #tpu.memory_space<hbm>> -> memref<80x128xi32, #tpu.memory_space<hbm>>
      %dma_start3A_188 = arith.constant 0 : i32
      %dma_start3A_189 = arith.constant 0 : i32
      %dma_start3A_190 = tpu.memref_slice %arg4[%arg1, %dma_start3A_188, %dma_start3A_189] : memref<16x80x128xi32, #tpu.memory_space<hbm>> -> memref<1x80x128xi32, #tpu.memory_space<hbm>>
      %dma_start3A_191 = tpu.memref_squeeze %dma_start3A_190 : memref<1x80x128xi32, #tpu.memory_space<hbm>> -> memref<80x128xi32, #tpu.memory_space<hbm>>
      tpu.enqueue_dma source(%dma_start3A_191 : memref<80x128xi32, #tpu.memory_space<hbm>>) target(%arg9 : memref<80x128xi32, #tpu.memory_space<vmem>>) target_semaphore(%run_scoped3A : memref<!tpu.dma_semaphore, #tpu.memory_space<semaphore_mem>>)
      %dma_wait3A = arith.constant 0 : i32
      %dma_wait3A_192 = arith.constant 0 : i32
      %dma_wait3A_193 = tpu.memref_slice %arg4[%arg1, %dma_wait3A, %dma_wait3A_192] : memref<16x80x128xi32, #tpu.memory_space<hbm>> -> memref<1x80x128xi32, #tpu.memory_space<hbm>>
      %dma_wait3A_194 = tpu.memref_squeeze %dma_wait3A_193 : memref<1x80x128xi32, #tpu.memory_space<hbm>> -> memref<80x128xi32, #tpu.memory_space<hbm>>
      %dma_wait3A_195 = arith.constant 0 : i32
      %dma_wait3A_196 = arith.constant 0 : i32
      %dma_wait3A_197 = tpu.memref_slice %arg4[%arg1, %dma_wait3A_195, %dma_wait3A_196] : memref<16x80x128xi32, #tpu.memory_space<hbm>> -> memref<1x80x128xi32, #tpu.memory_space<hbm>>
      %dma_wait3A_198 = tpu.memref_squeeze %dma_wait3A_197 : memref<1x80x128xi32, #tpu.memory_space<hbm>> -> memref<80x128xi32, #tpu.memory_space<hbm>>
      tpu.wait_dma2 semaphore(%run_scoped3A : memref<!tpu.dma_semaphore, #tpu.memory_space<semaphore_mem>>) src(%dma_wait3A_198 : memref<80x128xi32, #tpu.memory_space<hbm>>) dst(%arg9 : memref<80x128xi32, #tpu.memory_space<vmem>>)
      tpu.yield
    }) : () -> ()
    "tpu.region"() ({
      %run_scoped3A = tpu.sem_alloc : memref<!tpu.dma_semaphore, #tpu.memory_space<semaphore_mem>>
      %dma_start3A_184 = arith.constant 0 : i32
      %dma_start3A_185 = arith.constant 0 : i32
      %dma_start3A_186 = tpu.memref_slice %arg5[%arg1, %dma_start3A_184, %dma_start3A_185] : memref<16x80x128xf32, #tpu.memory_space<hbm>> -> memref<1x80x128xf32, #tpu.memory_space<hbm>>
      %dma_start3A_187 = tpu.memref_squeeze %dma_start3A_186 : memref<1x80x128xf32, #tpu.memory_space<hbm>> -> memref<80x128xf32, #tpu.memory_space<hbm>>
      %dma_start3A_188 = arith.constant 0 : i32
      %dma_start3A_189 = arith.constant 0 : i32
      %dma_start3A_190 = tpu.memref_slice %arg5[%arg1, %dma_start3A_188, %dma_start3A_189] : memref<16x80x128xf32, #tpu.memory_space<hbm>> -> memref<1x80x128xf32, #tpu.memory_space<hbm>>
      %dma_start3A_191 = tpu.memref_squeeze %dma_start3A_190 : memref<1x80x128xf32, #tpu.memory_space<hbm>> -> memref<80x128xf32, #tpu.memory_space<hbm>>
      tpu.enqueue_dma source(%dma_start3A_191 : memref<80x128xf32, #tpu.memory_space<hbm>>) target(%arg10 : memref<80x128xf32, #tpu.memory_space<vmem>>) target_semaphore(%run_scoped3A : memref<!tpu.dma_semaphore, #tpu.memory_space<semaphore_mem>>)
      %dma_wait3A = arith.constant 0 : i32
      %dma_wait3A_192 = arith.constant 0 : i32
      %dma_wait3A_193 = tpu.memref_slice %arg5[%arg1, %dma_wait3A, %dma_wait3A_192] : memref<16x80x128xf32, #tpu.memory_space<hbm>> -> memref<1x80x128xf32, #tpu.memory_space<hbm>>
      %dma_wait3A_194 = tpu.memref_squeeze %dma_wait3A_193 : memref<1x80x128xf32, #tpu.memory_space<hbm>> -> memref<80x128xf32, #tpu.memory_space<hbm>>
      %dma_wait3A_195 = arith.constant 0 : i32
      %dma_wait3A_196 = arith.constant 0 : i32
      %dma_wait3A_197 = tpu.memref_slice %arg5[%arg1, %dma_wait3A_195, %dma_wait3A_196] : memref<16x80x128xf32, #tpu.memory_space<hbm>> -> memref<1x80x128xf32, #tpu.memory_space<hbm>>
      %dma_wait3A_198 = tpu.memref_squeeze %dma_wait3A_197 : memref<1x80x128xf32, #tpu.memory_space<hbm>> -> memref<80x128xf32, #tpu.memory_space<hbm>>
      tpu.wait_dma2 semaphore(%run_scoped3A : memref<!tpu.dma_semaphore, #tpu.memory_space<semaphore_mem>>) src(%dma_wait3A_198 : memref<80x128xf32, #tpu.memory_space<hbm>>) dst(%arg10 : memref<80x128xf32, #tpu.memory_space<vmem>>)
      tpu.yield
    }) : () -> ()
    %barrier3A = arith.constant 0 : index
    tpu.barrier barrier_id(%barrier3A)
    %dma_start3A = arith.constant 0 : i32
    %dma_start3A_92 = arith.constant 0 : i32
    %dma_start3A_93 = arith.constant 0 : i32
    %dma_start3A_94 = arith.constant 0 : i32
    %dma_start3A_95 = arith.constant 0 : i32
    %dma_start3A_96 = tpu.memref_slice %arg11[%dma_start3A_92, %dma_start3A_94, %dma_start3A_95] : memref<4x128x64xf32, #tpu.memory_space<vmem>> -> memref<1x128x64xf32, #tpu.memory_space<vmem>>
    %dma_start3A_97 = tpu.memref_squeeze %dma_start3A_96 : memref<1x128x64xf32, #tpu.memory_space<vmem>> -> memref<128x64xf32, #tpu.memory_space<vmem>>
    %dma_start3A_98 = arith.constant 0 : i32
    %dma_start3A_99 = tpu.memref_slice %arg8[%dma_start3A, %dma_start3A_98] : memref<80x128xi32, #tpu.memory_space<vmem>> -> memref<1x128xi32, #tpu.memory_space<vmem>>
    %dma_start3A_100 = tpu.memref_squeeze %dma_start3A_99 : memref<1x128xi32, #tpu.memory_space<vmem>> -> memref<128xi32, #tpu.memory_space<vmem>>
    %dma_start3A_101 = arith.constant 0 : i32
    %dma_start3A_102 = arith.constant 0 : i32
    %dma_start3A_103 = tpu.memref_slice %arg2[%arg0, %dma_start3A_101, %dma_start3A_102] : memref<2x10240x64xf32, #tpu.memory_space<hbm>> -> memref<1x10240x64xf32, #tpu.memory_space<hbm>>
    %dma_start3A_104 = tpu.memref_squeeze %dma_start3A_103 : memref<1x10240x64xf32, #tpu.memory_space<hbm>> -> memref<10240x64xf32, #tpu.memory_space<hbm>>
    %dma_start3A_105 = arith.constant 0 : i32
    %dma_start3A_106 = arith.constant 0 : i32
    %dma_start3A_107 = tpu.memref_slice %dma_start3A_104[%dma_start3A_105, %dma_start3A_106] : memref<10240x64xf32, #tpu.memory_space<hbm>> -> memref<10240x64xf32, #tpu.memory_space<hbm>>
    %dma_start3A_108 = tpu.memref_slice %arg15[%dma_start3A_93] : memref<4x!tpu.dma_semaphore, #tpu.memory_space<semaphore_mem>> -> memref<1x!tpu.dma_semaphore, #tpu.memory_space<semaphore_mem>>
    %dma_start3A_109 = tpu.memref_squeeze %dma_start3A_108 : memref<1x!tpu.dma_semaphore, #tpu.memory_space<semaphore_mem>> -> memref<!tpu.dma_semaphore, #tpu.memory_space<semaphore_mem>>
    tpu.enqueue_indirect_dma source(%dma_start3A_107 : memref<10240x64xf32, #tpu.memory_space<hbm>>) target(%dma_start3A_97 : memref<128x64xf32, #tpu.memory_space<vmem>>) offsets(%dma_start3A_100 : memref<128xi32, #tpu.memory_space<vmem>>) semaphore(%dma_start3A_109 : memref<!tpu.dma_semaphore, #tpu.memory_space<semaphore_mem>>)
    %dma_start3A_110 = arith.constant 1 : i32
    %dma_start3A_111 = arith.constant 1 : i32
    %dma_start3A_112 = arith.constant 1 : i32
    %dma_start3A_113 = arith.constant 0 : i32
    %dma_start3A_114 = arith.constant 0 : i32
    %dma_start3A_115 = tpu.memref_slice %arg11[%dma_start3A_111, %dma_start3A_113, %dma_start3A_114] : memref<4x128x64xf32, #tpu.memory_space<vmem>> -> memref<1x128x64xf32, #tpu.memory_space<vmem>>
    %dma_start3A_116 = tpu.memref_squeeze %dma_start3A_115 : memref<1x128x64xf32, #tpu.memory_space<vmem>> -> memref<128x64xf32, #tpu.memory_space<vmem>>
    %dma_start3A_117 = arith.constant 0 : i32
    %dma_start3A_118 = tpu.memref_slice %arg8[%dma_start3A_110, %dma_start3A_117] : memref<80x128xi32, #tpu.memory_space<vmem>> -> memref<1x128xi32, #tpu.memory_space<vmem>>
    %dma_start3A_119 = tpu.memref_squeeze %dma_start3A_118 : memref<1x128xi32, #tpu.memory_space<vmem>> -> memref<128xi32, #tpu.memory_space<vmem>>
    %dma_start3A_120 = arith.constant 0 : i32
    %dma_start3A_121 = arith.constant 0 : i32
    %dma_start3A_122 = tpu.memref_slice %arg2[%arg0, %dma_start3A_120, %dma_start3A_121] : memref<2x10240x64xf32, #tpu.memory_space<hbm>> -> memref<1x10240x64xf32, #tpu.memory_space<hbm>>
    %dma_start3A_123 = tpu.memref_squeeze %dma_start3A_122 : memref<1x10240x64xf32, #tpu.memory_space<hbm>> -> memref<10240x64xf32, #tpu.memory_space<hbm>>
    %dma_start3A_124 = arith.constant 0 : i32
    %dma_start3A_125 = arith.constant 0 : i32
    %dma_start3A_126 = tpu.memref_slice %dma_start3A_123[%dma_start3A_124, %dma_start3A_125] : memref<10240x64xf32, #tpu.memory_space<hbm>> -> memref<10240x64xf32, #tpu.memory_space<hbm>>
    %dma_start3A_127 = tpu.memref_slice %arg15[%dma_start3A_112] : memref<4x!tpu.dma_semaphore, #tpu.memory_space<semaphore_mem>> -> memref<1x!tpu.dma_semaphore, #tpu.memory_space<semaphore_mem>>
    %dma_start3A_128 = tpu.memref_squeeze %dma_start3A_127 : memref<1x!tpu.dma_semaphore, #tpu.memory_space<semaphore_mem>> -> memref<!tpu.dma_semaphore, #tpu.memory_space<semaphore_mem>>
    tpu.enqueue_indirect_dma source(%dma_start3A_126 : memref<10240x64xf32, #tpu.memory_space<hbm>>) target(%dma_start3A_116 : memref<128x64xf32, #tpu.memory_space<vmem>>) offsets(%dma_start3A_119 : memref<128xi32, #tpu.memory_space<vmem>>) semaphore(%dma_start3A_128 : memref<!tpu.dma_semaphore, #tpu.memory_space<semaphore_mem>>)
    %dma_start3A_129 = arith.constant 2 : i32
    %dma_start3A_130 = arith.constant 2 : i32
    %dma_start3A_131 = arith.constant 2 : i32
    %dma_start3A_132 = arith.constant 0 : i32
    %dma_start3A_133 = arith.constant 0 : i32
    %dma_start3A_134 = tpu.memref_slice %arg11[%dma_start3A_130, %dma_start3A_132, %dma_start3A_133] : memref<4x128x64xf32, #tpu.memory_space<vmem>> -> memref<1x128x64xf32, #tpu.memory_space<vmem>>
    %dma_start3A_135 = tpu.memref_squeeze %dma_start3A_134 : memref<1x128x64xf32, #tpu.memory_space<vmem>> -> memref<128x64xf32, #tpu.memory_space<vmem>>
    %dma_start3A_136 = arith.constant 0 : i32
    %dma_start3A_137 = tpu.memref_slice %arg8[%dma_start3A_129, %dma_start3A_136] : memref<80x128xi32, #tpu.memory_space<vmem>> -> memref<1x128xi32, #tpu.memory_space<vmem>>
    %dma_start3A_138 = tpu.memref_squeeze %dma_start3A_137 : memref<1x128xi32, #tpu.memory_space<vmem>> -> memref<128xi32, #tpu.memory_space<vmem>>
    %dma_start3A_139 = arith.constant 0 : i32
    %dma_start3A_140 = arith.constant 0 : i32
    %dma_start3A_141 = tpu.memref_slice %arg2[%arg0, %dma_start3A_139, %dma_start3A_140] : memref<2x10240x64xf32, #tpu.memory_space<hbm>> -> memref<1x10240x64xf32, #tpu.memory_space<hbm>>
    %dma_start3A_142 = tpu.memref_squeeze %dma_start3A_141 : memref<1x10240x64xf32, #tpu.memory_space<hbm>> -> memref<10240x64xf32, #tpu.memory_space<hbm>>
    %dma_start3A_143 = arith.constant 0 : i32
    %dma_start3A_144 = arith.constant 0 : i32
    %dma_start3A_145 = tpu.memref_slice %dma_start3A_142[%dma_start3A_143, %dma_start3A_144] : memref<10240x64xf32, #tpu.memory_space<hbm>> -> memref<10240x64xf32, #tpu.memory_space<hbm>>
    %dma_start3A_146 = tpu.memref_slice %arg15[%dma_start3A_131] : memref<4x!tpu.dma_semaphore, #tpu.memory_space<semaphore_mem>> -> memref<1x!tpu.dma_semaphore, #tpu.memory_space<semaphore_mem>>
    %dma_start3A_147 = tpu.memref_squeeze %dma_start3A_146 : memref<1x!tpu.dma_semaphore, #tpu.memory_space<semaphore_mem>> -> memref<!tpu.dma_semaphore, #tpu.memory_space<semaphore_mem>>
    tpu.enqueue_indirect_dma source(%dma_start3A_145 : memref<10240x64xf32, #tpu.memory_space<hbm>>) target(%dma_start3A_135 : memref<128x64xf32, #tpu.memory_space<vmem>>) offsets(%dma_start3A_138 : memref<128xi32, #tpu.memory_space<vmem>>) semaphore(%dma_start3A_147 : memref<!tpu.dma_semaphore, #tpu.memory_space<semaphore_mem>>)
    %dma_start3A_148 = arith.constant 3 : i32
    %dma_start3A_149 = arith.constant 3 : i32
    %dma_start3A_150 = arith.constant 3 : i32
    %dma_start3A_151 = arith.constant 0 : i32
    %dma_start3A_152 = arith.constant 0 : i32
    %dma_start3A_153 = tpu.memref_slice %arg11[%dma_start3A_149, %dma_start3A_151, %dma_start3A_152] : memref<4x128x64xf32, #tpu.memory_space<vmem>> -> memref<1x128x64xf32, #tpu.memory_space<vmem>>
    %dma_start3A_154 = tpu.memref_squeeze %dma_start3A_153 : memref<1x128x64xf32, #tpu.memory_space<vmem>> -> memref<128x64xf32, #tpu.memory_space<vmem>>
    %dma_start3A_155 = arith.constant 0 : i32
    %dma_start3A_156 = tpu.memref_slice %arg8[%dma_start3A_148, %dma_start3A_155] : memref<80x128xi32, #tpu.memory_space<vmem>> -> memref<1x128xi32, #tpu.memory_space<vmem>>
    %dma_start3A_157 = tpu.memref_squeeze %dma_start3A_156 : memref<1x128xi32, #tpu.memory_space<vmem>> -> memref<128xi32, #tpu.memory_space<vmem>>
    %dma_start3A_158 = arith.constant 0 : i32
    %dma_start3A_159 = arith.constant 0 : i32
    %dma_start3A_160 = tpu.memref_slice %arg2[%arg0, %dma_start3A_158, %dma_start3A_159] : memref<2x10240x64xf32, #tpu.memory_space<hbm>> -> memref<1x10240x64xf32, #tpu.memory_space<hbm>>
    %dma_start3A_161 = tpu.memref_squeeze %dma_start3A_160 : memref<1x10240x64xf32, #tpu.memory_space<hbm>> -> memref<10240x64xf32, #tpu.memory_space<hbm>>
    %dma_start3A_162 = arith.constant 0 : i32
    %dma_start3A_163 = arith.constant 0 : i32
    %dma_start3A_164 = tpu.memref_slice %dma_start3A_161[%dma_start3A_162, %dma_start3A_163] : memref<10240x64xf32, #tpu.memory_space<hbm>> -> memref<10240x64xf32, #tpu.memory_space<hbm>>
    %dma_start3A_165 = tpu.memref_slice %arg15[%dma_start3A_150] : memref<4x!tpu.dma_semaphore, #tpu.memory_space<semaphore_mem>> -> memref<1x!tpu.dma_semaphore, #tpu.memory_space<semaphore_mem>>
    %dma_start3A_166 = tpu.memref_squeeze %dma_start3A_165 : memref<1x!tpu.dma_semaphore, #tpu.memory_space<semaphore_mem>> -> memref<!tpu.dma_semaphore, #tpu.memory_space<semaphore_mem>>
    tpu.enqueue_indirect_dma source(%dma_start3A_164 : memref<10240x64xf32, #tpu.memory_space<hbm>>) target(%dma_start3A_154 : memref<128x64xf32, #tpu.memory_space<vmem>>) offsets(%dma_start3A_157 : memref<128xi32, #tpu.memory_space<vmem>>) semaphore(%dma_start3A_166 : memref<!tpu.dma_semaphore, #tpu.memory_space<semaphore_mem>>)
    %scan3A_167 = arith.constant 0 : i32
    %scan3A_168 = arith.constant 0 : i32
    %scan3A_169 = arith.constant 20 : i32
    %scan3A_170 = arith.addi %scan3A_168, %scan3A_169 : i32
    %scan3A_171 = arith.constant 1 : i32
    scf.for %scan3A_184 = %scan3A_168 to %scan3A_170 step %scan3A_171  : i32 {
      %mul3A_185 = arith.constant 4 : i32
      %mul3A_186 = arith.muli %scan3A_184, %mul3A_185 : i32
      %add3A_187 = arith.constant 0 : i32
      %add3A_188 = arith.addi %mul3A_186, %add3A_187 : i32
      %dma_wait3A = arith.constant 0 : i32
      %dma_wait3A_189 = arith.constant 0 : i32
      %dma_wait3A_190 = arith.constant 0 : i32
      %dma_wait3A_191 = arith.constant 0 : i32
      %dma_wait3A_192 = tpu.memref_slice %arg11[%dma_wait3A, %dma_wait3A_190, %dma_wait3A_191] : memref<4x128x64xf32, #tpu.memory_space<vmem>> -> memref<1x128x64xf32, #tpu.memory_space<vmem>>
      %dma_wait3A_193 = tpu.memref_squeeze %dma_wait3A_192 : memref<1x128x64xf32, #tpu.memory_space<vmem>> -> memref<128x64xf32, #tpu.memory_space<vmem>>
      %dma_wait3A_194 = arith.constant 0 : i32
      %dma_wait3A_195 = tpu.memref_slice %arg8[%add3A_188, %dma_wait3A_194] : memref<80x128xi32, #tpu.memory_space<vmem>> -> memref<1x128xi32, #tpu.memory_space<vmem>>
      %dma_wait3A_196 = tpu.memref_squeeze %dma_wait3A_195 : memref<1x128xi32, #tpu.memory_space<vmem>> -> memref<128xi32, #tpu.memory_space<vmem>>
      %dma_wait3A_197 = arith.constant 0 : i32
      %dma_wait3A_198 = arith.constant 0 : i32
      %dma_wait3A_199 = tpu.memref_slice %arg2[%arg0, %dma_wait3A_197, %dma_wait3A_198] : memref<2x10240x64xf32, #tpu.memory_space<hbm>> -> memref<1x10240x64xf32, #tpu.memory_space<hbm>>
      %dma_wait3A_200 = tpu.memref_squeeze %dma_wait3A_199 : memref<1x10240x64xf32, #tpu.memory_space<hbm>> -> memref<10240x64xf32, #tpu.memory_space<hbm>>
      %dma_wait3A_201 = arith.constant 0 : i32
      %dma_wait3A_202 = arith.constant 0 : i32
      %dma_wait3A_203 = tpu.memref_slice %dma_wait3A_200[%dma_wait3A_201, %dma_wait3A_202] : memref<10240x64xf32, #tpu.memory_space<hbm>> -> memref<10240x64xf32, #tpu.memory_space<hbm>>
      %dma_wait3A_204 = tpu.memref_slice %arg15[%dma_wait3A_189] : memref<4x!tpu.dma_semaphore, #tpu.memory_space<semaphore_mem>> -> memref<1x!tpu.dma_semaphore, #tpu.memory_space<semaphore_mem>>
      %dma_wait3A_205 = tpu.memref_squeeze %dma_wait3A_204 : memref<1x!tpu.dma_semaphore, #tpu.memory_space<semaphore_mem>> -> memref<!tpu.dma_semaphore, #tpu.memory_space<semaphore_mem>>
      tpu.wait_indirect_dma semaphore(%dma_wait3A_205 : memref<!tpu.dma_semaphore, #tpu.memory_space<semaphore_mem>>) src(%dma_wait3A_203 : memref<10240x64xf32, #tpu.memory_space<hbm>>) dst(%dma_wait3A_193 : memref<128x64xf32, #tpu.memory_space<vmem>>)
      %run_scoped3A = arith.constant 0 : i32
      "tpu.region"() ({
        %run_scoped3A_292 = tpu.sem_alloc : memref<!tpu.dma_semaphore, #tpu.memory_space<semaphore_mem>>
        %dma_start3A_293 = arith.constant 0 : i32
        %dma_start3A_294 = arith.constant 0 : i32
        %dma_start3A_295 = tpu.memref_slice %arg11[%run_scoped3A, %dma_start3A_293, %dma_start3A_294] : memref<4x128x64xf32, #tpu.memory_space<vmem>> -> memref<1x128x64xf32, #tpu.memory_space<vmem>>
        %dma_start3A_296 = tpu.memref_squeeze %dma_start3A_295 : memref<1x128x64xf32, #tpu.memory_space<vmem>> -> memref<128x64xf32, #tpu.memory_space<vmem>>
        %dma_start3A_297 = arith.constant 0 : i32
        %dma_start3A_298 = tpu.memref_slice %arg9[%add3A_188, %dma_start3A_297] : memref<80x128xi32, #tpu.memory_space<vmem>> -> memref<1x128xi32, #tpu.memory_space<vmem>>
        %dma_start3A_299 = tpu.memref_squeeze %dma_start3A_298 : memref<1x128xi32, #tpu.memory_space<vmem>> -> memref<128xi32, #tpu.memory_space<vmem>>
        %dma_start3A_300 = arith.constant 0 : i32
        %dma_start3A_301 = arith.constant 0 : i32
        %dma_start3A_302 = tpu.memref_slice %arg14[%dma_start3A_300, %dma_start3A_301] : memref<10240x64xf32, #tpu.memory_space<vmem_shared>> -> memref<10240x64xf32, #tpu.memory_space<vmem_shared>>
        tpu.enqueue_indirect_dma source(%dma_start3A_296 : memref<128x64xf32, #tpu.memory_space<vmem>>) target(%dma_start3A_302 : memref<10240x64xf32, #tpu.memory_space<vmem_shared>>) offsets(%dma_start3A_299 : memref<128xi32, #tpu.memory_space<vmem>>) semaphore(%run_scoped3A_292 : memref<!tpu.dma_semaphore, #tpu.memory_space<semaphore_mem>>) {add = true}
        %dma_wait3A_303 = arith.constant 0 : i32
        %dma_wait3A_304 = arith.constant 0 : i32
        %dma_wait3A_305 = tpu.memref_slice %arg11[%run_scoped3A, %dma_wait3A_303, %dma_wait3A_304] : memref<4x128x64xf32, #tpu.memory_space<vmem>> -> memref<1x128x64xf32, #tpu.memory_space<vmem>>
        %dma_wait3A_306 = tpu.memref_squeeze %dma_wait3A_305 : memref<1x128x64xf32, #tpu.memory_space<vmem>> -> memref<128x64xf32, #tpu.memory_space<vmem>>
        %dma_wait3A_307 = arith.constant 0 : i32
        %dma_wait3A_308 = tpu.memref_slice %arg9[%add3A_188, %dma_wait3A_307] : memref<80x128xi32, #tpu.memory_space<vmem>> -> memref<1x128xi32, #tpu.memory_space<vmem>>
        %dma_wait3A_309 = tpu.memref_squeeze %dma_wait3A_308 : memref<1x128xi32, #tpu.memory_space<vmem>> -> memref<128xi32, #tpu.memory_space<vmem>>
        %dma_wait3A_310 = arith.constant 0 : i32
        %dma_wait3A_311 = arith.constant 0 : i32
        %dma_wait3A_312 = tpu.memref_slice %arg14[%dma_wait3A_310, %dma_wait3A_311] : memref<10240x64xf32, #tpu.memory_space<vmem_shared>> -> memref<10240x64xf32, #tpu.memory_space<vmem_shared>>
        tpu.wait_indirect_dma semaphore(%run_scoped3A_292 : memref<!tpu.dma_semaphore, #tpu.memory_space<semaphore_mem>>) src(%dma_wait3A_306 : memref<128x64xf32, #tpu.memory_space<vmem>>) dst(%dma_wait3A_312 : memref<10240x64xf32, #tpu.memory_space<vmem_shared>>)
        tpu.yield
      }) : () -> ()
      %lt3A = arith.constant 19 : i32
      %lt3A_206 = arith.cmpi slt, %scan3A_184, %lt3A : i32
      %convert_element_type3A = arith.extui %lt3A_206 : i1 to i32
      %cond3A = arith.constant 0 : i32
      %cond3A_207 = arith.cmpi ne, %convert_element_type3A, %cond3A : i32
      scf.if %cond3A_207 {
        %add3A_292 = arith.constant 4 : i32
        %add3A_293 = arith.addi %add3A_188, %add3A_292 : i32
        %dma_start3A_294 = arith.constant 0 : i32
        %dma_start3A_295 = arith.constant 0 : i32
        %dma_start3A_296 = arith.constant 0 : i32
        %dma_start3A_297 = arith.constant 0 : i32
        %dma_start3A_298 = tpu.memref_slice %arg11[%dma_start3A_294, %dma_start3A_296, %dma_start3A_297] : memref<4x128x64xf32, #tpu.memory_space<vmem>> -> memref<1x128x64xf32, #tpu.memory_space<vmem>>
        %dma_start3A_299 = tpu.memref_squeeze %dma_start3A_298 : memref<1x128x64xf32, #tpu.memory_space<vmem>> -> memref<128x64xf32, #tpu.memory_space<vmem>>
        %dma_start3A_300 = arith.constant 0 : i32
        %dma_start3A_301 = tpu.memref_slice %arg8[%add3A_293, %dma_start3A_300] : memref<80x128xi32, #tpu.memory_space<vmem>> -> memref<1x128xi32, #tpu.memory_space<vmem>>
        %dma_start3A_302 = tpu.memref_squeeze %dma_start3A_301 : memref<1x128xi32, #tpu.memory_space<vmem>> -> memref<128xi32, #tpu.memory_space<vmem>>
        %dma_start3A_303 = arith.constant 0 : i32
        %dma_start3A_304 = arith.constant 0 : i32
        %dma_start3A_305 = tpu.memref_slice %arg2[%arg0, %dma_start3A_303, %dma_start3A_304] : memref<2x10240x64xf32, #tpu.memory_space<hbm>> -> memref<1x10240x64xf32, #tpu.memory_space<hbm>>
        %dma_start3A_306 = tpu.memref_squeeze %dma_start3A_305 : memref<1x10240x64xf32, #tpu.memory_space<hbm>> -> memref<10240x64xf32, #tpu.memory_space<hbm>>
        %dma_start3A_307 = arith.constant 0 : i32
        %dma_start3A_308 = arith.constant 0 : i32
        %dma_start3A_309 = tpu.memref_slice %dma_start3A_306[%dma_start3A_307, %dma_start3A_308] : memref<10240x64xf32, #tpu.memory_space<hbm>> -> memref<10240x64xf32, #tpu.memory_space<hbm>>
        %dma_start3A_310 = tpu.memref_slice %arg15[%dma_start3A_295] : memref<4x!tpu.dma_semaphore, #tpu.memory_space<semaphore_mem>> -> memref<1x!tpu.dma_semaphore, #tpu.memory_space<semaphore_mem>>
        %dma_start3A_311 = tpu.memref_squeeze %dma_start3A_310 : memref<1x!tpu.dma_semaphore, #tpu.memory_space<semaphore_mem>> -> memref<!tpu.dma_semaphore, #tpu.memory_space<semaphore_mem>>
        tpu.enqueue_indirect_dma source(%dma_start3A_309 : memref<10240x64xf32, #tpu.memory_space<hbm>>) target(%dma_start3A_299 : memref<128x64xf32, #tpu.memory_space<vmem>>) offsets(%dma_start3A_302 : memref<128xi32, #tpu.memory_space<vmem>>) semaphore(%dma_start3A_311 : memref<!tpu.dma_semaphore, #tpu.memory_space<semaphore_mem>>)
      } else {
      }
      %mul3A_208 = arith.constant 4 : i32
      %mul3A_209 = arith.muli %scan3A_184, %mul3A_208 : i32
      %add3A_210 = arith.constant 1 : i32
      %add3A_211 = arith.addi %mul3A_209, %add3A_210 : i32
      %dma_wait3A_212 = arith.constant 1 : i32
      %dma_wait3A_213 = arith.constant 1 : i32
      %dma_wait3A_214 = arith.constant 0 : i32
      %dma_wait3A_215 = arith.constant 0 : i32
      %dma_wait3A_216 = tpu.memref_slice %arg11[%dma_wait3A_212, %dma_wait3A_214, %dma_wait3A_215] : memref<4x128x64xf32, #tpu.memory_space<vmem>> -> memref<1x128x64xf32, #tpu.memory_space<vmem>>
      %dma_wait3A_217 = tpu.memref_squeeze %dma_wait3A_216 : memref<1x128x64xf32, #tpu.memory_space<vmem>> -> memref<128x64xf32, #tpu.memory_space<vmem>>
      %dma_wait3A_218 = arith.constant 0 : i32
      %dma_wait3A_219 = tpu.memref_slice %arg8[%add3A_211, %dma_wait3A_218] : memref<80x128xi32, #tpu.memory_space<vmem>> -> memref<1x128xi32, #tpu.memory_space<vmem>>
      %dma_wait3A_220 = tpu.memref_squeeze %dma_wait3A_219 : memref<1x128xi32, #tpu.memory_space<vmem>> -> memref<128xi32, #tpu.memory_space<vmem>>
      %dma_wait3A_221 = arith.constant 0 : i32
      %dma_wait3A_222 = arith.constant 0 : i32
      %dma_wait3A_223 = tpu.memref_slice %arg2[%arg0, %dma_wait3A_221, %dma_wait3A_222] : memref<2x10240x64xf32, #tpu.memory_space<hbm>> -> memref<1x10240x64xf32, #tpu.memory_space<hbm>>
      %dma_wait3A_224 = tpu.memref_squeeze %dma_wait3A_223 : memref<1x10240x64xf32, #tpu.memory_space<hbm>> -> memref<10240x64xf32, #tpu.memory_space<hbm>>
      %dma_wait3A_225 = arith.constant 0 : i32
      %dma_wait3A_226 = arith.constant 0 : i32
      %dma_wait3A_227 = tpu.memref_slice %dma_wait3A_224[%dma_wait3A_225, %dma_wait3A_226] : memref<10240x64xf32, #tpu.memory_space<hbm>> -> memref<10240x64xf32, #tpu.memory_space<hbm>>
      %dma_wait3A_228 = tpu.memref_slice %arg15[%dma_wait3A_213] : memref<4x!tpu.dma_semaphore, #tpu.memory_space<semaphore_mem>> -> memref<1x!tpu.dma_semaphore, #tpu.memory_space<semaphore_mem>>
      %dma_wait3A_229 = tpu.memref_squeeze %dma_wait3A_228 : memref<1x!tpu.dma_semaphore, #tpu.memory_space<semaphore_mem>> -> memref<!tpu.dma_semaphore, #tpu.memory_space<semaphore_mem>>
      tpu.wait_indirect_dma semaphore(%dma_wait3A_229 : memref<!tpu.dma_semaphore, #tpu.memory_space<semaphore_mem>>) src(%dma_wait3A_227 : memref<10240x64xf32, #tpu.memory_space<hbm>>) dst(%dma_wait3A_217 : memref<128x64xf32, #tpu.memory_space<vmem>>)
      %run_scoped3A_230 = arith.constant 1 : i32
      "tpu.region"() ({
        %run_scoped3A_292 = tpu.sem_alloc : memref<!tpu.dma_semaphore, #tpu.memory_space<semaphore_mem>>
        %dma_start3A_293 = arith.constant 0 : i32
        %dma_start3A_294 = arith.constant 0 : i32
        %dma_start3A_295 = tpu.memref_slice %arg11[%run_scoped3A_230, %dma_start3A_293, %dma_start3A_294] : memref<4x128x64xf32, #tpu.memory_space<vmem>> -> memref<1x128x64xf32, #tpu.memory_space<vmem>>
        %dma_start3A_296 = tpu.memref_squeeze %dma_start3A_295 : memref<1x128x64xf32, #tpu.memory_space<vmem>> -> memref<128x64xf32, #tpu.memory_space<vmem>>
        %dma_start3A_297 = arith.constant 0 : i32
        %dma_start3A_298 = tpu.memref_slice %arg9[%add3A_211, %dma_start3A_297] : memref<80x128xi32, #tpu.memory_space<vmem>> -> memref<1x128xi32, #tpu.memory_space<vmem>>
        %dma_start3A_299 = tpu.memref_squeeze %dma_start3A_298 : memref<1x128xi32, #tpu.memory_space<vmem>> -> memref<128xi32, #tpu.memory_space<vmem>>
        %dma_start3A_300 = arith.constant 0 : i32
        %dma_start3A_301 = arith.constant 0 : i32
        %dma_start3A_302 = tpu.memref_slice %arg14[%dma_start3A_300, %dma_start3A_301] : memref<10240x64xf32, #tpu.memory_space<vmem_shared>> -> memref<10240x64xf32, #tpu.memory_space<vmem_shared>>
        tpu.enqueue_indirect_dma source(%dma_start3A_296 : memref<128x64xf32, #tpu.memory_space<vmem>>) target(%dma_start3A_302 : memref<10240x64xf32, #tpu.memory_space<vmem_shared>>) offsets(%dma_start3A_299 : memref<128xi32, #tpu.memory_space<vmem>>) semaphore(%run_scoped3A_292 : memref<!tpu.dma_semaphore, #tpu.memory_space<semaphore_mem>>) {add = true}
        %dma_wait3A_303 = arith.constant 0 : i32
        %dma_wait3A_304 = arith.constant 0 : i32
        %dma_wait3A_305 = tpu.memref_slice %arg11[%run_scoped3A_230, %dma_wait3A_303, %dma_wait3A_304] : memref<4x128x64xf32, #tpu.memory_space<vmem>> -> memref<1x128x64xf32, #tpu.memory_space<vmem>>
        %dma_wait3A_306 = tpu.memref_squeeze %dma_wait3A_305 : memref<1x128x64xf32, #tpu.memory_space<vmem>> -> memref<128x64xf32, #tpu.memory_space<vmem>>
        %dma_wait3A_307 = arith.constant 0 : i32
        %dma_wait3A_308 = tpu.memref_slice %arg9[%add3A_211, %dma_wait3A_307] : memref<80x128xi32, #tpu.memory_space<vmem>> -> memref<1x128xi32, #tpu.memory_space<vmem>>
        %dma_wait3A_309 = tpu.memref_squeeze %dma_wait3A_308 : memref<1x128xi32, #tpu.memory_space<vmem>> -> memref<128xi32, #tpu.memory_space<vmem>>
        %dma_wait3A_310 = arith.constant 0 : i32
        %dma_wait3A_311 = arith.constant 0 : i32
        %dma_wait3A_312 = tpu.memref_slice %arg14[%dma_wait3A_310, %dma_wait3A_311] : memref<10240x64xf32, #tpu.memory_space<vmem_shared>> -> memref<10240x64xf32, #tpu.memory_space<vmem_shared>>
        tpu.wait_indirect_dma semaphore(%run_scoped3A_292 : memref<!tpu.dma_semaphore, #tpu.memory_space<semaphore_mem>>) src(%dma_wait3A_306 : memref<128x64xf32, #tpu.memory_space<vmem>>) dst(%dma_wait3A_312 : memref<10240x64xf32, #tpu.memory_space<vmem_shared>>)
        tpu.yield
      }) : () -> ()
      %lt3A_231 = arith.constant 19 : i32
      %lt3A_232 = arith.cmpi slt, %scan3A_184, %lt3A_231 : i32
      %convert_element_type3A_233 = arith.extui %lt3A_232 : i1 to i32
      %cond3A_234 = arith.constant 0 : i32
      %cond3A_235 = arith.cmpi ne, %convert_element_type3A_233, %cond3A_234 : i32
      scf.if %cond3A_235 {
        %add3A_292 = arith.constant 4 : i32
        %add3A_293 = arith.addi %add3A_211, %add3A_292 : i32
        %dma_start3A_294 = arith.constant 1 : i32
        %dma_start3A_295 = arith.constant 1 : i32
        %dma_start3A_296 = arith.constant 0 : i32
        %dma_start3A_297 = arith.constant 0 : i32
        %dma_start3A_298 = tpu.memref_slice %arg11[%dma_start3A_294, %dma_start3A_296, %dma_start3A_297] : memref<4x128x64xf32, #tpu.memory_space<vmem>> -> memref<1x128x64xf32, #tpu.memory_space<vmem>>
        %dma_start3A_299 = tpu.memref_squeeze %dma_start3A_298 : memref<1x128x64xf32, #tpu.memory_space<vmem>> -> memref<128x64xf32, #tpu.memory_space<vmem>>
        %dma_start3A_300 = arith.constant 0 : i32
        %dma_start3A_301 = tpu.memref_slice %arg8[%add3A_293, %dma_start3A_300] : memref<80x128xi32, #tpu.memory_space<vmem>> -> memref<1x128xi32, #tpu.memory_space<vmem>>
        %dma_start3A_302 = tpu.memref_squeeze %dma_start3A_301 : memref<1x128xi32, #tpu.memory_space<vmem>> -> memref<128xi32, #tpu.memory_space<vmem>>
        %dma_start3A_303 = arith.constant 0 : i32
        %dma_start3A_304 = arith.constant 0 : i32
        %dma_start3A_305 = tpu.memref_slice %arg2[%arg0, %dma_start3A_303, %dma_start3A_304] : memref<2x10240x64xf32, #tpu.memory_space<hbm>> -> memref<1x10240x64xf32, #tpu.memory_space<hbm>>
        %dma_start3A_306 = tpu.memref_squeeze %dma_start3A_305 : memref<1x10240x64xf32, #tpu.memory_space<hbm>> -> memref<10240x64xf32, #tpu.memory_space<hbm>>
        %dma_start3A_307 = arith.constant 0 : i32
        %dma_start3A_308 = arith.constant 0 : i32
        %dma_start3A_309 = tpu.memref_slice %dma_start3A_306[%dma_start3A_307, %dma_start3A_308] : memref<10240x64xf32, #tpu.memory_space<hbm>> -> memref<10240x64xf32, #tpu.memory_space<hbm>>
        %dma_start3A_310 = tpu.memref_slice %arg15[%dma_start3A_295] : memref<4x!tpu.dma_semaphore, #tpu.memory_space<semaphore_mem>> -> memref<1x!tpu.dma_semaphore, #tpu.memory_space<semaphore_mem>>
        %dma_start3A_311 = tpu.memref_squeeze %dma_start3A_310 : memref<1x!tpu.dma_semaphore, #tpu.memory_space<semaphore_mem>> -> memref<!tpu.dma_semaphore, #tpu.memory_space<semaphore_mem>>
        tpu.enqueue_indirect_dma source(%dma_start3A_309 : memref<10240x64xf32, #tpu.memory_space<hbm>>) target(%dma_start3A_299 : memref<128x64xf32, #tpu.memory_space<vmem>>) offsets(%dma_start3A_302 : memref<128xi32, #tpu.memory_space<vmem>>) semaphore(%dma_start3A_311 : memref<!tpu.dma_semaphore, #tpu.memory_space<semaphore_mem>>)
      } else {
      }
      %mul3A_236 = arith.constant 4 : i32
      %mul3A_237 = arith.muli %scan3A_184, %mul3A_236 : i32
      %add3A_238 = arith.constant 2 : i32
      %add3A_239 = arith.addi %mul3A_237, %add3A_238 : i32
      %dma_wait3A_240 = arith.constant 2 : i32
      %dma_wait3A_241 = arith.constant 2 : i32
      %dma_wait3A_242 = arith.constant 0 : i32
      %dma_wait3A_243 = arith.constant 0 : i32
      %dma_wait3A_244 = tpu.memref_slice %arg11[%dma_wait3A_240, %dma_wait3A_242, %dma_wait3A_243] : memref<4x128x64xf32, #tpu.memory_space<vmem>> -> memref<1x128x64xf32, #tpu.memory_space<vmem>>
      %dma_wait3A_245 = tpu.memref_squeeze %dma_wait3A_244 : memref<1x128x64xf32, #tpu.memory_space<vmem>> -> memref<128x64xf32, #tpu.memory_space<vmem>>
      %dma_wait3A_246 = arith.constant 0 : i32
      %dma_wait3A_247 = tpu.memref_slice %arg8[%add3A_239, %dma_wait3A_246] : memref<80x128xi32, #tpu.memory_space<vmem>> -> memref<1x128xi32, #tpu.memory_space<vmem>>
      %dma_wait3A_248 = tpu.memref_squeeze %dma_wait3A_247 : memref<1x128xi32, #tpu.memory_space<vmem>> -> memref<128xi32, #tpu.memory_space<vmem>>
      %dma_wait3A_249 = arith.constant 0 : i32
      %dma_wait3A_250 = arith.constant 0 : i32
      %dma_wait3A_251 = tpu.memref_slice %arg2[%arg0, %dma_wait3A_249, %dma_wait3A_250] : memref<2x10240x64xf32, #tpu.memory_space<hbm>> -> memref<1x10240x64xf32, #tpu.memory_space<hbm>>
      %dma_wait3A_252 = tpu.memref_squeeze %dma_wait3A_251 : memref<1x10240x64xf32, #tpu.memory_space<hbm>> -> memref<10240x64xf32, #tpu.memory_space<hbm>>
      %dma_wait3A_253 = arith.constant 0 : i32
      %dma_wait3A_254 = arith.constant 0 : i32
      %dma_wait3A_255 = tpu.memref_slice %dma_wait3A_252[%dma_wait3A_253, %dma_wait3A_254] : memref<10240x64xf32, #tpu.memory_space<hbm>> -> memref<10240x64xf32, #tpu.memory_space<hbm>>
      %dma_wait3A_256 = tpu.memref_slice %arg15[%dma_wait3A_241] : memref<4x!tpu.dma_semaphore, #tpu.memory_space<semaphore_mem>> -> memref<1x!tpu.dma_semaphore, #tpu.memory_space<semaphore_mem>>
      %dma_wait3A_257 = tpu.memref_squeeze %dma_wait3A_256 : memref<1x!tpu.dma_semaphore, #tpu.memory_space<semaphore_mem>> -> memref<!tpu.dma_semaphore, #tpu.memory_space<semaphore_mem>>
      tpu.wait_indirect_dma semaphore(%dma_wait3A_257 : memref<!tpu.dma_semaphore, #tpu.memory_space<semaphore_mem>>) src(%dma_wait3A_255 : memref<10240x64xf32, #tpu.memory_space<hbm>>) dst(%dma_wait3A_245 : memref<128x64xf32, #tpu.memory_space<vmem>>)
      %run_scoped3A_258 = arith.constant 2 : i32
      "tpu.region"() ({
        %run_scoped3A_292 = tpu.sem_alloc : memref<!tpu.dma_semaphore, #tpu.memory_space<semaphore_mem>>
        %dma_start3A_293 = arith.constant 0 : i32
        %dma_start3A_294 = arith.constant 0 : i32
        %dma_start3A_295 = tpu.memref_slice %arg11[%run_scoped3A_258, %dma_start3A_293, %dma_start3A_294] : memref<4x128x64xf32, #tpu.memory_space<vmem>> -> memref<1x128x64xf32, #tpu.memory_space<vmem>>
        %dma_start3A_296 = tpu.memref_squeeze %dma_start3A_295 : memref<1x128x64xf32, #tpu.memory_space<vmem>> -> memref<128x64xf32, #tpu.memory_space<vmem>>
        %dma_start3A_297 = arith.constant 0 : i32
        %dma_start3A_298 = tpu.memref_slice %arg9[%add3A_239, %dma_start3A_297] : memref<80x128xi32, #tpu.memory_space<vmem>> -> memref<1x128xi32, #tpu.memory_space<vmem>>
        %dma_start3A_299 = tpu.memref_squeeze %dma_start3A_298 : memref<1x128xi32, #tpu.memory_space<vmem>> -> memref<128xi32, #tpu.memory_space<vmem>>
        %dma_start3A_300 = arith.constant 0 : i32
        %dma_start3A_301 = arith.constant 0 : i32
        %dma_start3A_302 = tpu.memref_slice %arg14[%dma_start3A_300, %dma_start3A_301] : memref<10240x64xf32, #tpu.memory_space<vmem_shared>> -> memref<10240x64xf32, #tpu.memory_space<vmem_shared>>
        tpu.enqueue_indirect_dma source(%dma_start3A_296 : memref<128x64xf32, #tpu.memory_space<vmem>>) target(%dma_start3A_302 : memref<10240x64xf32, #tpu.memory_space<vmem_shared>>) offsets(%dma_start3A_299 : memref<128xi32, #tpu.memory_space<vmem>>) semaphore(%run_scoped3A_292 : memref<!tpu.dma_semaphore, #tpu.memory_space<semaphore_mem>>) {add = true}
        %dma_wait3A_303 = arith.constant 0 : i32
        %dma_wait3A_304 = arith.constant 0 : i32
        %dma_wait3A_305 = tpu.memref_slice %arg11[%run_scoped3A_258, %dma_wait3A_303, %dma_wait3A_304] : memref<4x128x64xf32, #tpu.memory_space<vmem>> -> memref<1x128x64xf32, #tpu.memory_space<vmem>>
        %dma_wait3A_306 = tpu.memref_squeeze %dma_wait3A_305 : memref<1x128x64xf32, #tpu.memory_space<vmem>> -> memref<128x64xf32, #tpu.memory_space<vmem>>
        %dma_wait3A_307 = arith.constant 0 : i32
        %dma_wait3A_308 = tpu.memref_slice %arg9[%add3A_239, %dma_wait3A_307] : memref<80x128xi32, #tpu.memory_space<vmem>> -> memref<1x128xi32, #tpu.memory_space<vmem>>
        %dma_wait3A_309 = tpu.memref_squeeze %dma_wait3A_308 : memref<1x128xi32, #tpu.memory_space<vmem>> -> memref<128xi32, #tpu.memory_space<vmem>>
        %dma_wait3A_310 = arith.constant 0 : i32
        %dma_wait3A_311 = arith.constant 0 : i32
        %dma_wait3A_312 = tpu.memref_slice %arg14[%dma_wait3A_310, %dma_wait3A_311] : memref<10240x64xf32, #tpu.memory_space<vmem_shared>> -> memref<10240x64xf32, #tpu.memory_space<vmem_shared>>
        tpu.wait_indirect_dma semaphore(%run_scoped3A_292 : memref<!tpu.dma_semaphore, #tpu.memory_space<semaphore_mem>>) src(%dma_wait3A_306 : memref<128x64xf32, #tpu.memory_space<vmem>>) dst(%dma_wait3A_312 : memref<10240x64xf32, #tpu.memory_space<vmem_shared>>)
        tpu.yield
      }) : () -> ()
      %lt3A_259 = arith.constant 19 : i32
      %lt3A_260 = arith.cmpi slt, %scan3A_184, %lt3A_259 : i32
      %convert_element_type3A_261 = arith.extui %lt3A_260 : i1 to i32
      %cond3A_262 = arith.constant 0 : i32
      %cond3A_263 = arith.cmpi ne, %convert_element_type3A_261, %cond3A_262 : i32
      scf.if %cond3A_263 {
        %add3A_292 = arith.constant 4 : i32
        %add3A_293 = arith.addi %add3A_239, %add3A_292 : i32
        %dma_start3A_294 = arith.constant 2 : i32
        %dma_start3A_295 = arith.constant 2 : i32
        %dma_start3A_296 = arith.constant 0 : i32
        %dma_start3A_297 = arith.constant 0 : i32
        %dma_start3A_298 = tpu.memref_slice %arg11[%dma_start3A_294, %dma_start3A_296, %dma_start3A_297] : memref<4x128x64xf32, #tpu.memory_space<vmem>> -> memref<1x128x64xf32, #tpu.memory_space<vmem>>
        %dma_start3A_299 = tpu.memref_squeeze %dma_start3A_298 : memref<1x128x64xf32, #tpu.memory_space<vmem>> -> memref<128x64xf32, #tpu.memory_space<vmem>>
        %dma_start3A_300 = arith.constant 0 : i32
        %dma_start3A_301 = tpu.memref_slice %arg8[%add3A_293, %dma_start3A_300] : memref<80x128xi32, #tpu.memory_space<vmem>> -> memref<1x128xi32, #tpu.memory_space<vmem>>
        %dma_start3A_302 = tpu.memref_squeeze %dma_start3A_301 : memref<1x128xi32, #tpu.memory_space<vmem>> -> memref<128xi32, #tpu.memory_space<vmem>>
        %dma_start3A_303 = arith.constant 0 : i32
        %dma_start3A_304 = arith.constant 0 : i32
        %dma_start3A_305 = tpu.memref_slice %arg2[%arg0, %dma_start3A_303, %dma_start3A_304] : memref<2x10240x64xf32, #tpu.memory_space<hbm>> -> memref<1x10240x64xf32, #tpu.memory_space<hbm>>
        %dma_start3A_306 = tpu.memref_squeeze %dma_start3A_305 : memref<1x10240x64xf32, #tpu.memory_space<hbm>> -> memref<10240x64xf32, #tpu.memory_space<hbm>>
        %dma_start3A_307 = arith.constant 0 : i32
        %dma_start3A_308 = arith.constant 0 : i32
        %dma_start3A_309 = tpu.memref_slice %dma_start3A_306[%dma_start3A_307, %dma_start3A_308] : memref<10240x64xf32, #tpu.memory_space<hbm>> -> memref<10240x64xf32, #tpu.memory_space<hbm>>
        %dma_start3A_310 = tpu.memref_slice %arg15[%dma_start3A_295] : memref<4x!tpu.dma_semaphore, #tpu.memory_space<semaphore_mem>> -> memref<1x!tpu.dma_semaphore, #tpu.memory_space<semaphore_mem>>
        %dma_start3A_311 = tpu.memref_squeeze %dma_start3A_310 : memref<1x!tpu.dma_semaphore, #tpu.memory_space<semaphore_mem>> -> memref<!tpu.dma_semaphore, #tpu.memory_space<semaphore_mem>>
        tpu.enqueue_indirect_dma source(%dma_start3A_309 : memref<10240x64xf32, #tpu.memory_space<hbm>>) target(%dma_start3A_299 : memref<128x64xf32, #tpu.memory_space<vmem>>) offsets(%dma_start3A_302 : memref<128xi32, #tpu.memory_space<vmem>>) semaphore(%dma_start3A_311 : memref<!tpu.dma_semaphore, #tpu.memory_space<semaphore_mem>>)
      } else {
      }
      %mul3A_264 = arith.constant 4 : i32
      %mul3A_265 = arith.muli %scan3A_184, %mul3A_264 : i32
      %add3A_266 = arith.constant 3 : i32
      %add3A_267 = arith.addi %mul3A_265, %add3A_266 : i32
      %dma_wait3A_268 = arith.constant 3 : i32
      %dma_wait3A_269 = arith.constant 3 : i32
      %dma_wait3A_270 = arith.constant 0 : i32
      %dma_wait3A_271 = arith.constant 0 : i32
      %dma_wait3A_272 = tpu.memref_slice %arg11[%dma_wait3A_268, %dma_wait3A_270, %dma_wait3A_271] : memref<4x128x64xf32, #tpu.memory_space<vmem>> -> memref<1x128x64xf32, #tpu.memory_space<vmem>>
      %dma_wait3A_273 = tpu.memref_squeeze %dma_wait3A_272 : memref<1x128x64xf32, #tpu.memory_space<vmem>> -> memref<128x64xf32, #tpu.memory_space<vmem>>
      %dma_wait3A_274 = arith.constant 0 : i32
      %dma_wait3A_275 = tpu.memref_slice %arg8[%add3A_267, %dma_wait3A_274] : memref<80x128xi32, #tpu.memory_space<vmem>> -> memref<1x128xi32, #tpu.memory_space<vmem>>
      %dma_wait3A_276 = tpu.memref_squeeze %dma_wait3A_275 : memref<1x128xi32, #tpu.memory_space<vmem>> -> memref<128xi32, #tpu.memory_space<vmem>>
      %dma_wait3A_277 = arith.constant 0 : i32
      %dma_wait3A_278 = arith.constant 0 : i32
      %dma_wait3A_279 = tpu.memref_slice %arg2[%arg0, %dma_wait3A_277, %dma_wait3A_278] : memref<2x10240x64xf32, #tpu.memory_space<hbm>> -> memref<1x10240x64xf32, #tpu.memory_space<hbm>>
      %dma_wait3A_280 = tpu.memref_squeeze %dma_wait3A_279 : memref<1x10240x64xf32, #tpu.memory_space<hbm>> -> memref<10240x64xf32, #tpu.memory_space<hbm>>
      %dma_wait3A_281 = arith.constant 0 : i32
      %dma_wait3A_282 = arith.constant 0 : i32
      %dma_wait3A_283 = tpu.memref_slice %dma_wait3A_280[%dma_wait3A_281, %dma_wait3A_282] : memref<10240x64xf32, #tpu.memory_space<hbm>> -> memref<10240x64xf32, #tpu.memory_space<hbm>>
      %dma_wait3A_284 = tpu.memref_slice %arg15[%dma_wait3A_269] : memref<4x!tpu.dma_semaphore, #tpu.memory_space<semaphore_mem>> -> memref<1x!tpu.dma_semaphore, #tpu.memory_space<semaphore_mem>>
      %dma_wait3A_285 = tpu.memref_squeeze %dma_wait3A_284 : memref<1x!tpu.dma_semaphore, #tpu.memory_space<semaphore_mem>> -> memref<!tpu.dma_semaphore, #tpu.memory_space<semaphore_mem>>
      tpu.wait_indirect_dma semaphore(%dma_wait3A_285 : memref<!tpu.dma_semaphore, #tpu.memory_space<semaphore_mem>>) src(%dma_wait3A_283 : memref<10240x64xf32, #tpu.memory_space<hbm>>) dst(%dma_wait3A_273 : memref<128x64xf32, #tpu.memory_space<vmem>>)
      %run_scoped3A_286 = arith.constant 3 : i32
      "tpu.region"() ({
        %run_scoped3A_292 = tpu.sem_alloc : memref<!tpu.dma_semaphore, #tpu.memory_space<semaphore_mem>>
        %dma_start3A_293 = arith.constant 0 : i32
        %dma_start3A_294 = arith.constant 0 : i32
        %dma_start3A_295 = tpu.memref_slice %arg11[%run_scoped3A_286, %dma_start3A_293, %dma_start3A_294] : memref<4x128x64xf32, #tpu.memory_space<vmem>> -> memref<1x128x64xf32, #tpu.memory_space<vmem>>
        %dma_start3A_296 = tpu.memref_squeeze %dma_start3A_295 : memref<1x128x64xf32, #tpu.memory_space<vmem>> -> memref<128x64xf32, #tpu.memory_space<vmem>>
        %dma_start3A_297 = arith.constant 0 : i32
        %dma_start3A_298 = tpu.memref_slice %arg9[%add3A_267, %dma_start3A_297] : memref<80x128xi32, #tpu.memory_space<vmem>> -> memref<1x128xi32, #tpu.memory_space<vmem>>
        %dma_start3A_299 = tpu.memref_squeeze %dma_start3A_298 : memref<1x128xi32, #tpu.memory_space<vmem>> -> memref<128xi32, #tpu.memory_space<vmem>>
        %dma_start3A_300 = arith.constant 0 : i32
        %dma_start3A_301 = arith.constant 0 : i32
        %dma_start3A_302 = tpu.memref_slice %arg14[%dma_start3A_300, %dma_start3A_301] : memref<10240x64xf32, #tpu.memory_space<vmem_shared>> -> memref<10240x64xf32, #tpu.memory_space<vmem_shared>>
        tpu.enqueue_indirect_dma source(%dma_start3A_296 : memref<128x64xf32, #tpu.memory_space<vmem>>) target(%dma_start3A_302 : memref<10240x64xf32, #tpu.memory_space<vmem_shared>>) offsets(%dma_start3A_299 : memref<128xi32, #tpu.memory_space<vmem>>) semaphore(%run_scoped3A_292 : memref<!tpu.dma_semaphore, #tpu.memory_space<semaphore_mem>>) {add = true}
        %dma_wait3A_303 = arith.constant 0 : i32
        %dma_wait3A_304 = arith.constant 0 : i32
        %dma_wait3A_305 = tpu.memref_slice %arg11[%run_scoped3A_286, %dma_wait3A_303, %dma_wait3A_304] : memref<4x128x64xf32, #tpu.memory_space<vmem>> -> memref<1x128x64xf32, #tpu.memory_space<vmem>>
        %dma_wait3A_306 = tpu.memref_squeeze %dma_wait3A_305 : memref<1x128x64xf32, #tpu.memory_space<vmem>> -> memref<128x64xf32, #tpu.memory_space<vmem>>
        %dma_wait3A_307 = arith.constant 0 : i32
        %dma_wait3A_308 = tpu.memref_slice %arg9[%add3A_267, %dma_wait3A_307] : memref<80x128xi32, #tpu.memory_space<vmem>> -> memref<1x128xi32, #tpu.memory_space<vmem>>
        %dma_wait3A_309 = tpu.memref_squeeze %dma_wait3A_308 : memref<1x128xi32, #tpu.memory_space<vmem>> -> memref<128xi32, #tpu.memory_space<vmem>>
        %dma_wait3A_310 = arith.constant 0 : i32
        %dma_wait3A_311 = arith.constant 0 : i32
        %dma_wait3A_312 = tpu.memref_slice %arg14[%dma_wait3A_310, %dma_wait3A_311] : memref<10240x64xf32, #tpu.memory_space<vmem_shared>> -> memref<10240x64xf32, #tpu.memory_space<vmem_shared>>
        tpu.wait_indirect_dma semaphore(%run_scoped3A_292 : memref<!tpu.dma_semaphore, #tpu.memory_space<semaphore_mem>>) src(%dma_wait3A_306 : memref<128x64xf32, #tpu.memory_space<vmem>>) dst(%dma_wait3A_312 : memref<10240x64xf32, #tpu.memory_space<vmem_shared>>)
        tpu.yield
      }) : () -> ()
      %lt3A_287 = arith.constant 19 : i32
      %lt3A_288 = arith.cmpi slt, %scan3A_184, %lt3A_287 : i32
      %convert_element_type3A_289 = arith.extui %lt3A_288 : i1 to i32
      %cond3A_290 = arith.constant 0 : i32
      %cond3A_291 = arith.cmpi ne, %convert_element_type3A_289, %cond3A_290 : i32
      scf.if %cond3A_291 {
        %add3A_292 = arith.constant 4 : i32
        %add3A_293 = arith.addi %add3A_267, %add3A_292 : i32
        %dma_start3A_294 = arith.constant 3 : i32
        %dma_start3A_295 = arith.constant 3 : i32
        %dma_start3A_296 = arith.constant 0 : i32
        %dma_start3A_297 = arith.constant 0 : i32
        %dma_start3A_298 = tpu.memref_slice %arg11[%dma_start3A_294, %dma_start3A_296, %dma_start3A_297] : memref<4x128x64xf32, #tpu.memory_space<vmem>> -> memref<1x128x64xf32, #tpu.memory_space<vmem>>
        %dma_start3A_299 = tpu.memref_squeeze %dma_start3A_298 : memref<1x128x64xf32, #tpu.memory_space<vmem>> -> memref<128x64xf32, #tpu.memory_space<vmem>>
        %dma_start3A_300 = arith.constant 0 : i32
        %dma_start3A_301 = tpu.memref_slice %arg8[%add3A_293, %dma_start3A_300] : memref<80x128xi32, #tpu.memory_space<vmem>> -> memref<1x128xi32, #tpu.memory_space<vmem>>
        %dma_start3A_302 = tpu.memref_squeeze %dma_start3A_301 : memref<1x128xi32, #tpu.memory_space<vmem>> -> memref<128xi32, #tpu.memory_space<vmem>>
        %dma_start3A_303 = arith.constant 0 : i32
        %dma_start3A_304 = arith.constant 0 : i32
        %dma_start3A_305 = tpu.memref_slice %arg2[%arg0, %dma_start3A_303, %dma_start3A_304] : memref<2x10240x64xf32, #tpu.memory_space<hbm>> -> memref<1x10240x64xf32, #tpu.memory_space<hbm>>
        %dma_start3A_306 = tpu.memref_squeeze %dma_start3A_305 : memref<1x10240x64xf32, #tpu.memory_space<hbm>> -> memref<10240x64xf32, #tpu.memory_space<hbm>>
        %dma_start3A_307 = arith.constant 0 : i32
        %dma_start3A_308 = arith.constant 0 : i32
        %dma_start3A_309 = tpu.memref_slice %dma_start3A_306[%dma_start3A_307, %dma_start3A_308] : memref<10240x64xf32, #tpu.memory_space<hbm>> -> memref<10240x64xf32, #tpu.memory_space<hbm>>
        %dma_start3A_310 = tpu.memref_slice %arg15[%dma_start3A_295] : memref<4x!tpu.dma_semaphore, #tpu.memory_space<semaphore_mem>> -> memref<1x!tpu.dma_semaphore, #tpu.memory_space<semaphore_mem>>
        %dma_start3A_311 = tpu.memref_squeeze %dma_start3A_310 : memref<1x!tpu.dma_semaphore, #tpu.memory_space<semaphore_mem>> -> memref<!tpu.dma_semaphore, #tpu.memory_space<semaphore_mem>>
        tpu.enqueue_indirect_dma source(%dma_start3A_309 : memref<10240x64xf32, #tpu.memory_space<hbm>>) target(%dma_start3A_299 : memref<128x64xf32, #tpu.memory_space<vmem>>) offsets(%dma_start3A_302 : memref<128xi32, #tpu.memory_space<vmem>>) semaphore(%dma_start3A_311 : memref<!tpu.dma_semaphore, #tpu.memory_space<semaphore_mem>>)
      } else {
      }
    }
    %scan3A_172 = arith.constant 20 : i32
    %scan3A_173 = arith.constant 0 : i32
    %scan3A_174 = arith.constant 0 : i32
    %scan3A_175 = arith.constant 40 : i32
    %scan3A_176 = arith.addi %scan3A_174, %scan3A_175 : i32
    %scan3A_177 = arith.constant 1 : i32
    scf.for %scan3A_184 = %scan3A_174 to %scan3A_176 step %scan3A_177  : i32 {
      %mul3A_185 = arith.constant 40 : i32
      %mul3A_186 = arith.muli %arg0, %mul3A_185 : i32
      %add3A_187 = arith.addi %mul3A_186, %scan3A_184 : i32
      %get3A = arith.index_cast %add3A_187 : i32 to index
      %get3A_188 = arith.constant 0 : index
      %get3A_189 = tpu.vector_load %arg9[%get3A, %get3A_188] {strides = array<i32>} : memref<80x128xi32, #tpu.memory_space<vmem>>, vector<16xi32>,
      %get3A_190 = arith.index_cast %add3A_187 : i32 to index
      %get3A_191 = arith.constant 0 : index
      %get3A_192 = tpu.vector_load %arg10[%get3A_190, %get3A_191] {strides = array<i32>} : memref<80x128xf32, #tpu.memory_space<vmem>>, vector<16xf32>,
      tpu.vector_store_idx %arg13[%get3A_189], %get3A_192 {add = true} : memref<10240xf32, #tpu.memory_space<vmem>>[vector<16xi32>], vector<16xf32>,
      %get3A_193 = arith.index_cast %add3A_187 : i32 to index
      %get3A_194 = arith.constant 16 : index
      %get3A_195 = tpu.vector_load %arg9[%get3A_193, %get3A_194] {strides = array<i32>} : memref<80x128xi32, #tpu.memory_space<vmem>>, vector<16xi32>,
      %get3A_196 = arith.index_cast %add3A_187 : i32 to index
      %get3A_197 = arith.constant 16 : index
      %get3A_198 = tpu.vector_load %arg10[%get3A_196, %get3A_197] {strides = array<i32>} : memref<80x128xf32, #tpu.memory_space<vmem>>, vector<16xf32>,
      tpu.vector_store_idx %arg13[%get3A_195], %get3A_198 {add = true} : memref<10240xf32, #tpu.memory_space<vmem>>[vector<16xi32>], vector<16xf32>,
      %get3A_199 = arith.index_cast %add3A_187 : i32 to index
      %get3A_200 = arith.constant 32 : index
      %get3A_201 = tpu.vector_load %arg9[%get3A_199, %get3A_200] {strides = array<i32>} : memref<80x128xi32, #tpu.memory_space<vmem>>, vector<16xi32>,
      %get3A_202 = arith.index_cast %add3A_187 : i32 to index
      %get3A_203 = arith.constant 32 : index
      %get3A_204 = tpu.vector_load %arg10[%get3A_202, %get3A_203] {strides = array<i32>} : memref<80x128xf32, #tpu.memory_space<vmem>>, vector<16xf32>,
      tpu.vector_store_idx %arg13[%get3A_201], %get3A_204 {add = true} : memref<10240xf32, #tpu.memory_space<vmem>>[vector<16xi32>], vector<16xf32>,
      %get3A_205 = arith.index_cast %add3A_187 : i32 to index
      %get3A_206 = arith.constant 48 : index
      %get3A_207 = tpu.vector_load %arg9[%get3A_205, %get3A_206] {strides = array<i32>} : memref<80x128xi32, #tpu.memory_space<vmem>>, vector<16xi32>,
      %get3A_208 = arith.index_cast %add3A_187 : i32 to index
      %get3A_209 = arith.constant 48 : index
      %get3A_210 = tpu.vector_load %arg10[%get3A_208, %get3A_209] {strides = array<i32>} : memref<80x128xf32, #tpu.memory_space<vmem>>, vector<16xf32>,
      tpu.vector_store_idx %arg13[%get3A_207], %get3A_210 {add = true} : memref<10240xf32, #tpu.memory_space<vmem>>[vector<16xi32>], vector<16xf32>,
      %get3A_211 = arith.index_cast %add3A_187 : i32 to index
      %get3A_212 = arith.constant 64 : index
      %get3A_213 = tpu.vector_load %arg9[%get3A_211, %get3A_212] {strides = array<i32>} : memref<80x128xi32, #tpu.memory_space<vmem>>, vector<16xi32>,
      %get3A_214 = arith.index_cast %add3A_187 : i32 to index
      %get3A_215 = arith.constant 64 : index
      %get3A_216 = tpu.vector_load %arg10[%get3A_214, %get3A_215] {strides = array<i32>} : memref<80x128xf32, #tpu.memory_space<vmem>>, vector<16xf32>,
      tpu.vector_store_idx %arg13[%get3A_213], %get3A_216 {add = true} : memref<10240xf32, #tpu.memory_space<vmem>>[vector<16xi32>], vector<16xf32>,
      %get3A_217 = arith.index_cast %add3A_187 : i32 to index
      %get3A_218 = arith.constant 80 : index
      %get3A_219 = tpu.vector_load %arg9[%get3A_217, %get3A_218] {strides = array<i32>} : memref<80x128xi32, #tpu.memory_space<vmem>>, vector<16xi32>,
      %get3A_220 = arith.index_cast %add3A_187 : i32 to index
      %get3A_221 = arith.constant 80 : index
      %get3A_222 = tpu.vector_load %arg10[%get3A_220, %get3A_221] {strides = array<i32>} : memref<80x128xf32, #tpu.memory_space<vmem>>, vector<16xf32>,
      tpu.vector_store_idx %arg13[%get3A_219], %get3A_222 {add = true} : memref<10240xf32, #tpu.memory_space<vmem>>[vector<16xi32>], vector<16xf32>,
      %get3A_223 = arith.index_cast %add3A_187 : i32 to index
      %get3A_224 = arith.constant 96 : index
      %get3A_225 = tpu.vector_load %arg9[%get3A_223, %get3A_224] {strides = array<i32>} : memref<80x128xi32, #tpu.memory_space<vmem>>, vector<16xi32>,
      %get3A_226 = arith.index_cast %add3A_187 : i32 to index
      %get3A_227 = arith.constant 96 : index
      %get3A_228 = tpu.vector_load %arg10[%get3A_226, %get3A_227] {strides = array<i32>} : memref<80x128xf32, #tpu.memory_space<vmem>>, vector<16xf32>,
      tpu.vector_store_idx %arg13[%get3A_225], %get3A_228 {add = true} : memref<10240xf32, #tpu.memory_space<vmem>>[vector<16xi32>], vector<16xf32>,
      %get3A_229 = arith.index_cast %add3A_187 : i32 to index
      %get3A_230 = arith.constant 112 : index
      %get3A_231 = tpu.vector_load %arg9[%get3A_229, %get3A_230] {strides = array<i32>} : memref<80x128xi32, #tpu.memory_space<vmem>>, vector<16xi32>,
      %get3A_232 = arith.index_cast %add3A_187 : i32 to index
      %get3A_233 = arith.constant 112 : index
      %get3A_234 = tpu.vector_load %arg10[%get3A_232, %get3A_233] {strides = array<i32>} : memref<80x128xf32, #tpu.memory_space<vmem>>, vector<16xf32>,
      tpu.vector_store_idx %arg13[%get3A_231], %get3A_234 {add = true} : memref<10240xf32, #tpu.memory_space<vmem>>[vector<16xi32>], vector<16xf32>,
    }
    %scan3A_178 = arith.constant 40 : i32
    "tpu.region"() ({
      %run_scoped3A = tpu.sem_alloc : memref<!tpu.dma_semaphore, #tpu.memory_space<semaphore_mem>>
      %dma_start3A_184 = arith.constant 0 : i32
      %dma_start3A_185 = arith.constant 0 : i32
      %dma_start3A_186 = tpu.memref_slice %arg7[%arg0, %dma_start3A_184, %dma_start3A_185] : memref<2x16x10240xf32, #tpu.memory_space<hbm>> -> memref<1x16x10240xf32, #tpu.memory_space<hbm>>
      %dma_start3A_187 = tpu.memref_squeeze %dma_start3A_186 : memref<1x16x10240xf32, #tpu.memory_space<hbm>> -> memref<16x10240xf32, #tpu.memory_space<hbm>>
      %dma_start3A_188 = arith.constant 0 : i32
      %dma_start3A_189 = tpu.memref_slice %dma_start3A_187[%arg1, %dma_start3A_188] : memref<16x10240xf32, #tpu.memory_space<hbm>> -> memref<1x10240xf32, #tpu.memory_space<hbm>>
      %dma_start3A_190 = tpu.memref_squeeze %dma_start3A_189 : memref<1x10240xf32, #tpu.memory_space<hbm>> -> memref<10240xf32, #tpu.memory_space<hbm>>
      %dma_start3A_191 = arith.constant 0 : i32
      %dma_start3A_192 = arith.constant 0 : i32
      %dma_start3A_193 = tpu.memref_slice %arg7[%arg0, %dma_start3A_191, %dma_start3A_192] : memref<2x16x10240xf32, #tpu.memory_space<hbm>> -> memref<1x16x10240xf32, #tpu.memory_space<hbm>>
      %dma_start3A_194 = tpu.memref_squeeze %dma_start3A_193 : memref<1x16x10240xf32, #tpu.memory_space<hbm>> -> memref<16x10240xf32, #tpu.memory_space<hbm>>
      %dma_start3A_195 = arith.constant 0 : i32
      %dma_start3A_196 = tpu.memref_slice %dma_start3A_194[%arg1, %dma_start3A_195] : memref<16x10240xf32, #tpu.memory_space<hbm>> -> memref<1x10240xf32, #tpu.memory_space<hbm>>
      %dma_start3A_197 = tpu.memref_squeeze %dma_start3A_196 : memref<1x10240xf32, #tpu.memory_space<hbm>> -> memref<10240xf32, #tpu.memory_space<hbm>>
      tpu.enqueue_dma source(%arg13 : memref<10240xf32, #tpu.memory_space<vmem>>) target(%dma_start3A_197 : memref<10240xf32, #tpu.memory_space<hbm>>) target_semaphore(%run_scoped3A : memref<!tpu.dma_semaphore, #tpu.memory_space<semaphore_mem>>)
      %dma_wait3A = arith.constant 0 : i32
      %dma_wait3A_198 = arith.constant 0 : i32
      %dma_wait3A_199 = tpu.memref_slice %arg7[%arg0, %dma_wait3A, %dma_wait3A_198] : memref<2x16x10240xf32, #tpu.memory_space<hbm>> -> memref<1x16x10240xf32, #tpu.memory_space<hbm>>
      %dma_wait3A_200 = tpu.memref_squeeze %dma_wait3A_199 : memref<1x16x10240xf32, #tpu.memory_space<hbm>> -> memref<16x10240xf32, #tpu.memory_space<hbm>>
      %dma_wait3A_201 = arith.constant 0 : i32
      %dma_wait3A_202 = tpu.memref_slice %dma_wait3A_200[%arg1, %dma_wait3A_201] : memref<16x10240xf32, #tpu.memory_space<hbm>> -> memref<1x10240xf32, #tpu.memory_space<hbm>>
      %dma_wait3A_203 = tpu.memref_squeeze %dma_wait3A_202 : memref<1x10240xf32, #tpu.memory_space<hbm>> -> memref<10240xf32, #tpu.memory_space<hbm>>
      %dma_wait3A_204 = arith.constant 0 : i32
      %dma_wait3A_205 = arith.constant 0 : i32
      %dma_wait3A_206 = tpu.memref_slice %arg7[%arg0, %dma_wait3A_204, %dma_wait3A_205] : memref<2x16x10240xf32, #tpu.memory_space<hbm>> -> memref<1x16x10240xf32, #tpu.memory_space<hbm>>
      %dma_wait3A_207 = tpu.memref_squeeze %dma_wait3A_206 : memref<1x16x10240xf32, #tpu.memory_space<hbm>> -> memref<16x10240xf32, #tpu.memory_space<hbm>>
      %dma_wait3A_208 = arith.constant 0 : i32
      %dma_wait3A_209 = tpu.memref_slice %dma_wait3A_207[%arg1, %dma_wait3A_208] : memref<16x10240xf32, #tpu.memory_space<hbm>> -> memref<1x10240xf32, #tpu.memory_space<hbm>>
      %dma_wait3A_210 = tpu.memref_squeeze %dma_wait3A_209 : memref<1x10240xf32, #tpu.memory_space<hbm>> -> memref<10240xf32, #tpu.memory_space<hbm>>
      tpu.wait_dma2 semaphore(%run_scoped3A : memref<!tpu.dma_semaphore, #tpu.memory_space<semaphore_mem>>) src(%arg13 : memref<10240xf32, #tpu.memory_space<vmem>>) dst(%dma_wait3A_210 : memref<10240xf32, #tpu.memory_space<hbm>>)
      tpu.yield
    }) : () -> ()
    %barrier3A_179 = arith.constant 0 : index
    tpu.barrier barrier_id(%barrier3A_179)
    %mul3A_180 = arith.constant 640 : i32
    %mul3A_181 = arith.muli %arg1, %mul3A_180 : i32
    %mul3A_182 = arith.constant 640 : i32
    %mul3A_183 = arith.muli %arg1, %mul3A_182 : i32
    "tpu.region"() ({
      %run_scoped3A = tpu.sem_alloc : memref<!tpu.dma_semaphore, #tpu.memory_space<semaphore_mem>>
      %dma_start3A_184 = arith.constant 0 : i32
      %dma_start3A_185 = tpu.memref_slice %arg6[%arg0, %mul3A_183, %dma_start3A_184] : memref<2x10240x64xf32, #tpu.memory_space<hbm>> -> memref<1x640x64xf32, #tpu.memory_space<hbm>>
      %dma_start3A_186 = tpu.memref_squeeze %dma_start3A_185 : memref<1x640x64xf32, #tpu.memory_space<hbm>> -> memref<640x64xf32, #tpu.memory_space<hbm>>
      %dma_start3A_187 = arith.constant 0 : i32
      %dma_start3A_188 = tpu.memref_slice %arg14[%mul3A_181, %dma_start3A_187] : memref<10240x64xf32, #tpu.memory_space<vmem_shared>> -> memref<640x64xf32, #tpu.memory_space<vmem_shared>>
      tpu.enqueue_dma source(%dma_start3A_188 : memref<640x64xf32, #tpu.memory_space<vmem_shared>>) target(%dma_start3A_186 : memref<640x64xf32, #tpu.memory_space<hbm>>) target_semaphore(%run_scoped3A : memref<!tpu.dma_semaphore, #tpu.memory_space<semaphore_mem>>)
      %dma_wait3A = arith.constant 0 : i32
      %dma_wait3A_189 = tpu.memref_slice %arg6[%arg0, %mul3A_183, %dma_wait3A] : memref<2x10240x64xf32, #tpu.memory_space<hbm>> -> memref<1x640x64xf32, #tpu.memory_space<hbm>>
      %dma_wait3A_190 = tpu.memref_squeeze %dma_wait3A_189 : memref<1x640x64xf32, #tpu.memory_space<hbm>> -> memref<640x64xf32, #tpu.memory_space<hbm>>
      %dma_wait3A_191 = arith.constant 0 : i32
      %dma_wait3A_192 = tpu.memref_slice %arg14[%mul3A_181, %dma_wait3A_191] : memref<10240x64xf32, #tpu.memory_space<vmem_shared>> -> memref<640x64xf32, #tpu.memory_space<vmem_shared>>
      tpu.wait_dma2 semaphore(%run_scoped3A : memref<!tpu.dma_semaphore, #tpu.memory_space<semaphore_mem>>) src(%dma_wait3A_192 : memref<640x64xf32, #tpu.memory_space<vmem_shared>>) dst(%dma_wait3A_190 : memref<640x64xf32, #tpu.memory_space<hbm>>)
      tpu.yield
    }) : () -> ()
    return
  }
}

module attributes {stable_mosaic.version = 14 : i64} {
  func.func @body(%arg0: i32, %arg1: memref<320x128xf32, #tpu.memory_space<vmem>>, %arg2: memref<128x64xf32, #tpu.memory_space<vmem>>, %arg3: memref<128x64xf32, #tpu.memory_space<vmem>>, %arg4: memref<2x320x64xf32, #tpu.memory_space<vmem>>) attributes {dimension_semantics = [#tpu.dimension_semantics<arbitrary>], iteration_bounds = array<i64: 32>, scalar_prefetch = 0 : i64, scratch_operands = 0 : i64, tpu.core_type = #tpu.core_type<tc>, window_params = [{transform_indices = @transform_0, window_bounds = array<i64: 320, 128>}, {pipeline_mode = #tpu.pipeline_mode<synchronous>, transform_indices = @transform_1, window_bounds = array<i64: 128, 64>}, {pipeline_mode = #tpu.pipeline_mode<synchronous>, transform_indices = @transform_2, window_bounds = array<i64: 128, 64>}, {transform_indices = @transform_3, window_bounds = array<i64: 2, 320, 64>}]} {
    %get3A = arith.constant 0 : index
    %get3A_0 = arith.constant 0 : index
    %get3A_1 = vector.load %arg1[%get3A, %get3A_0] : memref<320x128xf32, #tpu.memory_space<vmem>>, vector<320x128xf32>
    %get3A_2 = arith.constant 0 : index
    %get3A_3 = arith.constant 0 : index
    %get3A_4 = vector.load %arg2[%get3A_2, %get3A_3] : memref<128x64xf32, #tpu.memory_space<vmem>>, vector<128x64xf32>
    %dot_general3A = arith.constant dense<0.000000e+00> : vector<320x64xf32>
    %dot_general3A_5 = tpu.matmul %get3A_1, %get3A_4, %dot_general3A {dimension_numbers = #tpu.dot_dimension_numbers<[1], [0], [0], [1], [0, 0, 1, 1], [], []>, transpose_lhs_hint = false} : vector<320x128xf32>, vector<128x64xf32>, vector<320x64xf32> -> vector<320x64xf32>
    %swap3A = arith.constant 0 : index
    %swap3A_6 = arith.constant 0 : index
    %swap3A_7 = arith.constant 0 : index
    %swap3A_8 = vector.load %arg4[%swap3A, %swap3A_6, %swap3A_7] : memref<2x320x64xf32, #tpu.memory_space<vmem>>, vector<1x320x64xf32>
    %swap3A_9 = vector.shape_cast %swap3A_8 : vector<1x320x64xf32> to vector<320x64xf32>
    %swap3A_10 = vector.shape_cast %dot_general3A_5 : vector<320x64xf32> to vector<1x320x64xf32>
    tpu.vector_store %arg4[%swap3A, %swap3A_6, %swap3A_7], %swap3A_10 {strides = array<i32>} : memref<2x320x64xf32, #tpu.memory_space<vmem>>, vector<1x320x64xf32>,
    %get3A_11 = arith.constant 0 : index
    %get3A_12 = arith.constant 0 : index
    %get3A_13 = vector.load %arg1[%get3A_11, %get3A_12] : memref<320x128xf32, #tpu.memory_space<vmem>>, vector<320x128xf32>
    %get3A_14 = arith.constant 0 : index
    %get3A_15 = arith.constant 0 : index
    %get3A_16 = vector.load %arg3[%get3A_14, %get3A_15] : memref<128x64xf32, #tpu.memory_space<vmem>>, vector<128x64xf32>
    %dot_general3A_17 = arith.constant dense<0.000000e+00> : vector<320x64xf32>
    %dot_general3A_18 = tpu.matmul %get3A_13, %get3A_16, %dot_general3A_17 {dimension_numbers = #tpu.dot_dimension_numbers<[1], [0], [0], [1], [0, 0, 1, 1], [], []>, transpose_lhs_hint = false} : vector<320x128xf32>, vector<128x64xf32>, vector<320x64xf32> -> vector<320x64xf32>
    %swap3A_19 = arith.constant 1 : index
    %swap3A_20 = arith.constant 0 : index
    %swap3A_21 = arith.constant 0 : index
    %swap3A_22 = vector.load %arg4[%swap3A_19, %swap3A_20, %swap3A_21] : memref<2x320x64xf32, #tpu.memory_space<vmem>>, vector<1x320x64xf32>
    %swap3A_23 = vector.shape_cast %swap3A_22 : vector<1x320x64xf32> to vector<320x64xf32>
    %swap3A_24 = vector.shape_cast %dot_general3A_18 : vector<320x64xf32> to vector<1x320x64xf32>
    tpu.vector_store %arg4[%swap3A_19, %swap3A_20, %swap3A_21], %swap3A_24 {strides = array<i32>} : memref<2x320x64xf32, #tpu.memory_space<vmem>>, vector<1x320x64xf32>,
    return
  }
  func.func @transform_0(%arg0: i32) -> (i32, i32) {
    %c0_i32 = arith.constant 0 : i32
    %c0_i32_0 = arith.constant 0 : i32
    return %arg0, %c0_i32 : i32, i32
  }
  func.func @transform_1(%arg0: i32) -> (i32, i32) {
    %c0_i32 = arith.constant 0 : i32
    %c0_i32_0 = arith.constant 0 : i32
    %c0_i32_1 = arith.constant 0 : i32
    return %c0_i32, %c0_i32_0 : i32, i32
  }
  func.func @transform_2(%arg0: i32) -> (i32, i32) {
    %c0_i32 = arith.constant 0 : i32
    %c0_i32_0 = arith.constant 0 : i32
    %c0_i32_1 = arith.constant 0 : i32
    return %c0_i32, %c0_i32_0 : i32, i32
  }
  func.func @transform_3(%arg0: i32) -> (i32, i32, i32) {
    %c0_i32 = arith.constant 0 : i32
    %c0_i32_0 = arith.constant 0 : i32
    %c0_i32_1 = arith.constant 0 : i32
    return %c0_i32, %arg0, %c0_i32_0 : i32, i32, i32
  }
}

module attributes {stable_mosaic.version = 14 : i64} {
  func.func @body(%arg0: i32, %arg1: memref<320x128xf32, #tpu.memory_space<vmem>>, %arg2: memref<128x64xf32, #tpu.memory_space<vmem>>, %arg3: memref<128x64xf32, #tpu.memory_space<vmem>>, %arg4: memref<2x320x64xf32, #tpu.memory_space<vmem>>) attributes {dimension_semantics = [#tpu.dimension_semantics<arbitrary>], iteration_bounds = array<i64: 16>, scalar_prefetch = 0 : i64, scratch_operands = 0 : i64, tpu.core_type = #tpu.core_type<tc>, window_params = [{transform_indices = @transform_0, window_bounds = array<i64: 320, 128>}, {pipeline_mode = #tpu.pipeline_mode<synchronous>, transform_indices = @transform_1, window_bounds = array<i64: 128, 64>}, {pipeline_mode = #tpu.pipeline_mode<synchronous>, transform_indices = @transform_2, window_bounds = array<i64: 128, 64>}, {transform_indices = @transform_3, window_bounds = array<i64: 2, 320, 64>}]} {
    %get3A = arith.constant 0 : index
    %get3A_0 = arith.constant 0 : index
    %get3A_1 = vector.load %arg1[%get3A, %get3A_0] : memref<320x128xf32, #tpu.memory_space<vmem>>, vector<320x128xf32>
    %get3A_2 = arith.constant 0 : index
    %get3A_3 = arith.constant 0 : index
    %get3A_4 = vector.load %arg2[%get3A_2, %get3A_3] : memref<128x64xf32, #tpu.memory_space<vmem>>, vector<128x64xf32>
    %dot_general3A = arith.constant dense<0.000000e+00> : vector<320x64xf32>
    %dot_general3A_5 = tpu.matmul %get3A_1, %get3A_4, %dot_general3A {dimension_numbers = #tpu.dot_dimension_numbers<[1], [0], [0], [1], [0, 0, 1, 1], [], []>, transpose_lhs_hint = false} : vector<320x128xf32>, vector<128x64xf32>, vector<320x64xf32> -> vector<320x64xf32>
    %swap3A = arith.constant 0 : index
    %swap3A_6 = arith.constant 0 : index
    %swap3A_7 = arith.constant 0 : index
    %swap3A_8 = vector.load %arg4[%swap3A, %swap3A_6, %swap3A_7] : memref<2x320x64xf32, #tpu.memory_space<vmem>>, vector<1x320x64xf32>
    %swap3A_9 = vector.shape_cast %swap3A_8 : vector<1x320x64xf32> to vector<320x64xf32>
    %swap3A_10 = vector.shape_cast %dot_general3A_5 : vector<320x64xf32> to vector<1x320x64xf32>
    tpu.vector_store %arg4[%swap3A, %swap3A_6, %swap3A_7], %swap3A_10 {strides = array<i32>} : memref<2x320x64xf32, #tpu.memory_space<vmem>>, vector<1x320x64xf32>,
    %get3A_11 = arith.constant 0 : index
    %get3A_12 = arith.constant 0 : index
    %get3A_13 = vector.load %arg1[%get3A_11, %get3A_12] : memref<320x128xf32, #tpu.memory_space<vmem>>, vector<320x128xf32>
    %get3A_14 = arith.constant 0 : index
    %get3A_15 = arith.constant 0 : index
    %get3A_16 = vector.load %arg3[%get3A_14, %get3A_15] : memref<128x64xf32, #tpu.memory_space<vmem>>, vector<128x64xf32>
    %dot_general3A_17 = arith.constant dense<0.000000e+00> : vector<320x64xf32>
    %dot_general3A_18 = tpu.matmul %get3A_13, %get3A_16, %dot_general3A_17 {dimension_numbers = #tpu.dot_dimension_numbers<[1], [0], [0], [1], [0, 0, 1, 1], [], []>, transpose_lhs_hint = false} : vector<320x128xf32>, vector<128x64xf32>, vector<320x64xf32> -> vector<320x64xf32>
    %swap3A_19 = arith.constant 1 : index
    %swap3A_20 = arith.constant 0 : index
    %swap3A_21 = arith.constant 0 : index
    %swap3A_22 = vector.load %arg4[%swap3A_19, %swap3A_20, %swap3A_21] : memref<2x320x64xf32, #tpu.memory_space<vmem>>, vector<1x320x64xf32>
    %swap3A_23 = vector.shape_cast %swap3A_22 : vector<1x320x64xf32> to vector<320x64xf32>
    %swap3A_24 = vector.shape_cast %dot_general3A_18 : vector<320x64xf32> to vector<1x320x64xf32>
    tpu.vector_store %arg4[%swap3A_19, %swap3A_20, %swap3A_21], %swap3A_24 {strides = array<i32>} : memref<2x320x64xf32, #tpu.memory_space<vmem>>, vector<1x320x64xf32>,
    return
  }
  func.func @transform_0(%arg0: i32) -> (i32, i32) {
    %c0_i32 = arith.constant 0 : i32
    %c0_i32_0 = arith.constant 0 : i32
    return %arg0, %c0_i32 : i32, i32
  }
  func.func @transform_1(%arg0: i32) -> (i32, i32) {
    %c0_i32 = arith.constant 0 : i32
    %c0_i32_0 = arith.constant 0 : i32
    %c0_i32_1 = arith.constant 0 : i32
    return %c0_i32, %c0_i32_0 : i32, i32
  }
  func.func @transform_2(%arg0: i32) -> (i32, i32) {
    %c0_i32 = arith.constant 0 : i32
    %c0_i32_0 = arith.constant 0 : i32
    %c0_i32_1 = arith.constant 0 : i32
    return %c0_i32, %c0_i32_0 : i32, i32
  }
  func.func @transform_3(%arg0: i32) -> (i32, i32, i32) {
    %c0_i32 = arith.constant 0 : i32
    %c0_i32_0 = arith.constant 0 : i32
    %c0_i32_1 = arith.constant 0 : i32
    return %c0_i32, %arg0, %c0_i32_0 : i32, i32, i32
  }
}

module attributes {stable_mosaic.version = 14 : i64} {
  func.func @body(%arg0: i32, %arg1: memref<320x128xf32, #tpu.memory_space<vmem>>, %arg2: memref<2x320x64xf32, #tpu.memory_space<vmem>>, %arg3: memref<128x128xf32, #tpu.memory_space<vmem>>, %arg4: memref<1x128xf32, #tpu.memory_space<vmem>>, %arg5: memref<128x1xf32, #tpu.memory_space<vmem>>, %arg6: memref<1x1xf32, #tpu.memory_space<vmem>>, %arg7: memref<128x1xf32, #tpu.memory_space<vmem>>, %arg8: memref<1x1xf32, #tpu.memory_space<vmem>>, %arg9: memref<128x64xf32, #tpu.memory_space<vmem>>, %arg10: memref<128x64xf32, #tpu.memory_space<vmem>>, %arg11: memref<320x128xf32, #tpu.memory_space<vmem>>, %arg12: memref<8x128xf32, #tpu.memory_space<vmem>>, %arg13: memref<320x1xf32, #tpu.memory_space<vmem>>, %arg14: memref<2x320x64xf32, #tpu.memory_space<vmem>>) attributes {dimension_semantics = [#tpu.dimension_semantics<arbitrary>], iteration_bounds = array<i64: 32>, scalar_prefetch = 0 : i64, scratch_operands = 0 : i64, tpu.core_type = #tpu.core_type<tc>, window_params = [{transform_indices = @transform_0, window_bounds = array<i64: 320, 128>}, {transform_indices = @transform_1, window_bounds = array<i64: 2, 320, 64>}, {pipeline_mode = #tpu.pipeline_mode<synchronous>, transform_indices = @transform_2, window_bounds = array<i64: 128, 128>}, {pipeline_mode = #tpu.pipeline_mode<synchronous>, transform_indices = @transform_3, window_bounds = array<i64: 1, 128>}, {pipeline_mode = #tpu.pipeline_mode<synchronous>, transform_indices = @transform_4, window_bounds = array<i64: 128, 1>}, {pipeline_mode = #tpu.pipeline_mode<synchronous>, transform_indices = @transform_5, window_bounds = array<i64: 1, 1>}, {pipeline_mode = #tpu.pipeline_mode<synchronous>, transform_indices = @transform_6, window_bounds = array<i64: 128, 1>}, {pipeline_mode = #tpu.pipeline_mode<synchronous>, transform_indices = @transform_7, window_bounds = array<i64: 1, 1>}, {pipeline_mode = #tpu.pipeline_mode<synchronous>, transform_indices = @transform_8, window_bounds = array<i64: 128, 64>}, {pipeline_mode = #tpu.pipeline_mode<synchronous>, transform_indices = @transform_9, window_bounds = array<i64: 128, 64>}, {transform_indices = @transform_10, window_bounds = array<i64: 320, 128>}, {transform_indices = @transform_11, window_bounds = array<i64: 8, 128>}, {transform_indices = @transform_12, window_bounds = array<i64: 320, 1>}, {transform_indices = @transform_13, window_bounds = array<i64: 2, 320, 64>}]} {
    %get3A = arith.constant 0 : index
    %get3A_0 = arith.constant 0 : index
    %get3A_1 = arith.constant 0 : index
    %get3A_2 = vector.load %arg2[%get3A, %get3A_0, %get3A_1] : memref<2x320x64xf32, #tpu.memory_space<vmem>>, vector<1x320x64xf32>
    %get3A_3 = vector.shape_cast %get3A_2 : vector<1x320x64xf32> to vector<320x64xf32>
    %get3A_4 = arith.constant 1 : index
    %get3A_5 = arith.constant 0 : index
    %get3A_6 = arith.constant 0 : index
    %get3A_7 = vector.load %arg2[%get3A_4, %get3A_5, %get3A_6] : memref<2x320x64xf32, #tpu.memory_space<vmem>>, vector<1x320x64xf32>
    %get3A_8 = vector.shape_cast %get3A_7 : vector<1x320x64xf32> to vector<320x64xf32>
    %concatenate3A = tpu.concatenate %get3A_3, %get3A_8 in 1 : vector<320x64xf32>, vector<320x64xf32> -> vector<320x128xf32>
    %get3A_9 = arith.constant 0 : index
    %get3A_10 = arith.constant 0 : index
    %get3A_11 = vector.load %arg1[%get3A_9, %get3A_10] : memref<320x128xf32, #tpu.memory_space<vmem>>, vector<320x128xf32>
    %get3A_12 = arith.constant 0 : index
    %get3A_13 = arith.constant 0 : index
    %get3A_14 = vector.load %arg3[%get3A_12, %get3A_13] : memref<128x128xf32, #tpu.memory_space<vmem>>, vector<128x128xf32>
    %dot_general3A = arith.constant dense<0.000000e+00> : vector<320x128xf32>
    %dot_general3A_15 = tpu.matmul %get3A_11, %get3A_14, %dot_general3A {dimension_numbers = #tpu.dot_dimension_numbers<[1], [0], [0], [1], [0, 0, 1, 1], [], []>, transpose_lhs_hint = false} : vector<320x128xf32>, vector<128x128xf32>, vector<320x128xf32> -> vector<320x128xf32>
    %add3A = arith.addf %dot_general3A_15, %concatenate3A : vector<320x128xf32>
    %get3A_16 = arith.constant 0 : index
    %get3A_17 = arith.constant 0 : index
    %get3A_18 = vector.load %arg4[%get3A_16, %get3A_17] : memref<1x128xf32, #tpu.memory_space<vmem>>, vector<1x128xf32>
    %add3A_19 = vector.broadcast %get3A_18 : vector<1x128xf32> to vector<320x128xf32>
    %add3A_20 = arith.addf %add3A, %add3A_19 : vector<320x128xf32>
    %gt3A = arith.constant 0.000000e+00 : f32
    %gt3A_21 = vector.broadcast %gt3A : f32 to vector<320x128xf32>
    %gt3A_22 = arith.cmpf ogt, %add3A_20, %gt3A_21 : vector<320x128xf32>
    %mul3A = arith.constant 0.00999999977 : f32
    %mul3A_23 = vector.broadcast %mul3A : f32 to vector<320x128xf32>
    %mul3A_24 = arith.mulf %mul3A_23, %add3A_20 : vector<320x128xf32>
    %select_n3A = arith.select %gt3A_22, %add3A_20, %mul3A_24 : vector<320x128xi1>, vector<320x128xf32>
    %swap3A = arith.constant 0 : index
    %swap3A_25 = arith.constant 0 : index
    %swap3A_26 = vector.load %arg11[%swap3A, %swap3A_25] : memref<320x128xf32, #tpu.memory_space<vmem>>, vector<320x128xf32>
    tpu.vector_store %arg11[%swap3A, %swap3A_25], %select_n3A {strides = array<i32>} : memref<320x128xf32, #tpu.memory_space<vmem>>, vector<320x128xf32>,
    %iota3A = tpu.iota {dimensions = array<i32: 0>} : vector<8x320xi32>
    %iota3A_27 = tpu.iota {dimensions = array<i32: 1>} : vector<8x320xi32>
    %jit3A = arith.constant 40 : i32
    %div3A = vector.broadcast %jit3A : i32 to vector<8x320xi32>
    %div3A_28 = arith.divsi %iota3A_27, %div3A : vector<8x320xi32>
    %sign3A = arith.constant 0 : i32
    %sign3A_29 = vector.broadcast %sign3A : i32 to vector<8x320xi32>
    %sign3A_30 = arith.cmpi sgt, %iota3A_27, %sign3A_29 : vector<8x320xi32>
    %sign3A_31 = arith.extui %sign3A_30 : vector<8x320xi1> to vector<8x320xi32>
    %sign3A_32 = arith.constant 0 : i32
    %sign3A_33 = vector.broadcast %sign3A_32 : i32 to vector<8x320xi32>
    %sign3A_34 = arith.cmpi slt, %iota3A_27, %sign3A_33 : vector<8x320xi32>
    %sign3A_35 = arith.extui %sign3A_34 : vector<8x320xi1> to vector<8x320xi32>
    %sign3A_36 = arith.subi %sign3A_31, %sign3A_35 : vector<8x320xi32>
    %sign3A_37 = arith.constant 0 : i32
    %sign3A_38 = arith.cmpi sgt, %jit3A, %sign3A_37 : i32
    %sign3A_39 = arith.extui %sign3A_38 : i1 to i32
    %sign3A_40 = arith.constant 0 : i32
    %sign3A_41 = arith.cmpi slt, %jit3A, %sign3A_40 : i32
    %sign3A_42 = arith.extui %sign3A_41 : i1 to i32
    %sign3A_43 = arith.subi %sign3A_39, %sign3A_42 : i32
    %ne3A = vector.broadcast %sign3A_43 : i32 to vector<8x320xi32>
    %ne3A_44 = arith.cmpi ne, %sign3A_36, %ne3A : vector<8x320xi32>
    %rem3A = vector.broadcast %jit3A : i32 to vector<8x320xi32>
    %rem3A_45 = arith.remsi %iota3A_27, %rem3A : vector<8x320xi32>
    %ne3A_46 = arith.constant 0 : i32
    %ne3A_47 = vector.broadcast %ne3A_46 : i32 to vector<8x320xi32>
    %ne3A_48 = arith.cmpi ne, %rem3A_45, %ne3A_47 : vector<8x320xi32>
    %and3A = arith.andi %ne3A_44, %ne3A_48 : vector<8x320xi1>
    %sub3A = arith.constant 1 : i32
    %sub3A_49 = vector.broadcast %sub3A : i32 to vector<8x320xi32>
    %sub3A_50 = arith.subi %div3A_28, %sub3A_49 : vector<8x320xi32>
    %select_n3A_51 = arith.select %and3A, %sub3A_50, %div3A_28 : vector<8x320xi1>, vector<8x320xi32>
    %eq3A = arith.cmpi eq, %iota3A, %select_n3A_51 : vector<8x320xi32>
    %convert_element_type3A = arith.extui %eq3A : vector<8x320xi1> to vector<8x320xi32>
    %convert_element_type3A_52 = arith.sitofp %convert_element_type3A : vector<8x320xi32> to vector<8x320xf32>
    %dot_general3A_53 = arith.constant dense<0.000000e+00> : vector<8x128xf32>
    %dot_general3A_54 = tpu.matmul %convert_element_type3A_52, %select_n3A, %dot_general3A_53 {dimension_numbers = #tpu.dot_dimension_numbers<[1], [0], [0], [1], [0, 0, 1, 1], [], []>, precision = #tpu.contract_precision<fp32>, transpose_lhs_hint = false} : vector<8x320xf32>, vector<320x128xf32>, vector<8x128xf32> -> vector<8x128xf32>
    %swap3A_55 = arith.constant 0 : index
    %swap3A_56 = arith.constant 0 : index
    %swap3A_57 = vector.load %arg12[%swap3A_55, %swap3A_56] : memref<8x128xf32, #tpu.memory_space<vmem>>, vector<8x128xf32>
    tpu.vector_store %arg12[%swap3A_55, %swap3A_56], %dot_general3A_54 {strides = array<i32>} : memref<8x128xf32, #tpu.memory_space<vmem>>, vector<8x128xf32>,
    %get3A_58 = arith.constant 0 : index
    %get3A_59 = arith.constant 0 : index
    %get3A_60 = vector.load %arg5[%get3A_58, %get3A_59] : memref<128x1xf32, #tpu.memory_space<vmem>>, vector<128x1xf32>
    %dot_general3A_61 = arith.constant dense<0.000000e+00> : vector<320x1xf32>
    %dot_general3A_62 = tpu.matmul %select_n3A, %get3A_60, %dot_general3A_61 {dimension_numbers = #tpu.dot_dimension_numbers<[1], [0], [0], [1], [0, 0, 1, 1], [], []>, transpose_lhs_hint = false} : vector<320x128xf32>, vector<128x1xf32>, vector<320x1xf32> -> vector<320x1xf32>
    %get3A_63 = arith.constant 0 : index
    %get3A_64 = arith.constant 0 : index
    %get3A_65 = vector.load %arg6[%get3A_63, %get3A_64] : memref<1x1xf32, #tpu.memory_space<vmem>>, vector<1x1xf32>
    %add3A_66 = vector.broadcast %get3A_65 : vector<1x1xf32> to vector<320x1xf32>
    %add3A_67 = arith.addf %dot_general3A_62, %add3A_66 : vector<320x1xf32>
    %swap3A_68 = arith.constant 0 : index
    %swap3A_69 = arith.constant 0 : index
    %swap3A_70 = vector.load %arg13[%swap3A_68, %swap3A_69] : memref<320x1xf32, #tpu.memory_space<vmem>>, vector<320x1xf32>
    tpu.vector_store %arg13[%swap3A_68, %swap3A_69], %add3A_67 {strides = array<i32>} : memref<320x1xf32, #tpu.memory_space<vmem>>, vector<320x1xf32>,
    %get3A_71 = arith.constant 0 : index
    %get3A_72 = arith.constant 0 : index
    %get3A_73 = vector.load %arg9[%get3A_71, %get3A_72] : memref<128x64xf32, #tpu.memory_space<vmem>>, vector<128x64xf32>
    %dot_general3A_74 = arith.constant dense<0.000000e+00> : vector<320x64xf32>
    %dot_general3A_75 = tpu.matmul %select_n3A, %get3A_73, %dot_general3A_74 {dimension_numbers = #tpu.dot_dimension_numbers<[1], [0], [0], [1], [0, 0, 1, 1], [], []>, transpose_lhs_hint = false} : vector<320x128xf32>, vector<128x64xf32>, vector<320x64xf32> -> vector<320x64xf32>
    %swap3A_76 = arith.constant 0 : index
    %swap3A_77 = arith.constant 0 : index
    %swap3A_78 = arith.constant 0 : index
    %swap3A_79 = vector.load %arg14[%swap3A_76, %swap3A_77, %swap3A_78] : memref<2x320x64xf32, #tpu.memory_space<vmem>>, vector<1x320x64xf32>
    %swap3A_80 = vector.shape_cast %swap3A_79 : vector<1x320x64xf32> to vector<320x64xf32>
    %swap3A_81 = vector.shape_cast %dot_general3A_75 : vector<320x64xf32> to vector<1x320x64xf32>
    tpu.vector_store %arg14[%swap3A_76, %swap3A_77, %swap3A_78], %swap3A_81 {strides = array<i32>} : memref<2x320x64xf32, #tpu.memory_space<vmem>>, vector<1x320x64xf32>,
    %get3A_82 = arith.constant 0 : index
    %get3A_83 = arith.constant 0 : index
    %get3A_84 = vector.load %arg10[%get3A_82, %get3A_83] : memref<128x64xf32, #tpu.memory_space<vmem>>, vector<128x64xf32>
    %dot_general3A_85 = arith.constant dense<0.000000e+00> : vector<320x64xf32>
    %dot_general3A_86 = tpu.matmul %select_n3A, %get3A_84, %dot_general3A_85 {dimension_numbers = #tpu.dot_dimension_numbers<[1], [0], [0], [1], [0, 0, 1, 1], [], []>, transpose_lhs_hint = false} : vector<320x128xf32>, vector<128x64xf32>, vector<320x64xf32> -> vector<320x64xf32>
    %swap3A_87 = arith.constant 1 : index
    %swap3A_88 = arith.constant 0 : index
    %swap3A_89 = arith.constant 0 : index
    %swap3A_90 = vector.load %arg14[%swap3A_87, %swap3A_88, %swap3A_89] : memref<2x320x64xf32, #tpu.memory_space<vmem>>, vector<1x320x64xf32>
    %swap3A_91 = vector.shape_cast %swap3A_90 : vector<1x320x64xf32> to vector<320x64xf32>
    %swap3A_92 = vector.shape_cast %dot_general3A_86 : vector<320x64xf32> to vector<1x320x64xf32>
    tpu.vector_store %arg14[%swap3A_87, %swap3A_88, %swap3A_89], %swap3A_92 {strides = array<i32>} : memref<2x320x64xf32, #tpu.memory_space<vmem>>, vector<1x320x64xf32>,
    return
  }
  func.func @transform_0(%arg0: i32) -> (i32, i32) {
    %c0_i32 = arith.constant 0 : i32
    %c0_i32_0 = arith.constant 0 : i32
    return %arg0, %c0_i32 : i32, i32
  }
  func.func @transform_1(%arg0: i32) -> (i32, i32, i32) {
    %c0_i32 = arith.constant 0 : i32
    %c0_i32_0 = arith.constant 0 : i32
    %c0_i32_1 = arith.constant 0 : i32
    return %c0_i32, %arg0, %c0_i32_0 : i32, i32, i32
  }
  func.func @transform_2(%arg0: i32) -> (i32, i32) {
    %c0_i32 = arith.constant 0 : i32
    %c0_i32_0 = arith.constant 0 : i32
    %c0_i32_1 = arith.constant 0 : i32
    return %c0_i32, %c0_i32_0 : i32, i32
  }
  func.func @transform_3(%arg0: i32) -> (i32, i32) {
    %c0_i32 = arith.constant 0 : i32
    %c0_i32_0 = arith.constant 0 : i32
    %c0_i32_1 = arith.constant 0 : i32
    return %c0_i32, %c0_i32_0 : i32, i32
  }
  func.func @transform_4(%arg0: i32) -> (i32, i32) {
    %c0_i32 = arith.constant 0 : i32
    %c0_i32_0 = arith.constant 0 : i32
    %c0_i32_1 = arith.constant 0 : i32
    return %c0_i32, %c0_i32_0 : i32, i32
  }
  func.func @transform_5(%arg0: i32) -> (i32, i32) {
    %c0_i32 = arith.constant 0 : i32
    %c0_i32_0 = arith.constant 0 : i32
    %c0_i32_1 = arith.constant 0 : i32
    return %c0_i32, %c0_i32_0 : i32, i32
  }
  func.func @transform_6(%arg0: i32) -> (i32, i32) {
    %c0_i32 = arith.constant 0 : i32
    %c0_i32_0 = arith.constant 0 : i32
    %c0_i32_1 = arith.constant 0 : i32
    return %c0_i32, %c0_i32_0 : i32, i32
  }
  func.func @transform_7(%arg0: i32) -> (i32, i32) {
    %c0_i32 = arith.constant 0 : i32
    %c0_i32_0 = arith.constant 0 : i32
    %c0_i32_1 = arith.constant 0 : i32
    return %c0_i32, %c0_i32_0 : i32, i32
  }
  func.func @transform_8(%arg0: i32) -> (i32, i32) {
    %c0_i32 = arith.constant 0 : i32
    %c0_i32_0 = arith.constant 0 : i32
    %c0_i32_1 = arith.constant 0 : i32
    return %c0_i32, %c0_i32_0 : i32, i32
  }
  func.func @transform_9(%arg0: i32) -> (i32, i32) {
    %c0_i32 = arith.constant 0 : i32
    %c0_i32_0 = arith.constant 0 : i32
    %c0_i32_1 = arith.constant 0 : i32
    return %c0_i32, %c0_i32_0 : i32, i32
  }
  func.func @transform_10(%arg0: i32) -> (i32, i32) {
    %c0_i32 = arith.constant 0 : i32
    %c0_i32_0 = arith.constant 0 : i32
    return %arg0, %c0_i32 : i32, i32
  }
  func.func @transform_11(%arg0: i32) -> (i32, i32) {
    %c0_i32 = arith.constant 0 : i32
    %c0_i32_0 = arith.constant 0 : i32
    return %arg0, %c0_i32 : i32, i32
  }
  func.func @transform_12(%arg0: i32) -> (i32, i32) {
    %c0_i32 = arith.constant 0 : i32
    %c0_i32_0 = arith.constant 0 : i32
    return %arg0, %c0_i32 : i32, i32
  }
  func.func @transform_13(%arg0: i32) -> (i32, i32, i32) {
    %c0_i32 = arith.constant 0 : i32
    %c0_i32_0 = arith.constant 0 : i32
    %c0_i32_1 = arith.constant 0 : i32
    return %c0_i32, %arg0, %c0_i32_0 : i32, i32, i32
  }
}

module attributes {stable_mosaic.version = 14 : i64} {
  func.func @body(%arg0: i32, %arg1: memref<320x128xf32, #tpu.memory_space<vmem>>, %arg2: memref<2x320x64xf32, #tpu.memory_space<vmem>>, %arg3: memref<128x128xf32, #tpu.memory_space<vmem>>, %arg4: memref<1x128xf32, #tpu.memory_space<vmem>>, %arg5: memref<128x1xf32, #tpu.memory_space<vmem>>, %arg6: memref<1x1xf32, #tpu.memory_space<vmem>>, %arg7: memref<128x1xf32, #tpu.memory_space<vmem>>, %arg8: memref<1x1xf32, #tpu.memory_space<vmem>>, %arg9: memref<128x64xf32, #tpu.memory_space<vmem>>, %arg10: memref<128x64xf32, #tpu.memory_space<vmem>>, %arg11: memref<320x128xf32, #tpu.memory_space<vmem>>, %arg12: memref<16x128xf32, #tpu.memory_space<vmem>>, %arg13: memref<320x1xf32, #tpu.memory_space<vmem>>, %arg14: memref<320x1xf32, #tpu.memory_space<vmem>>) attributes {dimension_semantics = [#tpu.dimension_semantics<arbitrary>], iteration_bounds = array<i64: 16>, scalar_prefetch = 0 : i64, scratch_operands = 0 : i64, tpu.core_type = #tpu.core_type<tc>, window_params = [{transform_indices = @transform_0, window_bounds = array<i64: 320, 128>}, {transform_indices = @transform_1, window_bounds = array<i64: 2, 320, 64>}, {pipeline_mode = #tpu.pipeline_mode<synchronous>, transform_indices = @transform_2, window_bounds = array<i64: 128, 128>}, {pipeline_mode = #tpu.pipeline_mode<synchronous>, transform_indices = @transform_3, window_bounds = array<i64: 1, 128>}, {pipeline_mode = #tpu.pipeline_mode<synchronous>, transform_indices = @transform_4, window_bounds = array<i64: 128, 1>}, {pipeline_mode = #tpu.pipeline_mode<synchronous>, transform_indices = @transform_5, window_bounds = array<i64: 1, 1>}, {pipeline_mode = #tpu.pipeline_mode<synchronous>, transform_indices = @transform_6, window_bounds = array<i64: 128, 1>}, {pipeline_mode = #tpu.pipeline_mode<synchronous>, transform_indices = @transform_7, window_bounds = array<i64: 1, 1>}, {pipeline_mode = #tpu.pipeline_mode<synchronous>, transform_indices = @transform_8, window_bounds = array<i64: 128, 64>}, {pipeline_mode = #tpu.pipeline_mode<synchronous>, transform_indices = @transform_9, window_bounds = array<i64: 128, 64>}, {transform_indices = @transform_10, window_bounds = array<i64: 320, 128>}, {transform_indices = @transform_11, window_bounds = array<i64: 16, 128>}, {transform_indices = @transform_12, window_bounds = array<i64: 320, 1>}, {transform_indices = @transform_13, window_bounds = array<i64: 320, 1>}]} {
    %get3A = arith.constant 0 : index
    %get3A_0 = arith.constant 0 : index
    %get3A_1 = arith.constant 0 : index
    %get3A_2 = vector.load %arg2[%get3A, %get3A_0, %get3A_1] : memref<2x320x64xf32, #tpu.memory_space<vmem>>, vector<1x320x64xf32>
    %get3A_3 = vector.shape_cast %get3A_2 : vector<1x320x64xf32> to vector<320x64xf32>
    %get3A_4 = arith.constant 1 : index
    %get3A_5 = arith.constant 0 : index
    %get3A_6 = arith.constant 0 : index
    %get3A_7 = vector.load %arg2[%get3A_4, %get3A_5, %get3A_6] : memref<2x320x64xf32, #tpu.memory_space<vmem>>, vector<1x320x64xf32>
    %get3A_8 = vector.shape_cast %get3A_7 : vector<1x320x64xf32> to vector<320x64xf32>
    %concatenate3A = tpu.concatenate %get3A_3, %get3A_8 in 1 : vector<320x64xf32>, vector<320x64xf32> -> vector<320x128xf32>
    %get3A_9 = arith.constant 0 : index
    %get3A_10 = arith.constant 0 : index
    %get3A_11 = vector.load %arg1[%get3A_9, %get3A_10] : memref<320x128xf32, #tpu.memory_space<vmem>>, vector<320x128xf32>
    %get3A_12 = arith.constant 0 : index
    %get3A_13 = arith.constant 0 : index
    %get3A_14 = vector.load %arg3[%get3A_12, %get3A_13] : memref<128x128xf32, #tpu.memory_space<vmem>>, vector<128x128xf32>
    %dot_general3A = arith.constant dense<0.000000e+00> : vector<320x128xf32>
    %dot_general3A_15 = tpu.matmul %get3A_11, %get3A_14, %dot_general3A {dimension_numbers = #tpu.dot_dimension_numbers<[1], [0], [0], [1], [0, 0, 1, 1], [], []>, transpose_lhs_hint = false} : vector<320x128xf32>, vector<128x128xf32>, vector<320x128xf32> -> vector<320x128xf32>
    %add3A = arith.addf %dot_general3A_15, %concatenate3A : vector<320x128xf32>
    %get3A_16 = arith.constant 0 : index
    %get3A_17 = arith.constant 0 : index
    %get3A_18 = vector.load %arg4[%get3A_16, %get3A_17] : memref<1x128xf32, #tpu.memory_space<vmem>>, vector<1x128xf32>
    %add3A_19 = vector.broadcast %get3A_18 : vector<1x128xf32> to vector<320x128xf32>
    %add3A_20 = arith.addf %add3A, %add3A_19 : vector<320x128xf32>
    %gt3A = arith.constant 0.000000e+00 : f32
    %gt3A_21 = vector.broadcast %gt3A : f32 to vector<320x128xf32>
    %gt3A_22 = arith.cmpf ogt, %add3A_20, %gt3A_21 : vector<320x128xf32>
    %mul3A = arith.constant 0.00999999977 : f32
    %mul3A_23 = vector.broadcast %mul3A : f32 to vector<320x128xf32>
    %mul3A_24 = arith.mulf %mul3A_23, %add3A_20 : vector<320x128xf32>
    %select_n3A = arith.select %gt3A_22, %add3A_20, %mul3A_24 : vector<320x128xi1>, vector<320x128xf32>
    %swap3A = arith.constant 0 : index
    %swap3A_25 = arith.constant 0 : index
    %swap3A_26 = vector.load %arg11[%swap3A, %swap3A_25] : memref<320x128xf32, #tpu.memory_space<vmem>>, vector<320x128xf32>
    tpu.vector_store %arg11[%swap3A, %swap3A_25], %select_n3A {strides = array<i32>} : memref<320x128xf32, #tpu.memory_space<vmem>>, vector<320x128xf32>,
    %iota3A = tpu.iota {dimensions = array<i32: 0>} : vector<16x320xi32>
    %iota3A_27 = tpu.iota {dimensions = array<i32: 1>} : vector<16x320xi32>
    %jit3A = arith.constant 20 : i32
    %div3A = vector.broadcast %jit3A : i32 to vector<16x320xi32>
    %div3A_28 = arith.divsi %iota3A_27, %div3A : vector<16x320xi32>
    %sign3A = arith.constant 0 : i32
    %sign3A_29 = vector.broadcast %sign3A : i32 to vector<16x320xi32>
    %sign3A_30 = arith.cmpi sgt, %iota3A_27, %sign3A_29 : vector<16x320xi32>
    %sign3A_31 = arith.extui %sign3A_30 : vector<16x320xi1> to vector<16x320xi32>
    %sign3A_32 = arith.constant 0 : i32
    %sign3A_33 = vector.broadcast %sign3A_32 : i32 to vector<16x320xi32>
    %sign3A_34 = arith.cmpi slt, %iota3A_27, %sign3A_33 : vector<16x320xi32>
    %sign3A_35 = arith.extui %sign3A_34 : vector<16x320xi1> to vector<16x320xi32>
    %sign3A_36 = arith.subi %sign3A_31, %sign3A_35 : vector<16x320xi32>
    %sign3A_37 = arith.constant 0 : i32
    %sign3A_38 = arith.cmpi sgt, %jit3A, %sign3A_37 : i32
    %sign3A_39 = arith.extui %sign3A_38 : i1 to i32
    %sign3A_40 = arith.constant 0 : i32
    %sign3A_41 = arith.cmpi slt, %jit3A, %sign3A_40 : i32
    %sign3A_42 = arith.extui %sign3A_41 : i1 to i32
    %sign3A_43 = arith.subi %sign3A_39, %sign3A_42 : i32
    %ne3A = vector.broadcast %sign3A_43 : i32 to vector<16x320xi32>
    %ne3A_44 = arith.cmpi ne, %sign3A_36, %ne3A : vector<16x320xi32>
    %rem3A = vector.broadcast %jit3A : i32 to vector<16x320xi32>
    %rem3A_45 = arith.remsi %iota3A_27, %rem3A : vector<16x320xi32>
    %ne3A_46 = arith.constant 0 : i32
    %ne3A_47 = vector.broadcast %ne3A_46 : i32 to vector<16x320xi32>
    %ne3A_48 = arith.cmpi ne, %rem3A_45, %ne3A_47 : vector<16x320xi32>
    %and3A = arith.andi %ne3A_44, %ne3A_48 : vector<16x320xi1>
    %sub3A = arith.constant 1 : i32
    %sub3A_49 = vector.broadcast %sub3A : i32 to vector<16x320xi32>
    %sub3A_50 = arith.subi %div3A_28, %sub3A_49 : vector<16x320xi32>
    %select_n3A_51 = arith.select %and3A, %sub3A_50, %div3A_28 : vector<16x320xi1>, vector<16x320xi32>
    %eq3A = arith.cmpi eq, %iota3A, %select_n3A_51 : vector<16x320xi32>
    %convert_element_type3A = arith.extui %eq3A : vector<16x320xi1> to vector<16x320xi32>
    %convert_element_type3A_52 = arith.sitofp %convert_element_type3A : vector<16x320xi32> to vector<16x320xf32>
    %dot_general3A_53 = arith.constant dense<0.000000e+00> : vector<16x128xf32>
    %dot_general3A_54 = tpu.matmul %convert_element_type3A_52, %select_n3A, %dot_general3A_53 {dimension_numbers = #tpu.dot_dimension_numbers<[1], [0], [0], [1], [0, 0, 1, 1], [], []>, precision = #tpu.contract_precision<fp32>, transpose_lhs_hint = false} : vector<16x320xf32>, vector<320x128xf32>, vector<16x128xf32> -> vector<16x128xf32>
    %swap3A_55 = arith.constant 0 : index
    %swap3A_56 = arith.constant 0 : index
    %swap3A_57 = vector.load %arg12[%swap3A_55, %swap3A_56] : memref<16x128xf32, #tpu.memory_space<vmem>>, vector<16x128xf32>
    tpu.vector_store %arg12[%swap3A_55, %swap3A_56], %dot_general3A_54 {strides = array<i32>} : memref<16x128xf32, #tpu.memory_space<vmem>>, vector<16x128xf32>,
    %get3A_58 = arith.constant 0 : index
    %get3A_59 = arith.constant 0 : index
    %get3A_60 = vector.load %arg5[%get3A_58, %get3A_59] : memref<128x1xf32, #tpu.memory_space<vmem>>, vector<128x1xf32>
    %dot_general3A_61 = arith.constant dense<0.000000e+00> : vector<320x1xf32>
    %dot_general3A_62 = tpu.matmul %select_n3A, %get3A_60, %dot_general3A_61 {dimension_numbers = #tpu.dot_dimension_numbers<[1], [0], [0], [1], [0, 0, 1, 1], [], []>, transpose_lhs_hint = false} : vector<320x128xf32>, vector<128x1xf32>, vector<320x1xf32> -> vector<320x1xf32>
    %get3A_63 = arith.constant 0 : index
    %get3A_64 = arith.constant 0 : index
    %get3A_65 = vector.load %arg6[%get3A_63, %get3A_64] : memref<1x1xf32, #tpu.memory_space<vmem>>, vector<1x1xf32>
    %add3A_66 = vector.broadcast %get3A_65 : vector<1x1xf32> to vector<320x1xf32>
    %add3A_67 = arith.addf %dot_general3A_62, %add3A_66 : vector<320x1xf32>
    %swap3A_68 = arith.constant 0 : index
    %swap3A_69 = arith.constant 0 : index
    %swap3A_70 = vector.load %arg13[%swap3A_68, %swap3A_69] : memref<320x1xf32, #tpu.memory_space<vmem>>, vector<320x1xf32>
    tpu.vector_store %arg13[%swap3A_68, %swap3A_69], %add3A_67 {strides = array<i32>} : memref<320x1xf32, #tpu.memory_space<vmem>>, vector<320x1xf32>,
    %get3A_71 = arith.constant 0 : index
    %get3A_72 = arith.constant 0 : index
    %get3A_73 = vector.load %arg7[%get3A_71, %get3A_72] : memref<128x1xf32, #tpu.memory_space<vmem>>, vector<128x1xf32>
    %dot_general3A_74 = arith.constant dense<0.000000e+00> : vector<320x1xf32>
    %dot_general3A_75 = tpu.matmul %select_n3A, %get3A_73, %dot_general3A_74 {dimension_numbers = #tpu.dot_dimension_numbers<[1], [0], [0], [1], [0, 0, 1, 1], [], []>, transpose_lhs_hint = false} : vector<320x128xf32>, vector<128x1xf32>, vector<320x1xf32> -> vector<320x1xf32>
    %get3A_76 = arith.constant 0 : index
    %get3A_77 = arith.constant 0 : index
    %get3A_78 = vector.load %arg8[%get3A_76, %get3A_77] : memref<1x1xf32, #tpu.memory_space<vmem>>, vector<1x1xf32>
    %add3A_79 = vector.broadcast %get3A_78 : vector<1x1xf32> to vector<320x1xf32>
    %add3A_80 = arith.addf %dot_general3A_75, %add3A_79 : vector<320x1xf32>
    %swap3A_81 = arith.constant 0 : index
    %swap3A_82 = arith.constant 0 : index
    %swap3A_83 = vector.load %arg14[%swap3A_81, %swap3A_82] : memref<320x1xf32, #tpu.memory_space<vmem>>, vector<320x1xf32>
    tpu.vector_store %arg14[%swap3A_81, %swap3A_82], %add3A_80 {strides = array<i32>} : memref<320x1xf32, #tpu.memory_space<vmem>>, vector<320x1xf32>,
    return
  }
  func.func @transform_0(%arg0: i32) -> (i32, i32) {
    %c0_i32 = arith.constant 0 : i32
    %c0_i32_0 = arith.constant 0 : i32
    return %arg0, %c0_i32 : i32, i32
  }
  func.func @transform_1(%arg0: i32) -> (i32, i32, i32) {
    %c0_i32 = arith.constant 0 : i32
    %c0_i32_0 = arith.constant 0 : i32
    %c0_i32_1 = arith.constant 0 : i32
    return %c0_i32, %arg0, %c0_i32_0 : i32, i32, i32
  }
  func.func @transform_2(%arg0: i32) -> (i32, i32) {
    %c0_i32 = arith.constant 0 : i32
    %c0_i32_0 = arith.constant 0 : i32
    %c0_i32_1 = arith.constant 0 : i32
    return %c0_i32, %c0_i32_0 : i32, i32
  }
  func.func @transform_3(%arg0: i32) -> (i32, i32) {
    %c0_i32 = arith.constant 0 : i32
    %c0_i32_0 = arith.constant 0 : i32
    %c0_i32_1 = arith.constant 0 : i32
    return %c0_i32, %c0_i32_0 : i32, i32
  }
  func.func @transform_4(%arg0: i32) -> (i32, i32) {
    %c0_i32 = arith.constant 0 : i32
    %c0_i32_0 = arith.constant 0 : i32
    %c0_i32_1 = arith.constant 0 : i32
    return %c0_i32, %c0_i32_0 : i32, i32
  }
  func.func @transform_5(%arg0: i32) -> (i32, i32) {
    %c0_i32 = arith.constant 0 : i32
    %c0_i32_0 = arith.constant 0 : i32
    %c0_i32_1 = arith.constant 0 : i32
    return %c0_i32, %c0_i32_0 : i32, i32
  }
  func.func @transform_6(%arg0: i32) -> (i32, i32) {
    %c0_i32 = arith.constant 0 : i32
    %c0_i32_0 = arith.constant 0 : i32
    %c0_i32_1 = arith.constant 0 : i32
    return %c0_i32, %c0_i32_0 : i32, i32
  }
  func.func @transform_7(%arg0: i32) -> (i32, i32) {
    %c0_i32 = arith.constant 0 : i32
    %c0_i32_0 = arith.constant 0 : i32
    %c0_i32_1 = arith.constant 0 : i32
    return %c0_i32, %c0_i32_0 : i32, i32
  }
  func.func @transform_8(%arg0: i32) -> (i32, i32) {
    %c0_i32 = arith.constant 0 : i32
    %c0_i32_0 = arith.constant 0 : i32
    %c0_i32_1 = arith.constant 0 : i32
    return %c0_i32, %c0_i32_0 : i32, i32
  }
  func.func @transform_9(%arg0: i32) -> (i32, i32) {
    %c0_i32 = arith.constant 0 : i32
    %c0_i32_0 = arith.constant 0 : i32
    %c0_i32_1 = arith.constant 0 : i32
    return %c0_i32, %c0_i32_0 : i32, i32
  }
  func.func @transform_10(%arg0: i32) -> (i32, i32) {
    %c0_i32 = arith.constant 0 : i32
    %c0_i32_0 = arith.constant 0 : i32
    return %arg0, %c0_i32 : i32, i32
  }
  func.func @transform_11(%arg0: i32) -> (i32, i32) {
    %c0_i32 = arith.constant 0 : i32
    %c0_i32_0 = arith.constant 0 : i32
    return %arg0, %c0_i32 : i32, i32
  }
  func.func @transform_12(%arg0: i32) -> (i32, i32) {
    %c0_i32 = arith.constant 0 : i32
    %c0_i32_0 = arith.constant 0 : i32
    return %arg0, %c0_i32 : i32, i32
  }
  func.func @transform_13(%arg0: i32) -> (i32, i32) {
    %c0_i32 = arith.constant 0 : i32
    %c0_i32_0 = arith.constant 0 : i32
    return %arg0, %c0_i32 : i32, i32
  }
}

module attributes {stable_mosaic.version = 14 : i64} {
  func.func @body(%arg0: memref<256x128xf32, #tpu.memory_space<vmem>>, %arg1: memref<256x128xf32, #tpu.memory_space<vmem>>, %arg2: memref<128x128xf32, #tpu.memory_space<vmem>>, %arg3: memref<1x128xf32, #tpu.memory_space<vmem>>, %arg4: memref<128x128xf32, #tpu.memory_space<vmem>>, %arg5: memref<1x128xf32, #tpu.memory_space<vmem>>, %arg6: memref<128x64xf32, #tpu.memory_space<vmem>>, %arg7: memref<128x64xf32, #tpu.memory_space<vmem>>, %arg8: memref<1x64xf32, #tpu.memory_space<vmem>>, %arg9: memref<64x1xf32, #tpu.memory_space<vmem>>, %arg10: memref<1x1xf32, #tpu.memory_space<vmem>>, %arg11: memref<256x1xf32, #tpu.memory_space<vmem>>, %arg12: memref<256x128xf32, #tpu.memory_space<vmem>>, %arg13: memref<256x128xf32, #tpu.memory_space<vmem>>) attributes {dimension_semantics = [], scalar_prefetch = 0 : i64, scratch_operands = 0 : i64, tpu.core_type = #tpu.core_type<tc>} {
    %get3A = arith.constant 0 : index
    %get3A_0 = arith.constant 0 : index
    %get3A_1 = vector.load %arg0[%get3A, %get3A_0] : memref<256x128xf32, #tpu.memory_space<vmem>>, vector<256x128xf32>
    %get3A_2 = arith.constant 0 : index
    %get3A_3 = arith.constant 0 : index
    %get3A_4 = vector.load %arg2[%get3A_2, %get3A_3] : memref<128x128xf32, #tpu.memory_space<vmem>>, vector<128x128xf32>
    %dot_general3A = arith.constant dense<0.000000e+00> : vector<256x128xf32>
    %dot_general3A_5 = tpu.matmul %get3A_1, %get3A_4, %dot_general3A {dimension_numbers = #tpu.dot_dimension_numbers<[1], [0], [0], [1], [0, 0, 1, 1], [], []>, transpose_lhs_hint = false} : vector<256x128xf32>, vector<128x128xf32>, vector<256x128xf32> -> vector<256x128xf32>
    %get3A_6 = arith.constant 0 : index
    %get3A_7 = arith.constant 0 : index
    %get3A_8 = vector.load %arg3[%get3A_6, %get3A_7] : memref<1x128xf32, #tpu.memory_space<vmem>>, vector<1x128xf32>
    %add3A = vector.broadcast %get3A_8 : vector<1x128xf32> to vector<256x128xf32>
    %add3A_9 = arith.addf %dot_general3A_5, %add3A : vector<256x128xf32>
    %get3A_10 = arith.constant 0 : index
    %get3A_11 = arith.constant 0 : index
    %get3A_12 = vector.load %arg1[%get3A_10, %get3A_11] : memref<256x128xf32, #tpu.memory_space<vmem>>, vector<256x128xf32>
    %get3A_13 = arith.constant 0 : index
    %get3A_14 = arith.constant 0 : index
    %get3A_15 = vector.load %arg4[%get3A_13, %get3A_14] : memref<128x128xf32, #tpu.memory_space<vmem>>, vector<128x128xf32>
    %dot_general3A_16 = arith.constant dense<0.000000e+00> : vector<256x128xf32>
    %dot_general3A_17 = tpu.matmul %get3A_12, %get3A_15, %dot_general3A_16 {dimension_numbers = #tpu.dot_dimension_numbers<[1], [0], [0], [1], [0, 0, 1, 1], [], []>, transpose_lhs_hint = false} : vector<256x128xf32>, vector<128x128xf32>, vector<256x128xf32> -> vector<256x128xf32>
    %get3A_18 = arith.constant 0 : index
    %get3A_19 = arith.constant 0 : index
    %get3A_20 = vector.load %arg5[%get3A_18, %get3A_19] : memref<1x128xf32, #tpu.memory_space<vmem>>, vector<1x128xf32>
    %add3A_21 = vector.broadcast %get3A_20 : vector<1x128xf32> to vector<256x128xf32>
    %add3A_22 = arith.addf %dot_general3A_17, %add3A_21 : vector<256x128xf32>
    %swap3A = arith.constant 0 : index
    %swap3A_23 = arith.constant 0 : index
    %swap3A_24 = vector.load %arg12[%swap3A, %swap3A_23] : memref<256x128xf32, #tpu.memory_space<vmem>>, vector<256x128xf32>
    tpu.vector_store %arg12[%swap3A, %swap3A_23], %add3A_9 {strides = array<i32>} : memref<256x128xf32, #tpu.memory_space<vmem>>, vector<256x128xf32>,
    %swap3A_25 = arith.constant 0 : index
    %swap3A_26 = arith.constant 0 : index
    %swap3A_27 = vector.load %arg13[%swap3A_25, %swap3A_26] : memref<256x128xf32, #tpu.memory_space<vmem>>, vector<256x128xf32>
    tpu.vector_store %arg13[%swap3A_25, %swap3A_26], %add3A_22 {strides = array<i32>} : memref<256x128xf32, #tpu.memory_space<vmem>>, vector<256x128xf32>,
    %get3A_28 = arith.constant 0 : index
    %get3A_29 = arith.constant 0 : index
    %get3A_30 = vector.load %arg6[%get3A_28, %get3A_29] : memref<128x64xf32, #tpu.memory_space<vmem>>, vector<128x64xf32>
    %dot_general3A_31 = arith.constant dense<0.000000e+00> : vector<256x64xf32>
    %dot_general3A_32 = tpu.matmul %add3A_9, %get3A_30, %dot_general3A_31 {dimension_numbers = #tpu.dot_dimension_numbers<[1], [0], [0], [1], [0, 0, 1, 1], [], []>, transpose_lhs_hint = false} : vector<256x128xf32>, vector<128x64xf32>, vector<256x64xf32> -> vector<256x64xf32>
    %get3A_33 = arith.constant 0 : index
    %get3A_34 = arith.constant 0 : index
    %get3A_35 = vector.load %arg7[%get3A_33, %get3A_34] : memref<128x64xf32, #tpu.memory_space<vmem>>, vector<128x64xf32>
    %dot_general3A_36 = arith.constant dense<0.000000e+00> : vector<256x64xf32>
    %dot_general3A_37 = tpu.matmul %add3A_22, %get3A_35, %dot_general3A_36 {dimension_numbers = #tpu.dot_dimension_numbers<[1], [0], [0], [1], [0, 0, 1, 1], [], []>, transpose_lhs_hint = false} : vector<256x128xf32>, vector<128x64xf32>, vector<256x64xf32> -> vector<256x64xf32>
    %add3A_38 = arith.addf %dot_general3A_32, %dot_general3A_37 : vector<256x64xf32>
    %get3A_39 = arith.constant 0 : index
    %get3A_40 = arith.constant 0 : index
    %get3A_41 = vector.load %arg8[%get3A_39, %get3A_40] : memref<1x64xf32, #tpu.memory_space<vmem>>, vector<1x64xf32>
    %add3A_42 = vector.broadcast %get3A_41 : vector<1x64xf32> to vector<256x64xf32>
    %add3A_43 = arith.addf %add3A_38, %add3A_42 : vector<256x64xf32>
    %gt3A = arith.constant 0.000000e+00 : f32
    %gt3A_44 = vector.broadcast %gt3A : f32 to vector<256x64xf32>
    %gt3A_45 = arith.cmpf ogt, %add3A_43, %gt3A_44 : vector<256x64xf32>
    %mul3A = arith.constant 0.00999999977 : f32
    %mul3A_46 = vector.broadcast %mul3A : f32 to vector<256x64xf32>
    %mul3A_47 = arith.mulf %mul3A_46, %add3A_43 : vector<256x64xf32>
    %select_n3A = arith.select %gt3A_45, %add3A_43, %mul3A_47 : vector<256x64xi1>, vector<256x64xf32>
    %get3A_48 = arith.constant 0 : index
    %get3A_49 = arith.constant 0 : index
    %get3A_50 = vector.load %arg9[%get3A_48, %get3A_49] : memref<64x1xf32, #tpu.memory_space<vmem>>, vector<64x1xf32>
    %dot_general3A_51 = arith.constant dense<0.000000e+00> : vector<256x1xf32>
    %dot_general3A_52 = tpu.matmul %select_n3A, %get3A_50, %dot_general3A_51 {dimension_numbers = #tpu.dot_dimension_numbers<[1], [0], [0], [1], [0, 0, 1, 1], [], []>, transpose_lhs_hint = false} : vector<256x64xf32>, vector<64x1xf32>, vector<256x1xf32> -> vector<256x1xf32>
    %get3A_53 = arith.constant 0 : index
    %get3A_54 = arith.constant 0 : index
    %get3A_55 = vector.load %arg10[%get3A_53, %get3A_54] : memref<1x1xf32, #tpu.memory_space<vmem>>, vector<1x1xf32>
    %add3A_56 = vector.broadcast %get3A_55 : vector<1x1xf32> to vector<256x1xf32>
    %add3A_57 = arith.addf %dot_general3A_52, %add3A_56 : vector<256x1xf32>
    %swap3A_58 = arith.constant 0 : index
    %swap3A_59 = arith.constant 0 : index
    %swap3A_60 = vector.load %arg11[%swap3A_58, %swap3A_59] : memref<256x1xf32, #tpu.memory_space<vmem>>, vector<256x1xf32>
    tpu.vector_store %arg11[%swap3A_58, %swap3A_59], %add3A_57 {strides = array<i32>} : memref<256x1xf32, #tpu.memory_space<vmem>>, vector<256x1xf32>,
    return
  }
}

module attributes {stable_mosaic.version = 14 : i64} {
  func.func @body(%arg0: memref<256x40xf32, #tpu.memory_space<vmem>>, %arg1: memref<256x20xf32, #tpu.memory_space<vmem>>, %arg2: memref<256x20x40xf32, #tpu.memory_space<vmem>>, %arg3: memref<256x40xf32, #tpu.memory_space<vmem>>, %arg4: memref<256x1xf32, #tpu.memory_space<vmem>>) attributes {dimension_semantics = [], scalar_prefetch = 0 : i64, scratch_operands = 0 : i64, tpu.core_type = #tpu.core_type<tc>} {
    %get3A = arith.constant 0 : index
    %get3A_0 = arith.constant 0 : index
    %get3A_1 = vector.load %arg0[%get3A, %get3A_0] : memref<256x40xf32, #tpu.memory_space<vmem>>, vector<256x40xf32>
    %reshape3A = vector.shape_cast %get3A_1 : vector<256x40xf32> to vector<256x1x40xf32>
    %get3A_2 = arith.constant 0 : index
    %get3A_3 = arith.constant 0 : index
    %get3A_4 = vector.load %arg1[%get3A_2, %get3A_3] : memref<256x20xf32, #tpu.memory_space<vmem>>, vector<256x20xf32>
    %reshape3A_5 = vector.shape_cast %get3A_4 : vector<256x20xf32> to vector<256x20x1xf32>
    %add3A = vector.broadcast %reshape3A : vector<256x1x40xf32> to vector<256x20x40xf32>
    %add3A_6 = vector.broadcast %reshape3A_5 : vector<256x20x1xf32> to vector<256x20x40xf32>
    %add3A_7 = arith.addf %add3A, %add3A_6 : vector<256x20x40xf32>
    %get3A_8 = arith.constant 0 : index
    %get3A_9 = arith.constant 0 : index
    %get3A_10 = arith.constant 0 : index
    %get3A_11 = vector.load %arg2[%get3A_8, %get3A_9, %get3A_10] : memref<256x20x40xf32, #tpu.memory_space<vmem>>, vector<256x20x40xf32>
    %gt3A = arith.constant 0.000000e+00 : f32
    %gt3A_12 = vector.broadcast %gt3A : f32 to vector<256x20x40xf32>
    %gt3A_13 = arith.cmpf ogt, %add3A_7, %gt3A_12 : vector<256x20x40xf32>
    %mul3A = arith.constant 0.00999999977 : f32
    %mul3A_14 = vector.broadcast %mul3A : f32 to vector<256x20x40xf32>
    %mul3A_15 = arith.mulf %mul3A_14, %add3A_7 : vector<256x20x40xf32>
    %select_n3A = arith.select %gt3A_13, %add3A_7, %mul3A_15 : vector<256x20x40xi1>, vector<256x20x40xf32>
    %exp3A = math.exp %select_n3A : vector<256x20x40xf32>
    %mul3A_16 = arith.mulf %get3A_11, %exp3A : vector<256x20x40xf32>
    %reduce_sum3A = arith.constant dense<0.000000e+00> : vector<256x40xf32>
    %reduce_sum3A_17 = vector.multi_reduction <add>, %mul3A_16, %reduce_sum3A [1] : vector<256x20x40xf32> to vector<256x40xf32>
    %reduce_sum3A_18 = arith.constant dense<0.000000e+00> : vector<256xf32>
    %reduce_sum3A_19 = vector.multi_reduction <add>, %reduce_sum3A_17, %reduce_sum3A_18 [1] : vector<256x40xf32> to vector<256xf32>
    %broadcast_in_dim3A = vector.shape_cast %reduce_sum3A_19 : vector<256xf32> to vector<256x1xf32>
    %get3A_20 = arith.constant 0 : index
    %get3A_21 = arith.constant 0 : index
    %get3A_22 = vector.load %arg3[%get3A_20, %get3A_21] : memref<256x40xf32, #tpu.memory_space<vmem>>, vector<256x40xf32>
    %mul3A_23 = arith.mulf %reduce_sum3A_17, %get3A_22 : vector<256x40xf32>
    %reduce_sum3A_24 = arith.constant dense<0.000000e+00> : vector<256xf32>
    %reduce_sum3A_25 = vector.multi_reduction <add>, %mul3A_23, %reduce_sum3A_24 [1] : vector<256x40xf32> to vector<256xf32>
    %broadcast_in_dim3A_26 = vector.shape_cast %reduce_sum3A_25 : vector<256xf32> to vector<256x1xf32>
    %div3A = arith.divf %broadcast_in_dim3A_26, %broadcast_in_dim3A : vector<256x1xf32>
    %swap3A = arith.constant 0 : index
    %swap3A_27 = arith.constant 0 : index
    %swap3A_28 = vector.load %arg4[%swap3A, %swap3A_27] : memref<256x1xf32, #tpu.memory_space<vmem>>, vector<256x1xf32>
    tpu.vector_store %arg4[%swap3A, %swap3A_27], %div3A {strides = array<i32>} : memref<256x1xf32, #tpu.memory_space<vmem>>, vector<256x1xf32>,
    return
  }
}

module attributes {stable_mosaic.version = 14 : i64} {
  func.func @body(%arg0: i32, %arg1: memref<1024x128xf32, #tpu.memory_space<vmem>>, %arg2: memref<2x1024x64xf32, #tpu.memory_space<vmem>>, %arg3: memref<32x1024xf32, #tpu.memory_space<vmem>>, %arg4: memref<1x128xf32, #tpu.memory_space<vmem>>, %arg5: memref<128x128xf32, #tpu.memory_space<vmem>>, %arg6: memref<1x128xf32, #tpu.memory_space<vmem>>, %arg7: memref<128x1xf32, #tpu.memory_space<vmem>>, %arg8: memref<1x1xf32, #tpu.memory_space<vmem>>, %arg9: memref<1024x1xf32, #tpu.memory_space<vmem>>) attributes {dimension_semantics = [#tpu.dimension_semantics<arbitrary>], iteration_bounds = array<i64: 10>, scalar_prefetch = 0 : i64, scratch_operands = 0 : i64, tpu.core_type = #tpu.core_type<tc>, window_params = [{transform_indices = @transform_0, window_bounds = array<i64: 1024, 128>}, {transform_indices = @transform_1, window_bounds = array<i64: 2, 1024, 64>}, {transform_indices = @transform_2, window_bounds = array<i64: 32, 1024>}, {pipeline_mode = #tpu.pipeline_mode<synchronous>, transform_indices = @transform_3, window_bounds = array<i64: 1, 128>}, {pipeline_mode = #tpu.pipeline_mode<synchronous>, transform_indices = @transform_4, window_bounds = array<i64: 128, 128>}, {pipeline_mode = #tpu.pipeline_mode<synchronous>, transform_indices = @transform_5, window_bounds = array<i64: 1, 128>}, {pipeline_mode = #tpu.pipeline_mode<synchronous>, transform_indices = @transform_6, window_bounds = array<i64: 128, 1>}, {pipeline_mode = #tpu.pipeline_mode<synchronous>, transform_indices = @transform_7, window_bounds = array<i64: 1, 1>}, {transform_indices = @transform_8, window_bounds = array<i64: 1024, 1>}]} {
    %broadcast_in_dim3A = arith.constant 1.000000e+00 : f32
    %broadcast_in_dim3A_0 = vector.broadcast %broadcast_in_dim3A : f32 to vector<32x1xf32>
    %get3A = arith.constant 0 : index
    %get3A_1 = arith.constant 0 : index
    %get3A_2 = vector.load %arg3[%get3A, %get3A_1] : memref<32x1024xf32, #tpu.memory_space<vmem>>, vector<32x1024xf32>
    %dot_general3A = arith.constant dense<0.000000e+00> : vector<1024x1xf32>
    %dot_general3A_3 = tpu.matmul %get3A_2, %broadcast_in_dim3A_0, %dot_general3A {dimension_numbers = #tpu.dot_dimension_numbers<[0], [0], [1], [1], [0, 1, 1, 1], [], []>, transpose_lhs_hint = false} : vector<32x1024xf32>, vector<32x1xf32>, vector<1024x1xf32> -> vector<1024x1xf32>
    %get3A_4 = arith.constant 0 : index
    %get3A_5 = arith.constant 0 : index
    %get3A_6 = arith.constant 0 : index
    %get3A_7 = vector.load %arg2[%get3A_4, %get3A_5, %get3A_6] : memref<2x1024x64xf32, #tpu.memory_space<vmem>>, vector<1x1024x64xf32>
    %get3A_8 = vector.shape_cast %get3A_7 : vector<1x1024x64xf32> to vector<1024x64xf32>
    %get3A_9 = arith.constant 1 : index
    %get3A_10 = arith.constant 0 : index
    %get3A_11 = arith.constant 0 : index
    %get3A_12 = vector.load %arg2[%get3A_9, %get3A_10, %get3A_11] : memref<2x1024x64xf32, #tpu.memory_space<vmem>>, vector<1x1024x64xf32>
    %get3A_13 = vector.shape_cast %get3A_12 : vector<1x1024x64xf32> to vector<1024x64xf32>
    %concatenate3A = tpu.concatenate %get3A_8, %get3A_13 in 1 : vector<1024x64xf32>, vector<1024x64xf32> -> vector<1024x128xf32>
    %get3A_14 = arith.constant 0 : index
    %get3A_15 = arith.constant 0 : index
    %get3A_16 = vector.load %arg4[%get3A_14, %get3A_15] : memref<1x128xf32, #tpu.memory_space<vmem>>, vector<1x128xf32>
    %mul3A = vector.broadcast %dot_general3A_3 : vector<1024x1xf32> to vector<1024x128xf32>
    %mul3A_17 = vector.broadcast %get3A_16 : vector<1x128xf32> to vector<1024x128xf32>
    %mul3A_18 = arith.mulf %mul3A, %mul3A_17 : vector<1024x128xf32>
    %add3A = arith.addf %concatenate3A, %mul3A_18 : vector<1024x128xf32>
    %get3A_19 = arith.constant 0 : index
    %get3A_20 = arith.constant 0 : index
    %get3A_21 = vector.load %arg1[%get3A_19, %get3A_20] : memref<1024x128xf32, #tpu.memory_space<vmem>>, vector<1024x128xf32>
    %get3A_22 = arith.constant 0 : index
    %get3A_23 = arith.constant 0 : index
    %get3A_24 = vector.load %arg5[%get3A_22, %get3A_23] : memref<128x128xf32, #tpu.memory_space<vmem>>, vector<128x128xf32>
    %dot_general3A_25 = arith.constant dense<0.000000e+00> : vector<1024x128xf32>
    %dot_general3A_26 = tpu.matmul %get3A_21, %get3A_24, %dot_general3A_25 {dimension_numbers = #tpu.dot_dimension_numbers<[1], [0], [0], [1], [0, 0, 1, 1], [], []>, transpose_lhs_hint = false} : vector<1024x128xf32>, vector<128x128xf32>, vector<1024x128xf32> -> vector<1024x128xf32>
    %add3A_27 = arith.addf %dot_general3A_26, %add3A : vector<1024x128xf32>
    %get3A_28 = arith.constant 0 : index
    %get3A_29 = arith.constant 0 : index
    %get3A_30 = vector.load %arg6[%get3A_28, %get3A_29] : memref<1x128xf32, #tpu.memory_space<vmem>>, vector<1x128xf32>
    %add3A_31 = vector.broadcast %get3A_30 : vector<1x128xf32> to vector<1024x128xf32>
    %add3A_32 = arith.addf %add3A_27, %add3A_31 : vector<1024x128xf32>
    %gt3A = arith.constant 0.000000e+00 : f32
    %gt3A_33 = vector.broadcast %gt3A : f32 to vector<1024x128xf32>
    %gt3A_34 = arith.cmpf ogt, %add3A_32, %gt3A_33 : vector<1024x128xf32>
    %mul3A_35 = arith.constant 0.00999999977 : f32
    %mul3A_36 = vector.broadcast %mul3A_35 : f32 to vector<1024x128xf32>
    %mul3A_37 = arith.mulf %mul3A_36, %add3A_32 : vector<1024x128xf32>
    %select_n3A = arith.select %gt3A_34, %add3A_32, %mul3A_37 : vector<1024x128xi1>, vector<1024x128xf32>
    %get3A_38 = arith.constant 0 : index
    %get3A_39 = arith.constant 0 : index
    %get3A_40 = vector.load %arg7[%get3A_38, %get3A_39] : memref<128x1xf32, #tpu.memory_space<vmem>>, vector<128x1xf32>
    %dot_general3A_41 = arith.constant dense<0.000000e+00> : vector<1024x1xf32>
    %dot_general3A_42 = tpu.matmul %select_n3A, %get3A_40, %dot_general3A_41 {dimension_numbers = #tpu.dot_dimension_numbers<[1], [0], [0], [1], [0, 0, 1, 1], [], []>, transpose_lhs_hint = false} : vector<1024x128xf32>, vector<128x1xf32>, vector<1024x1xf32> -> vector<1024x1xf32>
    %get3A_43 = arith.constant 0 : index
    %get3A_44 = arith.constant 0 : index
    %get3A_45 = vector.load %arg8[%get3A_43, %get3A_44] : memref<1x1xf32, #tpu.memory_space<vmem>>, vector<1x1xf32>
    %add3A_46 = vector.broadcast %get3A_45 : vector<1x1xf32> to vector<1024x1xf32>
    %add3A_47 = arith.addf %dot_general3A_42, %add3A_46 : vector<1024x1xf32>
    %swap3A = arith.constant 0 : index
    %swap3A_48 = arith.constant 0 : index
    %swap3A_49 = vector.load %arg9[%swap3A, %swap3A_48] : memref<1024x1xf32, #tpu.memory_space<vmem>>, vector<1024x1xf32>
    tpu.vector_store %arg9[%swap3A, %swap3A_48], %add3A_47 {strides = array<i32>} : memref<1024x1xf32, #tpu.memory_space<vmem>>, vector<1024x1xf32>,
    return
  }
  func.func @transform_0(%arg0: i32) -> (i32, i32) {
    %c0_i32 = arith.constant 0 : i32
    %c0_i32_0 = arith.constant 0 : i32
    return %arg0, %c0_i32 : i32, i32
  }
  func.func @transform_1(%arg0: i32) -> (i32, i32, i32) {
    %c0_i32 = arith.constant 0 : i32
    %c0_i32_0 = arith.constant 0 : i32
    %c0_i32_1 = arith.constant 0 : i32
    return %c0_i32, %arg0, %c0_i32_0 : i32, i32, i32
  }
  func.func @transform_2(%arg0: i32) -> (i32, i32) {
    %c0_i32 = arith.constant 0 : i32
    %c0_i32_0 = arith.constant 0 : i32
    return %c0_i32, %arg0 : i32, i32
  }
  func.func @transform_3(%arg0: i32) -> (i32, i32) {
    %c0_i32 = arith.constant 0 : i32
    %c0_i32_0 = arith.constant 0 : i32
    %c0_i32_1 = arith.constant 0 : i32
    return %c0_i32, %c0_i32_0 : i32, i32
  }
  func.func @transform_4(%arg0: i32) -> (i32, i32) {
    %c0_i32 = arith.constant 0 : i32
    %c0_i32_0 = arith.constant 0 : i32
    %c0_i32_1 = arith.constant 0 : i32
    return %c0_i32, %c0_i32_0 : i32, i32
  }
  func.func @transform_5(%arg0: i32) -> (i32, i32) {
    %c0_i32 = arith.constant 0 : i32
    %c0_i32_0 = arith.constant 0 : i32
    %c0_i32_1 = arith.constant 0 : i32
    return %c0_i32, %c0_i32_0 : i32, i32
  }
  func.func @transform_6(%arg0: i32) -> (i32, i32) {
    %c0_i32 = arith.constant 0 : i32
    %c0_i32_0 = arith.constant 0 : i32
    %c0_i32_1 = arith.constant 0 : i32
    return %c0_i32, %c0_i32_0 : i32, i32
  }
  func.func @transform_7(%arg0: i32) -> (i32, i32) {
    %c0_i32 = arith.constant 0 : i32
    %c0_i32_0 = arith.constant 0 : i32
    %c0_i32_1 = arith.constant 0 : i32
    return %c0_i32, %c0_i32_0 : i32, i32
  }
  func.func @transform_8(%arg0: i32) -> (i32, i32) {
    %c0_i32 = arith.constant 0 : i32
    %c0_i32_0 = arith.constant 0 : i32
    return %arg0, %c0_i32 : i32, i32
  }
}

</mosaic_0001>

<sc_bundles>
// kernel: kernel.11.cloned.1.call-start
scs
__scs_entry_jumppad:
0x0: {  	(pc) =	sbr.rel $0x88, $3  }
0x1: {  	(tag) =	ssettag $0x0;
	lr =	simm.s32 $0x1  }
0x2: {  	[smem:$0x3F86] =	sst lr;
	_ =	strace $0xD0000000  }
0x3: {  	_ = 	snop  }
0x4: {  	_ = 	snop  }
0x5: {  	_ = 	snop  }
0x6: {  	_ = 	snop  }
0x7: {  	_ = 	snop  }
__scs_overlays_trampoline_lowered:
0x8: {  	[smem:$0x3F95] =	sst s0  }
0x9: {  	[smem:$0x3F96] =	sst s1  }
0xa: {  	[smem:$0x3F97] =	sst s2  }
0xb: {  	[smem:$0x3F98] =	sst s3  }
0xc: {  	[smem:$0x3F99] =	sst s4  }
0xd: {  	[smem:$0x3F9A] =	sst s5  }
0xe: {  	[smem:$0x3F9B] =	sst s6  }
0xf: {  	[smem:$0x3F9C] =	sst s7  }
0x10: {  	[smem:$0x3F9D] =	sst s8  }
0x11: {  	[smem:$0x3F9E] =	sst s9;
	s0 =	simm.s32 @!p0 $0x0  }
0x12: {  	s1 =	sld [smem:$0x3F84];
	s0 =	simm.s32 @p0 $0x1  }
0x13: {  	[smem:$0x3F9F] =	sst s0;
	s0 =	simm.s32 @!p1 $0x0  }
0x14: {  	s2 =	sld [smem:$0x3F83];
	s0 =	simm.s32 @p1 $0x1  }
0x15: {  	[smem:$0x3FA0] =	sst s0;
	s0 =	simm.s32 @!p2 $0x0  }
0x16: {  	s3 =	sld [smem:$0x3FDB];
	s0 =	simm.s32 @p2 $0x1  }
0x17: {  	s4 =	simm.s32 $0x1BF5;
	[smem:$0x3FA2] =	sst s0  }
0x18: {  	s0 =	sld [smem:$0x3F85];
	_ =	swait.ge [sflag:s4], $0x0  }
0x19: {  	s7 =	sld [smem:$0x3F86]  }
0x1a: {  	s8 =	sadd.s32 $0xFFFFE003, lr  }
0x1b: {  	s9 =	sadd.s32 $0xFFFFFEF7, lr;
	s5 =	simm.s32 $0xFFFFFFFF;
	p2 =	slt.u32 s8, $0xFFFFF086  }
0x1c: {  	p1 =	slt.u32 s9, $0xF7A;
	s5 =	simm.s32 @!p2 $0x0  }
0x1d: {  	s5 =	simm.s32 @p1 $0x1;
	p0 =	seq.s32 s7, s2  }
0x1e: {  	s7 =	smul.u32 @!p0 $0xF7A, s2;
	p2 =	seq.s32 @!p0 s5, $0x0  }
0x1f: {  	s9 =	smul.u32 $0xF7A, s1;
	s8 =	simm.s32 @!p0 $0x1BF5;
	p2 =	por !p2, p0  }
0x20: {  	[sflag:s8] =	ssyncset.s32 @!p0 $0xFFFFF086;
	s6 =	sadd.s32 @!p0 s3, s7;
	s7 =	simm.s32 @!p0 $0x108  }
0x21: {  	s3 =	sadd.s32 s3, s9;
	s6 =	sadd.s32 @!p0 $0x88, s6;
	s7 =	simm.s32 @p2 $0x1082  }
0x22: {  	[simem:s7], [sflag:s8] =	dma.local @!p0 [hbm:s6], $0xF7A  }
0x23: {  	s9 =	sor.u32 $0xD0000000, s2;
	s6 =	simm.s32 $0x108;
	_ =	swait.ge @!p0 [sflag:s8], $0x0  }
0x24: {  	s3 =	sadd.s32 $0x88, s3;
	s6 =	simm.s32 @!p1 $0x1082;
	[sflag:s4] =	ssyncset.s32 $0xFFFFF086  }
0x25: {  	[simem:s6], [sflag:s4] =	dma.local [hbm:s3], $0xF7A  }
0x26: {  	[smem:$0x3F86] =	sst s1;
	(tag) =	ssettag s2;
	_ =	strace s9  }
0x27: {  	s1 =	sld [smem:$0x3F96]  }
0x28: {  	s2 =	sld [smem:$0x3F97]  }
0x29: {  	s4 =	sld [smem:$0x3F99]  }
0x2a: {  	p0 =	seq.s32 s5, $0x0;
	s5 =	sld [smem:$0x3F9A]  }
0x2b: {  	s6 =	sld [smem:$0x3F9B]  }
0x2c: {  	s7 =	sld [smem:$0x3F9C]  }
0x2d: {  	s3 =	simm.s32 $0x108;
	s8 =	sld [smem:$0x3F9D]  }
0x2e: {  	s3 =	simm.s32 @!p0 $0x1082;
	s9 =	sld [smem:$0x3F9E]  }
0x2f: {  	lr =	sadd.s32 s0, s3;
	s0 =	sld [smem:$0x3F95]  }
0x30: {  	s3 =	sld [smem:$0x3F98]  }
0x31: {  	[smem:$0x3FA1] =	sst s10  }
0x32: {  	s10 =	sld [smem:$0x3F9F];
	_ =	sdelay $0x3  }
0x33: {  	p0 =	seq.s32 s10, $0x1;
	s10 =	sld [smem:$0x3FA1];
	_ =	sdelay $0x3  }
0x34: {  	[smem:$0x3FA1] =	sst s10  }
0x35: {  	s10 =	sld [smem:$0x3FA0];
	_ =	sdelay $0x3  }
0x36: {  	p1 =	seq.s32 s10, $0x1;
	s10 =	sld [smem:$0x3FA1];
	_ =	sdelay $0x3  }
0x37: {  	[smem:$0x3FA1] =	sst s10  }
0x38: {  	s10 =	sld [smem:$0x3FA2]  }
0x39: {  	_ = 	snop;
	(pc) =	sbr.ind lr, $3  }
0x3a: {  	_ = 	snop  }
0x3b: {  	_ = 	snop  }
0x3c: {  	p2 =	seq.s32 s10, $0x1;
	s10 =	sld [smem:$0x3FA1]  }
0x3d: {  	_ =	shalt  }
0x3e: {  	_ =	shalt  }
0x3f: {  	_ =	shalt  }
0x40: {  	_ =	shalt  }
0x41: {  	_ =	shalt  }
0x42: {  	_ =	shalt  }
0x43: {  	_ =	shalt  }
0x44: {  	_ =	shalt  }
0x45: {  	_ =	shalt  }
0x46: {  	_ =	shalt  }
0x47: {  	_ =	shalt  }
0x48: {  	_ =	shalt  }
0x49: {  	_ =	shalt  }
0x4a: {  	_ =	shalt  }
0x4b: {  	_ =	shalt  }
0x4c: {  	_ =	shalt  }
0x4d: {  	_ =	shalt  }
0x4e: {  	_ =	shalt  }
0x4f: {  	_ =	shalt  }
0x50: {  	_ =	shalt  }
0x51: {  	_ =	shalt  }
0x52: {  	_ =	shalt  }
0x53: {  	_ =	shalt  }
0x54: {  	_ =	shalt  }
0x55: {  	_ =	shalt  }
0x56: {  	_ =	shalt  }
0x57: {  	_ =	shalt  }
0x58: {  	_ =	shalt  }
0x59: {  	_ =	shalt  }
0x5a: {  	_ =	shalt  }
0x5b: {  	_ =	shalt  }
0x5c: {  	_ =	shalt  }
0x5d: {  	_ =	shalt  }
0x5e: {  	_ =	shalt  }
0x5f: {  	_ =	shalt  }
0x60: {  	_ =	shalt  }
0x61: {  	_ =	shalt  }
0x62: {  	_ =	shalt  }
0x63: {  	_ =	shalt  }
0x64: {  	_ =	shalt  }
0x65: {  	_ =	shalt  }
0x66: {  	_ =	shalt  }
0x67: {  	_ =	shalt  }
0x68: {  	_ =	shalt  }
0x69: {  	_ =	shalt  }
0x6a: {  	_ =	shalt  }
0x6b: {  	_ =	shalt  }
0x6c: {  	_ =	shalt  }
0x6d: {  	_ =	shalt  }
0x6e: {  	_ =	shalt  }
0x6f: {  	_ =	shalt  }
0x70: {  	_ =	shalt  }
0x71: {  	_ =	shalt  }
0x72: {  	_ =	shalt  }
0x73: {  	_ =	shalt  }
0x74: {  	_ =	shalt  }
0x75: {  	_ =	shalt  }
0x76: {  	_ =	shalt  }
0x77: {  	_ =	shalt  }
0x78: {  	_ =	shalt  }
0x79: {  	_ =	shalt  }
0x7a: {  	_ =	shalt  }
0x7b: {  	_ =	shalt  }
0x7c: {  	_ =	shalt  }
0x7d: {  	_ =	shalt  }
0x7e: {  	_ =	shalt  }
0x7f: {  	_ =	shalt  }
0x80: {  	_ =	shalt  }
0x81: {  	_ =	shalt  }
0x82: {  	_ =	shalt  }
0x83: {  	_ =	shalt  }
0x84: {  	_ =	shalt  }
0x85: {  	_ =	shalt  }
0x86: {  	_ =	shalt  }
0x87: {  	_ =	shalt  }
.Lfunc_end0:
.L_simem_size_0:
called_computation_lowered:
.L_overlay_start_0:
0x88: {  	s2 =	sld [smem:$0x3FD9]  }
0x89: {  	s3 =	sld [smem:$0x3FFE];
	_ =	sdelay $0x1  }
0x8a: {  	s1 =	srdreg.scid  }
0x8b: {  	s0 =	sand.u32 $0x1, s1  }
0x8c: {  	s16 =	sshll.u32 s0, $0xA;
	s2 =	sadd.s32 s3, s2  }
0x8d: {  	s2 =	sadd.s32 s2, s16  }
0x8e: {  	[smem:$0x3FAD] =	sst s2  }
0x8f: {  	_ = 	snop  }
0x90: {  	(tm) =	ssettm $0x1  }
0x91: {  	s17 =	sld [smem:$0x3FFB];
	_ =	sdelay $0x3  }
0x92: {  	_ =	strace s17  }
0x93: {  	s2 =	sld [smem:$0x3FFC];
	_ =	sdelay $0x3  }
0x94: {  	_ =	strace s2  }
0x95: {  	s2 =	sld [smem:$0x3FFD];
	_ =	sdelay $0x3  }
0x96: {  	_ =	strace s2  }
0x97: {  	_ =	strace $0x8FFFFFFF  }
0x98: {  	s18 =	sld [smem:$0x3FDB];
	_ =	sdelay $0x1  }
0x99: {  	s19 =	simm.s32 $_scs_section_size  }
0x9a: {  	s4 =	simm.s32 $_size__tile_overlayer_lowered;
	s5 =	simm.s32 $_tile_overlayer_lowered  }
0x9b: {  	s22 =	simm.s32 $0x1BFF;
	s21 =	sshll.u32 s5, $0x1;
	s2 =	sadd.s32 s19, s18  }
0x9c: {  	s6 =	simm.s32 $0x0;
	s20 =	sshll.u32 s4, $0x1;
	s4 =	sadd.s32 s21, s2  }
0x9d: {  	[timem:s6], [sflag:s22] =	dma.local [hbm:s4], s20  }
0x9e: {  	_ =	swait.ge [sflag:s22], s20  }
0x9f: {  	s3 =	ssub.s32 $0x0, s20;
	[sflag:s22] =	ssyncset.done $0x0  }
0xa0: {  	[sflag:s22] =	ssyncadd.s32 s3;
	_ =	sdelay $0x1  }
0xa1: {  	s23 =	simm.s32 $0x1B8B  }
0xa2: {  	_ =	swait.ge [sflag:s23], $0x1  }
0xa3: {  	[sflag:s23] =	ssyncset.done $0x0  }
0xa4: {  	s25 =	simm.s32 $0x1B8E;
	s24 =	sld [smem:$0x3FFE];
	[sflag:s23] =	ssyncadd.s32 $0xFFFFFFFF  }
0xa5: {  	s26 =	simm.s32 $execute0_lowered;
	[smem:$0x3FD2] =	sst s25  }
0xa6: {  	s4 =	sshll.u32 s26, $0x1;
	_ =	strace $0x80000046;
	[dreg:$0x1] =	wrdreg $0xFFFFFFFF  }
0xa7: {  	s28 =	simm.s32 $_size_execute0_lowered;
	s2 =	sadd.s32 s2, s4;
	[dreg:$0x0] =	wrdreg $0x0  }
0xa8: {  	s4 =	sshll.u32 s28, $0x1;
	[dreg:$0x2] =	wrdreg s2  }
0xa9: {  	[dreg:$0x3] =	wrdreg s4  }
0xaa: {  	[dreg:$0x4] =	wrdreg $0xC0  }
0xab: {  	_ =	task [dreg:s6], $0x5FFFF  }
0xac: {  	[dreg:$0x1] =	wrdreg $0xFFFFFFFF  }
0xad: {  	[dreg:$0x0] =	wrdreg $0x60  }
0xae: {  	[dreg:$0x2] =	wrdreg s24  }
0xaf: {  	[dreg:$0x3] =	wrdreg $0xD8000  }
0xb0: {  	[dreg:$0x4] =	wrdreg $0x178000  }
0xb1: {  	[dreg:$0x5] =	wrdreg $0x9  }
0xb2: {  	_ =	task.clear_ibuf [dreg:s6], $0x6FFFF;
	_ =	strace $0x90000046  }
0xb3: {  	s29 =	simm.s32 $0x9;
	_ =	strace $0x80000048  }
0xb4: {  	_ =	swait.ge [sflag:s29], $0x1  }
0xb5: {  	[sflag:s29] =	ssyncadd.s32 $0xFFFFFFFF  }
0xb6: {  	_ =	strace $0x90000048  }
0xb7: {  	_ =	sfence  }
0xb8: {  	s30 =	sld [smem:$0x0];
	_ =	sdelay $0x2  }
0xb9: {  	s31 =	sshll.u32 s1, $0xD;
	s1 =	sshrl.u32 s1, $0x2  }
0xba: {  	s3 =	sand.u32 $0x4000, s31;
	s1 =	sadd.s32 s1, s30  }
0xbb: {  	s0 =	sor.u32 s3, s0;
	s1 =	sshll.u32 s1, $0x11  }
0xbc: {  	s0 =	sor.u32 s1, s0  }
0xbd: {  	s0 =	sadd.s32 $0x8F2B, s0  }
0xbe: {  	[sflag:s0] =	ssyncadd.remote.s32 $0x1  }
0xbf: {  	_ =	sfence.sel $0xFFFF  }
0xc0: {  	[dreg:$0x0] =	wrdreg $0xFFFFFFFF;
	(pc) =	sbr.abs _section_cstart, $3  }
0xc1: {  	[dreg:$0x1] =	wrdreg $0xFFFFFFFF  }
0xc2: {  	_ =	task.clear_ibuf [dreg:s6], $0x2FFFF;
	_ =	strace $0x9FFFFFFF  }
0xc3: {  	(tm) =	ssettm $0x7FFFFFFF  }
tec
execute0_lowered:
.L_overlay_start_1:
0x0: {  	(tag) =	ssettag $0x1  }
0x1: {  	s16 =	stileid.u32  }
0x2: {  	s0 =	rddreg [dreg:$0x0];
	s6 =	smul.u32 $0x500, s16  }
0x3: {  	s1 =	srdreg.scid;
	s9 =	smul.u32 $0x280, s16  }
0x4: {  	s2 =	rddreg [dreg:$0x1];
	s18 =	smul.u32 $0xA000, s16  }
0x5: {  	s3 =	rddreg [dreg:$0x2];
	s12 =	smul.u32 $0x5000, s16  }
0x6: {  	s4 =	simm.s32 $0x0;
	s1 =	sand.u32 $0x1, s1;
	s19 =	smul.u32 $0x28000, s16  }
0x7: {  	[smem:$0x7FF] =	sst s4;
	s7 =	smul.u32 $0x50000, s1  }
0x8: {  	s5 =	smul.u32 $0xA0000, s1;
	_ =	strace $0x80000047;
	s1 =	ssub.s32 $0x2, s1  }
0x9: {  	s22 =	sshrl.u32 s19, $0x2;
	s11 =	sshrl.u32 s7, $0x3;
	s7 =	sadd.s32 s12, s7  }
0xa: {  	s6 =	sadd.s32 s6, s0;
	s20 =	sshrl.u32 s7, $0x3;
	s7 =	sadd.s32 s22, s2  }
0xb: {  	s14 =	sadd.s32 s9, s0;
	s21 =	sshrl.u32 s1, $0x1;
	s23 =	sadd.s32 $0x800, s7  }
0xc: {  	s8 =	sshrl.u32 s5, $0x3;
	s24 =	sadd.s32 $0x1000, s7;
	[dreg:$0x4] =	wrdreg s23  }
0xd: {  	s5 =	sadd.s32 s18, s5;
	s25 =	sadd.s32 $0x1800, s7;
	[dreg:$0x5] =	wrdreg s24  }
0xe: {  	s13 =	sadd.s32 s11, s0;
	s26 =	sadd.s32 $0x2000, s7;
	[dreg:$0x6] =	wrdreg s25  }
0xf: {  	s5 =	sshrl.u32 s5, $0x3;
	s9 =	sadd.s32 $0x2800, s7;
	[dreg:$0x7] =	wrdreg s26  }
0x10: {  	s11 =	smul.u32 $0x14000, s16;
	s16 =	sadd.s32 $0x3000, s7;
	[dreg:$0x8] =	wrdreg s9  }
0x11: {  	s15 =	sadd.s32 s5, s0;
	s17 =	sadd.s32 $0x3800, s7;
	[dreg:$0x9] =	wrdreg s16  }
0x12: {  	s5 =	sadd.s32 s18, s2;
	s18 =	sadd.s32 $0x4000, s7;
	[dreg:$0xa] =	wrdreg s17  }
0x13: {  	s10 =	sadd.s32 s8, s0;
	s19 =	sadd.s32 $0x4800, s7;
	[dreg:$0xb] =	wrdreg s18  }
0x14: {  	s0 =	sadd.s32 s20, s0;
	s20 =	sadd.s32 $0x5000, s7;
	[dreg:$0xc] =	wrdreg s19  }
0x15: {  	s1 =	ssub.s32 s1, s21;
	s21 =	sadd.s32 $0x5800, s7;
	[dreg:$0xd] =	wrdreg s20  }
0x16: {  	s22 =	sadd.s32 $0x6000, s7;
	[dreg:$0xe] =	wrdreg s21  }
0x17: {  	[dreg:$0xf] =	wrdreg s22;
	s23 =	sadd.s32 $0x6800, s7  }
0x18: {  	s28 =	simm.s32 $0xB000;
	s24 =	sadd.s32 $0x7000, s7;
	[dreg:$0x10] =	wrdreg s23  }
0x19: {  	s29 =	simm.s32 $0x1;
	s25 =	sadd.s32 $0x7800, s7;
	[dreg:$0x11] =	wrdreg s24  }
0x1a: {  	s30 =	simm.s32 $0x2;
	s26 =	sadd.s32 $0x8000, s7;
	[dreg:$0x12] =	wrdreg s25  }
0x1b: {  	s8 =	sshrl.u32 s11, $0x2;
	s11 =	sadd.s32 $0x8800, s7;
	[dreg:$0x13] =	wrdreg s26  }
0x1c: {  	s31 =	simm.s32 $0x3;
	s16 =	sadd.s32 $0x9000, s7;
	[dreg:$0x14] =	wrdreg s11  }
0x1d: {  	s7 =	sadd.s32 $0x9800, s7;
	s8 =	sadd.s32 s8, s3;
	[dreg:$0x15] =	wrdreg s16  }
0x1e: {  	s10 =	sadd.s32 $0x4600, s10;
	[dreg:$0x16] =	wrdreg s7;
	s17 =	sadd.s32 $0x800, s8  }
0x1f: {  	s13 =	sadd.s32 $0x2C600, s13;
	s18 =	sadd.s32 $0x1000, s8;
	[dreg:$0x17] =	wrdreg s17  }
0x20: {  	s9 =	sadd.s32 $0x40600, s6;
	s19 =	sadd.s32 $0x1800, s8;
	[dreg:$0x18] =	wrdreg s18  }
0x21: {  	s25 =	sadd.s32 s12, s3;
	s20 =	sadd.s32 $0x2000, s8;
	[dreg:$0x19] =	wrdreg s19  }
0x22: {  	s11 =	sadd.s32 $0x4CE00, s14;
	s21 =	sadd.s32 $0x2800, s8;
	[dreg:$0x1a] =	wrdreg s20  }
0x23: {  	s12 =	sadd.s32 $0x4A600, s14;
	s22 =	sadd.s32 $0x3000, s8;
	[dreg:$0x1b] =	wrdreg s21  }
0x24: {  	s14 =	sadd.s32 $0x4F600, s15;
	s23 =	sadd.s32 $0x3800, s8;
	[dreg:$0x1c] =	wrdreg s22  }
0x25: {  	s15 =	sadd.s32 $0x77600, s0;
	s24 =	sadd.s32 $0x4000, s8;
	[dreg:$0x1d] =	wrdreg s23  }
0x26: {  	s16 =	smax.u32 s1, $0x1;
	s26 =	sadd.s32 $0x4800, s8;
	[dreg:$0x1e] =	wrdreg s24  }
0x27: {  	s1 =	simm.s32 $0x4;
	s8 =	sadd.s32 $0x45600, s6;
	[dreg:$0x1f] =	wrdreg s26  }
0x28: {  	s17 =	simm.s32 $0xD000;
	s18 =	simm.s32 $0x5;
	s19 =	simm.s32 $0x2800  }
0x29: {  	s20 =	simm.s32 $0x80;
	s21 =	simm.s32 $0x5000;
	s22 =	simm.s32 $0x7000  }
0x2a: {  	v0 =	vimm.f32 $0.0e+00;
	s23 =	simm.s32 $0x100;
	s24 =	simm.s32 $0x9000;
	s26 =	simm.s32 $0x180  }
.LBB2_1:
0x2b: {  	s6 =	simm.s32 $0x100;
	s0 =	simm.s32 $0x0  }
.LBB2_2:
0x2c: {  	p0 =	sne.s32 s6, $0x1F00;
	[tilespmem:s0+$0xD030] =	vst v0;
	s7 =	smov.u32 s6;
	s6 =	sadd.s32 $0x100, s6  }
.Ltmp0:
0x2d: {  	[tilespmem:s0+$0xD020] =	vst v0;
	(pc) =	sbr.rel @p0 .LBB2_2-.Ltmp0, $3  }
0x2e: {  	[tilespmem:s0+$0xD000] =	vst v0  }
0x2f: {  	[tilespmem:s0+$0xD010] =	vst v0;
	_ =	sdelay $0x1  }
0x30: {  	s0 =	sshra.s32 s7, $0x2  }
0x31: {  	[tilespmem:s0+$0xD030] =	vst v0  }
0x32: {  	[tilespmem:s0+$0xD020] =	vst v0  }
0x33: {  	[tilespmem:s0+$0xD000] =	vst v0  }
0x34: {  	[tilespmem:s0+$0xD010] =	vst v0  }
0x35: {  	[spmem:s5] =	stream.linear.scatter [tilespmem:s17], [sflag:$0x5], $0x800, $0x38;
	[tilespmem:$0x1C800] =	vst v63  }
0x36: {  	_ =	swait.ge [sflag:s18], $0x800  }
0x37: {  	[sflag:s18] =	ssyncset.done $0x0  }
0x38: {  	s6 =	rddreg [dreg:$0x4];
	[sflag:s18] =	ssyncadd.s32 $0xFFFFF800  }
0x39: {  	[spmem:s6] =	stream.linear.scatter [tilespmem:s17], [sflag:$0x5], $0x800, $0x38;
	[tilespmem:$0x1C800] =	vst v63  }
0x3a: {  	_ =	swait.ge [sflag:s18], $0x800  }
0x3b: {  	[sflag:s18] =	ssyncset.done $0x0  }
0x3c: {  	s7 =	rddreg [dreg:$0x5];
	[sflag:s18] =	ssyncadd.s32 $0xFFFFF800  }
0x3d: {  	[spmem:s7] =	stream.linear.scatter [tilespmem:s17], [sflag:$0x5], $0x800, $0x38;
	[tilespmem:$0x1C800] =	vst v63  }
0x3e: {  	_ =	swait.ge [sflag:s18], $0x800  }
0x3f: {  	[sflag:s18] =	ssyncset.done $0x0  }
0x40: {  	s6 =	rddreg [dreg:$0x6];
	[sflag:s18] =	ssyncadd.s32 $0xFFFFF800  }
0x41: {  	[spmem:s6] =	stream.linear.scatter [tilespmem:s17], [sflag:$0x5], $0x800, $0x38;
	[tilespmem:$0x1C800] =	vst v63  }
0x42: {  	_ =	swait.ge [sflag:s18], $0x800  }
0x43: {  	[sflag:s18] =	ssyncset.done $0x0  }
0x44: {  	s7 =	rddreg [dreg:$0x7];
	[sflag:s18] =	ssyncadd.s32 $0xFFFFF800  }
0x45: {  	[spmem:s7] =	stream.linear.scatter [tilespmem:s17], [sflag:$0x5], $0x800, $0x38;
	[tilespmem:$0x1C800] =	vst v63  }
0x46: {  	_ =	swait.ge [sflag:s18], $0x800  }
0x47: {  	[sflag:s18] =	ssyncset.done $0x0  }
0x48: {  	s6 =	rddreg [dreg:$0x8];
	[sflag:s18] =	ssyncadd.s32 $0xFFFFF800  }
0x49: {  	[spmem:s6] =	stream.linear.scatter [tilespmem:s17], [sflag:$0x5], $0x800, $0x38;
	[tilespmem:$0x1C800] =	vst v63  }
0x4a: {  	_ =	swait.ge [sflag:s18], $0x800  }
0x4b: {  	[sflag:s18] =	ssyncset.done $0x0  }
0x4c: {  	s7 =	rddreg [dreg:$0x9];
	[sflag:s18] =	ssyncadd.s32 $0xFFFFF800  }
0x4d: {  	[spmem:s7] =	stream.linear.scatter [tilespmem:s17], [sflag:$0x5], $0x800, $0x38;
	[tilespmem:$0x1C800] =	vst v63  }
0x4e: {  	_ =	swait.ge [sflag:s18], $0x800  }
0x4f: {  	[sflag:s18] =	ssyncset.done $0x0  }
0x50: {  	s6 =	rddreg [dreg:$0xa];
	[sflag:s18] =	ssyncadd.s32 $0xFFFFF800  }
0x51: {  	[spmem:s6] =	stream.linear.scatter [tilespmem:s17], [sflag:$0x5], $0x800, $0x38;
	[tilespmem:$0x1C800] =	vst v63  }
0x52: {  	_ =	swait.ge [sflag:s18], $0x800  }
0x53: {  	[sflag:s18] =	ssyncset.done $0x0  }
0x54: {  	s7 =	rddreg [dreg:$0xb];
	[sflag:s18] =	ssyncadd.s32 $0xFFFFF800  }
0x55: {  	[spmem:s7] =	stream.linear.scatter [tilespmem:s17], [sflag:$0x5], $0x800, $0x38;
	[tilespmem:$0x1C800] =	vst v63  }
0x56: {  	_ =	swait.ge [sflag:s18], $0x800  }
0x57: {  	[sflag:s18] =	ssyncset.done $0x0  }
0x58: {  	s6 =	rddreg [dreg:$0xc];
	[sflag:s18] =	ssyncadd.s32 $0xFFFFF800  }
0x59: {  	[spmem:s6] =	stream.linear.scatter [tilespmem:s17], [sflag:$0x5], $0x800, $0x38;
	[tilespmem:$0x1C800] =	vst v63  }
0x5a: {  	_ =	swait.ge [sflag:s18], $0x800  }
0x5b: {  	[sflag:s18] =	ssyncset.done $0x0  }
0x5c: {  	s7 =	rddreg [dreg:$0xd];
	[sflag:s18] =	ssyncadd.s32 $0xFFFFF800  }
0x5d: {  	[spmem:s7] =	stream.linear.scatter [tilespmem:s17], [sflag:$0x5], $0x800, $0x38;
	[tilespmem:$0x1C800] =	vst v63  }
0x5e: {  	_ =	swait.ge [sflag:s18], $0x800  }
0x5f: {  	[sflag:s18] =	ssyncset.done $0x0  }
0x60: {  	s6 =	rddreg [dreg:$0xe];
	[sflag:s18] =	ssyncadd.s32 $0xFFFFF800  }
0x61: {  	[spmem:s6] =	stream.linear.scatter [tilespmem:s17], [sflag:$0x5], $0x800, $0x38;
	[tilespmem:$0x1C800] =	vst v63  }
0x62: {  	_ =	swait.ge [sflag:s18], $0x800  }
0x63: {  	[sflag:s18] =	ssyncset.done $0x0  }
0x64: {  	s7 =	rddreg [dreg:$0xf];
	[sflag:s18] =	ssyncadd.s32 $0xFFFFF800  }
0x65: {  	[spmem:s7] =	stream.linear.scatter [tilespmem:s17], [sflag:$0x5], $0x800, $0x38;
	[tilespmem:$0x1C800] =	vst v63  }
0x66: {  	_ =	swait.ge [sflag:s18], $0x800  }
0x67: {  	[sflag:s18] =	ssyncset.done $0x0  }
0x68: {  	s6 =	rddreg [dreg:$0x10];
	[sflag:s18] =	ssyncadd.s32 $0xFFFFF800  }
0x69: {  	[spmem:s6] =	stream.linear.scatter [tilespmem:s17], [sflag:$0x5], $0x800, $0x38;
	[tilespmem:$0x1C800] =	vst v63  }
0x6a: {  	_ =	swait.ge [sflag:s18], $0x800  }
0x6b: {  	[sflag:s18] =	ssyncset.done $0x0  }
0x6c: {  	s7 =	rddreg [dreg:$0x11];
	[sflag:s18] =	ssyncadd.s32 $0xFFFFF800  }
0x6d: {  	[spmem:s7] =	stream.linear.scatter [tilespmem:s17], [sflag:$0x5], $0x800, $0x38;
	[tilespmem:$0x1C800] =	vst v63  }
0x6e: {  	_ =	swait.ge [sflag:s18], $0x800  }
0x6f: {  	[sflag:s18] =	ssyncset.done $0x0  }
0x70: {  	s6 =	rddreg [dreg:$0x12];
	[sflag:s18] =	ssyncadd.s32 $0xFFFFF800  }
0x71: {  	[spmem:s6] =	stream.linear.scatter [tilespmem:s17], [sflag:$0x5], $0x800, $0x38;
	[tilespmem:$0x1C800] =	vst v63  }
0x72: {  	_ =	swait.ge [sflag:s18], $0x800  }
0x73: {  	[sflag:s18] =	ssyncset.done $0x0  }
0x74: {  	s7 =	rddreg [dreg:$0x13];
	[sflag:s18] =	ssyncadd.s32 $0xFFFFF800  }
0x75: {  	[spmem:s7] =	stream.linear.scatter [tilespmem:s17], [sflag:$0x5], $0x800, $0x38;
	[tilespmem:$0x1C800] =	vst v63  }
0x76: {  	_ =	swait.ge [sflag:s18], $0x800  }
0x77: {  	[sflag:s18] =	ssyncset.done $0x0  }
0x78: {  	s6 =	rddreg [dreg:$0x14];
	[sflag:s18] =	ssyncadd.s32 $0xFFFFF800  }
0x79: {  	[spmem:s6] =	stream.linear.scatter [tilespmem:s17], [sflag:$0x5], $0x800, $0x38;
	[tilespmem:$0x1C800] =	vst v63  }
0x7a: {  	_ =	swait.ge [sflag:s18], $0x800  }
0x7b: {  	[sflag:s18] =	ssyncset.done $0x0  }
0x7c: {  	s7 =	rddreg [dreg:$0x15];
	[sflag:s18] =	ssyncadd.s32 $0xFFFFF800  }
0x7d: {  	[spmem:s7] =	stream.linear.scatter [tilespmem:s17], [sflag:$0x5], $0x800, $0x38;
	[tilespmem:$0x1C800] =	vst v63  }
0x7e: {  	_ =	swait.ge [sflag:s18], $0x800  }
0x7f: {  	[sflag:s18] =	ssyncset.done $0x0  }
0x80: {  	s6 =	rddreg [dreg:$0x16];
	[sflag:s18] =	ssyncadd.s32 $0xFFFFF800  }
0x81: {  	[spmem:s6] =	stream.linear.scatter [tilespmem:s17], [sflag:$0x5], $0x800, $0x38;
	[tilespmem:$0x1C800] =	vst v63  }
0x82: {  	_ =	swait.ge [sflag:s18], $0x800  }
0x83: {  	[sflag:s18] =	ssyncset.done $0x0  }
0x84: {  	[sflag:s18] =	ssyncadd.s32 $0xFFFFF800  }
0x85: {  	[spmem:s25] =	stream.linear.scatter [tilespmem:s17], [sflag:$0x5], $0x800, $0x38;
	[tilespmem:$0x1C800] =	vst v63  }
0x86: {  	_ =	swait.ge [sflag:s18], $0x800  }
0x87: {  	[sflag:s18] =	ssyncset.done $0x0  }
0x88: {  	s7 =	rddreg [dreg:$0x17];
	[sflag:s18] =	ssyncadd.s32 $0xFFFFF800  }
0x89: {  	[spmem:s7] =	stream.linear.scatter [tilespmem:s17], [sflag:$0x5], $0x800, $0x38;
	[tilespmem:$0x1C800] =	vst v63  }
0x8a: {  	_ =	swait.ge [sflag:s18], $0x800  }
0x8b: {  	[sflag:s18] =	ssyncset.done $0x0  }
0x8c: {  	s6 =	rddreg [dreg:$0x18];
	[sflag:s18] =	ssyncadd.s32 $0xFFFFF800  }
0x8d: {  	[spmem:s6] =	stream.linear.scatter [tilespmem:s17], [sflag:$0x5], $0x800, $0x38;
	[tilespmem:$0x1C800] =	vst v63  }
0x8e: {  	_ =	swait.ge [sflag:s18], $0x800  }
0x8f: {  	[sflag:s18] =	ssyncset.done $0x0  }
0x90: {  	s7 =	rddreg [dreg:$0x19];
	[sflag:s18] =	ssyncadd.s32 $0xFFFFF800  }
0x91: {  	[spmem:s7] =	stream.linear.scatter [tilespmem:s17], [sflag:$0x5], $0x800, $0x38;
	[tilespmem:$0x1C800] =	vst v63  }
0x92: {  	_ =	swait.ge [sflag:s18], $0x800  }
0x93: {  	[sflag:s18] =	ssyncset.done $0x0  }
0x94: {  	s6 =	rddreg [dreg:$0x1a];
	[sflag:s18] =	ssyncadd.s32 $0xFFFFF800  }
0x95: {  	[spmem:s6] =	stream.linear.scatter [tilespmem:s17], [sflag:$0x5], $0x800, $0x38;
	[tilespmem:$0x1C800] =	vst v63  }
0x96: {  	_ =	swait.ge [sflag:s18], $0x800  }
0x97: {  	[sflag:s18] =	ssyncset.done $0x0  }
0x98: {  	s7 =	rddreg [dreg:$0x1b];
	[sflag:s18] =	ssyncadd.s32 $0xFFFFF800  }
0x99: {  	[spmem:s7] =	stream.linear.scatter [tilespmem:s17], [sflag:$0x5], $0x800, $0x38;
	[tilespmem:$0x1C800] =	vst v63  }
0x9a: {  	_ =	swait.ge [sflag:s18], $0x800  }
0x9b: {  	[sflag:s18] =	ssyncset.done $0x0  }
0x9c: {  	s6 =	rddreg [dreg:$0x1c];
	[sflag:s18] =	ssyncadd.s32 $0xFFFFF800  }
0x9d: {  	[spmem:s6] =	stream.linear.scatter [tilespmem:s17], [sflag:$0x5], $0x800, $0x38;
	[tilespmem:$0x1C800] =	vst v63  }
0x9e: {  	_ =	swait.ge [sflag:s18], $0x800  }
0x9f: {  	[sflag:s18] =	ssyncset.done $0x0  }
0xa0: {  	s7 =	rddreg [dreg:$0x1d];
	[sflag:s18] =	ssyncadd.s32 $0xFFFFF800  }
0xa1: {  	[spmem:s7] =	stream.linear.scatter [tilespmem:s17], [sflag:$0x5], $0x800, $0x38;
	[tilespmem:$0x1C800] =	vst v63  }
0xa2: {  	_ =	swait.ge [sflag:s18], $0x800  }
0xa3: {  	[sflag:s18] =	ssyncset.done $0x0  }
0xa4: {  	s6 =	rddreg [dreg:$0x1e];
	[sflag:s18] =	ssyncadd.s32 $0xFFFFF800  }
0xa5: {  	[spmem:s6] =	stream.linear.scatter [tilespmem:s17], [sflag:$0x5], $0x800, $0x38;
	[tilespmem:$0x1C800] =	vst v63  }
0xa6: {  	_ =	swait.ge [sflag:s18], $0x800  }
0xa7: {  	[sflag:s18] =	ssyncset.done $0x0  }
0xa8: {  	s7 =	rddreg [dreg:$0x1f];
	[sflag:s18] =	ssyncadd.s32 $0xFFFFF800  }
0xa9: {  	[spmem:s7] =	stream.linear.scatter [tilespmem:s17], [sflag:$0x5], $0x800, $0x38;
	[tilespmem:$0x1C800] =	vst v63  }
0xaa: {  	_ =	swait.ge [sflag:s18], $0x800  }
0xab: {  	[sflag:s18] =	ssyncset.done $0x0  }
0xac: {  	s6 =	simm.s32 $0x0;
	[sflag:s18] =	ssyncadd.s32 $0xFFFFF800  }
0xad: {  	[tilespmem:s6], [sflag:$0x5] =	stream.linear.gather [hbm4b:s8+s6], $0x2800, $0x38;
	[tilespmem:$0x1C800] =	vst v63  }
0xae: {  	_ =	swait.ge [sflag:s18], $0x2800  }
0xaf: {  	[sflag:s18] =	ssyncset.done $0x0  }
0xb0: {  	[sflag:s18] =	ssyncadd.s32 $0xFFFFD800  }
0xb1: {  	[tilespmem:s19], [sflag:$0x5] =	stream.linear.gather [hbm4b:s9+s6], $0x2800, $0x38;
	[tilespmem:$0x1C800] =	vst v63  }
0xb2: {  	_ =	swait.ge [sflag:s18], $0x2800  }
0xb3: {  	[sflag:s18] =	ssyncset.done $0x0  }
0xb4: {  	[sflag:s18] =	ssyncadd.s32 $0xFFFFD800  }
0xb5: {  	[bflag:$0x0] =	sbarrier.arrive $0xFFFF  }
0xb6: {  	[tilespmem:s21], [sflag:$0x1] =	stream.indirect.gather [hbm4b:s10+s20], $0x40, s6, s20, $0xb8;
	[tilespmem:$0x1C800] =	vst v63  }
0xb7: {  	_ = 	snop  }
0xb8: {  	[tilespmem:s22], [sflag:$0x2] =	stream.indirect.gather [hbm4b:s10+s20], $0x40, s20, s20, $0xb8;
	[tilespmem:$0x1C800] =	vst v63  }
0xb9: {  	_ = 	snop  }
0xba: {  	[tilespmem:s24], [sflag:$0x3] =	stream.indirect.gather [hbm4b:s10+s20], $0x40, s23, s20, $0xb8;
	[tilespmem:$0x1C800] =	vst v63  }
0xbb: {  	_ = 	snop  }
0xbc: {  	[tilespmem:s28], [sflag:$0x4] =	stream.indirect.gather [hbm4b:s10+s20], $0x40, s26, s20, $0xb8;
	[tilespmem:$0x1C800] =	vst v63  }
0xbd: {  	_ =	swait.ge [sflag:s29], $0x2000  }
0xbe: {  	[sflag:s29] =	ssyncset.done $0x0  }
0xbf: {  	s7 =	simm.s32 $0x2800;
	[sflag:s29] =	ssyncadd.s32 $0xFFFFE000  }
0xc0: {  	[spmem:s2] =	stream.indirect.scatter.add.f32 [tilespmem:s21], [sflag:$0x5], $0x40, s7, s20, $0xb8;
	[tilespmem:$0x1C800] =	vst v63  }
0xc1: {  	_ =	swait.ge [sflag:s18], $0x2000  }
0xc2: {  	[sflag:s18] =	ssyncset.done $0x0  }
0xc3: {  	s6 =	simm.s32 $0x200;
	[sflag:s18] =	ssyncadd.s32 $0xFFFFE000  }
0xc4: {  	[tilespmem:s21], [sflag:$0x1] =	stream.indirect.gather [hbm4b:s10+s20], $0x40, s6, s20, $0xb8;
	[tilespmem:$0x1C800] =	vst v63  }
0xc5: {  	_ =	swait.ge [sflag:s30], $0x2000  }
0xc6: {  	[sflag:s30] =	ssyncset.done $0x0  }
0xc7: {  	s7 =	simm.s32 $0x2880;
	[sflag:s30] =	ssyncadd.s32 $0xFFFFE000  }
0xc8: {  	[spmem:s2] =	stream.indirect.scatter.add.f32 [tilespmem:s22], [sflag:$0x5], $0x40, s7, s20, $0xb8;
	[tilespmem:$0x1C800] =	vst v63  }
0xc9: {  	_ =	swait.ge [sflag:s18], $0x2000  }
0xca: {  	[sflag:s18] =	ssyncset.done $0x0  }
0xcb: {  	s6 =	simm.s32 $0x280;
	[sflag:s18] =	ssyncadd.s32 $0xFFFFE000  }
0xcc: {  	[tilespmem:s22], [sflag:$0x2] =	stream.indirect.gather [hbm4b:s10+s20], $0x40, s6, s20, $0xb8;
	[tilespmem:$0x1C800] =	vst v63  }
0xcd: {  	_ =	swait.ge [sflag:s31], $0x2000  }
0xce: {  	[sflag:s31] =	ssyncset.done $0x0  }
0xcf: {  	s7 =	simm.s32 $0x2900;
	[sflag:s31] =	ssyncadd.s32 $0xFFFFE000  }
0xd0: {  	[spmem:s2] =	stream.indirect.scatter.add.f32 [tilespmem:s24], [sflag:$0x5], $0x40, s7, s20, $0xb8;
	[tilespmem:$0x1C800] =	vst v63  }
0xd1: {  	_ =	swait.ge [sflag:s18], $0x2000  }
0xd2: {  	[sflag:s18] =	ssyncset.done $0x0  }
0xd3: {  	s6 =	simm.s32 $0x300;
	[sflag:s18] =	ssyncadd.s32 $0xFFFFE000  }
0xd4: {  	[tilespmem:s24], [sflag:$0x3] =	stream.indirect.gather [hbm4b:s10+s20], $0x40, s6, s20, $0xb8;
	[tilespmem:$0x1C800] =	vst v63  }
0xd5: {  	_ =	swait.ge [sflag:s1], $0x2000  }
0xd6: {  	[sflag:s1] =	ssyncset.done $0x0  }
0xd7: {  	s7 =	simm.s32 $0x2980;
	[sflag:s1] =	ssyncadd.s32 $0xFFFFE000  }
0xd8: {  	[spmem:s2] =	stream.indirect.scatter.add.f32 [tilespmem:s28], [sflag:$0x5], $0x40, s7, s20, $0xb8;
	[tilespmem:$0x1C800] =	vst v63  }
0xd9: {  	_ =	swait.ge [sflag:s18], $0x2000  }
0xda: {  	[sflag:s18] =	ssyncset.done $0x0  }
0xdb: {  	s0 =	simm.s32 $0x800;
	s6 =	simm.s32 $0x380;
	[sflag:s18] =	ssyncadd.s32 $0xFFFFE000  }
.LBB2_4:
0xdc: {  	[tilespmem:s28], [sflag:$0x4] =	stream.indirect.gather [hbm4b:s10+s20], $0x40, s6, s20, $0xb8;
	[tilespmem:$0x1C800] =	vst v63  }
0xdd: {  	s6 =	smov.u32 s0  }
0xde: {  	p0 =	sne.s32 s0, $0x9000;
	s0 =	sadd.s32 $0x800, s0;
	_ =	swait.ge [sflag:s29], $0x2000  }
0xdf: {  	s6 =	sshra.s32 s6, $0x2;
	[sflag:s29] =	ssyncset.done $0x0  }
0xe0: {  	s7 =	sadd.s32 $0x2800, s6;
	[sflag:s29] =	ssyncadd.s32 $0xFFFFE000  }
0xe1: {  	[spmem:s2] =	stream.indirect.scatter.add.f32 [tilespmem:s21], [sflag:$0x5], $0x40, s7, s20, $0xb8;
	[tilespmem:$0x1C800] =	vst v63  }
0xe2: {  	_ =	swait.ge [sflag:s18], $0x2000  }
0xe3: {  	[sflag:s18] =	ssyncset.done $0x0  }
0xe4: {  	s7 =	sadd.s32 $0x200, s6;
	[sflag:s18] =	ssyncadd.s32 $0xFFFFE000  }
0xe5: {  	[tilespmem:s21], [sflag:$0x1] =	stream.indirect.gather [hbm4b:s10+s20], $0x40, s7, s20, $0xb8;
	[tilespmem:$0x1C800] =	vst v63  }
0xe6: {  	_ =	swait.ge [sflag:s30], $0x2000  }
0xe7: {  	[sflag:s30] =	ssyncset.done $0x0  }
0xe8: {  	s7 =	sadd.s32 $0x2880, s6;
	[sflag:s30] =	ssyncadd.s32 $0xFFFFE000  }
0xe9: {  	[spmem:s2] =	stream.indirect.scatter.add.f32 [tilespmem:s22], [sflag:$0x5], $0x40, s7, s20, $0xb8;
	[tilespmem:$0x1C800] =	vst v63  }
0xea: {  	_ =	swait.ge [sflag:s18], $0x2000  }
0xeb: {  	[sflag:s18] =	ssyncset.done $0x0  }
0xec: {  	s7 =	sadd.s32 $0x280, s6;
	[sflag:s18] =	ssyncadd.s32 $0xFFFFE000  }
0xed: {  	[tilespmem:s22], [sflag:$0x2] =	stream.indirect.gather [hbm4b:s10+s20], $0x40, s7, s20, $0xb8;
	[tilespmem:$0x1C800] =	vst v63  }
0xee: {  	_ =	swait.ge [sflag:s31], $0x2000  }
0xef: {  	[sflag:s31] =	ssyncset.done $0x0  }
0xf0: {  	s7 =	sadd.s32 $0x2900, s6;
	[sflag:s31] =	ssyncadd.s32 $0xFFFFE000  }
0xf1: {  	[spmem:s2] =	stream.indirect.scatter.add.f32 [tilespmem:s24], [sflag:$0x5], $0x40, s7, s20, $0xb8;
	[tilespmem:$0x1C800] =	vst v63  }
0xf2: {  	_ =	swait.ge [sflag:s18], $0x2000  }
0xf3: {  	[sflag:s18] =	ssyncset.done $0x0  }
0xf4: {  	s7 =	sadd.s32 $0x300, s6;
	[sflag:s18] =	ssyncadd.s32 $0xFFFFE000  }
0xf5: {  	[tilespmem:s24], [sflag:$0x3] =	stream.indirect.gather [hbm4b:s10+s20], $0x40, s7, s20, $0xb8;
	[tilespmem:$0x1C800] =	vst v63  }
0xf6: {  	_ =	swait.ge [sflag:s1], $0x2000  }
0xf7: {  	[sflag:s1] =	ssyncset.done $0x0  }
.Ltmp1:
0xf8: {  	s7 =	sadd.s32 $0x2980, s6;
	[sflag:s1] =	ssyncadd.s32 $0xFFFFE000;
	(pc) =	sbr.rel @p0 .LBB2_4-.Ltmp1, $4  }
0xf9: {  	[spmem:s2] =	stream.indirect.scatter.add.f32 [tilespmem:s28], [sflag:$0x5], $0x40, s7, s20, $0xb8;
	[tilespmem:$0x1C800] =	vst v63  }
0xfa: {  	_ =	swait.ge [sflag:s18], $0x2000  }
0xfb: {  	[sflag:s18] =	ssyncset.done $0x0  }
0xfc: {  	s6 =	sadd.s32 $0x380, s6;
	[sflag:s18] =	ssyncadd.s32 $0xFFFFE000  }
0xfd: {  	[tilespmem:s28], [sflag:$0x4] =	stream.indirect.gather [hbm4b:s10+s20], $0x40, s6, s20, $0xb8;
	[tilespmem:$0x1C800] =	vst v63  }
0xfe: {  	_ =	swait.ge [sflag:s29], $0x2000  }
0xff: {  	[sflag:s29] =	ssyncset.done $0x0  }
0x100: {  	s0 =	simm.s32 $0x4E00;
	[sflag:s29] =	ssyncadd.s32 $0xFFFFE000  }
0x101: {  	[spmem:s2] =	stream.indirect.scatter.add.f32 [tilespmem:s21], [sflag:$0x5], $0x40, s0, s20, $0xb8;
	[tilespmem:$0x1C800] =	vst v63  }
0x102: {  	_ =	swait.ge [sflag:s18], $0x2000  }
0x103: {  	[sflag:s18] =	ssyncset.done $0x0  }
0x104: {  	[sflag:s18] =	ssyncadd.s32 $0xFFFFE000  }
0x105: {  	_ =	swait.ge [sflag:s30], $0x2000  }
0x106: {  	[sflag:s30] =	ssyncset.done $0x0  }
0x107: {  	s7 =	simm.s32 $0x4E80;
	[sflag:s30] =	ssyncadd.s32 $0xFFFFE000  }
0x108: {  	[spmem:s2] =	stream.indirect.scatter.add.f32 [tilespmem:s22], [sflag:$0x5], $0x40, s7, s20, $0xb8;
	[tilespmem:$0x1C800] =	vst v63  }
0x109: {  	_ =	swait.ge [sflag:s18], $0x2000  }
0x10a: {  	[sflag:s18] =	ssyncset.done $0x0  }
0x10b: {  	[sflag:s18] =	ssyncadd.s32 $0xFFFFE000  }
0x10c: {  	_ =	swait.ge [sflag:s31], $0x2000  }
0x10d: {  	[sflag:s31] =	ssyncset.done $0x0  }
0x10e: {  	s6 =	simm.s32 $0x4F00;
	[sflag:s31] =	ssyncadd.s32 $0xFFFFE000  }
0x10f: {  	[spmem:s2] =	stream.indirect.scatter.add.f32 [tilespmem:s24], [sflag:$0x5], $0x40, s6, s20, $0xb8;
	[tilespmem:$0x1C800] =	vst v63  }
0x110: {  	_ =	swait.ge [sflag:s18], $0x2000  }
0x111: {  	[sflag:s18] =	ssyncset.done $0x0  }
0x112: {  	[sflag:s18] =	ssyncadd.s32 $0xFFFFE000  }
0x113: {  	_ =	swait.ge [sflag:s1], $0x2000  }
0x114: {  	[sflag:s1] =	ssyncset.done $0x0  }
0x115: {  	s7 =	simm.s32 $0x4F80;
	[sflag:s1] =	ssyncadd.s32 $0xFFFFE000  }
0x116: {  	[spmem:s2] =	stream.indirect.scatter.add.f32 [tilespmem:s28], [sflag:$0x5], $0x40, s7, s20, $0xb8;
	[tilespmem:$0x1C800] =	vst v63  }
0x117: {  	_ =	swait.ge [sflag:s18], $0x2000  }
0x118: {  	[sflag:s18] =	ssyncset.done $0x0  }
0x119: {  	s6 =	simm.s32 $0x0;
	[sflag:s18] =	ssyncadd.s32 $0xFFFFE000  }
0x11a: {  	[tilespmem:s6], [sflag:$0x5] =	stream.linear.gather [hbm4b:s11+s6], $0x1400, $0x38;
	[tilespmem:$0x1C800] =	vst v63  }
0x11b: {  	_ =	swait.ge [sflag:s18], $0x1400  }
0x11c: {  	[sflag:s18] =	ssyncset.done $0x0  }
0x11d: {  	[sflag:s18] =	ssyncadd.s32 $0xFFFFEC00  }
0x11e: {  	[tilespmem:s19], [sflag:$0x5] =	stream.linear.gather [hbm4b:s12+s6], $0x1400, $0x38;
	[tilespmem:$0x1C800] =	vst v63  }
0x11f: {  	_ =	swait.ge [sflag:s18], $0x1400  }
0x120: {  	[sflag:s18] =	ssyncset.done $0x0  }
0x121: {  	[sflag:s18] =	ssyncadd.s32 $0xFFFFEC00  }
0x122: {  	[tilespmem:s21], [sflag:$0x1] =	stream.indirect.gather [hbm4b:s13+s20], $0x40, s6, s20, $0xb8;
	[tilespmem:$0x1C800] =	vst v63  }
0x123: {  	_ = 	snop  }
0x124: {  	[tilespmem:s22], [sflag:$0x2] =	stream.indirect.gather [hbm4b:s13+s20], $0x40, s20, s20, $0xb8;
	[tilespmem:$0x1C800] =	vst v63  }
0x125: {  	_ = 	snop  }
0x126: {  	[tilespmem:s24], [sflag:$0x3] =	stream.indirect.gather [hbm4b:s13+s20], $0x40, s23, s20, $0xb8;
	[tilespmem:$0x1C800] =	vst v63  }
0x127: {  	_ = 	snop  }
0x128: {  	[tilespmem:s28], [sflag:$0x4] =	stream.indirect.gather [hbm4b:s13+s20], $0x40, s26, s20, $0xb8;
	[tilespmem:$0x1C800] =	vst v63  }
0x129: {  	_ =	swait.ge [sflag:s29], $0x2000  }
0x12a: {  	[sflag:s29] =	ssyncset.done $0x0  }
0x12b: {  	s7 =	simm.s32 $0x2800;
	[sflag:s29] =	ssyncadd.s32 $0xFFFFE000  }
0x12c: {  	[spmem:s3] =	stream.indirect.scatter.add.f32 [tilespmem:s21], [sflag:$0x5], $0x40, s7, s20, $0xb8;
	[tilespmem:$0x1C800] =	vst v63  }
0x12d: {  	_ =	swait.ge [sflag:s18], $0x2000  }
0x12e: {  	[sflag:s18] =	ssyncset.done $0x0  }
0x12f: {  	s6 =	simm.s32 $0x200;
	[sflag:s18] =	ssyncadd.s32 $0xFFFFE000  }
0x130: {  	[tilespmem:s21], [sflag:$0x1] =	stream.indirect.gather [hbm4b:s13+s20], $0x40, s6, s20, $0xb8;
	[tilespmem:$0x1C800] =	vst v63  }
0x131: {  	_ =	swait.ge [sflag:s30], $0x2000  }
0x132: {  	[sflag:s30] =	ssyncset.done $0x0  }
0x133: {  	s7 =	simm.s32 $0x2880;
	[sflag:s30] =	ssyncadd.s32 $0xFFFFE000  }
0x134: {  	[spmem:s3] =	stream.indirect.scatter.add.f32 [tilespmem:s22], [sflag:$0x5], $0x40, s7, s20, $0xb8;
	[tilespmem:$0x1C800] =	vst v63  }
0x135: {  	_ =	swait.ge [sflag:s18], $0x2000  }
0x136: {  	[sflag:s18] =	ssyncset.done $0x0  }
0x137: {  	s6 =	simm.s32 $0x280;
	[sflag:s18] =	ssyncadd.s32 $0xFFFFE000  }
0x138: {  	[tilespmem:s22], [sflag:$0x2] =	stream.indirect.gather [hbm4b:s13+s20], $0x40, s6, s20, $0xb8;
	[tilespmem:$0x1C800] =	vst v63  }
0x139: {  	_ =	swait.ge [sflag:s31], $0x2000  }
0x13a: {  	[sflag:s31] =	ssyncset.done $0x0  }
0x13b: {  	s7 =	simm.s32 $0x2900;
	[sflag:s31] =	ssyncadd.s32 $0xFFFFE000  }
0x13c: {  	[spmem:s3] =	stream.indirect.scatter.add.f32 [tilespmem:s24], [sflag:$0x5], $0x40, s7, s20, $0xb8;
	[tilespmem:$0x1C800] =	vst v63  }
0x13d: {  	_ =	swait.ge [sflag:s18], $0x2000  }
0x13e: {  	[sflag:s18] =	ssyncset.done $0x0  }
0x13f: {  	s6 =	simm.s32 $0x300;
	[sflag:s18] =	ssyncadd.s32 $0xFFFFE000  }
0x140: {  	[tilespmem:s24], [sflag:$0x3] =	stream.indirect.gather [hbm4b:s13+s20], $0x40, s6, s20, $0xb8;
	[tilespmem:$0x1C800] =	vst v63  }
0x141: {  	_ =	swait.ge [sflag:s1], $0x2000  }
0x142: {  	[sflag:s1] =	ssyncset.done $0x0  }
0x143: {  	s7 =	simm.s32 $0x2980;
	[sflag:s1] =	ssyncadd.s32 $0xFFFFE000  }
0x144: {  	[spmem:s3] =	stream.indirect.scatter.add.f32 [tilespmem:s28], [sflag:$0x5], $0x40, s7, s20, $0xb8;
	[tilespmem:$0x1C800] =	vst v63  }
0x145: {  	_ =	swait.ge [sflag:s18], $0x2000  }
0x146: {  	[sflag:s18] =	ssyncset.done $0x0  }
0x147: {  	s0 =	simm.s32 $0x800;
	s6 =	simm.s32 $0x380;
	[sflag:s18] =	ssyncadd.s32 $0xFFFFE000  }
.LBB2_6:
0x148: {  	[tilespmem:s28], [sflag:$0x4] =	stream.indirect.gather [hbm4b:s13+s20], $0x40, s6, s20, $0xb8;
	[tilespmem:$0x1C800] =	vst v63  }
0x149: {  	s6 =	smov.u32 s0  }
0x14a: {  	p0 =	sne.s32 s0, $0x4000;
	s0 =	sadd.s32 $0x800, s0;
	_ =	swait.ge [sflag:s29], $0x2000  }
0x14b: {  	s6 =	sshra.s32 s6, $0x2;
	[sflag:s29] =	ssyncset.done $0x0  }
0x14c: {  	s7 =	sadd.s32 $0x2800, s6;
	[sflag:s29] =	ssyncadd.s32 $0xFFFFE000  }
0x14d: {  	[spmem:s3] =	stream.indirect.scatter.add.f32 [tilespmem:s21], [sflag:$0x5], $0x40, s7, s20, $0xb8;
	[tilespmem:$0x1C800] =	vst v63  }
0x14e: {  	_ =	swait.ge [sflag:s18], $0x2000  }
0x14f: {  	[sflag:s18] =	ssyncset.done $0x0  }
0x150: {  	s7 =	sadd.s32 $0x200, s6;
	[sflag:s18] =	ssyncadd.s32 $0xFFFFE000  }
0x151: {  	[tilespmem:s21], [sflag:$0x1] =	stream.indirect.gather [hbm4b:s13+s20], $0x40, s7, s20, $0xb8;
	[tilespmem:$0x1C800] =	vst v63  }
0x152: {  	_ =	swait.ge [sflag:s30], $0x2000  }
0x153: {  	[sflag:s30] =	ssyncset.done $0x0  }
0x154: {  	s7 =	sadd.s32 $0x2880, s6;
	[sflag:s30] =	ssyncadd.s32 $0xFFFFE000  }
0x155: {  	[spmem:s3] =	stream.indirect.scatter.add.f32 [tilespmem:s22], [sflag:$0x5], $0x40, s7, s20, $0xb8;
	[tilespmem:$0x1C800] =	vst v63  }
0x156: {  	_ =	swait.ge [sflag:s18], $0x2000  }
0x157: {  	[sflag:s18] =	ssyncset.done $0x0  }
0x158: {  	s7 =	sadd.s32 $0x280, s6;
	[sflag:s18] =	ssyncadd.s32 $0xFFFFE000  }
0x159: {  	[tilespmem:s22], [sflag:$0x2] =	stream.indirect.gather [hbm4b:s13+s20], $0x40, s7, s20, $0xb8;
	[tilespmem:$0x1C800] =	vst v63  }
0x15a: {  	_ =	swait.ge [sflag:s31], $0x2000  }
0x15b: {  	[sflag:s31] =	ssyncset.done $0x0  }
0x15c: {  	s7 =	sadd.s32 $0x2900, s6;
	[sflag:s31] =	ssyncadd.s32 $0xFFFFE000  }
0x15d: {  	[spmem:s3] =	stream.indirect.scatter.add.f32 [tilespmem:s24], [sflag:$0x5], $0x40, s7, s20, $0xb8;
	[tilespmem:$0x1C800] =	vst v63  }
0x15e: {  	_ =	swait.ge [sflag:s18], $0x2000  }
0x15f: {  	[sflag:s18] =	ssyncset.done $0x0  }
0x160: {  	s7 =	sadd.s32 $0x300, s6;
	[sflag:s18] =	ssyncadd.s32 $0xFFFFE000  }
0x161: {  	[tilespmem:s24], [sflag:$0x3] =	stream.indirect.gather [hbm4b:s13+s20], $0x40, s7, s20, $0xb8;
	[tilespmem:$0x1C800] =	vst v63  }
0x162: {  	_ =	swait.ge [sflag:s1], $0x2000  }
0x163: {  	[sflag:s1] =	ssyncset.done $0x0  }
.Ltmp2:
0x164: {  	s7 =	sadd.s32 $0x2980, s6;
	[sflag:s1] =	ssyncadd.s32 $0xFFFFE000;
	(pc) =	sbr.rel @p0 .LBB2_6-.Ltmp2, $4  }
0x165: {  	[spmem:s3] =	stream.indirect.scatter.add.f32 [tilespmem:s28], [sflag:$0x5], $0x40, s7, s20, $0xb8;
	[tilespmem:$0x1C800] =	vst v63  }
0x166: {  	_ =	swait.ge [sflag:s18], $0x2000  }
0x167: {  	[sflag:s18] =	ssyncset.done $0x0  }
0x168: {  	s6 =	sadd.s32 $0x380, s6;
	[sflag:s18] =	ssyncadd.s32 $0xFFFFE000  }
0x169: {  	[tilespmem:s28], [sflag:$0x4] =	stream.indirect.gather [hbm4b:s13+s20], $0x40, s6, s20, $0xb8;
	[tilespmem:$0x1C800] =	vst v63  }
0x16a: {  	_ =	swait.ge [sflag:s29], $0x2000  }
0x16b: {  	[sflag:s29] =	ssyncset.done $0x0  }
0x16c: {  	s0 =	simm.s32 $0x3A00;
	[sflag:s29] =	ssyncadd.s32 $0xFFFFE000  }
0x16d: {  	[spmem:s3] =	stream.indirect.scatter.add.f32 [tilespmem:s21], [sflag:$0x5], $0x40, s0, s20, $0xb8;
	[tilespmem:$0x1C800] =	vst v63  }
0x16e: {  	_ =	swait.ge [sflag:s18], $0x2000  }
0x16f: {  	[sflag:s18] =	ssyncset.done $0x0  }
0x170: {  	[sflag:s18] =	ssyncadd.s32 $0xFFFFE000  }
0x171: {  	_ =	swait.ge [sflag:s30], $0x2000  }
0x172: {  	[sflag:s30] =	ssyncset.done $0x0  }
0x173: {  	s7 =	simm.s32 $0x3A80;
	[sflag:s30] =	ssyncadd.s32 $0xFFFFE000  }
0x174: {  	[spmem:s3] =	stream.indirect.scatter.add.f32 [tilespmem:s22], [sflag:$0x5], $0x40, s7, s20, $0xb8;
	[tilespmem:$0x1C800] =	vst v63  }
0x175: {  	_ =	swait.ge [sflag:s18], $0x2000  }
0x176: {  	[sflag:s18] =	ssyncset.done $0x0  }
0x177: {  	[sflag:s18] =	ssyncadd.s32 $0xFFFFE000  }
0x178: {  	_ =	swait.ge [sflag:s31], $0x2000  }
0x179: {  	[sflag:s31] =	ssyncset.done $0x0  }
0x17a: {  	s6 =	simm.s32 $0x3B00;
	[sflag:s31] =	ssyncadd.s32 $0xFFFFE000  }
0x17b: {  	[spmem:s3] =	stream.indirect.scatter.add.f32 [tilespmem:s24], [sflag:$0x5], $0x40, s6, s20, $0xb8;
	[tilespmem:$0x1C800] =	vst v63  }
0x17c: {  	_ =	swait.ge [sflag:s18], $0x2000  }
0x17d: {  	[sflag:s18] =	ssyncset.done $0x0  }
0x17e: {  	[sflag:s18] =	ssyncadd.s32 $0xFFFFE000  }
0x17f: {  	_ =	swait.ge [sflag:s1], $0x2000  }
0x180: {  	[sflag:s1] =	ssyncset.done $0x0  }
0x181: {  	s7 =	simm.s32 $0x3B80;
	[sflag:s1] =	ssyncadd.s32 $0xFFFFE000  }
0x182: {  	[spmem:s3] =	stream.indirect.scatter.add.f32 [tilespmem:s28], [sflag:$0x5], $0x40, s7, s20, $0xb8;
	[tilespmem:$0x1C800] =	vst v63  }
0x183: {  	_ =	swait.ge [sflag:s18], $0x2000  }
0x184: {  	s6 =	stileid.u32;
	[sflag:s18] =	ssyncset.done $0x0  }
0x185: {  	s0 =	sshll.u32 s6, $0x6;
	[sflag:s18] =	ssyncadd.s32 $0xFFFFE000  }
0x186: {  	s0 =	sor.u32 $0x1C05, s0;
	s7 =	sshrl.u32 s5, $0x3;
	[bflag:$0x0] =	sbarrier.arrive $0xFFFF  }
0x187: {  	[hbm:s14], [sflag:s0] =	dma.local [spmem:s7], $0x1400  }
0x188: {  	s4 =	sadd.s32 $0x1, s4;
	_ =	swait.ge [sflag:s18], $0x1400  }
0x189: {  	p0 =	sne.s32 s4, s16;
	[sflag:s18] =	ssyncset.done $0x0  }
.Ltmp3:
0x18a: {  	s7 =	sshrl.u32 s25, $0x3;
	[sflag:s18] =	ssyncadd.s32 $0xFFFFEC00;
	(pc) =	sbr.rel @p0 .LBB2_1-.Ltmp3, $4  }
0x18b: {  	[hbm:s15], [sflag:s0] =	dma.local [spmem:s7], $0xA00  }
0x18c: {  	_ =	swait.ge [sflag:s18], $0xA00  }
0x18d: {  	[sflag:s18] =	ssyncset.done $0x0  }
0x18e: {  	[sflag:s18] =	ssyncadd.s32 $0xFFFFF600  }
0x18f: {  	_ =	sfence.sel $0x180000  }
0x190: {  	[bflag:$0x0] =	sbarrier.arrive $0xFFFF  }
0x191: {  	_ =	strace $0x90000047  }
0x192: {  	s0 =	stileid.u32;
	[bflag:$0x2] =	sbarrier.arrive $0xFFFF  }
0x193: {  	p0 =	sne.s32 s0, $0x0;
	s0 =	rddreg [dreg:$0x3]  }
0x194: {  	s0 =	sadd.s32 @!p0 $0x100000, s0  }
0x195: {  	[sflag:s0] =	ssyncadd.tile.s32 @!p0 $0x1;
	_ =	shalt  }
.Lfunc_end2:
_tile_overlayer_lowered:
.L_overlay_start_2:
0x196: {  	(tag) =	ssettag $0x2  }
0x197: {  	s0 =	rddreg [dreg:$0x0];
	s2 =	stileid.u32  }
0x198: {  	s1 =	rddreg [dreg:$0x1];
	p0 =	sne.s32 s2, $0x0  }
0x199: {  	s3 =	rddreg [dreg:$0x2];
	[bflag:$0x3] =	sbarrier.arrive $0xFFFF;
	s2 =	simm.s32 @!p0 $0x1C05  }
0x19a: {  	[timem:s3], [sflag:s2] =	dma.local @!p0 [hbm:s0], s1  }
0x19b: {  	s0 =	simm.s32 @!p0 $0x5  }
0x19c: {  	_ =	swait.ge @!p0 [sflag:s0], s1  }
0x19d: {  	s1 =	ssub.s32 @!p0 $0x0, s1;
	[sflag:s0] =	ssyncset.done @!p0 $0x0  }
0x19e: {  	[sflag:s0] =	ssyncadd.s32 @!p0 s1  }
0x19f: {  	[bflag:$0x3] =	sbarrier.arrive $0xFFFF  }
0x1a0: {  	_ =	shalt  }

// kernel: kernel.14.cloned.1.call-start
scs
__scs_entry_jumppad:
0x0: {  	(pc) =	sbr.rel $0x88, $3  }
0x1: {  	(tag) =	ssettag $0x0;
	lr =	simm.s32 $0x1  }
0x2: {  	[smem:$0x3F86] =	sst lr;
	_ =	strace $0xD0000000  }
0x3: {  	_ = 	snop  }
0x4: {  	_ = 	snop  }
0x5: {  	_ = 	snop  }
0x6: {  	_ = 	snop  }
0x7: {  	_ = 	snop  }
__scs_overlays_trampoline_lowered:
0x8: {  	[smem:$0x3F95] =	sst s0  }
0x9: {  	[smem:$0x3F96] =	sst s1  }
0xa: {  	[smem:$0x3F97] =	sst s2  }
0xb: {  	[smem:$0x3F98] =	sst s3  }
0xc: {  	[smem:$0x3F99] =	sst s4  }
0xd: {  	[smem:$0x3F9A] =	sst s5  }
0xe: {  	[smem:$0x3F9B] =	sst s6  }
0xf: {  	[smem:$0x3F9C] =	sst s7  }
0x10: {  	[smem:$0x3F9D] =	sst s8  }
0x11: {  	[smem:$0x3F9E] =	sst s9;
	s0 =	simm.s32 @!p0 $0x0  }
0x12: {  	s1 =	sld [smem:$0x3F84];
	s0 =	simm.s32 @p0 $0x1  }
0x13: {  	[smem:$0x3F9F] =	sst s0;
	s0 =	simm.s32 @!p1 $0x0  }
0x14: {  	s2 =	sld [smem:$0x3F83];
	s0 =	simm.s32 @p1 $0x1  }
0x15: {  	[smem:$0x3FA0] =	sst s0;
	s0 =	simm.s32 @!p2 $0x0  }
0x16: {  	s3 =	sld [smem:$0x3FDB];
	s0 =	simm.s32 @p2 $0x1  }
0x17: {  	s4 =	simm.s32 $0x1BF5;
	[smem:$0x3FA2] =	sst s0  }
0x18: {  	s0 =	sld [smem:$0x3F85];
	_ =	swait.ge [sflag:s4], $0x0  }
0x19: {  	s7 =	sld [smem:$0x3F86]  }
0x1a: {  	s8 =	sadd.s32 $0xFFFFE003, lr  }
0x1b: {  	s9 =	sadd.s32 $0xFFFFFEF7, lr;
	s5 =	simm.s32 $0xFFFFFFFF;
	p2 =	slt.u32 s8, $0xFFFFF086  }
0x1c: {  	p1 =	slt.u32 s9, $0xF7A;
	s5 =	simm.s32 @!p2 $0x0  }
0x1d: {  	s5 =	simm.s32 @p1 $0x1;
	p0 =	seq.s32 s7, s2  }
0x1e: {  	s7 =	smul.u32 @!p0 $0xF7A, s2;
	p2 =	seq.s32 @!p0 s5, $0x0  }
0x1f: {  	s9 =	smul.u32 $0xF7A, s1;
	s8 =	simm.s32 @!p0 $0x1BF5;
	p2 =	por !p2, p0  }
0x20: {  	[sflag:s8] =	ssyncset.s32 @!p0 $0xFFFFF086;
	s6 =	sadd.s32 @!p0 s3, s7;
	s7 =	simm.s32 @!p0 $0x108  }
0x21: {  	s3 =	sadd.s32 s3, s9;
	s6 =	sadd.s32 @!p0 $0x88, s6;
	s7 =	simm.s32 @p2 $0x1082  }
0x22: {  	[simem:s7], [sflag:s8] =	dma.local @!p0 [hbm:s6], $0xF7A  }
0x23: {  	s9 =	sor.u32 $0xD0000000, s2;
	s6 =	simm.s32 $0x108;
	_ =	swait.ge @!p0 [sflag:s8], $0x0  }
0x24: {  	s3 =	sadd.s32 $0x88, s3;
	s6 =	simm.s32 @!p1 $0x1082;
	[sflag:s4] =	ssyncset.s32 $0xFFFFF086  }
0x25: {  	[simem:s6], [sflag:s4] =	dma.local [hbm:s3], $0xF7A  }
0x26: {  	[smem:$0x3F86] =	sst s1;
	(tag) =	ssettag s2;
	_ =	strace s9  }
0x27: {  	s1 =	sld [smem:$0x3F96]  }
0x28: {  	s2 =	sld [smem:$0x3F97]  }
0x29: {  	s4 =	sld [smem:$0x3F99]  }
0x2a: {  	p0 =	seq.s32 s5, $0x0;
	s5 =	sld [smem:$0x3F9A]  }
0x2b: {  	s6 =	sld [smem:$0x3F9B]  }
0x2c: {  	s7 =	sld [smem:$0x3F9C]  }
0x2d: {  	s3 =	simm.s32 $0x108;
	s8 =	sld [smem:$0x3F9D]  }
0x2e: {  	s3 =	simm.s32 @!p0 $0x1082;
	s9 =	sld [smem:$0x3F9E]  }
0x2f: {  	lr =	sadd.s32 s0, s3;
	s0 =	sld [smem:$0x3F95]  }
0x30: {  	s3 =	sld [smem:$0x3F98]  }
0x31: {  	[smem:$0x3FA1] =	sst s10  }
0x32: {  	s10 =	sld [smem:$0x3F9F];
	_ =	sdelay $0x3  }
0x33: {  	p0 =	seq.s32 s10, $0x1;
	s10 =	sld [smem:$0x3FA1];
	_ =	sdelay $0x3  }
0x34: {  	[smem:$0x3FA1] =	sst s10  }
0x35: {  	s10 =	sld [smem:$0x3FA0];
	_ =	sdelay $0x3  }
0x36: {  	p1 =	seq.s32 s10, $0x1;
	s10 =	sld [smem:$0x3FA1];
	_ =	sdelay $0x3  }
0x37: {  	[smem:$0x3FA1] =	sst s10  }
0x38: {  	s10 =	sld [smem:$0x3FA2]  }
0x39: {  	_ = 	snop;
	(pc) =	sbr.ind lr, $3  }
0x3a: {  	_ = 	snop  }
0x3b: {  	_ = 	snop  }
0x3c: {  	p2 =	seq.s32 s10, $0x1;
	s10 =	sld [smem:$0x3FA1]  }
0x3d: {  	_ =	shalt  }
0x3e: {  	_ =	shalt  }
0x3f: {  	_ =	shalt  }
0x40: {  	_ =	shalt  }
0x41: {  	_ =	shalt  }
0x42: {  	_ =	shalt  }
0x43: {  	_ =	shalt  }
0x44: {  	_ =	shalt  }
0x45: {  	_ =	shalt  }
0x46: {  	_ =	shalt  }
0x47: {  	_ =	shalt  }
0x48: {  	_ =	shalt  }
0x49: {  	_ =	shalt  }
0x4a: {  	_ =	shalt  }
0x4b: {  	_ =	shalt  }
0x4c: {  	_ =	shalt  }
0x4d: {  	_ =	shalt  }
0x4e: {  	_ =	shalt  }
0x4f: {  	_ =	shalt  }
0x50: {  	_ =	shalt  }
0x51: {  	_ =	shalt  }
0x52: {  	_ =	shalt  }
0x53: {  	_ =	shalt  }
0x54: {  	_ =	shalt  }
0x55: {  	_ =	shalt  }
0x56: {  	_ =	shalt  }
0x57: {  	_ =	shalt  }
0x58: {  	_ =	shalt  }
0x59: {  	_ =	shalt  }
0x5a: {  	_ =	shalt  }
0x5b: {  	_ =	shalt  }
0x5c: {  	_ =	shalt  }
0x5d: {  	_ =	shalt  }
0x5e: {  	_ =	shalt  }
0x5f: {  	_ =	shalt  }
0x60: {  	_ =	shalt  }
0x61: {  	_ =	shalt  }
0x62: {  	_ =	shalt  }
0x63: {  	_ =	shalt  }
0x64: {  	_ =	shalt  }
0x65: {  	_ =	shalt  }
0x66: {  	_ =	shalt  }
0x67: {  	_ =	shalt  }
0x68: {  	_ =	shalt  }
0x69: {  	_ =	shalt  }
0x6a: {  	_ =	shalt  }
0x6b: {  	_ =	shalt  }
0x6c: {  	_ =	shalt  }
0x6d: {  	_ =	shalt  }
0x6e: {  	_ =	shalt  }
0x6f: {  	_ =	shalt  }
0x70: {  	_ =	shalt  }
0x71: {  	_ =	shalt  }
0x72: {  	_ =	shalt  }
0x73: {  	_ =	shalt  }
0x74: {  	_ =	shalt  }
0x75: {  	_ =	shalt  }
0x76: {  	_ =	shalt  }
0x77: {  	_ =	shalt  }
0x78: {  	_ =	shalt  }
0x79: {  	_ =	shalt  }
0x7a: {  	_ =	shalt  }
0x7b: {  	_ =	shalt  }
0x7c: {  	_ =	shalt  }
0x7d: {  	_ =	shalt  }
0x7e: {  	_ =	shalt  }
0x7f: {  	_ =	shalt  }
0x80: {  	_ =	shalt  }
0x81: {  	_ =	shalt  }
0x82: {  	_ =	shalt  }
0x83: {  	_ =	shalt  }
0x84: {  	_ =	shalt  }
0x85: {  	_ =	shalt  }
0x86: {  	_ =	shalt  }
0x87: {  	_ =	shalt  }
.Lfunc_end0:
.L_simem_size_0:
called_computation.1_lowered:
.L_overlay_start_0:
0x88: {  	s2 =	sld [smem:$0x3FD9]  }
0x89: {  	s3 =	sld [smem:$0x3FFE];
	_ =	sdelay $0x1  }
0x8a: {  	s1 =	srdreg.scid  }
0x8b: {  	s0 =	sand.u32 $0x1, s1  }
0x8c: {  	s17 =	sshll.u32 s0, $0xA;
	s2 =	sadd.s32 s3, s2  }
0x8d: {  	s2 =	sadd.s32 s2, s17  }
0x8e: {  	[smem:$0x3FAD] =	sst s2  }
0x8f: {  	_ = 	snop  }
0x90: {  	s2 =	sld [smem:$0x3FC7];
	(tm) =	ssettm $0x1  }
0x91: {  	s18 =	sld [smem:$0x3FFB];
	_ =	sdelay $0x3  }
0x92: {  	_ =	strace s18  }
0x93: {  	s3 =	sld [smem:$0x3FFC];
	_ =	sdelay $0x3  }
0x94: {  	_ =	strace s3  }
0x95: {  	s3 =	sld [smem:$0x3FFD];
	_ =	sdelay $0x3  }
0x96: {  	_ =	strace s3  }
0x97: {  	_ =	strace $0x8FFFFFFF  }
0x98: {  	s19 =	sld [smem:$0x3FDB];
	_ =	sdelay $0x1  }
0x99: {  	s4 =	simm.s32 $_scs_section_size  }
0x9a: {  	s5 =	simm.s32 $_size__tile_overlayer_lowered;
	s6 =	simm.s32 $_tile_overlayer_lowered  }
0x9b: {  	s22 =	simm.s32 $0x1BFF;
	s21 =	sshll.u32 s6, $0x1;
	s3 =	sadd.s32 s4, s19  }
0x9c: {  	s7 =	simm.s32 $0x0;
	s20 =	sshll.u32 s5, $0x1;
	s5 =	sadd.s32 s21, s3  }
0x9d: {  	[timem:s7], [sflag:s22] =	dma.local [hbm:s5], s20  }
0x9e: {  	_ =	swait.ge [sflag:s22], s20  }
0x9f: {  	s4 =	ssub.s32 $0x0, s20;
	[sflag:s22] =	ssyncset.done $0x0  }
0xa0: {  	[sflag:s22] =	ssyncadd.s32 s4;
	_ =	sdelay $0x1  }
0xa1: {  	s23 =	simm.s32 $0x1B8B  }
0xa2: {  	_ =	swait.ge [sflag:s23], $0x1  }
0xa3: {  	[sflag:s23] =	ssyncset.done $0x0  }
0xa4: {  	s25 =	simm.s32 $0x1B8E;
	s24 =	sld [smem:$0x3FFE];
	[sflag:s23] =	ssyncadd.s32 $0xFFFFFFFF  }
0xa5: {  	s26 =	simm.s32 $execute0_lowered;
	[smem:$0x3FD2] =	sst s25  }
0xa6: {  	s5 =	sshll.u32 s26, $0x1;
	_ =	strace $0x80000049;
	[dreg:$0x1] =	wrdreg $0xFFFFFFFF  }
0xa7: {  	s28 =	simm.s32 $_size_execute0_lowered;
	s3 =	sadd.s32 s3, s5;
	[dreg:$0x0] =	wrdreg $0x0  }
0xa8: {  	s5 =	sshll.u32 s28, $0x1;
	[dreg:$0x2] =	wrdreg s3  }
0xa9: {  	[dreg:$0x3] =	wrdreg s5  }
0xaa: {  	[dreg:$0x4] =	wrdreg $0xC0  }
0xab: {  	_ =	task [dreg:s7], $0x5FFFF  }
0xac: {  	[dreg:$0x1] =	wrdreg $0xFFFFFFFF  }
0xad: {  	[dreg:$0x0] =	wrdreg $0x60  }
0xae: {  	[dreg:$0x2] =	wrdreg s24  }
0xaf: {  	[dreg:$0x3] =	wrdreg s2  }
0xb0: {  	[dreg:$0x4] =	wrdreg $0x128000  }
0xb1: {  	[dreg:$0x5] =	wrdreg $0x9  }
0xb2: {  	_ =	task.clear_ibuf [dreg:s7], $0x6FFFF;
	_ =	strace $0x90000049  }
0xb3: {  	s29 =	simm.s32 $0x9;
	_ =	strace $0x8000004B  }
0xb4: {  	_ =	swait.ge [sflag:s29], $0x1  }
0xb5: {  	[sflag:s29] =	ssyncadd.s32 $0xFFFFFFFF  }
0xb6: {  	_ =	strace $0x9000004B  }
0xb7: {  	_ =	sfence  }
0xb8: {  	s30 =	sld [smem:$0x0];
	_ =	sdelay $0x2  }
0xb9: {  	s31 =	sshll.u32 s1, $0xD;
	s1 =	sshrl.u32 s1, $0x2  }
0xba: {  	s3 =	sand.u32 $0x4000, s31;
	s1 =	sadd.s32 s1, s30  }
0xbb: {  	s0 =	sor.u32 s3, s0;
	s1 =	sshll.u32 s1, $0x11  }
0xbc: {  	s0 =	sor.u32 s1, s0  }
0xbd: {  	s0 =	sadd.s32 $0x8F2B, s0  }
0xbe: {  	[sflag:s0] =	ssyncadd.remote.s32 $0x1  }
0xbf: {  	_ =	sfence.sel $0xFFFF  }
0xc0: {  	[dreg:$0x0] =	wrdreg $0xFFFFFFFF;
	(pc) =	sbr.abs _section_cstart, $3  }
0xc1: {  	[dreg:$0x1] =	wrdreg $0xFFFFFFFF  }
0xc2: {  	_ =	task.clear_ibuf [dreg:s7], $0x2FFFF;
	_ =	strace $0x9FFFFFFF  }
0xc3: {  	(tm) =	ssettm $0x7FFFFFFF  }
tec
execute0_lowered:
.L_overlay_start_1:
0x0: {  	(tag) =	ssettag $0x1  }
0x1: {  	s0 =	rddreg [dreg:$0x0]  }
0x2: {  	s2 =	rddreg [dreg:$0x1];
	s9 =	stileid.u32  }
0x3: {  	s1 =	rddreg [dreg:$0x2];
	s15 =	smul.u32 $0xA000, s9  }
0x4: {  	s3 =	srdreg.scid;
	s5 =	simm.s32 $0x0;
	s6 =	smul.u32 $0x500, s9  }
0x5: {  	s3 =	sand.u32 $0x1, s3;
	[smem:$0x7FF] =	sst s5;
	s9 =	smul.u32 $0x28000, s9  }
0x6: {  	s5 =	simm.s32 $0x7800;
	s4 =	smul.u32 $0xA0000, s3;
	_ =	strace $0x8000004A  }
0x7: {  	s8 =	smul.u32 $0x5000, s3;
	s3 =	ssub.s32 $0x2, s3;
	s10 =	sadd.s32 s6, s0  }
0x8: {  	s16 =	sshrl.u32 s3, $0x1;
	s9 =	sshrl.u32 s9, $0x2;
	s2 =	sadd.s32 s2, s6  }
0x9: {  	s7 =	sshrl.u32 s4, $0x3;
	s4 =	sadd.s32 s15, s4;
	s17 =	sadd.s32 s9, s1  }
0xa: {  	s3 =	ssub.s32 s3, s16;
	[dreg:$0x10] =	wrdreg s2;
	s9 =	sadd.s32 $0x800, s17  }
0xb: {  	s28 =	sadd.s32 $0x40600, s10;
	s21 =	sadd.s32 $0x1000, s17;
	[dreg:$0x4] =	wrdreg s9  }
0xc: {  	s2 =	simm.s32 $0x80;
	s22 =	sadd.s32 $0x1800, s17;
	[dreg:$0x5] =	wrdreg s21  }
0xd: {  	s7 =	sadd.s32 s7, s0;
	s23 =	sadd.s32 $0x2000, s17;
	[dreg:$0x6] =	wrdreg s22  }
0xe: {  	s4 =	sshrl.u32 s4, $0x3;
	s24 =	sadd.s32 $0x2800, s17;
	[dreg:$0x7] =	wrdreg s23  }
0xf: {  	s25 =	sadd.s32 $0x3000, s17;
	s26 =	sadd.s32 $0x3800, s17;
	[dreg:$0x8] =	wrdreg s24  }
0x10: {  	s12 =	sadd.s32 $0x4000, s17;
	s13 =	sadd.s32 $0x4800, s17;
	[dreg:$0x9] =	wrdreg s25  }
0x11: {  	s14 =	sadd.s32 $0x5000, s17;
	s16 =	sadd.s32 $0x6000, s17;
	[dreg:$0xa] =	wrdreg s26  }
0x12: {  	s19 =	sadd.s32 $0x6800, s17;
	s20 =	sadd.s32 $0x7000, s17;
	[dreg:$0xb] =	wrdreg s12  }
0x13: {  	s31 =	smax.u32 s3, $0x1;
	s3 =	simm.s32 $0x5;
	[dreg:$0xc] =	wrdreg s13  }
0x14: {  	s11 =	sadd.s32 s4, s0;
	s0 =	sadd.s32 s8, s0;
	[dreg:$0xd] =	wrdreg s14  }
0x15: {  	s4 =	sadd.s32 s15, s1;
	s15 =	sadd.s32 $0x5800, s17;
	[dreg:$0xf] =	wrdreg s16  }
0x16: {  	s21 =	sadd.s32 $0x7800, s17;
	s22 =	sadd.s32 $0x8000, s17;
	s23 =	sadd.s32 $0x8800, s17  }
0x17: {  	s24 =	sadd.s32 $0x9000, s17;
	s25 =	sadd.s32 $0x9800, s17;
	s26 =	sadd.s32 $0x45600, s10  }
0x18: {  	s29 =	sadd.s32 $0x4A600, s7;
	s17 =	sshrl.u32 s8, $0x2;
	s7 =	simm.s32 $0xB800  }
0x19: {  	s8 =	simm.s32 $0xD800;
	s9 =	simm.s32 $0x1;
	s13 =	sadd.s32 $0x2840, s17  }
0x1a: {  	s10 =	simm.s32 $0x2;
	s12 =	simm.s32 $0x4;
	[dreg:$0xe] =	wrdreg s15;
	v0 =	vmov s13  }
0x1b: {  	s0 =	sadd.s32 $0x2C600, s0;
	s30 =	sadd.s32 $0x4600, s11;
	s14 =	sadd.s32 $0x5070, s17  }
0x1c: {  	s11 =	simm.s32 $0x3;
	s18 =	sadd.s32 s6, s0;
	s0 =	simm.s32 $0xF800  }
0x1d: {  	v2 =	vimm.f32 $0.0e+00;
	s6 =	simm.s32 $0x9800;
	v1 =	vmov s14;
	s13 =	simm.s32 $0x10000;
	s14 =	simm.s32 $0x0  }
.LBB2_1:
0x1e: {  	s16 =	simm.s32 $0x100;
	s15 =	simm.s32 $0x0  }
.LBB2_2:
0x1f: {  	p0 =	sne.s32 s16, $0x1F00;
	[tilespmem:s15+$0xF830] =	vst v2;
	s17 =	smov.u32 s16;
	s16 =	sadd.s32 $0x100, s16  }
.Ltmp0:
0x20: {  	[tilespmem:s15+$0xF820] =	vst v2;
	(pc) =	sbr.rel @p0 .LBB2_2-.Ltmp0, $3  }
0x21: {  	[tilespmem:s15+$0xF800] =	vst v2  }
0x22: {  	[tilespmem:s15+$0xF810] =	vst v2;
	_ =	sdelay $0x1  }
0x23: {  	s15 =	sshra.s32 s17, $0x2  }
0x24: {  	[tilespmem:s15+$0xF830] =	vst v2  }
0x25: {  	[tilespmem:s15+$0xF820] =	vst v2  }
0x26: {  	[tilespmem:s15+$0xF800] =	vst v2  }
0x27: {  	[tilespmem:s15+$0xF810] =	vst v2  }
0x28: {  	[spmem:s4] =	stream.linear.scatter [tilespmem:s0], [sflag:$0x5], $0x800, $0x38;
	[tilespmem:$0x1C800] =	vst v63  }
0x29: {  	_ =	swait.ge [sflag:s3], $0x800  }
0x2a: {  	[sflag:s3] =	ssyncset.done $0x0  }
0x2b: {  	s16 =	rddreg [dreg:$0x4];
	[sflag:s3] =	ssyncadd.s32 $0xFFFFF800  }
0x2c: {  	[spmem:s16] =	stream.linear.scatter [tilespmem:s0], [sflag:$0x5], $0x800, $0x38;
	[tilespmem:$0x1C800] =	vst v63  }
0x2d: {  	_ =	swait.ge [sflag:s3], $0x800  }
0x2e: {  	[sflag:s3] =	ssyncset.done $0x0  }
0x2f: {  	s17 =	rddreg [dreg:$0x5];
	[sflag:s3] =	ssyncadd.s32 $0xFFFFF800  }
0x30: {  	[spmem:s17] =	stream.linear.scatter [tilespmem:s0], [sflag:$0x5], $0x800, $0x38;
	[tilespmem:$0x1C800] =	vst v63  }
0x31: {  	_ =	swait.ge [sflag:s3], $0x800  }
0x32: {  	[sflag:s3] =	ssyncset.done $0x0  }
0x33: {  	s16 =	rddreg [dreg:$0x6];
	[sflag:s3] =	ssyncadd.s32 $0xFFFFF800  }
0x34: {  	[spmem:s16] =	stream.linear.scatter [tilespmem:s0], [sflag:$0x5], $0x800, $0x38;
	[tilespmem:$0x1C800] =	vst v63  }
0x35: {  	_ =	swait.ge [sflag:s3], $0x800  }
0x36: {  	[sflag:s3] =	ssyncset.done $0x0  }
0x37: {  	s17 =	rddreg [dreg:$0x7];
	[sflag:s3] =	ssyncadd.s32 $0xFFFFF800  }
0x38: {  	[spmem:s17] =	stream.linear.scatter [tilespmem:s0], [sflag:$0x5], $0x800, $0x38;
	[tilespmem:$0x1C800] =	vst v63  }
0x39: {  	_ =	swait.ge [sflag:s3], $0x800  }
0x3a: {  	[sflag:s3] =	ssyncset.done $0x0  }
0x3b: {  	s16 =	rddreg [dreg:$0x8];
	[sflag:s3] =	ssyncadd.s32 $0xFFFFF800  }
0x3c: {  	[spmem:s16] =	stream.linear.scatter [tilespmem:s0], [sflag:$0x5], $0x800, $0x38;
	[tilespmem:$0x1C800] =	vst v63  }
0x3d: {  	_ =	swait.ge [sflag:s3], $0x800  }
0x3e: {  	[sflag:s3] =	ssyncset.done $0x0  }
0x3f: {  	s17 =	rddreg [dreg:$0x9];
	[sflag:s3] =	ssyncadd.s32 $0xFFFFF800  }
0x40: {  	[spmem:s17] =	stream.linear.scatter [tilespmem:s0], [sflag:$0x5], $0x800, $0x38;
	[tilespmem:$0x1C800] =	vst v63  }
0x41: {  	_ =	swait.ge [sflag:s3], $0x800  }
0x42: {  	[sflag:s3] =	ssyncset.done $0x0  }
0x43: {  	s16 =	rddreg [dreg:$0xa];
	[sflag:s3] =	ssyncadd.s32 $0xFFFFF800  }
0x44: {  	[spmem:s16] =	stream.linear.scatter [tilespmem:s0], [sflag:$0x5], $0x800, $0x38;
	[tilespmem:$0x1C800] =	vst v63  }
0x45: {  	_ =	swait.ge [sflag:s3], $0x800  }
0x46: {  	[sflag:s3] =	ssyncset.done $0x0  }
0x47: {  	s17 =	rddreg [dreg:$0xb];
	[sflag:s3] =	ssyncadd.s32 $0xFFFFF800  }
0x48: {  	[spmem:s17] =	stream.linear.scatter [tilespmem:s0], [sflag:$0x5], $0x800, $0x38;
	[tilespmem:$0x1C800] =	vst v63  }
0x49: {  	_ =	swait.ge [sflag:s3], $0x800  }
0x4a: {  	[sflag:s3] =	ssyncset.done $0x0  }
0x4b: {  	s16 =	rddreg [dreg:$0xc];
	[sflag:s3] =	ssyncadd.s32 $0xFFFFF800  }
0x4c: {  	[spmem:s16] =	stream.linear.scatter [tilespmem:s0], [sflag:$0x5], $0x800, $0x38;
	[tilespmem:$0x1C800] =	vst v63  }
0x4d: {  	_ =	swait.ge [sflag:s3], $0x800  }
0x4e: {  	[sflag:s3] =	ssyncset.done $0x0  }
0x4f: {  	s17 =	rddreg [dreg:$0xd];
	[sflag:s3] =	ssyncadd.s32 $0xFFFFF800  }
0x50: {  	[spmem:s17] =	stream.linear.scatter [tilespmem:s0], [sflag:$0x5], $0x800, $0x38;
	[tilespmem:$0x1C800] =	vst v63  }
0x51: {  	_ =	swait.ge [sflag:s3], $0x800  }
0x52: {  	[sflag:s3] =	ssyncset.done $0x0  }
0x53: {  	s16 =	rddreg [dreg:$0xe];
	[sflag:s3] =	ssyncadd.s32 $0xFFFFF800  }
0x54: {  	[spmem:s16] =	stream.linear.scatter [tilespmem:s0], [sflag:$0x5], $0x800, $0x38;
	[tilespmem:$0x1C800] =	vst v63  }
0x55: {  	_ =	swait.ge [sflag:s3], $0x800  }
0x56: {  	[sflag:s3] =	ssyncset.done $0x0  }
0x57: {  	s17 =	rddreg [dreg:$0xf];
	[sflag:s3] =	ssyncadd.s32 $0xFFFFF800  }
0x58: {  	[spmem:s17] =	stream.linear.scatter [tilespmem:s0], [sflag:$0x5], $0x800, $0x38;
	[tilespmem:$0x1C800] =	vst v63  }
0x59: {  	_ =	swait.ge [sflag:s3], $0x800  }
0x5a: {  	[sflag:s3] =	ssyncset.done $0x0  }
0x5b: {  	[sflag:s3] =	ssyncadd.s32 $0xFFFFF800  }
0x5c: {  	[spmem:s19] =	stream.linear.scatter [tilespmem:s0], [sflag:$0x5], $0x800, $0x38;
	[tilespmem:$0x1C800] =	vst v63  }
0x5d: {  	_ =	swait.ge [sflag:s3], $0x800  }
0x5e: {  	[sflag:s3] =	ssyncset.done $0x0  }
0x5f: {  	[sflag:s3] =	ssyncadd.s32 $0xFFFFF800  }
0x60: {  	[spmem:s20] =	stream.linear.scatter [tilespmem:s0], [sflag:$0x5], $0x800, $0x38;
	[tilespmem:$0x1C800] =	vst v63  }
0x61: {  	_ =	swait.ge [sflag:s3], $0x800  }
0x62: {  	[sflag:s3] =	ssyncset.done $0x0  }
0x63: {  	[sflag:s3] =	ssyncadd.s32 $0xFFFFF800  }
0x64: {  	[spmem:s21] =	stream.linear.scatter [tilespmem:s0], [sflag:$0x5], $0x800, $0x38;
	[tilespmem:$0x1C800] =	vst v63  }
0x65: {  	_ =	swait.ge [sflag:s3], $0x800  }
0x66: {  	[sflag:s3] =	ssyncset.done $0x0  }
0x67: {  	[sflag:s3] =	ssyncadd.s32 $0xFFFFF800  }
0x68: {  	[spmem:s22] =	stream.linear.scatter [tilespmem:s0], [sflag:$0x5], $0x800, $0x38;
	[tilespmem:$0x1C800] =	vst v63  }
0x69: {  	_ =	swait.ge [sflag:s3], $0x800  }
0x6a: {  	[sflag:s3] =	ssyncset.done $0x0  }
0x6b: {  	[sflag:s3] =	ssyncadd.s32 $0xFFFFF800  }
0x6c: {  	[spmem:s23] =	stream.linear.scatter [tilespmem:s0], [sflag:$0x5], $0x800, $0x38;
	[tilespmem:$0x1C800] =	vst v63  }
0x6d: {  	_ =	swait.ge [sflag:s3], $0x800  }
0x6e: {  	[sflag:s3] =	ssyncset.done $0x0  }
0x6f: {  	[sflag:s3] =	ssyncadd.s32 $0xFFFFF800  }
0x70: {  	[spmem:s24] =	stream.linear.scatter [tilespmem:s0], [sflag:$0x5], $0x800, $0x38;
	[tilespmem:$0x1C800] =	vst v63  }
0x71: {  	_ =	swait.ge [sflag:s3], $0x800  }
0x72: {  	[sflag:s3] =	ssyncset.done $0x0  }
0x73: {  	[sflag:s3] =	ssyncadd.s32 $0xFFFFF800  }
0x74: {  	[spmem:s25] =	stream.linear.scatter [tilespmem:s0], [sflag:$0x5], $0x800, $0x38;
	[tilespmem:$0x1C800] =	vst v63  }
0x75: {  	_ =	swait.ge [sflag:s3], $0x800  }
0x76: {  	[sflag:s3] =	ssyncset.done $0x0  }
0x77: {  	s15 =	simm.s32 $0x40;
	s16 =	simm.s32 $0x0;
	[sflag:s3] =	ssyncadd.s32 $0xFFFFF800  }
.LBB2_4:
0x78: {  	p0 =	sne.s32 s15, $0x9FC0;
	[tilespmem:s16+$0x10000] =	vst v2;
	s16 =	smov.u32 s15;
	s15 =	sadd.s32 $0x40, s15  }
.Ltmp1:
0x79: {  	(pc) =	sbr.rel @p0 .LBB2_4-.Ltmp1, $2  }
0x7a: {  	_ =	sdelay $0x2  }
0x7b: {  	s16 =	sshra.s32 s16, $0x2  }
0x7c: {  	[tilespmem:s16+$0x10000] =	vst v2;
	s15 =	simm.s32 $0x0  }
0x7d: {  	[tilespmem:s15], [sflag:$0x5] =	stream.linear.gather [hbm4b:s26+s15], $0x2800, $0x38;
	[tilespmem:$0x1C800] =	vst v63  }
0x7e: {  	_ =	swait.ge [sflag:s3], $0x2800  }
0x7f: {  	[sflag:s3] =	ssyncset.done $0x0  }
0x80: {  	s17 =	simm.s32 $0x2800;
	[sflag:s3] =	ssyncadd.s32 $0xFFFFD800  }
0x81: {  	[tilespmem:s17], [sflag:$0x5] =	stream.linear.gather [hbm4b:s28+s15], $0x2800, $0x38;
	[tilespmem:$0x1C800] =	vst v63  }
0x82: {  	_ =	swait.ge [sflag:s3], $0x2800  }
0x83: {  	[sflag:s3] =	ssyncset.done $0x0  }
0x84: {  	s17 =	simm.s32 $0x5000;
	s16 =	rddreg [dreg:$0x10];
	[sflag:s3] =	ssyncadd.s32 $0xFFFFD800  }
0x85: {  	[tilespmem:s17], [sflag:$0x5] =	stream.linear.gather [hbm4b:s16+s15], $0x2800, $0x38;
	[tilespmem:$0x1C800] =	vst v63  }
0x86: {  	_ =	swait.ge [sflag:s3], $0x2800  }
0x87: {  	[sflag:s3] =	ssyncset.done $0x0  }
0x88: {  	[sflag:s3] =	ssyncadd.s32 $0xFFFFD800  }
0x89: {  	[bflag:$0x0] =	sbarrier.arrive $0xFFFF  }
0x8a: {  	[tilespmem:s5], [sflag:$0x1] =	stream.indirect.gather [hbm4b:s29+s2], $0x40, s15, s2, $0xb8;
	[tilespmem:$0x1C800] =	vst v63  }
0x8b: {  	_ = 	snop  }
0x8c: {  	[tilespmem:s6], [sflag:$0x2] =	stream.indirect.gather [hbm4b:s29+s2], $0x40, s2, s2, $0xb8;
	[tilespmem:$0x1C800] =	vst v63  }
0x8d: {  	s17 =	simm.s32 $0x100  }
0x8e: {  	[tilespmem:s7], [sflag:$0x3] =	stream.indirect.gather [hbm4b:s29+s2], $0x40, s17, s2, $0xb8;
	[tilespmem:$0x1C800] =	vst v63  }
0x8f: {  	s16 =	simm.s32 $0x180  }
0x90: {  	[tilespmem:s8], [sflag:$0x4] =	stream.indirect.gather [hbm4b:s29+s2], $0x40, s16, s2, $0xb8;
	[tilespmem:$0x1C800] =	vst v63  }
0x91: {  	_ =	swait.ge [sflag:s9], $0x2000  }
0x92: {  	[sflag:s9] =	ssyncset.done $0x0  }
0x93: {  	s17 =	simm.s32 $0x2800;
	[sflag:s9] =	ssyncadd.s32 $0xFFFFE000  }
0x94: {  	[spmem:s1] =	stream.indirect.scatter.add.f32 [tilespmem:s5], [sflag:$0x5], $0x40, s17, s2, $0xb8;
	[tilespmem:$0x1C800] =	vst v63  }
0x95: {  	_ =	swait.ge [sflag:s3], $0x2000  }
0x96: {  	[sflag:s3] =	ssyncset.done $0x0  }
0x97: {  	s16 =	simm.s32 $0x200;
	[sflag:s3] =	ssyncadd.s32 $0xFFFFE000  }
0x98: {  	[tilespmem:s5], [sflag:$0x1] =	stream.indirect.gather [hbm4b:s29+s2], $0x40, s16, s2, $0xb8;
	[tilespmem:$0x1C800] =	vst v63  }
0x99: {  	_ =	swait.ge [sflag:s10], $0x2000  }
0x9a: {  	[sflag:s10] =	ssyncset.done $0x0  }
0x9b: {  	s17 =	simm.s32 $0x2880;
	[sflag:s10] =	ssyncadd.s32 $0xFFFFE000  }
0x9c: {  	[spmem:s1] =	stream.indirect.scatter.add.f32 [tilespmem:s6], [sflag:$0x5], $0x40, s17, s2, $0xb8;
	[tilespmem:$0x1C800] =	vst v63  }
0x9d: {  	_ =	swait.ge [sflag:s3], $0x2000  }
0x9e: {  	[sflag:s3] =	ssyncset.done $0x0  }
0x9f: {  	s16 =	simm.s32 $0x280;
	[sflag:s3] =	ssyncadd.s32 $0xFFFFE000  }
0xa0: {  	[tilespmem:s6], [sflag:$0x2] =	stream.indirect.gather [hbm4b:s29+s2], $0x40, s16, s2, $0xb8;
	[tilespmem:$0x1C800] =	vst v63  }
0xa1: {  	_ =	swait.ge [sflag:s11], $0x2000  }
0xa2: {  	[sflag:s11] =	ssyncset.done $0x0  }
0xa3: {  	s17 =	simm.s32 $0x2900;
	[sflag:s11] =	ssyncadd.s32 $0xFFFFE000  }
0xa4: {  	[spmem:s1] =	stream.indirect.scatter.add.f32 [tilespmem:s7], [sflag:$0x5], $0x40, s17, s2, $0xb8;
	[tilespmem:$0x1C800] =	vst v63  }
0xa5: {  	_ =	swait.ge [sflag:s3], $0x2000  }
0xa6: {  	[sflag:s3] =	ssyncset.done $0x0  }
0xa7: {  	s16 =	simm.s32 $0x300;
	[sflag:s3] =	ssyncadd.s32 $0xFFFFE000  }
0xa8: {  	[tilespmem:s7], [sflag:$0x3] =	stream.indirect.gather [hbm4b:s29+s2], $0x40, s16, s2, $0xb8;
	[tilespmem:$0x1C800] =	vst v63  }
0xa9: {  	_ =	swait.ge [sflag:s12], $0x2000  }
0xaa: {  	[sflag:s12] =	ssyncset.done $0x0  }
0xab: {  	s17 =	simm.s32 $0x2980;
	[sflag:s12] =	ssyncadd.s32 $0xFFFFE000  }
0xac: {  	[spmem:s1] =	stream.indirect.scatter.add.f32 [tilespmem:s8], [sflag:$0x5], $0x40, s17, s2, $0xb8;
	[tilespmem:$0x1C800] =	vst v63  }
0xad: {  	_ =	swait.ge [sflag:s3], $0x2000  }
0xae: {  	[sflag:s3] =	ssyncset.done $0x0  }
0xaf: {  	s15 =	simm.s32 $0x800;
	s16 =	simm.s32 $0x380;
	[sflag:s3] =	ssyncadd.s32 $0xFFFFE000  }
.LBB2_6:
0xb0: {  	[tilespmem:s8], [sflag:$0x4] =	stream.indirect.gather [hbm4b:s29+s2], $0x40, s16, s2, $0xb8;
	[tilespmem:$0x1C800] =	vst v63  }
0xb1: {  	s16 =	smov.u32 s15  }
0xb2: {  	p0 =	sne.s32 s15, $0x9000;
	s15 =	sadd.s32 $0x800, s15;
	_ =	swait.ge [sflag:s9], $0x2000  }
0xb3: {  	s16 =	sshra.s32 s16, $0x2;
	[sflag:s9] =	ssyncset.done $0x0  }
0xb4: {  	s17 =	sadd.s32 $0x2800, s16;
	[sflag:s9] =	ssyncadd.s32 $0xFFFFE000  }
0xb5: {  	[spmem:s1] =	stream.indirect.scatter.add.f32 [tilespmem:s5], [sflag:$0x5], $0x40, s17, s2, $0xb8;
	[tilespmem:$0x1C800] =	vst v63  }
0xb6: {  	_ =	swait.ge [sflag:s3], $0x2000  }
0xb7: {  	[sflag:s3] =	ssyncset.done $0x0  }
0xb8: {  	s17 =	sadd.s32 $0x200, s16;
	[sflag:s3] =	ssyncadd.s32 $0xFFFFE000  }
0xb9: {  	[tilespmem:s5], [sflag:$0x1] =	stream.indirect.gather [hbm4b:s29+s2], $0x40, s17, s2, $0xb8;
	[tilespmem:$0x1C800] =	vst v63  }
0xba: {  	_ =	swait.ge [sflag:s10], $0x2000  }
0xbb: {  	[sflag:s10] =	ssyncset.done $0x0  }
0xbc: {  	s17 =	sadd.s32 $0x2880, s16;
	[sflag:s10] =	ssyncadd.s32 $0xFFFFE000  }
0xbd: {  	[spmem:s1] =	stream.indirect.scatter.add.f32 [tilespmem:s6], [sflag:$0x5], $0x40, s17, s2, $0xb8;
	[tilespmem:$0x1C800] =	vst v63  }
0xbe: {  	_ =	swait.ge [sflag:s3], $0x2000  }
0xbf: {  	[sflag:s3] =	ssyncset.done $0x0  }
0xc0: {  	s17 =	sadd.s32 $0x280, s16;
	[sflag:s3] =	ssyncadd.s32 $0xFFFFE000  }
0xc1: {  	[tilespmem:s6], [sflag:$0x2] =	stream.indirect.gather [hbm4b:s29+s2], $0x40, s17, s2, $0xb8;
	[tilespmem:$0x1C800] =	vst v63  }
0xc2: {  	_ =	swait.ge [sflag:s11], $0x2000  }
0xc3: {  	[sflag:s11] =	ssyncset.done $0x0  }
0xc4: {  	s17 =	sadd.s32 $0x2900, s16;
	[sflag:s11] =	ssyncadd.s32 $0xFFFFE000  }
0xc5: {  	[spmem:s1] =	stream.indirect.scatter.add.f32 [tilespmem:s7], [sflag:$0x5], $0x40, s17, s2, $0xb8;
	[tilespmem:$0x1C800] =	vst v63  }
0xc6: {  	_ =	swait.ge [sflag:s3], $0x2000  }
0xc7: {  	[sflag:s3] =	ssyncset.done $0x0  }
0xc8: {  	s17 =	sadd.s32 $0x300, s16;
	[sflag:s3] =	ssyncadd.s32 $0xFFFFE000  }
0xc9: {  	[tilespmem:s7], [sflag:$0x3] =	stream.indirect.gather [hbm4b:s29+s2], $0x40, s17, s2, $0xb8;
	[tilespmem:$0x1C800] =	vst v63  }
0xca: {  	_ =	swait.ge [sflag:s12], $0x2000  }
0xcb: {  	[sflag:s12] =	ssyncset.done $0x0  }
.Ltmp2:
0xcc: {  	s17 =	sadd.s32 $0x2980, s16;
	[sflag:s12] =	ssyncadd.s32 $0xFFFFE000;
	(pc) =	sbr.rel @p0 .LBB2_6-.Ltmp2, $4  }
0xcd: {  	[spmem:s1] =	stream.indirect.scatter.add.f32 [tilespmem:s8], [sflag:$0x5], $0x40, s17, s2, $0xb8;
	[tilespmem:$0x1C800] =	vst v63  }
0xce: {  	_ =	swait.ge [sflag:s3], $0x2000  }
0xcf: {  	[sflag:s3] =	ssyncset.done $0x0  }
0xd0: {  	s16 =	sadd.s32 $0x380, s16;
	[sflag:s3] =	ssyncadd.s32 $0xFFFFE000  }
0xd1: {  	[tilespmem:s8], [sflag:$0x4] =	stream.indirect.gather [hbm4b:s29+s2], $0x40, s16, s2, $0xb8;
	[tilespmem:$0x1C800] =	vst v63  }
0xd2: {  	_ =	swait.ge [sflag:s9], $0x2000  }
0xd3: {  	[sflag:s9] =	ssyncset.done $0x0  }
0xd4: {  	s15 =	simm.s32 $0x4E00;
	[sflag:s9] =	ssyncadd.s32 $0xFFFFE000  }
0xd5: {  	[spmem:s1] =	stream.indirect.scatter.add.f32 [tilespmem:s5], [sflag:$0x5], $0x40, s15, s2, $0xb8;
	[tilespmem:$0x1C800] =	vst v63  }
0xd6: {  	_ =	swait.ge [sflag:s3], $0x2000  }
0xd7: {  	[sflag:s3] =	ssyncset.done $0x0  }
0xd8: {  	[sflag:s3] =	ssyncadd.s32 $0xFFFFE000  }
0xd9: {  	_ =	swait.ge [sflag:s10], $0x2000  }
0xda: {  	[sflag:s10] =	ssyncset.done $0x0  }
0xdb: {  	s17 =	simm.s32 $0x4E80;
	[sflag:s10] =	ssyncadd.s32 $0xFFFFE000  }
0xdc: {  	[spmem:s1] =	stream.indirect.scatter.add.f32 [tilespmem:s6], [sflag:$0x5], $0x40, s17, s2, $0xb8;
	[tilespmem:$0x1C800] =	vst v63  }
0xdd: {  	_ =	swait.ge [sflag:s3], $0x2000  }
0xde: {  	[sflag:s3] =	ssyncset.done $0x0  }
0xdf: {  	[sflag:s3] =	ssyncadd.s32 $0xFFFFE000  }
0xe0: {  	_ =	swait.ge [sflag:s11], $0x2000  }
0xe1: {  	[sflag:s11] =	ssyncset.done $0x0  }
0xe2: {  	s16 =	simm.s32 $0x4F00;
	[sflag:s11] =	ssyncadd.s32 $0xFFFFE000  }
0xe3: {  	[spmem:s1] =	stream.indirect.scatter.add.f32 [tilespmem:s7], [sflag:$0x5], $0x40, s16, s2, $0xb8;
	[tilespmem:$0x1C800] =	vst v63  }
0xe4: {  	_ =	swait.ge [sflag:s3], $0x2000  }
0xe5: {  	[sflag:s3] =	ssyncset.done $0x0  }
0xe6: {  	[sflag:s3] =	ssyncadd.s32 $0xFFFFE000  }
0xe7: {  	_ =	swait.ge [sflag:s12], $0x2000  }
0xe8: {  	[sflag:s12] =	ssyncset.done $0x0  }
0xe9: {  	s17 =	simm.s32 $0x4F80;
	[sflag:s12] =	ssyncadd.s32 $0xFFFFE000  }
0xea: {  	[spmem:s1] =	stream.indirect.scatter.add.f32 [tilespmem:s8], [sflag:$0x5], $0x40, s17, s2, $0xb8;
	[tilespmem:$0x1C800] =	vst v63  }
0xeb: {  	_ =	swait.ge [sflag:s3], $0x2000  }
0xec: {  	[sflag:s3] =	ssyncset.done $0x0  }
0xed: {  	s15 =	simm.s32 $0x0;
	[sflag:s3] =	ssyncadd.s32 $0xFFFFE000  }
.LBB2_8:
0xee: {  	s16 =	sshra.s32 s15, $0x2  }
0xef: {  	v3 =	vld.idx.msk [tilespmem:v0+s16+$0xFFFFFFC0 ss:$0x1], $0xffff;
	_ =	sdelay $0x2  }
0xf0: {  	v4 =	vld.idx.msk [tilespmem:v1+s16+$0xFFFFFF90 ss:$0x1], $0xffff;
	_ =	sdelay $0x4  }
0xf1: {  	[tilespmem:v3+s13+$0x0] =	vst.idx.add.f32.msk $0xffff, v4  }
0xf2: {  	v3 =	vld.idx.msk [tilespmem:v0+s16+$0xFFFFFFD0 ss:$0x1], $0xffff;
	_ =	sdelay $0x2  }
0xf3: {  	v4 =	vld.idx.msk [tilespmem:v1+s16+$0xFFFFFFA0 ss:$0x1], $0xffff;
	_ =	sdelay $0x4  }
0xf4: {  	[tilespmem:v3+s13+$0x0] =	vst.idx.add.f32.msk $0xffff, v4  }
0xf5: {  	v3 =	vld.idx.msk [tilespmem:v0+s16+$0xFFFFFFE0 ss:$0x1], $0xffff;
	_ =	sdelay $0x2  }
0xf6: {  	v4 =	vld.idx.msk [tilespmem:v1+s16+$0xFFFFFFB0 ss:$0x1], $0xffff;
	_ =	sdelay $0x4  }
0xf7: {  	[tilespmem:v3+s13+$0x0] =	vst.idx.add.f32.msk $0xffff, v4  }
0xf8: {  	v3 =	vld.idx.msk [tilespmem:v0+s16+$0xFFFFFFF0 ss:$0x1], $0xffff;
	_ =	sdelay $0x2  }
0xf9: {  	v4 =	vld.idx.msk [tilespmem:v1+s16+$0xFFFFFFC0 ss:$0x1], $0xffff;
	_ =	sdelay $0x4  }
0xfa: {  	[tilespmem:v3+s13+$0x0] =	vst.idx.add.f32.msk $0xffff, v4  }
0xfb: {  	v3 =	vld.idx.msk [tilespmem:v0+s16+$0x0 ss:$0x1], $0xffff;
	_ =	sdelay $0x2  }
0xfc: {  	v4 =	vld.idx.msk [tilespmem:v1+s16+$0xFFFFFFD0 ss:$0x1], $0xffff;
	_ =	sdelay $0x4  }
0xfd: {  	[tilespmem:v3+s13+$0x0] =	vst.idx.add.f32.msk $0xffff, v4  }
0xfe: {  	v3 =	vld.idx.msk [tilespmem:v0+s16+$0x10 ss:$0x1], $0xffff;
	_ =	sdelay $0x2  }
0xff: {  	v4 =	vld.idx.msk [tilespmem:v1+s16+$0xFFFFFFE0 ss:$0x1], $0xffff;
	_ =	sdelay $0x4  }
0x100: {  	[tilespmem:v3+s13+$0x0] =	vst.idx.add.f32.msk $0xffff, v4  }
0x101: {  	v3 =	vld.idx.msk [tilespmem:v0+s16+$0x20 ss:$0x1], $0xffff;
	_ =	sdelay $0x2  }
0x102: {  	v4 =	vld.idx.msk [tilespmem:v1+s16+$0xFFFFFFF0 ss:$0x1], $0xffff;
	_ =	sdelay $0x4  }
0x103: {  	[tilespmem:v3+s13+$0x0] =	vst.idx.add.f32.msk $0xffff, v4  }
0x104: {  	v3 =	vld.idx.msk [tilespmem:v0+s16+$0x30 ss:$0x1], $0xffff;
	_ =	sdelay $0x2  }
0x105: {  	p0 =	sne.s32 s15, $0x4E00;
	v4 =	vld.idx.msk [tilespmem:v1+s16+$0x0 ss:$0x1], $0xffff  }
.Ltmp3:
0x106: {  	_ = 	snop;
	(pc) =	sbr.rel @p0 .LBB2_8-.Ltmp3, $2  }
0x107: {  	_ =	sdelay $0x2  }
0x108: {  	s15 =	sadd.s32 $0x200, s15;
	[tilespmem:v3+s13+$0x0] =	vst.idx.add.f32.msk $0xffff, v4  }
0x109: {  	s15 =	simm.s32 $0x0  }
0x10a: {  	[hbm4b:s18+s15] =	stream.linear.scatter [tilespmem:s13], [sflag:$0x5], $0x2800, $0x38;
	[tilespmem:$0x1C800] =	vst v63  }
0x10b: {  	s17 =	stileid.u32;
	_ =	swait.ge [sflag:s3], $0x2800  }
0x10c: {  	s16 =	sshrl.u32 s4, $0x3;
	s14 =	sadd.s32 $0x1, s14;
	[sflag:s3] =	ssyncset.done $0x0  }
0x10d: {  	s15 =	sshll.u32 s17, $0x6;
	p0 =	sne.s32 s14, s31;
	[sflag:s3] =	ssyncadd.s32 $0xFFFFD800  }
.Ltmp4:
0x10e: {  	s15 =	sor.u32 $0x1C05, s15;
	[bflag:$0x0] =	sbarrier.arrive $0xFFFF;
	(pc) =	sbr.rel @p0 .LBB2_1-.Ltmp4, $4  }
0x10f: {  	[hbm:s30], [sflag:s15] =	dma.local [spmem:s16], $0x1400  }
0x110: {  	_ =	swait.ge [sflag:s3], $0x1400  }
0x111: {  	[sflag:s3] =	ssyncset.done $0x0  }
0x112: {  	[sflag:s3] =	ssyncadd.s32 $0xFFFFEC00  }
0x113: {  	_ =	sfence.sel $0x180000  }
0x114: {  	[bflag:$0x0] =	sbarrier.arrive $0xFFFF  }
0x115: {  	_ =	strace $0x9000004A  }
0x116: {  	s0 =	stileid.u32;
	[bflag:$0x2] =	sbarrier.arrive $0xFFFF  }
0x117: {  	p0 =	sne.s32 s0, $0x0;
	s0 =	rddreg [dreg:$0x3]  }
0x118: {  	s0 =	sadd.s32 @!p0 $0x100000, s0  }
0x119: {  	[sflag:s0] =	ssyncadd.tile.s32 @!p0 $0x1;
	_ =	shalt  }
.Lfunc_end2:
_tile_overlayer_lowered:
.L_overlay_start_2:
0x11a: {  	(tag) =	ssettag $0x2  }
0x11b: {  	s0 =	rddreg [dreg:$0x0];
	s2 =	stileid.u32  }
0x11c: {  	s1 =	rddreg [dreg:$0x1];
	p0 =	sne.s32 s2, $0x0  }
0x11d: {  	s3 =	rddreg [dreg:$0x2];
	[bflag:$0x3] =	sbarrier.arrive $0xFFFF;
	s2 =	simm.s32 @!p0 $0x1C05  }
0x11e: {  	[timem:s3], [sflag:s2] =	dma.local @!p0 [hbm:s0], s1  }
0x11f: {  	s0 =	simm.s32 @!p0 $0x5  }
0x120: {  	_ =	swait.ge @!p0 [sflag:s0], s1  }
0x121: {  	s1 =	ssub.s32 @!p0 $0x0, s1;
	[sflag:s0] =	ssyncset.done @!p0 $0x0  }
0x122: {  	[sflag:s0] =	ssyncadd.s32 @!p0 s1  }
0x123: {  	[bflag:$0x3] =	sbarrier.arrive $0xFFFF  }
0x124: {  	_ =	shalt  }

</sc_bundles>
